<compile_context>
chip_gen: v7x
topology: tpu7x:2x2x1
jax: 0.10.2.dev20260603
libtpu: 0.0.44.dev20260713+nightly
codegen_flags: <defaults>
</compile_context>

<pallas_src>
import functools

import jax
import jax.numpy as jnp
from jax import lax
from jax.experimental import pallas as pl
from jax.experimental.pallas import tpu as pltpu
from jax.experimental.pallas import tpu_sc as plsc

_BINS = 15
_N = 16384
_C = 1000

_SC_N = 2048
_NW = 32
_RPW = _SC_N // _NW
_B = 16
_T = _RPW // _B

_R = 2048
_TC_OFF = _SC_N // _R

_EDGES = [
    0.0, 0.06666667014360428, 0.13333334028720856, 0.20000001788139343,
    0.2666666805744171, 0.3333333432674408, 0.40000003576278687,
    0.46666669845581055, 0.5333333611488342, 0.6000000238418579,
    0.6666666865348816, 0.7333333492279053, 0.8000000715255737,
    0.8666667342185974, 0.9333333969116211, 1.0,
]


def _sc_body(logits_hbm, labels_hbm, out_hbm, buf, lab, cnt, csum, asum, sem):
    w = lax.axis_index("s") * 2 + lax.axis_index("c")
    base = w * _RPW
    row_iota = lax.broadcasted_iota(jnp.int32, (_B,), 0)

    for b in range(_BINS):
        cnt[b, :] = jnp.zeros((_B,), jnp.float32)
        csum[b, :] = jnp.zeros((_B,), jnp.float32)
        asum[b, :] = jnp.zeros((_B,), jnp.float32)

    pltpu.async_copy(
        logits_hbm.at[pl.ds(base, _B), :], buf.at[0], sem.at[0])
    pltpu.async_copy(
        logits_hbm.at[pl.ds(base + _B, _B), :], buf.at[1], sem.at[1])

    neg_inf = jnp.full((_B,), -jnp.inf, jnp.float32)
    zeros = jnp.zeros((_B,), jnp.float32)

    def process(slot, row0):
        pltpu.make_async_copy(
            logits_hbm.at[pl.ds(0, _B), :], buf.at[slot], sem.at[slot]).wait()

        def jbody(c, carry):
            cvec, ms, ss = carry
            ms2, ss2 = list(ms), list(ss)
            for kk in range(8):
                v = plsc.load_gather(buf.at[slot], [row_iota, cvec + kk])
                k = kk % 4
                ms2[k] = jnp.maximum(ms2[k], v)
                ss2[k] = ss2[k] + jnp.exp(v)
            return cvec + 8, tuple(ms2), tuple(ss2)

        _, ms, ss = lax.fori_loop(
            0, 123, jbody,
            (row_iota, (neg_inf,) * 4, (zeros,) * 4))
        ms2, ss2 = list(ms), list(ss)
        for kk in range(16):
            raw = row_iota + (984 + kk)
            col = jnp.where(raw >= _C, raw - _C, raw)
            v = plsc.load_gather(buf.at[slot], [row_iota, col])
            k = kk % 4
            ms2[k] = jnp.maximum(ms2[k], v)
            ss2[k] = ss2[k] + jnp.exp(v)
        ms, ss = ms2, ss2
        m = jnp.maximum(jnp.maximum(ms[0], ms[1]), jnp.maximum(ms[2], ms[3]))
        s = (ss[0] + ss[1]) + (ss[2] + ss[3])

        pltpu.sync_copy(labels_hbm.at[pl.ds(row0, _B)], lab)
        xl = plsc.load_gather(buf.at[slot], [row_iota, lab[...]])
        correct = jnp.where(xl == m, 1.0, 0.0).astype(jnp.float32)
        p = jnp.exp(m) / s

        bidx = jnp.zeros((_B,), jnp.int32)
        for e in _EDGES[1:]:
            bidx = bidx + jnp.where(p > e, 1, 0).astype(jnp.int32)
        for b in range(_BINS):
            mask = bidx == b
            cnt[b, :] = cnt[b, :] + jnp.where(mask, 1.0, 0.0)
            csum[b, :] = csum[b, :] + jnp.where(mask, p, 0.0)
            asum[b, :] = asum[b, :] + jnp.where(mask, correct, 0.0)

    def obody(g, carry):
        for slot in range(2):
            t = 2 * g + slot
            row0 = base + t * _B
            process(slot, row0)
            nxt = t + 2

            @pl.when(nxt < _T)
            def _():
                pltpu.async_copy(
                    logits_hbm.at[pl.ds(base + nxt * _B, _B), :],
                    buf.at[slot], sem.at[slot])
        return carry

    lax.fori_loop(0, _T // 2, obody, 0)

    pltpu.sync_copy(cnt, out_hbm.at[w, 0])
    pltpu.sync_copy(csum, out_hbm.at[w, 1])
    pltpu.sync_copy(asum, out_hbm.at[w, 2])


def _sc_partials(logits, labels):
    mesh = plsc.VectorSubcoreMesh(core_axis_name="c", subcore_axis_name="s")
    kern = functools.partial(
        pl.kernel,
        out_type=jax.ShapeDtypeStruct((_NW, 3, _BINS, _B), jnp.float32),
        mesh=mesh,
        scratch_types=[
            pltpu.VMEM((2, _B, _C), jnp.float32),
            pltpu.VMEM((_B,), jnp.int32),
            pltpu.VMEM((_BINS, _B), jnp.float32),
            pltpu.VMEM((_BINS, _B), jnp.float32),
            pltpu.VMEM((_BINS, _B), jnp.float32),
            pltpu.SemaphoreType.DMA((2,)),
        ],
        compiler_params=pltpu.CompilerParams(
            needs_layout_passes=False, skip_device_barrier=True),
    )(_sc_body)
    return kern(logits, labels)


def _tc_block(logits_ref, labels_ref, cnt_ref, csum_ref, asum_ref):
    step = pl.program_id(0)

    @pl.when(step == 0)
    def _init():
        cnt_ref[...] = jnp.zeros_like(cnt_ref)
        csum_ref[...] = jnp.zeros_like(csum_ref)
        asum_ref[...] = jnp.zeros_like(asum_ref)

    x = logits_ref[...]
    labels = labels_ref[0, 0, :]

    m = jnp.max(x, axis=-1, keepdims=True)
    s = jnp.sum(jnp.exp(x - m), axis=-1)
    p = 1.0 / s
    col = jax.lax.broadcasted_iota(jnp.int32, x.shape, 1)
    pred = jnp.min(jnp.where(x == m, col, _C), axis=-1)
    correct = (pred == labels).astype(jnp.float32)

    lane = jax.lax.broadcasted_iota(jnp.int32, (1, 128), 1)
    lo_row = jnp.full((1, 128), 2.0, dtype=jnp.float32)
    hi_row = jnp.full((1, 128), 3.0, dtype=jnp.float32)
    for i in range(_BINS):
        lo_row = jnp.where(lane == i, _EDGES[i], lo_row)
        hi_row = jnp.where(lane == i, _EDGES[i + 1], hi_row)
    pd = p[:, None]
    onehot = ((pd > lo_row) & (pd <= hi_row)).astype(jnp.float32)

    cnt_ref[...] += jnp.sum(onehot, axis=0, keepdims=True)
    csum_ref[...] += jnp.sum(onehot * pd, axis=0, keepdims=True)
    asum_ref[...] += jnp.sum(onehot * correct[:, None], axis=0, keepdims=True)


def _combine(sc_ref, cnt_ref, csum_ref, asum_ref, ece_ref):
    red = jnp.sum(jnp.sum(sc_ref[...], axis=0), axis=-1)
    cnt = red[0:1, :] + cnt_ref[0:1, 0:_BINS]
    csum = red[1:2, :] + csum_ref[0:1, 0:_BINS]
    asum = red[2:3, :] + asum_ref[0:1, 0:_BINS]
    safe = jnp.where(cnt > 0, cnt, 1.0)
    e = jnp.where(cnt > 0, csum / safe - asum / safe, 0.0)
    ece_ref[...] = jnp.sum(jnp.abs(e) * (cnt / _N)).reshape(1, 1)


@jax.jit
def _ece(logits, labels):
    labels = labels.astype(jnp.int32)
    sc_out = _sc_partials(logits, labels)

    grid = (_N - _SC_N) // _R
    labels3 = labels.reshape(_N // _R, 1, _R)
    acc = jax.ShapeDtypeStruct((1, 128), jnp.float32)
    cnt, csum, asum = pl.pallas_call(
        _tc_block,
        grid=(grid,),
        in_specs=[
            pl.BlockSpec((_R, _C), lambda i: (i + _TC_OFF, 0)),
            pl.BlockSpec((1, 1, _R), lambda i: (i + _TC_OFF, 0, 0)),
        ],
        out_specs=[
            pl.BlockSpec((1, 128), lambda i: (0, 0)),
            pl.BlockSpec((1, 128), lambda i: (0, 0)),
            pl.BlockSpec((1, 128), lambda i: (0, 0)),
        ],
        out_shape=[acc, acc, acc],
    )(logits, labels3)

    ece = pl.pallas_call(
        _combine,
        out_shape=jax.ShapeDtypeStruct((1, 1), jnp.float32),
    )(sc_out, cnt, csum, asum)
    return ece[0, 0]


def kernel(logits, labels):
    return _ece(logits, labels)

# --- scband reference (transcript-rebuilt; emitter-appended) ---
"""Pipeline reference for scband-ece-34059090658025 (READ-ONLY COPY).

The authoritative reference and input builder live on the scoring server;
editing this copy changes nothing except your own understanding.
"""

import jax, jax.numpy as jnp
import numpy as np

BINS = 15

def setup_inputs(seed: int = 0) -> dict:
    key = jax.random.key(seed)
    k1, k2 = jax.random.split(key)
    logits = jax.random.normal(k1, (16384, 1000), dtype=jnp.float32)
    labels = jax.random.randint(k2, (16384,), 0, 1000)
    return {"logits": logits, "labels": labels}


def reference(logits, labels):
    n = logits.shape[0]
    bins = jnp.linspace(0.0, 1.0, BINS + 1, dtype=jnp.float32)[None, :]
    # max_class_probability
    p_full = jax.nn.softmax(logits, axis=-1)
    p = jnp.max(p_full, axis=-1)
    # get_bin_index (p is detached in torch -> stop_gradient)
    pd = jax.lax.stop_gradient(p)[:, None]
    in_bin = (pd > bins) & (pd <= jnp.roll(bins, -1, axis=-1))
    bin_index = jnp.argmax(in_bin, axis=-1)
    correct = (jnp.argmax(logits, axis=-1) == labels).astype(jnp.float32)
    ece = jnp.float32(0.0)
    for i in range(BINS):
        mask = (bin_index == i).astype(jnp.float32)
        cnt = mask.sum()
        cnt_safe = jnp.where(cnt > 0, cnt, 1.0)
        a_i = (correct * mask).sum() / cnt_safe
        c_i = (p * mask).sum() / cnt_safe
        # torch: nan_to_num(c_i - a_i, nan=0.0); empty bin -> NaN - NaN -> 0
        e_i = jnp.where(cnt > 0, c_i - a_i, 0.0)
        ece = ece + jnp.abs(e_i) * (cnt / n)
    return ece

if __name__ == "__main__":
    import jax
    _d = setup_inputs()
    print(jax.jit(kernel)(*tuple(_d.values())))

</pallas_src>

<mosaic_0001>
#map = affine_map<(d0, d1) -> (0, 0)>
#map1 = affine_map<(d0, d1) -> (0)>
#map2 = affine_map<(d0, d1) -> (0, 0, 0, 0)>
module attributes {stable_mosaic.version = 14 : i64} {
  func.func @_sc_body(%arg0: i32, %arg1: i32, %arg2: memref<16384x1000xf32, #tpu.memory_space<hbm>>, %arg3: memref<16384xi32, #tpu.memory_space<hbm>>, %arg4: memref<32x3x15x16xf32, #tpu.memory_space<hbm>>, %arg5: memref<2x16x1000xf32, #tpu.memory_space<vmem>>, %arg6: memref<16xi32, #tpu.memory_space<vmem>>, %arg7: memref<15x16xf32, #tpu.memory_space<vmem>>, %arg8: memref<15x16xf32, #tpu.memory_space<vmem>>, %arg9: memref<15x16xf32, #tpu.memory_space<vmem>>, %arg10: memref<2x!tpu.dma_semaphore, #tpu.memory_space<semaphore_mem>>) attributes {dimension_semantics = [#tpu.dimension_semantics<core_parallel>, #tpu.dimension_semantics<subcore_parallel>], iteration_bounds = array<i64: 2, 16>, scalar_prefetch = 0 : i64, scratch_operands = 6 : i64, tpu.core_type = #tpu.core_type<sc_vector_subcore>, window_params = [{transform_indices = #map}, {transform_indices = #map1}, {transform_indices = #map2}]} {
    %mul3A = arith.constant 2 : i32
    %mul3A_0 = arith.muli %arg1, %mul3A : i32
    %add3A = arith.addi %mul3A_0, %arg0 : i32
    %mul3A_1 = arith.constant 64 : i32
    %mul3A_2 = arith.muli %add3A, %mul3A_1 : i32
    %iota3A = tpu.iota {dimensions = array<i32: 0>} : vector<16xi32>
    %broadcast_in_dim3A = arith.constant 0.000000e+00 : f32
    %broadcast_in_dim3A_3 = vector.broadcast %broadcast_in_dim3A : f32 to vector<16xf32>
    %swap3A = arith.constant 0 : i32
    %swap3A_4 = arith.index_cast %swap3A : i32 to index
    %swap3A_5 = arith.constant 0 : index
    %swap3A_6 = tpu.vector_load %arg7[%swap3A_4, %swap3A_5] {strides = array<i32>} : memref<15x16xf32, #tpu.memory_space<vmem>>, vector<16xf32>,
    tpu.vector_store %arg7[%swap3A_4, %swap3A_5], %broadcast_in_dim3A_3 {strides = array<i32>} : memref<15x16xf32, #tpu.memory_space<vmem>>, vector<16xf32>,
    %broadcast_in_dim3A_7 = arith.constant 0.000000e+00 : f32
    %broadcast_in_dim3A_8 = vector.broadcast %broadcast_in_dim3A_7 : f32 to vector<16xf32>
    %swap3A_9 = arith.constant 0 : i32
    %swap3A_10 = arith.index_cast %swap3A_9 : i32 to index
    %swap3A_11 = arith.constant 0 : index
    %swap3A_12 = tpu.vector_load %arg8[%swap3A_10, %swap3A_11] {strides = array<i32>} : memref<15x16xf32, #tpu.memory_space<vmem>>, vector<16xf32>,
    tpu.vector_store %arg8[%swap3A_10, %swap3A_11], %broadcast_in_dim3A_8 {strides = array<i32>} : memref<15x16xf32, #tpu.memory_space<vmem>>, vector<16xf32>,
    %broadcast_in_dim3A_13 = arith.constant 0.000000e+00 : f32
    %broadcast_in_dim3A_14 = vector.broadcast %broadcast_in_dim3A_13 : f32 to vector<16xf32>
    %swap3A_15 = arith.constant 0 : i32
    %swap3A_16 = arith.index_cast %swap3A_15 : i32 to index
    %swap3A_17 = arith.constant 0 : index
    %swap3A_18 = tpu.vector_load %arg9[%swap3A_16, %swap3A_17] {strides = array<i32>} : memref<15x16xf32, #tpu.memory_space<vmem>>, vector<16xf32>,
    tpu.vector_store %arg9[%swap3A_16, %swap3A_17], %broadcast_in_dim3A_14 {strides = array<i32>} : memref<15x16xf32, #tpu.memory_space<vmem>>, vector<16xf32>,
    %broadcast_in_dim3A_19 = arith.constant 0.000000e+00 : f32
    %broadcast_in_dim3A_20 = vector.broadcast %broadcast_in_dim3A_19 : f32 to vector<16xf32>
    %swap3A_21 = arith.constant 1 : i32
    %swap3A_22 = arith.index_cast %swap3A_21 : i32 to index
    %swap3A_23 = arith.constant 0 : index
    %swap3A_24 = tpu.vector_load %arg7[%swap3A_22, %swap3A_23] {strides = array<i32>} : memref<15x16xf32, #tpu.memory_space<vmem>>, vector<16xf32>,
    tpu.vector_store %arg7[%swap3A_22, %swap3A_23], %broadcast_in_dim3A_20 {strides = array<i32>} : memref<15x16xf32, #tpu.memory_space<vmem>>, vector<16xf32>,
    %broadcast_in_dim3A_25 = arith.constant 0.000000e+00 : f32
    %broadcast_in_dim3A_26 = vector.broadcast %broadcast_in_dim3A_25 : f32 to vector<16xf32>
    %swap3A_27 = arith.constant 1 : i32
    %swap3A_28 = arith.index_cast %swap3A_27 : i32 to index
    %swap3A_29 = arith.constant 0 : index
    %swap3A_30 = tpu.vector_load %arg8[%swap3A_28, %swap3A_29] {strides = array<i32>} : memref<15x16xf32, #tpu.memory_space<vmem>>, vector<16xf32>,
    tpu.vector_store %arg8[%swap3A_28, %swap3A_29], %broadcast_in_dim3A_26 {strides = array<i32>} : memref<15x16xf32, #tpu.memory_space<vmem>>, vector<16xf32>,
    %broadcast_in_dim3A_31 = arith.constant 0.000000e+00 : f32
    %broadcast_in_dim3A_32 = vector.broadcast %broadcast_in_dim3A_31 : f32 to vector<16xf32>
    %swap3A_33 = arith.constant 1 : i32
    %swap3A_34 = arith.index_cast %swap3A_33 : i32 to index
    %swap3A_35 = arith.constant 0 : index
    %swap3A_36 = tpu.vector_load %arg9[%swap3A_34, %swap3A_35] {strides = array<i32>} : memref<15x16xf32, #tpu.memory_space<vmem>>, vector<16xf32>,
    tpu.vector_store %arg9[%swap3A_34, %swap3A_35], %broadcast_in_dim3A_32 {strides = array<i32>} : memref<15x16xf32, #tpu.memory_space<vmem>>, vector<16xf32>,
    %broadcast_in_dim3A_37 = arith.constant 0.000000e+00 : f32
    %broadcast_in_dim3A_38 = vector.broadcast %broadcast_in_dim3A_37 : f32 to vector<16xf32>
    %swap3A_39 = arith.constant 2 : i32
    %swap3A_40 = arith.index_cast %swap3A_39 : i32 to index
    %swap3A_41 = arith.constant 0 : index
    %swap3A_42 = tpu.vector_load %arg7[%swap3A_40, %swap3A_41] {strides = array<i32>} : memref<15x16xf32, #tpu.memory_space<vmem>>, vector<16xf32>,
    tpu.vector_store %arg7[%swap3A_40, %swap3A_41], %broadcast_in_dim3A_38 {strides = array<i32>} : memref<15x16xf32, #tpu.memory_space<vmem>>, vector<16xf32>,
    %broadcast_in_dim3A_43 = arith.constant 0.000000e+00 : f32
    %broadcast_in_dim3A_44 = vector.broadcast %broadcast_in_dim3A_43 : f32 to vector<16xf32>
    %swap3A_45 = arith.constant 2 : i32
    %swap3A_46 = arith.index_cast %swap3A_45 : i32 to index
    %swap3A_47 = arith.constant 0 : index
    %swap3A_48 = tpu.vector_load %arg8[%swap3A_46, %swap3A_47] {strides = array<i32>} : memref<15x16xf32, #tpu.memory_space<vmem>>, vector<16xf32>,
    tpu.vector_store %arg8[%swap3A_46, %swap3A_47], %broadcast_in_dim3A_44 {strides = array<i32>} : memref<15x16xf32, #tpu.memory_space<vmem>>, vector<16xf32>,
    %broadcast_in_dim3A_49 = arith.constant 0.000000e+00 : f32
    %broadcast_in_dim3A_50 = vector.broadcast %broadcast_in_dim3A_49 : f32 to vector<16xf32>
    %swap3A_51 = arith.constant 2 : i32
    %swap3A_52 = arith.index_cast %swap3A_51 : i32 to index
    %swap3A_53 = arith.constant 0 : index
    %swap3A_54 = tpu.vector_load %arg9[%swap3A_52, %swap3A_53] {strides = array<i32>} : memref<15x16xf32, #tpu.memory_space<vmem>>, vector<16xf32>,
    tpu.vector_store %arg9[%swap3A_52, %swap3A_53], %broadcast_in_dim3A_50 {strides = array<i32>} : memref<15x16xf32, #tpu.memory_space<vmem>>, vector<16xf32>,
    %broadcast_in_dim3A_55 = arith.constant 0.000000e+00 : f32
    %broadcast_in_dim3A_56 = vector.broadcast %broadcast_in_dim3A_55 : f32 to vector<16xf32>
    %swap3A_57 = arith.constant 3 : i32
    %swap3A_58 = arith.index_cast %swap3A_57 : i32 to index
    %swap3A_59 = arith.constant 0 : index
    %swap3A_60 = tpu.vector_load %arg7[%swap3A_58, %swap3A_59] {strides = array<i32>} : memref<15x16xf32, #tpu.memory_space<vmem>>, vector<16xf32>,
    tpu.vector_store %arg7[%swap3A_58, %swap3A_59], %broadcast_in_dim3A_56 {strides = array<i32>} : memref<15x16xf32, #tpu.memory_space<vmem>>, vector<16xf32>,
    %broadcast_in_dim3A_61 = arith.constant 0.000000e+00 : f32
    %broadcast_in_dim3A_62 = vector.broadcast %broadcast_in_dim3A_61 : f32 to vector<16xf32>
    %swap3A_63 = arith.constant 3 : i32
    %swap3A_64 = arith.index_cast %swap3A_63 : i32 to index
    %swap3A_65 = arith.constant 0 : index
    %swap3A_66 = tpu.vector_load %arg8[%swap3A_64, %swap3A_65] {strides = array<i32>} : memref<15x16xf32, #tpu.memory_space<vmem>>, vector<16xf32>,
    tpu.vector_store %arg8[%swap3A_64, %swap3A_65], %broadcast_in_dim3A_62 {strides = array<i32>} : memref<15x16xf32, #tpu.memory_space<vmem>>, vector<16xf32>,
    %broadcast_in_dim3A_67 = arith.constant 0.000000e+00 : f32
    %broadcast_in_dim3A_68 = vector.broadcast %broadcast_in_dim3A_67 : f32 to vector<16xf32>
    %swap3A_69 = arith.constant 3 : i32
    %swap3A_70 = arith.index_cast %swap3A_69 : i32 to index
    %swap3A_71 = arith.constant 0 : index
    %swap3A_72 = tpu.vector_load %arg9[%swap3A_70, %swap3A_71] {strides = array<i32>} : memref<15x16xf32, #tpu.memory_space<vmem>>, vector<16xf32>,
    tpu.vector_store %arg9[%swap3A_70, %swap3A_71], %broadcast_in_dim3A_68 {strides = array<i32>} : memref<15x16xf32, #tpu.memory_space<vmem>>, vector<16xf32>,
    %broadcast_in_dim3A_73 = arith.constant 0.000000e+00 : f32
    %broadcast_in_dim3A_74 = vector.broadcast %broadcast_in_dim3A_73 : f32 to vector<16xf32>
    %swap3A_75 = arith.constant 4 : i32
    %swap3A_76 = arith.index_cast %swap3A_75 : i32 to index
    %swap3A_77 = arith.constant 0 : index
    %swap3A_78 = tpu.vector_load %arg7[%swap3A_76, %swap3A_77] {strides = array<i32>} : memref<15x16xf32, #tpu.memory_space<vmem>>, vector<16xf32>,
    tpu.vector_store %arg7[%swap3A_76, %swap3A_77], %broadcast_in_dim3A_74 {strides = array<i32>} : memref<15x16xf32, #tpu.memory_space<vmem>>, vector<16xf32>,
    %broadcast_in_dim3A_79 = arith.constant 0.000000e+00 : f32
    %broadcast_in_dim3A_80 = vector.broadcast %broadcast_in_dim3A_79 : f32 to vector<16xf32>
    %swap3A_81 = arith.constant 4 : i32
    %swap3A_82 = arith.index_cast %swap3A_81 : i32 to index
    %swap3A_83 = arith.constant 0 : index
    %swap3A_84 = tpu.vector_load %arg8[%swap3A_82, %swap3A_83] {strides = array<i32>} : memref<15x16xf32, #tpu.memory_space<vmem>>, vector<16xf32>,
    tpu.vector_store %arg8[%swap3A_82, %swap3A_83], %broadcast_in_dim3A_80 {strides = array<i32>} : memref<15x16xf32, #tpu.memory_space<vmem>>, vector<16xf32>,
    %broadcast_in_dim3A_85 = arith.constant 0.000000e+00 : f32
    %broadcast_in_dim3A_86 = vector.broadcast %broadcast_in_dim3A_85 : f32 to vector<16xf32>
    %swap3A_87 = arith.constant 4 : i32
    %swap3A_88 = arith.index_cast %swap3A_87 : i32 to index
    %swap3A_89 = arith.constant 0 : index
    %swap3A_90 = tpu.vector_load %arg9[%swap3A_88, %swap3A_89] {strides = array<i32>} : memref<15x16xf32, #tpu.memory_space<vmem>>, vector<16xf32>,
    tpu.vector_store %arg9[%swap3A_88, %swap3A_89], %broadcast_in_dim3A_86 {strides = array<i32>} : memref<15x16xf32, #tpu.memory_space<vmem>>, vector<16xf32>,
    %broadcast_in_dim3A_91 = arith.constant 0.000000e+00 : f32
    %broadcast_in_dim3A_92 = vector.broadcast %broadcast_in_dim3A_91 : f32 to vector<16xf32>
    %swap3A_93 = arith.constant 5 : i32
    %swap3A_94 = arith.index_cast %swap3A_93 : i32 to index
    %swap3A_95 = arith.constant 0 : index
    %swap3A_96 = tpu.vector_load %arg7[%swap3A_94, %swap3A_95] {strides = array<i32>} : memref<15x16xf32, #tpu.memory_space<vmem>>, vector<16xf32>,
    tpu.vector_store %arg7[%swap3A_94, %swap3A_95], %broadcast_in_dim3A_92 {strides = array<i32>} : memref<15x16xf32, #tpu.memory_space<vmem>>, vector<16xf32>,
    %broadcast_in_dim3A_97 = arith.constant 0.000000e+00 : f32
    %broadcast_in_dim3A_98 = vector.broadcast %broadcast_in_dim3A_97 : f32 to vector<16xf32>
    %swap3A_99 = arith.constant 5 : i32
    %swap3A_100 = arith.index_cast %swap3A_99 : i32 to index
    %swap3A_101 = arith.constant 0 : index
    %swap3A_102 = tpu.vector_load %arg8[%swap3A_100, %swap3A_101] {strides = array<i32>} : memref<15x16xf32, #tpu.memory_space<vmem>>, vector<16xf32>,
    tpu.vector_store %arg8[%swap3A_100, %swap3A_101], %broadcast_in_dim3A_98 {strides = array<i32>} : memref<15x16xf32, #tpu.memory_space<vmem>>, vector<16xf32>,
    %broadcast_in_dim3A_103 = arith.constant 0.000000e+00 : f32
    %broadcast_in_dim3A_104 = vector.broadcast %broadcast_in_dim3A_103 : f32 to vector<16xf32>
    %swap3A_105 = arith.constant 5 : i32
    %swap3A_106 = arith.index_cast %swap3A_105 : i32 to index
    %swap3A_107 = arith.constant 0 : index
    %swap3A_108 = tpu.vector_load %arg9[%swap3A_106, %swap3A_107] {strides = array<i32>} : memref<15x16xf32, #tpu.memory_space<vmem>>, vector<16xf32>,
    tpu.vector_store %arg9[%swap3A_106, %swap3A_107], %broadcast_in_dim3A_104 {strides = array<i32>} : memref<15x16xf32, #tpu.memory_space<vmem>>, vector<16xf32>,
    %broadcast_in_dim3A_109 = arith.constant 0.000000e+00 : f32
    %broadcast_in_dim3A_110 = vector.broadcast %broadcast_in_dim3A_109 : f32 to vector<16xf32>
    %swap3A_111 = arith.constant 6 : i32
    %swap3A_112 = arith.index_cast %swap3A_111 : i32 to index
    %swap3A_113 = arith.constant 0 : index
    %swap3A_114 = tpu.vector_load %arg7[%swap3A_112, %swap3A_113] {strides = array<i32>} : memref<15x16xf32, #tpu.memory_space<vmem>>, vector<16xf32>,
    tpu.vector_store %arg7[%swap3A_112, %swap3A_113], %broadcast_in_dim3A_110 {strides = array<i32>} : memref<15x16xf32, #tpu.memory_space<vmem>>, vector<16xf32>,
    %broadcast_in_dim3A_115 = arith.constant 0.000000e+00 : f32
    %broadcast_in_dim3A_116 = vector.broadcast %broadcast_in_dim3A_115 : f32 to vector<16xf32>
    %swap3A_117 = arith.constant 6 : i32
    %swap3A_118 = arith.index_cast %swap3A_117 : i32 to index
    %swap3A_119 = arith.constant 0 : index
    %swap3A_120 = tpu.vector_load %arg8[%swap3A_118, %swap3A_119] {strides = array<i32>} : memref<15x16xf32, #tpu.memory_space<vmem>>, vector<16xf32>,
    tpu.vector_store %arg8[%swap3A_118, %swap3A_119], %broadcast_in_dim3A_116 {strides = array<i32>} : memref<15x16xf32, #tpu.memory_space<vmem>>, vector<16xf32>,
    %broadcast_in_dim3A_121 = arith.constant 0.000000e+00 : f32
    %broadcast_in_dim3A_122 = vector.broadcast %broadcast_in_dim3A_121 : f32 to vector<16xf32>
    %swap3A_123 = arith.constant 6 : i32
    %swap3A_124 = arith.index_cast %swap3A_123 : i32 to index
    %swap3A_125 = arith.constant 0 : index
    %swap3A_126 = tpu.vector_load %arg9[%swap3A_124, %swap3A_125] {strides = array<i32>} : memref<15x16xf32, #tpu.memory_space<vmem>>, vector<16xf32>,
    tpu.vector_store %arg9[%swap3A_124, %swap3A_125], %broadcast_in_dim3A_122 {strides = array<i32>} : memref<15x16xf32, #tpu.memory_space<vmem>>, vector<16xf32>,
    %broadcast_in_dim3A_127 = arith.constant 0.000000e+00 : f32
    %broadcast_in_dim3A_128 = vector.broadcast %broadcast_in_dim3A_127 : f32 to vector<16xf32>
    %swap3A_129 = arith.constant 7 : i32
    %swap3A_130 = arith.index_cast %swap3A_129 : i32 to index
    %swap3A_131 = arith.constant 0 : index
    %swap3A_132 = tpu.vector_load %arg7[%swap3A_130, %swap3A_131] {strides = array<i32>} : memref<15x16xf32, #tpu.memory_space<vmem>>, vector<16xf32>,
    tpu.vector_store %arg7[%swap3A_130, %swap3A_131], %broadcast_in_dim3A_128 {strides = array<i32>} : memref<15x16xf32, #tpu.memory_space<vmem>>, vector<16xf32>,
    %broadcast_in_dim3A_133 = arith.constant 0.000000e+00 : f32
    %broadcast_in_dim3A_134 = vector.broadcast %broadcast_in_dim3A_133 : f32 to vector<16xf32>
    %swap3A_135 = arith.constant 7 : i32
    %swap3A_136 = arith.index_cast %swap3A_135 : i32 to index
    %swap3A_137 = arith.constant 0 : index
    %swap3A_138 = tpu.vector_load %arg8[%swap3A_136, %swap3A_137] {strides = array<i32>} : memref<15x16xf32, #tpu.memory_space<vmem>>, vector<16xf32>,
    tpu.vector_store %arg8[%swap3A_136, %swap3A_137], %broadcast_in_dim3A_134 {strides = array<i32>} : memref<15x16xf32, #tpu.memory_space<vmem>>, vector<16xf32>,
    %broadcast_in_dim3A_139 = arith.constant 0.000000e+00 : f32
    %broadcast_in_dim3A_140 = vector.broadcast %broadcast_in_dim3A_139 : f32 to vector<16xf32>
    %swap3A_141 = arith.constant 7 : i32
    %swap3A_142 = arith.index_cast %swap3A_141 : i32 to index
    %swap3A_143 = arith.constant 0 : index
    %swap3A_144 = tpu.vector_load %arg9[%swap3A_142, %swap3A_143] {strides = array<i32>} : memref<15x16xf32, #tpu.memory_space<vmem>>, vector<16xf32>,
    tpu.vector_store %arg9[%swap3A_142, %swap3A_143], %broadcast_in_dim3A_140 {strides = array<i32>} : memref<15x16xf32, #tpu.memory_space<vmem>>, vector<16xf32>,
    %broadcast_in_dim3A_145 = arith.constant 0.000000e+00 : f32
    %broadcast_in_dim3A_146 = vector.broadcast %broadcast_in_dim3A_145 : f32 to vector<16xf32>
    %swap3A_147 = arith.constant 8 : i32
    %swap3A_148 = arith.index_cast %swap3A_147 : i32 to index
    %swap3A_149 = arith.constant 0 : index
    %swap3A_150 = tpu.vector_load %arg7[%swap3A_148, %swap3A_149] {strides = array<i32>} : memref<15x16xf32, #tpu.memory_space<vmem>>, vector<16xf32>,
    tpu.vector_store %arg7[%swap3A_148, %swap3A_149], %broadcast_in_dim3A_146 {strides = array<i32>} : memref<15x16xf32, #tpu.memory_space<vmem>>, vector<16xf32>,
    %broadcast_in_dim3A_151 = arith.constant 0.000000e+00 : f32
    %broadcast_in_dim3A_152 = vector.broadcast %broadcast_in_dim3A_151 : f32 to vector<16xf32>
    %swap3A_153 = arith.constant 8 : i32
    %swap3A_154 = arith.index_cast %swap3A_153 : i32 to index
    %swap3A_155 = arith.constant 0 : index
    %swap3A_156 = tpu.vector_load %arg8[%swap3A_154, %swap3A_155] {strides = array<i32>} : memref<15x16xf32, #tpu.memory_space<vmem>>, vector<16xf32>,
    tpu.vector_store %arg8[%swap3A_154, %swap3A_155], %broadcast_in_dim3A_152 {strides = array<i32>} : memref<15x16xf32, #tpu.memory_space<vmem>>, vector<16xf32>,
    %broadcast_in_dim3A_157 = arith.constant 0.000000e+00 : f32
    %broadcast_in_dim3A_158 = vector.broadcast %broadcast_in_dim3A_157 : f32 to vector<16xf32>
    %swap3A_159 = arith.constant 8 : i32
    %swap3A_160 = arith.index_cast %swap3A_159 : i32 to index
    %swap3A_161 = arith.constant 0 : index
    %swap3A_162 = tpu.vector_load %arg9[%swap3A_160, %swap3A_161] {strides = array<i32>} : memref<15x16xf32, #tpu.memory_space<vmem>>, vector<16xf32>,
    tpu.vector_store %arg9[%swap3A_160, %swap3A_161], %broadcast_in_dim3A_158 {strides = array<i32>} : memref<15x16xf32, #tpu.memory_space<vmem>>, vector<16xf32>,
    %broadcast_in_dim3A_163 = arith.constant 0.000000e+00 : f32
    %broadcast_in_dim3A_164 = vector.broadcast %broadcast_in_dim3A_163 : f32 to vector<16xf32>
    %swap3A_165 = arith.constant 9 : i32
    %swap3A_166 = arith.index_cast %swap3A_165 : i32 to index
    %swap3A_167 = arith.constant 0 : index
    %swap3A_168 = tpu.vector_load %arg7[%swap3A_166, %swap3A_167] {strides = array<i32>} : memref<15x16xf32, #tpu.memory_space<vmem>>, vector<16xf32>,
    tpu.vector_store %arg7[%swap3A_166, %swap3A_167], %broadcast_in_dim3A_164 {strides = array<i32>} : memref<15x16xf32, #tpu.memory_space<vmem>>, vector<16xf32>,
    %broadcast_in_dim3A_169 = arith.constant 0.000000e+00 : f32
    %broadcast_in_dim3A_170 = vector.broadcast %broadcast_in_dim3A_169 : f32 to vector<16xf32>
    %swap3A_171 = arith.constant 9 : i32
    %swap3A_172 = arith.index_cast %swap3A_171 : i32 to index
    %swap3A_173 = arith.constant 0 : index
    %swap3A_174 = tpu.vector_load %arg8[%swap3A_172, %swap3A_173] {strides = array<i32>} : memref<15x16xf32, #tpu.memory_space<vmem>>, vector<16xf32>,
    tpu.vector_store %arg8[%swap3A_172, %swap3A_173], %broadcast_in_dim3A_170 {strides = array<i32>} : memref<15x16xf32, #tpu.memory_space<vmem>>, vector<16xf32>,
    %broadcast_in_dim3A_175 = arith.constant 0.000000e+00 : f32
    %broadcast_in_dim3A_176 = vector.broadcast %broadcast_in_dim3A_175 : f32 to vector<16xf32>
    %swap3A_177 = arith.constant 9 : i32
    %swap3A_178 = arith.index_cast %swap3A_177 : i32 to index
    %swap3A_179 = arith.constant 0 : index
    %swap3A_180 = tpu.vector_load %arg9[%swap3A_178, %swap3A_179] {strides = array<i32>} : memref<15x16xf32, #tpu.memory_space<vmem>>, vector<16xf32>,
    tpu.vector_store %arg9[%swap3A_178, %swap3A_179], %broadcast_in_dim3A_176 {strides = array<i32>} : memref<15x16xf32, #tpu.memory_space<vmem>>, vector<16xf32>,
    %broadcast_in_dim3A_181 = arith.constant 0.000000e+00 : f32
    %broadcast_in_dim3A_182 = vector.broadcast %broadcast_in_dim3A_181 : f32 to vector<16xf32>
    %swap3A_183 = arith.constant 10 : i32
    %swap3A_184 = arith.index_cast %swap3A_183 : i32 to index
    %swap3A_185 = arith.constant 0 : index
    %swap3A_186 = tpu.vector_load %arg7[%swap3A_184, %swap3A_185] {strides = array<i32>} : memref<15x16xf32, #tpu.memory_space<vmem>>, vector<16xf32>,
    tpu.vector_store %arg7[%swap3A_184, %swap3A_185], %broadcast_in_dim3A_182 {strides = array<i32>} : memref<15x16xf32, #tpu.memory_space<vmem>>, vector<16xf32>,
    %broadcast_in_dim3A_187 = arith.constant 0.000000e+00 : f32
    %broadcast_in_dim3A_188 = vector.broadcast %broadcast_in_dim3A_187 : f32 to vector<16xf32>
    %swap3A_189 = arith.constant 10 : i32
    %swap3A_190 = arith.index_cast %swap3A_189 : i32 to index
    %swap3A_191 = arith.constant 0 : index
    %swap3A_192 = tpu.vector_load %arg8[%swap3A_190, %swap3A_191] {strides = array<i32>} : memref<15x16xf32, #tpu.memory_space<vmem>>, vector<16xf32>,
    tpu.vector_store %arg8[%swap3A_190, %swap3A_191], %broadcast_in_dim3A_188 {strides = array<i32>} : memref<15x16xf32, #tpu.memory_space<vmem>>, vector<16xf32>,
    %broadcast_in_dim3A_193 = arith.constant 0.000000e+00 : f32
    %broadcast_in_dim3A_194 = vector.broadcast %broadcast_in_dim3A_193 : f32 to vector<16xf32>
    %swap3A_195 = arith.constant 10 : i32
    %swap3A_196 = arith.index_cast %swap3A_195 : i32 to index
    %swap3A_197 = arith.constant 0 : index
    %swap3A_198 = tpu.vector_load %arg9[%swap3A_196, %swap3A_197] {strides = array<i32>} : memref<15x16xf32, #tpu.memory_space<vmem>>, vector<16xf32>,
    tpu.vector_store %arg9[%swap3A_196, %swap3A_197], %broadcast_in_dim3A_194 {strides = array<i32>} : memref<15x16xf32, #tpu.memory_space<vmem>>, vector<16xf32>,
    %broadcast_in_dim3A_199 = arith.constant 0.000000e+00 : f32
    %broadcast_in_dim3A_200 = vector.broadcast %broadcast_in_dim3A_199 : f32 to vector<16xf32>
    %swap3A_201 = arith.constant 11 : i32
    %swap3A_202 = arith.index_cast %swap3A_201 : i32 to index
    %swap3A_203 = arith.constant 0 : index
    %swap3A_204 = tpu.vector_load %arg7[%swap3A_202, %swap3A_203] {strides = array<i32>} : memref<15x16xf32, #tpu.memory_space<vmem>>, vector<16xf32>,
    tpu.vector_store %arg7[%swap3A_202, %swap3A_203], %broadcast_in_dim3A_200 {strides = array<i32>} : memref<15x16xf32, #tpu.memory_space<vmem>>, vector<16xf32>,
    %broadcast_in_dim3A_205 = arith.constant 0.000000e+00 : f32
    %broadcast_in_dim3A_206 = vector.broadcast %broadcast_in_dim3A_205 : f32 to vector<16xf32>
    %swap3A_207 = arith.constant 11 : i32
    %swap3A_208 = arith.index_cast %swap3A_207 : i32 to index
    %swap3A_209 = arith.constant 0 : index
    %swap3A_210 = tpu.vector_load %arg8[%swap3A_208, %swap3A_209] {strides = array<i32>} : memref<15x16xf32, #tpu.memory_space<vmem>>, vector<16xf32>,
    tpu.vector_store %arg8[%swap3A_208, %swap3A_209], %broadcast_in_dim3A_206 {strides = array<i32>} : memref<15x16xf32, #tpu.memory_space<vmem>>, vector<16xf32>,
    %broadcast_in_dim3A_211 = arith.constant 0.000000e+00 : f32
    %broadcast_in_dim3A_212 = vector.broadcast %broadcast_in_dim3A_211 : f32 to vector<16xf32>
    %swap3A_213 = arith.constant 11 : i32
    %swap3A_214 = arith.index_cast %swap3A_213 : i32 to index
    %swap3A_215 = arith.constant 0 : index
    %swap3A_216 = tpu.vector_load %arg9[%swap3A_214, %swap3A_215] {strides = array<i32>} : memref<15x16xf32, #tpu.memory_space<vmem>>, vector<16xf32>,
    tpu.vector_store %arg9[%swap3A_214, %swap3A_215], %broadcast_in_dim3A_212 {strides = array<i32>} : memref<15x16xf32, #tpu.memory_space<vmem>>, vector<16xf32>,
    %broadcast_in_dim3A_217 = arith.constant 0.000000e+00 : f32
    %broadcast_in_dim3A_218 = vector.broadcast %broadcast_in_dim3A_217 : f32 to vector<16xf32>
    %swap3A_219 = arith.constant 12 : i32
    %swap3A_220 = arith.index_cast %swap3A_219 : i32 to index
    %swap3A_221 = arith.constant 0 : index
    %swap3A_222 = tpu.vector_load %arg7[%swap3A_220, %swap3A_221] {strides = array<i32>} : memref<15x16xf32, #tpu.memory_space<vmem>>, vector<16xf32>,
    tpu.vector_store %arg7[%swap3A_220, %swap3A_221], %broadcast_in_dim3A_218 {strides = array<i32>} : memref<15x16xf32, #tpu.memory_space<vmem>>, vector<16xf32>,
    %broadcast_in_dim3A_223 = arith.constant 0.000000e+00 : f32
    %broadcast_in_dim3A_224 = vector.broadcast %broadcast_in_dim3A_223 : f32 to vector<16xf32>
    %swap3A_225 = arith.constant 12 : i32
    %swap3A_226 = arith.index_cast %swap3A_225 : i32 to index
    %swap3A_227 = arith.constant 0 : index
    %swap3A_228 = tpu.vector_load %arg8[%swap3A_226, %swap3A_227] {strides = array<i32>} : memref<15x16xf32, #tpu.memory_space<vmem>>, vector<16xf32>,
    tpu.vector_store %arg8[%swap3A_226, %swap3A_227], %broadcast_in_dim3A_224 {strides = array<i32>} : memref<15x16xf32, #tpu.memory_space<vmem>>, vector<16xf32>,
    %broadcast_in_dim3A_229 = arith.constant 0.000000e+00 : f32
    %broadcast_in_dim3A_230 = vector.broadcast %broadcast_in_dim3A_229 : f32 to vector<16xf32>
    %swap3A_231 = arith.constant 12 : i32
    %swap3A_232 = arith.index_cast %swap3A_231 : i32 to index
    %swap3A_233 = arith.constant 0 : index
    %swap3A_234 = tpu.vector_load %arg9[%swap3A_232, %swap3A_233] {strides = array<i32>} : memref<15x16xf32, #tpu.memory_space<vmem>>, vector<16xf32>,
    tpu.vector_store %arg9[%swap3A_232, %swap3A_233], %broadcast_in_dim3A_230 {strides = array<i32>} : memref<15x16xf32, #tpu.memory_space<vmem>>, vector<16xf32>,
    %broadcast_in_dim3A_235 = arith.constant 0.000000e+00 : f32
    %broadcast_in_dim3A_236 = vector.broadcast %broadcast_in_dim3A_235 : f32 to vector<16xf32>
    %swap3A_237 = arith.constant 13 : i32
    %swap3A_238 = arith.index_cast %swap3A_237 : i32 to index
    %swap3A_239 = arith.constant 0 : index
    %swap3A_240 = tpu.vector_load %arg7[%swap3A_238, %swap3A_239] {strides = array<i32>} : memref<15x16xf32, #tpu.memory_space<vmem>>, vector<16xf32>,
    tpu.vector_store %arg7[%swap3A_238, %swap3A_239], %broadcast_in_dim3A_236 {strides = array<i32>} : memref<15x16xf32, #tpu.memory_space<vmem>>, vector<16xf32>,
    %broadcast_in_dim3A_241 = arith.constant 0.000000e+00 : f32
    %broadcast_in_dim3A_242 = vector.broadcast %broadcast_in_dim3A_241 : f32 to vector<16xf32>
    %swap3A_243 = arith.constant 13 : i32
    %swap3A_244 = arith.index_cast %swap3A_243 : i32 to index
    %swap3A_245 = arith.constant 0 : index
    %swap3A_246 = tpu.vector_load %arg8[%swap3A_244, %swap3A_245] {strides = array<i32>} : memref<15x16xf32, #tpu.memory_space<vmem>>, vector<16xf32>,
    tpu.vector_store %arg8[%swap3A_244, %swap3A_245], %broadcast_in_dim3A_242 {strides = array<i32>} : memref<15x16xf32, #tpu.memory_space<vmem>>, vector<16xf32>,
    %broadcast_in_dim3A_247 = arith.constant 0.000000e+00 : f32
    %broadcast_in_dim3A_248 = vector.broadcast %broadcast_in_dim3A_247 : f32 to vector<16xf32>
    %swap3A_249 = arith.constant 13 : i32
    %swap3A_250 = arith.index_cast %swap3A_249 : i32 to index
    %swap3A_251 = arith.constant 0 : index
    %swap3A_252 = tpu.vector_load %arg9[%swap3A_250, %swap3A_251] {strides = array<i32>} : memref<15x16xf32, #tpu.memory_space<vmem>>, vector<16xf32>,
    tpu.vector_store %arg9[%swap3A_250, %swap3A_251], %broadcast_in_dim3A_248 {strides = array<i32>} : memref<15x16xf32, #tpu.memory_space<vmem>>, vector<16xf32>,
    %broadcast_in_dim3A_253 = arith.constant 0.000000e+00 : f32
    %broadcast_in_dim3A_254 = vector.broadcast %broadcast_in_dim3A_253 : f32 to vector<16xf32>
    %swap3A_255 = arith.constant 14 : i32
    %swap3A_256 = arith.index_cast %swap3A_255 : i32 to index
    %swap3A_257 = arith.constant 0 : index
    %swap3A_258 = tpu.vector_load %arg7[%swap3A_256, %swap3A_257] {strides = array<i32>} : memref<15x16xf32, #tpu.memory_space<vmem>>, vector<16xf32>,
    tpu.vector_store %arg7[%swap3A_256, %swap3A_257], %broadcast_in_dim3A_254 {strides = array<i32>} : memref<15x16xf32, #tpu.memory_space<vmem>>, vector<16xf32>,
    %broadcast_in_dim3A_259 = arith.constant 0.000000e+00 : f32
    %broadcast_in_dim3A_260 = vector.broadcast %broadcast_in_dim3A_259 : f32 to vector<16xf32>
    %swap3A_261 = arith.constant 14 : i32
    %swap3A_262 = arith.index_cast %swap3A_261 : i32 to index
    %swap3A_263 = arith.constant 0 : index
    %swap3A_264 = tpu.vector_load %arg8[%swap3A_262, %swap3A_263] {strides = array<i32>} : memref<15x16xf32, #tpu.memory_space<vmem>>, vector<16xf32>,
    tpu.vector_store %arg8[%swap3A_262, %swap3A_263], %broadcast_in_dim3A_260 {strides = array<i32>} : memref<15x16xf32, #tpu.memory_space<vmem>>, vector<16xf32>,
    %broadcast_in_dim3A_265 = arith.constant 0.000000e+00 : f32
    %broadcast_in_dim3A_266 = vector.broadcast %broadcast_in_dim3A_265 : f32 to vector<16xf32>
    %swap3A_267 = arith.constant 14 : i32
    %swap3A_268 = arith.index_cast %swap3A_267 : i32 to index
    %swap3A_269 = arith.constant 0 : index
    %swap3A_270 = tpu.vector_load %arg9[%swap3A_268, %swap3A_269] {strides = array<i32>} : memref<15x16xf32, #tpu.memory_space<vmem>>, vector<16xf32>,
    tpu.vector_store %arg9[%swap3A_268, %swap3A_269], %broadcast_in_dim3A_266 {strides = array<i32>} : memref<15x16xf32, #tpu.memory_space<vmem>>, vector<16xf32>,
    %dma_start3A = arith.constant 0 : i32
    %dma_start3A_271 = arith.constant 0 : i32
    %dma_start3A_272 = arith.constant 0 : i32
    %dma_start3A_273 = arith.constant 0 : i32
    %dma_start3A_274 = tpu.memref_slice %arg5[%dma_start3A, %dma_start3A_272, %dma_start3A_273] : memref<2x16x1000xf32, #tpu.memory_space<vmem>> -> memref<1x16x1000xf32, #tpu.memory_space<vmem>>
    %dma_start3A_275 = tpu.memref_squeeze %dma_start3A_274 : memref<1x16x1000xf32, #tpu.memory_space<vmem>> -> memref<16x1000xf32, #tpu.memory_space<vmem>>
    %dma_start3A_276 = arith.constant 0 : i32
    %dma_start3A_277 = tpu.memref_slice %arg2[%mul3A_2, %dma_start3A_276] : memref<16384x1000xf32, #tpu.memory_space<hbm>> -> memref<16x1000xf32, #tpu.memory_space<hbm>>
    %dma_start3A_278 = tpu.memref_slice %arg10[%dma_start3A_271] : memref<2x!tpu.dma_semaphore, #tpu.memory_space<semaphore_mem>> -> memref<1x!tpu.dma_semaphore, #tpu.memory_space<semaphore_mem>>
    %dma_start3A_279 = tpu.memref_squeeze %dma_start3A_278 : memref<1x!tpu.dma_semaphore, #tpu.memory_space<semaphore_mem>> -> memref<!tpu.dma_semaphore, #tpu.memory_space<semaphore_mem>>
    %dma_start3A_280 = arith.constant 0 : i32
    %dma_start3A_281 = arith.constant 0 : i32
    %dma_start3A_282 = tpu.memref_slice %arg5[%dma_start3A, %dma_start3A_280, %dma_start3A_281] : memref<2x16x1000xf32, #tpu.memory_space<vmem>> -> memref<1x16x1000xf32, #tpu.memory_space<vmem>>
    %dma_start3A_283 = tpu.memref_squeeze %dma_start3A_282 : memref<1x16x1000xf32, #tpu.memory_space<vmem>> -> memref<16x1000xf32, #tpu.memory_space<vmem>>
    %dma_start3A_284 = arith.constant 0 : i32
    %dma_start3A_285 = tpu.memref_slice %arg2[%mul3A_2, %dma_start3A_284] : memref<16384x1000xf32, #tpu.memory_space<hbm>> -> memref<16x1000xf32, #tpu.memory_space<hbm>>
    tpu.enqueue_dma source(%dma_start3A_285 : memref<16x1000xf32, #tpu.memory_space<hbm>>) target(%dma_start3A_283 : memref<16x1000xf32, #tpu.memory_space<vmem>>) target_semaphore(%dma_start3A_279 : memref<!tpu.dma_semaphore, #tpu.memory_space<semaphore_mem>>)
    %add3A_286 = arith.constant 16 : i32
    %add3A_287 = arith.addi %mul3A_2, %add3A_286 : i32
    %dma_start3A_288 = arith.constant 1 : i32
    %dma_start3A_289 = arith.constant 1 : i32
    %dma_start3A_290 = arith.constant 0 : i32
    %dma_start3A_291 = arith.constant 0 : i32
    %dma_start3A_292 = tpu.memref_slice %arg5[%dma_start3A_288, %dma_start3A_290, %dma_start3A_291] : memref<2x16x1000xf32, #tpu.memory_space<vmem>> -> memref<1x16x1000xf32, #tpu.memory_space<vmem>>
    %dma_start3A_293 = tpu.memref_squeeze %dma_start3A_292 : memref<1x16x1000xf32, #tpu.memory_space<vmem>> -> memref<16x1000xf32, #tpu.memory_space<vmem>>
    %dma_start3A_294 = arith.constant 0 : i32
    %dma_start3A_295 = tpu.memref_slice %arg2[%add3A_287, %dma_start3A_294] : memref<16384x1000xf32, #tpu.memory_space<hbm>> -> memref<16x1000xf32, #tpu.memory_space<hbm>>
    %dma_start3A_296 = tpu.memref_slice %arg10[%dma_start3A_289] : memref<2x!tpu.dma_semaphore, #tpu.memory_space<semaphore_mem>> -> memref<1x!tpu.dma_semaphore, #tpu.memory_space<semaphore_mem>>
    %dma_start3A_297 = tpu.memref_squeeze %dma_start3A_296 : memref<1x!tpu.dma_semaphore, #tpu.memory_space<semaphore_mem>> -> memref<!tpu.dma_semaphore, #tpu.memory_space<semaphore_mem>>
    %dma_start3A_298 = arith.constant 0 : i32
    %dma_start3A_299 = arith.constant 0 : i32
    %dma_start3A_300 = tpu.memref_slice %arg5[%dma_start3A_288, %dma_start3A_298, %dma_start3A_299] : memref<2x16x1000xf32, #tpu.memory_space<vmem>> -> memref<1x16x1000xf32, #tpu.memory_space<vmem>>
    %dma_start3A_301 = tpu.memref_squeeze %dma_start3A_300 : memref<1x16x1000xf32, #tpu.memory_space<vmem>> -> memref<16x1000xf32, #tpu.memory_space<vmem>>
    %dma_start3A_302 = arith.constant 0 : i32
    %dma_start3A_303 = tpu.memref_slice %arg2[%add3A_287, %dma_start3A_302] : memref<16384x1000xf32, #tpu.memory_space<hbm>> -> memref<16x1000xf32, #tpu.memory_space<hbm>>
    tpu.enqueue_dma source(%dma_start3A_303 : memref<16x1000xf32, #tpu.memory_space<hbm>>) target(%dma_start3A_301 : memref<16x1000xf32, #tpu.memory_space<vmem>>) target_semaphore(%dma_start3A_297 : memref<!tpu.dma_semaphore, #tpu.memory_space<semaphore_mem>>)
    %broadcast_in_dim3A_304 = arith.constant 0xFF800000 : f32
    %broadcast_in_dim3A_305 = vector.broadcast %broadcast_in_dim3A_304 : f32 to vector<16xf32>
    %broadcast_in_dim3A_306 = arith.constant 0.000000e+00 : f32
    %broadcast_in_dim3A_307 = vector.broadcast %broadcast_in_dim3A_306 : f32 to vector<16xf32>
    %scan3A = arith.constant 0 : i32
    %scan3A_308 = arith.constant 0 : i32
    %scan3A_309 = arith.constant 2 : i32
    %scan3A_310 = arith.addi %scan3A_308, %scan3A_309 : i32
    %scan3A_311 = arith.constant 1 : i32
    scf.for %scan3A_315 = %scan3A_308 to %scan3A_310 step %scan3A_311  : i32 {
      %mul3A_316 = arith.constant 2 : i32
      %mul3A_317 = arith.muli %mul3A_316, %scan3A_315 : i32
      %add3A_318 = arith.constant 0 : i32
      %add3A_319 = arith.addi %mul3A_317, %add3A_318 : i32
      %mul3A_320 = arith.constant 16 : i32
      %mul3A_321 = arith.muli %add3A_319, %mul3A_320 : i32
      %add3A_322 = arith.addi %mul3A_2, %mul3A_321 : i32
      %dma_wait3A = arith.constant 0 : i32
      %dma_wait3A_323 = arith.constant 0 : i32
      %dma_wait3A_324 = arith.constant 0 : i32
      %dma_wait3A_325 = arith.constant 0 : i32
      %dma_wait3A_326 = tpu.memref_slice %arg5[%dma_wait3A, %dma_wait3A_324, %dma_wait3A_325] : memref<2x16x1000xf32, #tpu.memory_space<vmem>> -> memref<1x16x1000xf32, #tpu.memory_space<vmem>>
      %dma_wait3A_327 = tpu.memref_squeeze %dma_wait3A_326 : memref<1x16x1000xf32, #tpu.memory_space<vmem>> -> memref<16x1000xf32, #tpu.memory_space<vmem>>
      %dma_wait3A_328 = arith.constant 0 : i32
      %dma_wait3A_329 = arith.constant 0 : i32
      %dma_wait3A_330 = tpu.memref_slice %arg2[%dma_wait3A_328, %dma_wait3A_329] : memref<16384x1000xf32, #tpu.memory_space<hbm>> -> memref<16x1000xf32, #tpu.memory_space<hbm>>
      %dma_wait3A_331 = tpu.memref_slice %arg10[%dma_wait3A_323] : memref<2x!tpu.dma_semaphore, #tpu.memory_space<semaphore_mem>> -> memref<1x!tpu.dma_semaphore, #tpu.memory_space<semaphore_mem>>
      %dma_wait3A_332 = tpu.memref_squeeze %dma_wait3A_331 : memref<1x!tpu.dma_semaphore, #tpu.memory_space<semaphore_mem>> -> memref<!tpu.dma_semaphore, #tpu.memory_space<semaphore_mem>>
      %dma_wait3A_333 = arith.constant 0 : i32
      %dma_wait3A_334 = arith.constant 0 : i32
      %dma_wait3A_335 = tpu.memref_slice %arg5[%dma_wait3A, %dma_wait3A_333, %dma_wait3A_334] : memref<2x16x1000xf32, #tpu.memory_space<vmem>> -> memref<1x16x1000xf32, #tpu.memory_space<vmem>>
      %dma_wait3A_336 = tpu.memref_squeeze %dma_wait3A_335 : memref<1x16x1000xf32, #tpu.memory_space<vmem>> -> memref<16x1000xf32, #tpu.memory_space<vmem>>
      %dma_wait3A_337 = arith.constant 0 : i32
      %dma_wait3A_338 = arith.constant 0 : i32
      %dma_wait3A_339 = tpu.memref_slice %arg2[%dma_wait3A_337, %dma_wait3A_338] : memref<16384x1000xf32, #tpu.memory_space<hbm>> -> memref<16x1000xf32, #tpu.memory_space<hbm>>
      tpu.wait_dma2 semaphore(%dma_wait3A_332 : memref<!tpu.dma_semaphore, #tpu.memory_space<semaphore_mem>>) src(%dma_wait3A_339 : memref<16x1000xf32, #tpu.memory_space<hbm>>) dst(%dma_wait3A_336 : memref<16x1000xf32, #tpu.memory_space<vmem>>)
      %scan3A_340 = arith.constant 0 : i32
      %scan3A_341 = arith.constant 123 : i32
      %scan3A_342 = arith.addi %scan3A_340, %scan3A_341 : i32
      %scan3A_343 = arith.constant 1 : i32
      %scan3A_344:9 = scf.for %scan3A_2533 = %scan3A_340 to %scan3A_342 step %scan3A_343 iter_args(%scan3A_2534 = %iota3A, %scan3A_2535 = %broadcast_in_dim3A_305, %scan3A_2536 = %broadcast_in_dim3A_305, %scan3A_2537 = %broadcast_in_dim3A_305, %scan3A_2538 = %broadcast_in_dim3A_305, %scan3A_2539 = %broadcast_in_dim3A_307, %scan3A_2540 = %broadcast_in_dim3A_307, %scan3A_2541 = %broadcast_in_dim3A_307, %scan3A_2542 = %broadcast_in_dim3A_307) -> (vector<16xi32>, vector<16xf32>, vector<16xf32>, vector<16xf32>, vector<16xf32>, vector<16xf32>, vector<16xf32>, vector<16xf32>, vector<16xf32>)  : i32 {
        %add3A_2543 = arith.constant 0 : i32
        %add3A_2544 = vector.broadcast %add3A_2543 : i32 to vector<16xi32>
        %add3A_2545 = arith.addi %scan3A_2534, %add3A_2544 : vector<16xi32>
        %gather3A_2546 = arith.constant 0 : i32
        %gather3A_2547 = arith.constant 0 : i32
        %gather3A_2548 = arith.constant 0 : i32
        %gather3A_2549 = tpu.memref_slice %arg5[%gather3A_2546, %gather3A_2547, %gather3A_2548] : memref<2x16x1000xf32, #tpu.memory_space<vmem>> -> memref<1x16x1000xf32, #tpu.memory_space<vmem>>
        %gather3A_2550 = tpu.memref_squeeze %gather3A_2549 : memref<1x16x1000xf32, #tpu.memory_space<vmem>> -> memref<16x1000xf32, #tpu.memory_space<vmem>>
        %gather3A_2551 = tpu.vector_load_idx %gather3A_2550[%iota3A, %add3A_2545] : memref<16x1000xf32, #tpu.memory_space<vmem>>[vector<16xi32>, vector<16xi32>], vector<16xf32>,
        %max3A_2552 = arith.maximumf %scan3A_2535, %gather3A_2551 : vector<16xf32>
        %exp3A_2553 = math.exp %gather3A_2551 : vector<16xf32>
        %add3A_2554 = arith.addf %scan3A_2539, %exp3A_2553 : vector<16xf32>
        %add3A_2555 = arith.constant 1 : i32
        %add3A_2556 = vector.broadcast %add3A_2555 : i32 to vector<16xi32>
        %add3A_2557 = arith.addi %scan3A_2534, %add3A_2556 : vector<16xi32>
        %gather3A_2558 = arith.constant 0 : i32
        %gather3A_2559 = arith.constant 0 : i32
        %gather3A_2560 = arith.constant 0 : i32
        %gather3A_2561 = tpu.memref_slice %arg5[%gather3A_2558, %gather3A_2559, %gather3A_2560] : memref<2x16x1000xf32, #tpu.memory_space<vmem>> -> memref<1x16x1000xf32, #tpu.memory_space<vmem>>
        %gather3A_2562 = tpu.memref_squeeze %gather3A_2561 : memref<1x16x1000xf32, #tpu.memory_space<vmem>> -> memref<16x1000xf32, #tpu.memory_space<vmem>>
        %gather3A_2563 = tpu.vector_load_idx %gather3A_2562[%iota3A, %add3A_2557] : memref<16x1000xf32, #tpu.memory_space<vmem>>[vector<16xi32>, vector<16xi32>], vector<16xf32>,
        %max3A_2564 = arith.maximumf %scan3A_2536, %gather3A_2563 : vector<16xf32>
        %exp3A_2565 = math.exp %gather3A_2563 : vector<16xf32>
        %add3A_2566 = arith.addf %scan3A_2540, %exp3A_2565 : vector<16xf32>
        %add3A_2567 = arith.constant 2 : i32
        %add3A_2568 = vector.broadcast %add3A_2567 : i32 to vector<16xi32>
        %add3A_2569 = arith.addi %scan3A_2534, %add3A_2568 : vector<16xi32>
        %gather3A_2570 = arith.constant 0 : i32
        %gather3A_2571 = arith.constant 0 : i32
        %gather3A_2572 = arith.constant 0 : i32
        %gather3A_2573 = tpu.memref_slice %arg5[%gather3A_2570, %gather3A_2571, %gather3A_2572] : memref<2x16x1000xf32, #tpu.memory_space<vmem>> -> memref<1x16x1000xf32, #tpu.memory_space<vmem>>
        %gather3A_2574 = tpu.memref_squeeze %gather3A_2573 : memref<1x16x1000xf32, #tpu.memory_space<vmem>> -> memref<16x1000xf32, #tpu.memory_space<vmem>>
        %gather3A_2575 = tpu.vector_load_idx %gather3A_2574[%iota3A, %add3A_2569] : memref<16x1000xf32, #tpu.memory_space<vmem>>[vector<16xi32>, vector<16xi32>], vector<16xf32>,
        %max3A_2576 = arith.maximumf %scan3A_2537, %gather3A_2575 : vector<16xf32>
        %exp3A_2577 = math.exp %gather3A_2575 : vector<16xf32>
        %add3A_2578 = arith.addf %scan3A_2541, %exp3A_2577 : vector<16xf32>
        %add3A_2579 = arith.constant 3 : i32
        %add3A_2580 = vector.broadcast %add3A_2579 : i32 to vector<16xi32>
        %add3A_2581 = arith.addi %scan3A_2534, %add3A_2580 : vector<16xi32>
        %gather3A_2582 = arith.constant 0 : i32
        %gather3A_2583 = arith.constant 0 : i32
        %gather3A_2584 = arith.constant 0 : i32
        %gather3A_2585 = tpu.memref_slice %arg5[%gather3A_2582, %gather3A_2583, %gather3A_2584] : memref<2x16x1000xf32, #tpu.memory_space<vmem>> -> memref<1x16x1000xf32, #tpu.memory_space<vmem>>
        %gather3A_2586 = tpu.memref_squeeze %gather3A_2585 : memref<1x16x1000xf32, #tpu.memory_space<vmem>> -> memref<16x1000xf32, #tpu.memory_space<vmem>>
        %gather3A_2587 = tpu.vector_load_idx %gather3A_2586[%iota3A, %add3A_2581] : memref<16x1000xf32, #tpu.memory_space<vmem>>[vector<16xi32>, vector<16xi32>], vector<16xf32>,
        %max3A_2588 = arith.maximumf %scan3A_2538, %gather3A_2587 : vector<16xf32>
        %exp3A_2589 = math.exp %gather3A_2587 : vector<16xf32>
        %add3A_2590 = arith.addf %scan3A_2542, %exp3A_2589 : vector<16xf32>
        %add3A_2591 = arith.constant 4 : i32
        %add3A_2592 = vector.broadcast %add3A_2591 : i32 to vector<16xi32>
        %add3A_2593 = arith.addi %scan3A_2534, %add3A_2592 : vector<16xi32>
        %gather3A_2594 = arith.constant 0 : i32
        %gather3A_2595 = arith.constant 0 : i32
        %gather3A_2596 = arith.constant 0 : i32
        %gather3A_2597 = tpu.memref_slice %arg5[%gather3A_2594, %gather3A_2595, %gather3A_2596] : memref<2x16x1000xf32, #tpu.memory_space<vmem>> -> memref<1x16x1000xf32, #tpu.memory_space<vmem>>
        %gather3A_2598 = tpu.memref_squeeze %gather3A_2597 : memref<1x16x1000xf32, #tpu.memory_space<vmem>> -> memref<16x1000xf32, #tpu.memory_space<vmem>>
        %gather3A_2599 = tpu.vector_load_idx %gather3A_2598[%iota3A, %add3A_2593] : memref<16x1000xf32, #tpu.memory_space<vmem>>[vector<16xi32>, vector<16xi32>], vector<16xf32>,
        %max3A_2600 = arith.maximumf %max3A_2552, %gather3A_2599 : vector<16xf32>
        %exp3A_2601 = math.exp %gather3A_2599 : vector<16xf32>
        %add3A_2602 = arith.addf %add3A_2554, %exp3A_2601 : vector<16xf32>
        %add3A_2603 = arith.constant 5 : i32
        %add3A_2604 = vector.broadcast %add3A_2603 : i32 to vector<16xi32>
        %add3A_2605 = arith.addi %scan3A_2534, %add3A_2604 : vector<16xi32>
        %gather3A_2606 = arith.constant 0 : i32
        %gather3A_2607 = arith.constant 0 : i32
        %gather3A_2608 = arith.constant 0 : i32
        %gather3A_2609 = tpu.memref_slice %arg5[%gather3A_2606, %gather3A_2607, %gather3A_2608] : memref<2x16x1000xf32, #tpu.memory_space<vmem>> -> memref<1x16x1000xf32, #tpu.memory_space<vmem>>
        %gather3A_2610 = tpu.memref_squeeze %gather3A_2609 : memref<1x16x1000xf32, #tpu.memory_space<vmem>> -> memref<16x1000xf32, #tpu.memory_space<vmem>>
        %gather3A_2611 = tpu.vector_load_idx %gather3A_2610[%iota3A, %add3A_2605] : memref<16x1000xf32, #tpu.memory_space<vmem>>[vector<16xi32>, vector<16xi32>], vector<16xf32>,
        %max3A_2612 = arith.maximumf %max3A_2564, %gather3A_2611 : vector<16xf32>
        %exp3A_2613 = math.exp %gather3A_2611 : vector<16xf32>
        %add3A_2614 = arith.addf %add3A_2566, %exp3A_2613 : vector<16xf32>
        %add3A_2615 = arith.constant 6 : i32
        %add3A_2616 = vector.broadcast %add3A_2615 : i32 to vector<16xi32>
        %add3A_2617 = arith.addi %scan3A_2534, %add3A_2616 : vector<16xi32>
        %gather3A_2618 = arith.constant 0 : i32
        %gather3A_2619 = arith.constant 0 : i32
        %gather3A_2620 = arith.constant 0 : i32
        %gather3A_2621 = tpu.memref_slice %arg5[%gather3A_2618, %gather3A_2619, %gather3A_2620] : memref<2x16x1000xf32, #tpu.memory_space<vmem>> -> memref<1x16x1000xf32, #tpu.memory_space<vmem>>
        %gather3A_2622 = tpu.memref_squeeze %gather3A_2621 : memref<1x16x1000xf32, #tpu.memory_space<vmem>> -> memref<16x1000xf32, #tpu.memory_space<vmem>>
        %gather3A_2623 = tpu.vector_load_idx %gather3A_2622[%iota3A, %add3A_2617] : memref<16x1000xf32, #tpu.memory_space<vmem>>[vector<16xi32>, vector<16xi32>], vector<16xf32>,
        %max3A_2624 = arith.maximumf %max3A_2576, %gather3A_2623 : vector<16xf32>
        %exp3A_2625 = math.exp %gather3A_2623 : vector<16xf32>
        %add3A_2626 = arith.addf %add3A_2578, %exp3A_2625 : vector<16xf32>
        %add3A_2627 = arith.constant 7 : i32
        %add3A_2628 = vector.broadcast %add3A_2627 : i32 to vector<16xi32>
        %add3A_2629 = arith.addi %scan3A_2534, %add3A_2628 : vector<16xi32>
        %gather3A_2630 = arith.constant 0 : i32
        %gather3A_2631 = arith.constant 0 : i32
        %gather3A_2632 = arith.constant 0 : i32
        %gather3A_2633 = tpu.memref_slice %arg5[%gather3A_2630, %gather3A_2631, %gather3A_2632] : memref<2x16x1000xf32, #tpu.memory_space<vmem>> -> memref<1x16x1000xf32, #tpu.memory_space<vmem>>
        %gather3A_2634 = tpu.memref_squeeze %gather3A_2633 : memref<1x16x1000xf32, #tpu.memory_space<vmem>> -> memref<16x1000xf32, #tpu.memory_space<vmem>>
        %gather3A_2635 = tpu.vector_load_idx %gather3A_2634[%iota3A, %add3A_2629] : memref<16x1000xf32, #tpu.memory_space<vmem>>[vector<16xi32>, vector<16xi32>], vector<16xf32>,
        %max3A_2636 = arith.maximumf %max3A_2588, %gather3A_2635 : vector<16xf32>
        %exp3A_2637 = math.exp %gather3A_2635 : vector<16xf32>
        %add3A_2638 = arith.addf %add3A_2590, %exp3A_2637 : vector<16xf32>
        %add3A_2639 = arith.constant 8 : i32
        %add3A_2640 = vector.broadcast %add3A_2639 : i32 to vector<16xi32>
        %add3A_2641 = arith.addi %scan3A_2534, %add3A_2640 : vector<16xi32>
        scf.yield %add3A_2641, %max3A_2600, %max3A_2612, %max3A_2624, %max3A_2636, %add3A_2602, %add3A_2614, %add3A_2626, %add3A_2638 : vector<16xi32>, vector<16xf32>, vector<16xf32>, vector<16xf32>, vector<16xf32>, vector<16xf32>, vector<16xf32>, vector<16xf32>, vector<16xf32>
      }
      %scan3A_345 = arith.constant 123 : i32
      %add3A_346 = arith.constant 984 : i32
      %add3A_347 = vector.broadcast %add3A_346 : i32 to vector<16xi32>
      %add3A_348 = arith.addi %iota3A, %add3A_347 : vector<16xi32>
      %ge3A = arith.constant 1000 : i32
      %ge3A_349 = vector.broadcast %ge3A : i32 to vector<16xi32>
      %ge3A_350 = arith.cmpi sge, %add3A_348, %ge3A_349 : vector<16xi32>
      %sub3A = arith.constant 1000 : i32
      %sub3A_351 = vector.broadcast %sub3A : i32 to vector<16xi32>
      %sub3A_352 = arith.subi %add3A_348, %sub3A_351 : vector<16xi32>
      %select_n3A = arith.select %ge3A_350, %sub3A_352, %add3A_348 : vector<16xi1>, vector<16xi32>
      %gather3A = arith.constant 0 : i32
      %gather3A_353 = arith.constant 0 : i32
      %gather3A_354 = arith.constant 0 : i32
      %gather3A_355 = tpu.memref_slice %arg5[%gather3A, %gather3A_353, %gather3A_354] : memref<2x16x1000xf32, #tpu.memory_space<vmem>> -> memref<1x16x1000xf32, #tpu.memory_space<vmem>>
      %gather3A_356 = tpu.memref_squeeze %gather3A_355 : memref<1x16x1000xf32, #tpu.memory_space<vmem>> -> memref<16x1000xf32, #tpu.memory_space<vmem>>
      %gather3A_357 = tpu.vector_load_idx %gather3A_356[%iota3A, %select_n3A] : memref<16x1000xf32, #tpu.memory_space<vmem>>[vector<16xi32>, vector<16xi32>], vector<16xf32>,
      %max3A = arith.maximumf %scan3A_344#1, %gather3A_357 : vector<16xf32>
      %exp3A = math.exp %gather3A_357 : vector<16xf32>
      %add3A_358 = arith.addf %scan3A_344#5, %exp3A : vector<16xf32>
      %add3A_359 = arith.constant 985 : i32
      %add3A_360 = vector.broadcast %add3A_359 : i32 to vector<16xi32>
      %add3A_361 = arith.addi %iota3A, %add3A_360 : vector<16xi32>
      %ge3A_362 = arith.constant 1000 : i32
      %ge3A_363 = vector.broadcast %ge3A_362 : i32 to vector<16xi32>
      %ge3A_364 = arith.cmpi sge, %add3A_361, %ge3A_363 : vector<16xi32>
      %sub3A_365 = arith.constant 1000 : i32
      %sub3A_366 = vector.broadcast %sub3A_365 : i32 to vector<16xi32>
      %sub3A_367 = arith.subi %add3A_361, %sub3A_366 : vector<16xi32>
      %select_n3A_368 = arith.select %ge3A_364, %sub3A_367, %add3A_361 : vector<16xi1>, vector<16xi32>
      %gather3A_369 = arith.constant 0 : i32
      %gather3A_370 = arith.constant 0 : i32
      %gather3A_371 = arith.constant 0 : i32
      %gather3A_372 = tpu.memref_slice %arg5[%gather3A_369, %gather3A_370, %gather3A_371] : memref<2x16x1000xf32, #tpu.memory_space<vmem>> -> memref<1x16x1000xf32, #tpu.memory_space<vmem>>
      %gather3A_373 = tpu.memref_squeeze %gather3A_372 : memref<1x16x1000xf32, #tpu.memory_space<vmem>> -> memref<16x1000xf32, #tpu.memory_space<vmem>>
      %gather3A_374 = tpu.vector_load_idx %gather3A_373[%iota3A, %select_n3A_368] : memref<16x1000xf32, #tpu.memory_space<vmem>>[vector<16xi32>, vector<16xi32>], vector<16xf32>,
      %max3A_375 = arith.maximumf %scan3A_344#2, %gather3A_374 : vector<16xf32>
      %exp3A_376 = math.exp %gather3A_374 : vector<16xf32>
      %add3A_377 = arith.addf %scan3A_344#6, %exp3A_376 : vector<16xf32>
      %add3A_378 = arith.constant 986 : i32
      %add3A_379 = vector.broadcast %add3A_378 : i32 to vector<16xi32>
      %add3A_380 = arith.addi %iota3A, %add3A_379 : vector<16xi32>
      %ge3A_381 = arith.constant 1000 : i32
      %ge3A_382 = vector.broadcast %ge3A_381 : i32 to vector<16xi32>
      %ge3A_383 = arith.cmpi sge, %add3A_380, %ge3A_382 : vector<16xi32>
      %sub3A_384 = arith.constant 1000 : i32
      %sub3A_385 = vector.broadcast %sub3A_384 : i32 to vector<16xi32>
      %sub3A_386 = arith.subi %add3A_380, %sub3A_385 : vector<16xi32>
      %select_n3A_387 = arith.select %ge3A_383, %sub3A_386, %add3A_380 : vector<16xi1>, vector<16xi32>
      %gather3A_388 = arith.constant 0 : i32
      %gather3A_389 = arith.constant 0 : i32
      %gather3A_390 = arith.constant 0 : i32
      %gather3A_391 = tpu.memref_slice %arg5[%gather3A_388, %gather3A_389, %gather3A_390] : memref<2x16x1000xf32, #tpu.memory_space<vmem>> -> memref<1x16x1000xf32, #tpu.memory_space<vmem>>
      %gather3A_392 = tpu.memref_squeeze %gather3A_391 : memref<1x16x1000xf32, #tpu.memory_space<vmem>> -> memref<16x1000xf32, #tpu.memory_space<vmem>>
      %gather3A_393 = tpu.vector_load_idx %gather3A_392[%iota3A, %select_n3A_387] : memref<16x1000xf32, #tpu.memory_space<vmem>>[vector<16xi32>, vector<16xi32>], vector<16xf32>,
      %max3A_394 = arith.maximumf %scan3A_344#3, %gather3A_393 : vector<16xf32>
      %exp3A_395 = math.exp %gather3A_393 : vector<16xf32>
      %add3A_396 = arith.addf %scan3A_344#7, %exp3A_395 : vector<16xf32>
      %add3A_397 = arith.constant 987 : i32
      %add3A_398 = vector.broadcast %add3A_397 : i32 to vector<16xi32>
      %add3A_399 = arith.addi %iota3A, %add3A_398 : vector<16xi32>
      %ge3A_400 = arith.constant 1000 : i32
      %ge3A_401 = vector.broadcast %ge3A_400 : i32 to vector<16xi32>
      %ge3A_402 = arith.cmpi sge, %add3A_399, %ge3A_401 : vector<16xi32>
      %sub3A_403 = arith.constant 1000 : i32
      %sub3A_404 = vector.broadcast %sub3A_403 : i32 to vector<16xi32>
      %sub3A_405 = arith.subi %add3A_399, %sub3A_404 : vector<16xi32>
      %select_n3A_406 = arith.select %ge3A_402, %sub3A_405, %add3A_399 : vector<16xi1>, vector<16xi32>
      %gather3A_407 = arith.constant 0 : i32
      %gather3A_408 = arith.constant 0 : i32
      %gather3A_409 = arith.constant 0 : i32
      %gather3A_410 = tpu.memref_slice %arg5[%gather3A_407, %gather3A_408, %gather3A_409] : memref<2x16x1000xf32, #tpu.memory_space<vmem>> -> memref<1x16x1000xf32, #tpu.memory_space<vmem>>
      %gather3A_411 = tpu.memref_squeeze %gather3A_410 : memref<1x16x1000xf32, #tpu.memory_space<vmem>> -> memref<16x1000xf32, #tpu.memory_space<vmem>>
      %gather3A_412 = tpu.vector_load_idx %gather3A_411[%iota3A, %select_n3A_406] : memref<16x1000xf32, #tpu.memory_space<vmem>>[vector<16xi32>, vector<16xi32>], vector<16xf32>,
      %max3A_413 = arith.maximumf %scan3A_344#4, %gather3A_412 : vector<16xf32>
      %exp3A_414 = math.exp %gather3A_412 : vector<16xf32>
      %add3A_415 = arith.addf %scan3A_344#8, %exp3A_414 : vector<16xf32>
      %add3A_416 = arith.constant 988 : i32
      %add3A_417 = vector.broadcast %add3A_416 : i32 to vector<16xi32>
      %add3A_418 = arith.addi %iota3A, %add3A_417 : vector<16xi32>
      %ge3A_419 = arith.constant 1000 : i32
      %ge3A_420 = vector.broadcast %ge3A_419 : i32 to vector<16xi32>
      %ge3A_421 = arith.cmpi sge, %add3A_418, %ge3A_420 : vector<16xi32>
      %sub3A_422 = arith.constant 1000 : i32
      %sub3A_423 = vector.broadcast %sub3A_422 : i32 to vector<16xi32>
      %sub3A_424 = arith.subi %add3A_418, %sub3A_423 : vector<16xi32>
      %select_n3A_425 = arith.select %ge3A_421, %sub3A_424, %add3A_418 : vector<16xi1>, vector<16xi32>
      %gather3A_426 = arith.constant 0 : i32
      %gather3A_427 = arith.constant 0 : i32
      %gather3A_428 = arith.constant 0 : i32
      %gather3A_429 = tpu.memref_slice %arg5[%gather3A_426, %gather3A_427, %gather3A_428] : memref<2x16x1000xf32, #tpu.memory_space<vmem>> -> memref<1x16x1000xf32, #tpu.memory_space<vmem>>
      %gather3A_430 = tpu.memref_squeeze %gather3A_429 : memref<1x16x1000xf32, #tpu.memory_space<vmem>> -> memref<16x1000xf32, #tpu.memory_space<vmem>>
      %gather3A_431 = tpu.vector_load_idx %gather3A_430[%iota3A, %select_n3A_425] : memref<16x1000xf32, #tpu.memory_space<vmem>>[vector<16xi32>, vector<16xi32>], vector<16xf32>,
      %max3A_432 = arith.maximumf %max3A, %gather3A_431 : vector<16xf32>
      %exp3A_433 = math.exp %gather3A_431 : vector<16xf32>
      %add3A_434 = arith.addf %add3A_358, %exp3A_433 : vector<16xf32>
      %add3A_435 = arith.constant 989 : i32
      %add3A_436 = vector.broadcast %add3A_435 : i32 to vector<16xi32>
      %add3A_437 = arith.addi %iota3A, %add3A_436 : vector<16xi32>
      %ge3A_438 = arith.constant 1000 : i32
      %ge3A_439 = vector.broadcast %ge3A_438 : i32 to vector<16xi32>
      %ge3A_440 = arith.cmpi sge, %add3A_437, %ge3A_439 : vector<16xi32>
      %sub3A_441 = arith.constant 1000 : i32
      %sub3A_442 = vector.broadcast %sub3A_441 : i32 to vector<16xi32>
      %sub3A_443 = arith.subi %add3A_437, %sub3A_442 : vector<16xi32>
      %select_n3A_444 = arith.select %ge3A_440, %sub3A_443, %add3A_437 : vector<16xi1>, vector<16xi32>
      %gather3A_445 = arith.constant 0 : i32
      %gather3A_446 = arith.constant 0 : i32
      %gather3A_447 = arith.constant 0 : i32
      %gather3A_448 = tpu.memref_slice %arg5[%gather3A_445, %gather3A_446, %gather3A_447] : memref<2x16x1000xf32, #tpu.memory_space<vmem>> -> memref<1x16x1000xf32, #tpu.memory_space<vmem>>
      %gather3A_449 = tpu.memref_squeeze %gather3A_448 : memref<1x16x1000xf32, #tpu.memory_space<vmem>> -> memref<16x1000xf32, #tpu.memory_space<vmem>>
      %gather3A_450 = tpu.vector_load_idx %gather3A_449[%iota3A, %select_n3A_444] : memref<16x1000xf32, #tpu.memory_space<vmem>>[vector<16xi32>, vector<16xi32>], vector<16xf32>,
      %max3A_451 = arith.maximumf %max3A_375, %gather3A_450 : vector<16xf32>
      %exp3A_452 = math.exp %gather3A_450 : vector<16xf32>
      %add3A_453 = arith.addf %add3A_377, %exp3A_452 : vector<16xf32>
      %add3A_454 = arith.constant 990 : i32
      %add3A_455 = vector.broadcast %add3A_454 : i32 to vector<16xi32>
      %add3A_456 = arith.addi %iota3A, %add3A_455 : vector<16xi32>
      %ge3A_457 = arith.constant 1000 : i32
      %ge3A_458 = vector.broadcast %ge3A_457 : i32 to vector<16xi32>
      %ge3A_459 = arith.cmpi sge, %add3A_456, %ge3A_458 : vector<16xi32>
      %sub3A_460 = arith.constant 1000 : i32
      %sub3A_461 = vector.broadcast %sub3A_460 : i32 to vector<16xi32>
      %sub3A_462 = arith.subi %add3A_456, %sub3A_461 : vector<16xi32>
      %select_n3A_463 = arith.select %ge3A_459, %sub3A_462, %add3A_456 : vector<16xi1>, vector<16xi32>
      %gather3A_464 = arith.constant 0 : i32
      %gather3A_465 = arith.constant 0 : i32
      %gather3A_466 = arith.constant 0 : i32
      %gather3A_467 = tpu.memref_slice %arg5[%gather3A_464, %gather3A_465, %gather3A_466] : memref<2x16x1000xf32, #tpu.memory_space<vmem>> -> memref<1x16x1000xf32, #tpu.memory_space<vmem>>
      %gather3A_468 = tpu.memref_squeeze %gather3A_467 : memref<1x16x1000xf32, #tpu.memory_space<vmem>> -> memref<16x1000xf32, #tpu.memory_space<vmem>>
      %gather3A_469 = tpu.vector_load_idx %gather3A_468[%iota3A, %select_n3A_463] : memref<16x1000xf32, #tpu.memory_space<vmem>>[vector<16xi32>, vector<16xi32>], vector<16xf32>,
      %max3A_470 = arith.maximumf %max3A_394, %gather3A_469 : vector<16xf32>
      %exp3A_471 = math.exp %gather3A_469 : vector<16xf32>
      %add3A_472 = arith.addf %add3A_396, %exp3A_471 : vector<16xf32>
      %add3A_473 = arith.constant 991 : i32
      %add3A_474 = vector.broadcast %add3A_473 : i32 to vector<16xi32>
      %add3A_475 = arith.addi %iota3A, %add3A_474 : vector<16xi32>
      %ge3A_476 = arith.constant 1000 : i32
      %ge3A_477 = vector.broadcast %ge3A_476 : i32 to vector<16xi32>
      %ge3A_478 = arith.cmpi sge, %add3A_475, %ge3A_477 : vector<16xi32>
      %sub3A_479 = arith.constant 1000 : i32
      %sub3A_480 = vector.broadcast %sub3A_479 : i32 to vector<16xi32>
      %sub3A_481 = arith.subi %add3A_475, %sub3A_480 : vector<16xi32>
      %select_n3A_482 = arith.select %ge3A_478, %sub3A_481, %add3A_475 : vector<16xi1>, vector<16xi32>
      %gather3A_483 = arith.constant 0 : i32
      %gather3A_484 = arith.constant 0 : i32
      %gather3A_485 = arith.constant 0 : i32
      %gather3A_486 = tpu.memref_slice %arg5[%gather3A_483, %gather3A_484, %gather3A_485] : memref<2x16x1000xf32, #tpu.memory_space<vmem>> -> memref<1x16x1000xf32, #tpu.memory_space<vmem>>
      %gather3A_487 = tpu.memref_squeeze %gather3A_486 : memref<1x16x1000xf32, #tpu.memory_space<vmem>> -> memref<16x1000xf32, #tpu.memory_space<vmem>>
      %gather3A_488 = tpu.vector_load_idx %gather3A_487[%iota3A, %select_n3A_482] : memref<16x1000xf32, #tpu.memory_space<vmem>>[vector<16xi32>, vector<16xi32>], vector<16xf32>,
      %max3A_489 = arith.maximumf %max3A_413, %gather3A_488 : vector<16xf32>
      %exp3A_490 = math.exp %gather3A_488 : vector<16xf32>
      %add3A_491 = arith.addf %add3A_415, %exp3A_490 : vector<16xf32>
      %add3A_492 = arith.constant 992 : i32
      %add3A_493 = vector.broadcast %add3A_492 : i32 to vector<16xi32>
      %add3A_494 = arith.addi %iota3A, %add3A_493 : vector<16xi32>
      %ge3A_495 = arith.constant 1000 : i32
      %ge3A_496 = vector.broadcast %ge3A_495 : i32 to vector<16xi32>
      %ge3A_497 = arith.cmpi sge, %add3A_494, %ge3A_496 : vector<16xi32>
      %sub3A_498 = arith.constant 1000 : i32
      %sub3A_499 = vector.broadcast %sub3A_498 : i32 to vector<16xi32>
      %sub3A_500 = arith.subi %add3A_494, %sub3A_499 : vector<16xi32>
      %select_n3A_501 = arith.select %ge3A_497, %sub3A_500, %add3A_494 : vector<16xi1>, vector<16xi32>
      %gather3A_502 = arith.constant 0 : i32
      %gather3A_503 = arith.constant 0 : i32
      %gather3A_504 = arith.constant 0 : i32
      %gather3A_505 = tpu.memref_slice %arg5[%gather3A_502, %gather3A_503, %gather3A_504] : memref<2x16x1000xf32, #tpu.memory_space<vmem>> -> memref<1x16x1000xf32, #tpu.memory_space<vmem>>
      %gather3A_506 = tpu.memref_squeeze %gather3A_505 : memref<1x16x1000xf32, #tpu.memory_space<vmem>> -> memref<16x1000xf32, #tpu.memory_space<vmem>>
      %gather3A_507 = tpu.vector_load_idx %gather3A_506[%iota3A, %select_n3A_501] : memref<16x1000xf32, #tpu.memory_space<vmem>>[vector<16xi32>, vector<16xi32>], vector<16xf32>,
      %max3A_508 = arith.maximumf %max3A_432, %gather3A_507 : vector<16xf32>
      %exp3A_509 = math.exp %gather3A_507 : vector<16xf32>
      %add3A_510 = arith.addf %add3A_434, %exp3A_509 : vector<16xf32>
      %add3A_511 = arith.constant 993 : i32
      %add3A_512 = vector.broadcast %add3A_511 : i32 to vector<16xi32>
      %add3A_513 = arith.addi %iota3A, %add3A_512 : vector<16xi32>
      %ge3A_514 = arith.constant 1000 : i32
      %ge3A_515 = vector.broadcast %ge3A_514 : i32 to vector<16xi32>
      %ge3A_516 = arith.cmpi sge, %add3A_513, %ge3A_515 : vector<16xi32>
      %sub3A_517 = arith.constant 1000 : i32
      %sub3A_518 = vector.broadcast %sub3A_517 : i32 to vector<16xi32>
      %sub3A_519 = arith.subi %add3A_513, %sub3A_518 : vector<16xi32>
      %select_n3A_520 = arith.select %ge3A_516, %sub3A_519, %add3A_513 : vector<16xi1>, vector<16xi32>
      %gather3A_521 = arith.constant 0 : i32
      %gather3A_522 = arith.constant 0 : i32
      %gather3A_523 = arith.constant 0 : i32
      %gather3A_524 = tpu.memref_slice %arg5[%gather3A_521, %gather3A_522, %gather3A_523] : memref<2x16x1000xf32, #tpu.memory_space<vmem>> -> memref<1x16x1000xf32, #tpu.memory_space<vmem>>
      %gather3A_525 = tpu.memref_squeeze %gather3A_524 : memref<1x16x1000xf32, #tpu.memory_space<vmem>> -> memref<16x1000xf32, #tpu.memory_space<vmem>>
      %gather3A_526 = tpu.vector_load_idx %gather3A_525[%iota3A, %select_n3A_520] : memref<16x1000xf32, #tpu.memory_space<vmem>>[vector<16xi32>, vector<16xi32>], vector<16xf32>,
      %max3A_527 = arith.maximumf %max3A_451, %gather3A_526 : vector<16xf32>
      %exp3A_528 = math.exp %gather3A_526 : vector<16xf32>
      %add3A_529 = arith.addf %add3A_453, %exp3A_528 : vector<16xf32>
      %add3A_530 = arith.constant 994 : i32
      %add3A_531 = vector.broadcast %add3A_530 : i32 to vector<16xi32>
      %add3A_532 = arith.addi %iota3A, %add3A_531 : vector<16xi32>
      %ge3A_533 = arith.constant 1000 : i32
      %ge3A_534 = vector.broadcast %ge3A_533 : i32 to vector<16xi32>
      %ge3A_535 = arith.cmpi sge, %add3A_532, %ge3A_534 : vector<16xi32>
      %sub3A_536 = arith.constant 1000 : i32
      %sub3A_537 = vector.broadcast %sub3A_536 : i32 to vector<16xi32>
      %sub3A_538 = arith.subi %add3A_532, %sub3A_537 : vector<16xi32>
      %select_n3A_539 = arith.select %ge3A_535, %sub3A_538, %add3A_532 : vector<16xi1>, vector<16xi32>
      %gather3A_540 = arith.constant 0 : i32
      %gather3A_541 = arith.constant 0 : i32
      %gather3A_542 = arith.constant 0 : i32
      %gather3A_543 = tpu.memref_slice %arg5[%gather3A_540, %gather3A_541, %gather3A_542] : memref<2x16x1000xf32, #tpu.memory_space<vmem>> -> memref<1x16x1000xf32, #tpu.memory_space<vmem>>
      %gather3A_544 = tpu.memref_squeeze %gather3A_543 : memref<1x16x1000xf32, #tpu.memory_space<vmem>> -> memref<16x1000xf32, #tpu.memory_space<vmem>>
      %gather3A_545 = tpu.vector_load_idx %gather3A_544[%iota3A, %select_n3A_539] : memref<16x1000xf32, #tpu.memory_space<vmem>>[vector<16xi32>, vector<16xi32>], vector<16xf32>,
      %max3A_546 = arith.maximumf %max3A_470, %gather3A_545 : vector<16xf32>
      %exp3A_547 = math.exp %gather3A_545 : vector<16xf32>
      %add3A_548 = arith.addf %add3A_472, %exp3A_547 : vector<16xf32>
      %add3A_549 = arith.constant 995 : i32
      %add3A_550 = vector.broadcast %add3A_549 : i32 to vector<16xi32>
      %add3A_551 = arith.addi %iota3A, %add3A_550 : vector<16xi32>
      %ge3A_552 = arith.constant 1000 : i32
      %ge3A_553 = vector.broadcast %ge3A_552 : i32 to vector<16xi32>
      %ge3A_554 = arith.cmpi sge, %add3A_551, %ge3A_553 : vector<16xi32>
      %sub3A_555 = arith.constant 1000 : i32
      %sub3A_556 = vector.broadcast %sub3A_555 : i32 to vector<16xi32>
      %sub3A_557 = arith.subi %add3A_551, %sub3A_556 : vector<16xi32>
      %select_n3A_558 = arith.select %ge3A_554, %sub3A_557, %add3A_551 : vector<16xi1>, vector<16xi32>
      %gather3A_559 = arith.constant 0 : i32
      %gather3A_560 = arith.constant 0 : i32
      %gather3A_561 = arith.constant 0 : i32
      %gather3A_562 = tpu.memref_slice %arg5[%gather3A_559, %gather3A_560, %gather3A_561] : memref<2x16x1000xf32, #tpu.memory_space<vmem>> -> memref<1x16x1000xf32, #tpu.memory_space<vmem>>
      %gather3A_563 = tpu.memref_squeeze %gather3A_562 : memref<1x16x1000xf32, #tpu.memory_space<vmem>> -> memref<16x1000xf32, #tpu.memory_space<vmem>>
      %gather3A_564 = tpu.vector_load_idx %gather3A_563[%iota3A, %select_n3A_558] : memref<16x1000xf32, #tpu.memory_space<vmem>>[vector<16xi32>, vector<16xi32>], vector<16xf32>,
      %max3A_565 = arith.maximumf %max3A_489, %gather3A_564 : vector<16xf32>
      %exp3A_566 = math.exp %gather3A_564 : vector<16xf32>
      %add3A_567 = arith.addf %add3A_491, %exp3A_566 : vector<16xf32>
      %add3A_568 = arith.constant 996 : i32
      %add3A_569 = vector.broadcast %add3A_568 : i32 to vector<16xi32>
      %add3A_570 = arith.addi %iota3A, %add3A_569 : vector<16xi32>
      %ge3A_571 = arith.constant 1000 : i32
      %ge3A_572 = vector.broadcast %ge3A_571 : i32 to vector<16xi32>
      %ge3A_573 = arith.cmpi sge, %add3A_570, %ge3A_572 : vector<16xi32>
      %sub3A_574 = arith.constant 1000 : i32
      %sub3A_575 = vector.broadcast %sub3A_574 : i32 to vector<16xi32>
      %sub3A_576 = arith.subi %add3A_570, %sub3A_575 : vector<16xi32>
      %select_n3A_577 = arith.select %ge3A_573, %sub3A_576, %add3A_570 : vector<16xi1>, vector<16xi32>
      %gather3A_578 = arith.constant 0 : i32
      %gather3A_579 = arith.constant 0 : i32
      %gather3A_580 = arith.constant 0 : i32
      %gather3A_581 = tpu.memref_slice %arg5[%gather3A_578, %gather3A_579, %gather3A_580] : memref<2x16x1000xf32, #tpu.memory_space<vmem>> -> memref<1x16x1000xf32, #tpu.memory_space<vmem>>
      %gather3A_582 = tpu.memref_squeeze %gather3A_581 : memref<1x16x1000xf32, #tpu.memory_space<vmem>> -> memref<16x1000xf32, #tpu.memory_space<vmem>>
      %gather3A_583 = tpu.vector_load_idx %gather3A_582[%iota3A, %select_n3A_577] : memref<16x1000xf32, #tpu.memory_space<vmem>>[vector<16xi32>, vector<16xi32>], vector<16xf32>,
      %max3A_584 = arith.maximumf %max3A_508, %gather3A_583 : vector<16xf32>
      %exp3A_585 = math.exp %gather3A_583 : vector<16xf32>
      %add3A_586 = arith.addf %add3A_510, %exp3A_585 : vector<16xf32>
      %add3A_587 = arith.constant 997 : i32
      %add3A_588 = vector.broadcast %add3A_587 : i32 to vector<16xi32>
      %add3A_589 = arith.addi %iota3A, %add3A_588 : vector<16xi32>
      %ge3A_590 = arith.constant 1000 : i32
      %ge3A_591 = vector.broadcast %ge3A_590 : i32 to vector<16xi32>
      %ge3A_592 = arith.cmpi sge, %add3A_589, %ge3A_591 : vector<16xi32>
      %sub3A_593 = arith.constant 1000 : i32
      %sub3A_594 = vector.broadcast %sub3A_593 : i32 to vector<16xi32>
      %sub3A_595 = arith.subi %add3A_589, %sub3A_594 : vector<16xi32>
      %select_n3A_596 = arith.select %ge3A_592, %sub3A_595, %add3A_589 : vector<16xi1>, vector<16xi32>
      %gather3A_597 = arith.constant 0 : i32
      %gather3A_598 = arith.constant 0 : i32
      %gather3A_599 = arith.constant 0 : i32
      %gather3A_600 = tpu.memref_slice %arg5[%gather3A_597, %gather3A_598, %gather3A_599] : memref<2x16x1000xf32, #tpu.memory_space<vmem>> -> memref<1x16x1000xf32, #tpu.memory_space<vmem>>
      %gather3A_601 = tpu.memref_squeeze %gather3A_600 : memref<1x16x1000xf32, #tpu.memory_space<vmem>> -> memref<16x1000xf32, #tpu.memory_space<vmem>>
      %gather3A_602 = tpu.vector_load_idx %gather3A_601[%iota3A, %select_n3A_596] : memref<16x1000xf32, #tpu.memory_space<vmem>>[vector<16xi32>, vector<16xi32>], vector<16xf32>,
      %max3A_603 = arith.maximumf %max3A_527, %gather3A_602 : vector<16xf32>
      %exp3A_604 = math.exp %gather3A_602 : vector<16xf32>
      %add3A_605 = arith.addf %add3A_529, %exp3A_604 : vector<16xf32>
      %add3A_606 = arith.constant 998 : i32
      %add3A_607 = vector.broadcast %add3A_606 : i32 to vector<16xi32>
      %add3A_608 = arith.addi %iota3A, %add3A_607 : vector<16xi32>
      %ge3A_609 = arith.constant 1000 : i32
      %ge3A_610 = vector.broadcast %ge3A_609 : i32 to vector<16xi32>
      %ge3A_611 = arith.cmpi sge, %add3A_608, %ge3A_610 : vector<16xi32>
      %sub3A_612 = arith.constant 1000 : i32
      %sub3A_613 = vector.broadcast %sub3A_612 : i32 to vector<16xi32>
      %sub3A_614 = arith.subi %add3A_608, %sub3A_613 : vector<16xi32>
      %select_n3A_615 = arith.select %ge3A_611, %sub3A_614, %add3A_608 : vector<16xi1>, vector<16xi32>
      %gather3A_616 = arith.constant 0 : i32
      %gather3A_617 = arith.constant 0 : i32
      %gather3A_618 = arith.constant 0 : i32
      %gather3A_619 = tpu.memref_slice %arg5[%gather3A_616, %gather3A_617, %gather3A_618] : memref<2x16x1000xf32, #tpu.memory_space<vmem>> -> memref<1x16x1000xf32, #tpu.memory_space<vmem>>
      %gather3A_620 = tpu.memref_squeeze %gather3A_619 : memref<1x16x1000xf32, #tpu.memory_space<vmem>> -> memref<16x1000xf32, #tpu.memory_space<vmem>>
      %gather3A_621 = tpu.vector_load_idx %gather3A_620[%iota3A, %select_n3A_615] : memref<16x1000xf32, #tpu.memory_space<vmem>>[vector<16xi32>, vector<16xi32>], vector<16xf32>,
      %max3A_622 = arith.maximumf %max3A_546, %gather3A_621 : vector<16xf32>
      %exp3A_623 = math.exp %gather3A_621 : vector<16xf32>
      %add3A_624 = arith.addf %add3A_548, %exp3A_623 : vector<16xf32>
      %add3A_625 = arith.constant 999 : i32
      %add3A_626 = vector.broadcast %add3A_625 : i32 to vector<16xi32>
      %add3A_627 = arith.addi %iota3A, %add3A_626 : vector<16xi32>
      %ge3A_628 = arith.constant 1000 : i32
      %ge3A_629 = vector.broadcast %ge3A_628 : i32 to vector<16xi32>
      %ge3A_630 = arith.cmpi sge, %add3A_627, %ge3A_629 : vector<16xi32>
      %sub3A_631 = arith.constant 1000 : i32
      %sub3A_632 = vector.broadcast %sub3A_631 : i32 to vector<16xi32>
      %sub3A_633 = arith.subi %add3A_627, %sub3A_632 : vector<16xi32>
      %select_n3A_634 = arith.select %ge3A_630, %sub3A_633, %add3A_627 : vector<16xi1>, vector<16xi32>
      %gather3A_635 = arith.constant 0 : i32
      %gather3A_636 = arith.constant 0 : i32
      %gather3A_637 = arith.constant 0 : i32
      %gather3A_638 = tpu.memref_slice %arg5[%gather3A_635, %gather3A_636, %gather3A_637] : memref<2x16x1000xf32, #tpu.memory_space<vmem>> -> memref<1x16x1000xf32, #tpu.memory_space<vmem>>
      %gather3A_639 = tpu.memref_squeeze %gather3A_638 : memref<1x16x1000xf32, #tpu.memory_space<vmem>> -> memref<16x1000xf32, #tpu.memory_space<vmem>>
      %gather3A_640 = tpu.vector_load_idx %gather3A_639[%iota3A, %select_n3A_634] : memref<16x1000xf32, #tpu.memory_space<vmem>>[vector<16xi32>, vector<16xi32>], vector<16xf32>,
      %max3A_641 = arith.maximumf %max3A_565, %gather3A_640 : vector<16xf32>
      %exp3A_642 = math.exp %gather3A_640 : vector<16xf32>
      %add3A_643 = arith.addf %add3A_567, %exp3A_642 : vector<16xf32>
      %max3A_644 = arith.maximumf %max3A_584, %max3A_603 : vector<16xf32>
      %max3A_645 = arith.maximumf %max3A_622, %max3A_641 : vector<16xf32>
      %max3A_646 = arith.maximumf %max3A_644, %max3A_645 : vector<16xf32>
      %add3A_647 = arith.addf %add3A_586, %add3A_605 : vector<16xf32>
      %add3A_648 = arith.addf %add3A_624, %add3A_643 : vector<16xf32>
      %add3A_649 = arith.addf %add3A_647, %add3A_648 : vector<16xf32>
      "tpu.region"() ({
        %run_scoped3A_2533 = tpu.sem_alloc : memref<!tpu.dma_semaphore, #tpu.memory_space<semaphore_mem>>
        %dma_start3A_2534 = tpu.memref_slice %arg3[%add3A_322] : memref<16384xi32, #tpu.memory_space<hbm>> -> memref<16xi32, #tpu.memory_space<hbm>>
        %dma_start3A_2535 = tpu.memref_slice %arg3[%add3A_322] : memref<16384xi32, #tpu.memory_space<hbm>> -> memref<16xi32, #tpu.memory_space<hbm>>
        tpu.enqueue_dma source(%dma_start3A_2535 : memref<16xi32, #tpu.memory_space<hbm>>) target(%arg6 : memref<16xi32, #tpu.memory_space<vmem>>) target_semaphore(%run_scoped3A_2533 : memref<!tpu.dma_semaphore, #tpu.memory_space<semaphore_mem>>)
        %dma_wait3A_2536 = tpu.memref_slice %arg3[%add3A_322] : memref<16384xi32, #tpu.memory_space<hbm>> -> memref<16xi32, #tpu.memory_space<hbm>>
        %dma_wait3A_2537 = tpu.memref_slice %arg3[%add3A_322] : memref<16384xi32, #tpu.memory_space<hbm>> -> memref<16xi32, #tpu.memory_space<hbm>>
        tpu.wait_dma2 semaphore(%run_scoped3A_2533 : memref<!tpu.dma_semaphore, #tpu.memory_space<semaphore_mem>>) src(%dma_wait3A_2537 : memref<16xi32, #tpu.memory_space<hbm>>) dst(%arg6 : memref<16xi32, #tpu.memory_space<vmem>>)
        tpu.yield
      }) : () -> ()
      %get3A = arith.constant 0 : index
      %get3A_650 = tpu.vector_load %arg6[%get3A] {strides = array<i32>} : memref<16xi32, #tpu.memory_space<vmem>>, vector<16xi32>,
      %gather3A_651 = arith.constant 0 : i32
      %gather3A_652 = arith.constant 0 : i32
      %gather3A_653 = arith.constant 0 : i32
      %gather3A_654 = tpu.memref_slice %arg5[%gather3A_651, %gather3A_652, %gather3A_653] : memref<2x16x1000xf32, #tpu.memory_space<vmem>> -> memref<1x16x1000xf32, #tpu.memory_space<vmem>>
      %gather3A_655 = tpu.memref_squeeze %gather3A_654 : memref<1x16x1000xf32, #tpu.memory_space<vmem>> -> memref<16x1000xf32, #tpu.memory_space<vmem>>
      %gather3A_656 = tpu.vector_load_idx %gather3A_655[%iota3A, %get3A_650] : memref<16x1000xf32, #tpu.memory_space<vmem>>[vector<16xi32>, vector<16xi32>], vector<16xf32>,
      %eq3A = arith.cmpf oeq, %gather3A_656, %max3A_646 : vector<16xf32>
      %jit3A = arith.constant 1.000000e+00 : f32
      %jit3A_657 = arith.constant 0.000000e+00 : f32
      %broadcast_in_dim3A_658 = vector.broadcast %jit3A : f32 to vector<16xf32>
      %broadcast_in_dim3A_659 = vector.broadcast %jit3A_657 : f32 to vector<16xf32>
      %select_n3A_660 = arith.select %eq3A, %broadcast_in_dim3A_658, %broadcast_in_dim3A_659 : vector<16xi1>, vector<16xf32>
      %exp3A_661 = math.exp %max3A_646 : vector<16xf32>
      %div3A = arith.divf %exp3A_661, %add3A_649 : vector<16xf32>
      %broadcast_in_dim3A_662 = arith.constant 0 : i32
      %broadcast_in_dim3A_663 = vector.broadcast %broadcast_in_dim3A_662 : i32 to vector<16xi32>
      %gt3A = arith.constant 0.0666666701 : f32
      %gt3A_664 = vector.broadcast %gt3A : f32 to vector<16xf32>
      %gt3A_665 = arith.cmpf ogt, %div3A, %gt3A_664 : vector<16xf32>
      %jit3A_666 = arith.constant 1 : i32
      %jit3A_667 = arith.constant 0 : i32
      %broadcast_in_dim3A_668 = vector.broadcast %jit3A_666 : i32 to vector<16xi32>
      %broadcast_in_dim3A_669 = vector.broadcast %jit3A_667 : i32 to vector<16xi32>
      %select_n3A_670 = arith.select %gt3A_665, %broadcast_in_dim3A_668, %broadcast_in_dim3A_669 : vector<16xi1>, vector<16xi32>
      %add3A_671 = arith.addi %broadcast_in_dim3A_663, %select_n3A_670 : vector<16xi32>
      %gt3A_672 = arith.constant 0.13333334 : f32
      %gt3A_673 = vector.broadcast %gt3A_672 : f32 to vector<16xf32>
      %gt3A_674 = arith.cmpf ogt, %div3A, %gt3A_673 : vector<16xf32>
      %jit3A_675 = arith.constant 1 : i32
      %jit3A_676 = arith.constant 0 : i32
      %broadcast_in_dim3A_677 = vector.broadcast %jit3A_675 : i32 to vector<16xi32>
      %broadcast_in_dim3A_678 = vector.broadcast %jit3A_676 : i32 to vector<16xi32>
      %select_n3A_679 = arith.select %gt3A_674, %broadcast_in_dim3A_677, %broadcast_in_dim3A_678 : vector<16xi1>, vector<16xi32>
      %add3A_680 = arith.addi %add3A_671, %select_n3A_679 : vector<16xi32>
      %gt3A_681 = arith.constant 0.200000018 : f32
      %gt3A_682 = vector.broadcast %gt3A_681 : f32 to vector<16xf32>
      %gt3A_683 = arith.cmpf ogt, %div3A, %gt3A_682 : vector<16xf32>
      %jit3A_684 = arith.constant 1 : i32
      %jit3A_685 = arith.constant 0 : i32
      %broadcast_in_dim3A_686 = vector.broadcast %jit3A_684 : i32 to vector<16xi32>
      %broadcast_in_dim3A_687 = vector.broadcast %jit3A_685 : i32 to vector<16xi32>
      %select_n3A_688 = arith.select %gt3A_683, %broadcast_in_dim3A_686, %broadcast_in_dim3A_687 : vector<16xi1>, vector<16xi32>
      %add3A_689 = arith.addi %add3A_680, %select_n3A_688 : vector<16xi32>
      %gt3A_690 = arith.constant 0.266666681 : f32
      %gt3A_691 = vector.broadcast %gt3A_690 : f32 to vector<16xf32>
      %gt3A_692 = arith.cmpf ogt, %div3A, %gt3A_691 : vector<16xf32>
      %jit3A_693 = arith.constant 1 : i32
      %jit3A_694 = arith.constant 0 : i32
      %broadcast_in_dim3A_695 = vector.broadcast %jit3A_693 : i32 to vector<16xi32>
      %broadcast_in_dim3A_696 = vector.broadcast %jit3A_694 : i32 to vector<16xi32>
      %select_n3A_697 = arith.select %gt3A_692, %broadcast_in_dim3A_695, %broadcast_in_dim3A_696 : vector<16xi1>, vector<16xi32>
      %add3A_698 = arith.addi %add3A_689, %select_n3A_697 : vector<16xi32>
      %gt3A_699 = arith.constant 0.333333343 : f32
      %gt3A_700 = vector.broadcast %gt3A_699 : f32 to vector<16xf32>
      %gt3A_701 = arith.cmpf ogt, %div3A, %gt3A_700 : vector<16xf32>
      %jit3A_702 = arith.constant 1 : i32
      %jit3A_703 = arith.constant 0 : i32
      %broadcast_in_dim3A_704 = vector.broadcast %jit3A_702 : i32 to vector<16xi32>
      %broadcast_in_dim3A_705 = vector.broadcast %jit3A_703 : i32 to vector<16xi32>
      %select_n3A_706 = arith.select %gt3A_701, %broadcast_in_dim3A_704, %broadcast_in_dim3A_705 : vector<16xi1>, vector<16xi32>
      %add3A_707 = arith.addi %add3A_698, %select_n3A_706 : vector<16xi32>
      %gt3A_708 = arith.constant 0.400000036 : f32
      %gt3A_709 = vector.broadcast %gt3A_708 : f32 to vector<16xf32>
      %gt3A_710 = arith.cmpf ogt, %div3A, %gt3A_709 : vector<16xf32>
      %jit3A_711 = arith.constant 1 : i32
      %jit3A_712 = arith.constant 0 : i32
      %broadcast_in_dim3A_713 = vector.broadcast %jit3A_711 : i32 to vector<16xi32>
      %broadcast_in_dim3A_714 = vector.broadcast %jit3A_712 : i32 to vector<16xi32>
      %select_n3A_715 = arith.select %gt3A_710, %broadcast_in_dim3A_713, %broadcast_in_dim3A_714 : vector<16xi1>, vector<16xi32>
      %add3A_716 = arith.addi %add3A_707, %select_n3A_715 : vector<16xi32>
      %gt3A_717 = arith.constant 0.466666698 : f32
      %gt3A_718 = vector.broadcast %gt3A_717 : f32 to vector<16xf32>
      %gt3A_719 = arith.cmpf ogt, %div3A, %gt3A_718 : vector<16xf32>
      %jit3A_720 = arith.constant 1 : i32
      %jit3A_721 = arith.constant 0 : i32
      %broadcast_in_dim3A_722 = vector.broadcast %jit3A_720 : i32 to vector<16xi32>
      %broadcast_in_dim3A_723 = vector.broadcast %jit3A_721 : i32 to vector<16xi32>
      %select_n3A_724 = arith.select %gt3A_719, %broadcast_in_dim3A_722, %broadcast_in_dim3A_723 : vector<16xi1>, vector<16xi32>
      %add3A_725 = arith.addi %add3A_716, %select_n3A_724 : vector<16xi32>
      %gt3A_726 = arith.constant 0.533333361 : f32
      %gt3A_727 = vector.broadcast %gt3A_726 : f32 to vector<16xf32>
      %gt3A_728 = arith.cmpf ogt, %div3A, %gt3A_727 : vector<16xf32>
      %jit3A_729 = arith.constant 1 : i32
      %jit3A_730 = arith.constant 0 : i32
      %broadcast_in_dim3A_731 = vector.broadcast %jit3A_729 : i32 to vector<16xi32>
      %broadcast_in_dim3A_732 = vector.broadcast %jit3A_730 : i32 to vector<16xi32>
      %select_n3A_733 = arith.select %gt3A_728, %broadcast_in_dim3A_731, %broadcast_in_dim3A_732 : vector<16xi1>, vector<16xi32>
      %add3A_734 = arith.addi %add3A_725, %select_n3A_733 : vector<16xi32>
      %gt3A_735 = arith.constant 6.000000e-01 : f32
      %gt3A_736 = vector.broadcast %gt3A_735 : f32 to vector<16xf32>
      %gt3A_737 = arith.cmpf ogt, %div3A, %gt3A_736 : vector<16xf32>
      %jit3A_738 = arith.constant 1 : i32
      %jit3A_739 = arith.constant 0 : i32
      %broadcast_in_dim3A_740 = vector.broadcast %jit3A_738 : i32 to vector<16xi32>
      %broadcast_in_dim3A_741 = vector.broadcast %jit3A_739 : i32 to vector<16xi32>
      %select_n3A_742 = arith.select %gt3A_737, %broadcast_in_dim3A_740, %broadcast_in_dim3A_741 : vector<16xi1>, vector<16xi32>
      %add3A_743 = arith.addi %add3A_734, %select_n3A_742 : vector<16xi32>
      %gt3A_744 = arith.constant 0.666666686 : f32
      %gt3A_745 = vector.broadcast %gt3A_744 : f32 to vector<16xf32>
      %gt3A_746 = arith.cmpf ogt, %div3A, %gt3A_745 : vector<16xf32>
      %jit3A_747 = arith.constant 1 : i32
      %jit3A_748 = arith.constant 0 : i32
      %broadcast_in_dim3A_749 = vector.broadcast %jit3A_747 : i32 to vector<16xi32>
      %broadcast_in_dim3A_750 = vector.broadcast %jit3A_748 : i32 to vector<16xi32>
      %select_n3A_751 = arith.select %gt3A_746, %broadcast_in_dim3A_749, %broadcast_in_dim3A_750 : vector<16xi1>, vector<16xi32>
      %add3A_752 = arith.addi %add3A_743, %select_n3A_751 : vector<16xi32>
      %gt3A_753 = arith.constant 0.733333349 : f32
      %gt3A_754 = vector.broadcast %gt3A_753 : f32 to vector<16xf32>
      %gt3A_755 = arith.cmpf ogt, %div3A, %gt3A_754 : vector<16xf32>
      %jit3A_756 = arith.constant 1 : i32
      %jit3A_757 = arith.constant 0 : i32
      %broadcast_in_dim3A_758 = vector.broadcast %jit3A_756 : i32 to vector<16xi32>
      %broadcast_in_dim3A_759 = vector.broadcast %jit3A_757 : i32 to vector<16xi32>
      %select_n3A_760 = arith.select %gt3A_755, %broadcast_in_dim3A_758, %broadcast_in_dim3A_759 : vector<16xi1>, vector<16xi32>
      %add3A_761 = arith.addi %add3A_752, %select_n3A_760 : vector<16xi32>
      %gt3A_762 = arith.constant 0.800000071 : f32
      %gt3A_763 = vector.broadcast %gt3A_762 : f32 to vector<16xf32>
      %gt3A_764 = arith.cmpf ogt, %div3A, %gt3A_763 : vector<16xf32>
      %jit3A_765 = arith.constant 1 : i32
      %jit3A_766 = arith.constant 0 : i32
      %broadcast_in_dim3A_767 = vector.broadcast %jit3A_765 : i32 to vector<16xi32>
      %broadcast_in_dim3A_768 = vector.broadcast %jit3A_766 : i32 to vector<16xi32>
      %select_n3A_769 = arith.select %gt3A_764, %broadcast_in_dim3A_767, %broadcast_in_dim3A_768 : vector<16xi1>, vector<16xi32>
      %add3A_770 = arith.addi %add3A_761, %select_n3A_769 : vector<16xi32>
      %gt3A_771 = arith.constant 0.866666734 : f32
      %gt3A_772 = vector.broadcast %gt3A_771 : f32 to vector<16xf32>
      %gt3A_773 = arith.cmpf ogt, %div3A, %gt3A_772 : vector<16xf32>
      %jit3A_774 = arith.constant 1 : i32
      %jit3A_775 = arith.constant 0 : i32
      %broadcast_in_dim3A_776 = vector.broadcast %jit3A_774 : i32 to vector<16xi32>
      %broadcast_in_dim3A_777 = vector.broadcast %jit3A_775 : i32 to vector<16xi32>
      %select_n3A_778 = arith.select %gt3A_773, %broadcast_in_dim3A_776, %broadcast_in_dim3A_777 : vector<16xi1>, vector<16xi32>
      %add3A_779 = arith.addi %add3A_770, %select_n3A_778 : vector<16xi32>
      %gt3A_780 = arith.constant 0.933333396 : f32
      %gt3A_781 = vector.broadcast %gt3A_780 : f32 to vector<16xf32>
      %gt3A_782 = arith.cmpf ogt, %div3A, %gt3A_781 : vector<16xf32>
      %jit3A_783 = arith.constant 1 : i32
      %jit3A_784 = arith.constant 0 : i32
      %broadcast_in_dim3A_785 = vector.broadcast %jit3A_783 : i32 to vector<16xi32>
      %broadcast_in_dim3A_786 = vector.broadcast %jit3A_784 : i32 to vector<16xi32>
      %select_n3A_787 = arith.select %gt3A_782, %broadcast_in_dim3A_785, %broadcast_in_dim3A_786 : vector<16xi1>, vector<16xi32>
      %add3A_788 = arith.addi %add3A_779, %select_n3A_787 : vector<16xi32>
      %gt3A_789 = arith.constant 1.000000e+00 : f32
      %gt3A_790 = vector.broadcast %gt3A_789 : f32 to vector<16xf32>
      %gt3A_791 = arith.cmpf ogt, %div3A, %gt3A_790 : vector<16xf32>
      %jit3A_792 = arith.constant 1 : i32
      %jit3A_793 = arith.constant 0 : i32
      %broadcast_in_dim3A_794 = vector.broadcast %jit3A_792 : i32 to vector<16xi32>
      %broadcast_in_dim3A_795 = vector.broadcast %jit3A_793 : i32 to vector<16xi32>
      %select_n3A_796 = arith.select %gt3A_791, %broadcast_in_dim3A_794, %broadcast_in_dim3A_795 : vector<16xi1>, vector<16xi32>
      %add3A_797 = arith.addi %add3A_788, %select_n3A_796 : vector<16xi32>
      %eq3A_798 = arith.constant 0 : i32
      %eq3A_799 = vector.broadcast %eq3A_798 : i32 to vector<16xi32>
      %eq3A_800 = arith.cmpi eq, %add3A_797, %eq3A_799 : vector<16xi32>
      %get3A_801 = arith.constant 0 : i32
      %get3A_802 = arith.index_cast %get3A_801 : i32 to index
      %get3A_803 = arith.constant 0 : index
      %get3A_804 = tpu.vector_load %arg7[%get3A_802, %get3A_803] {strides = array<i32>} : memref<15x16xf32, #tpu.memory_space<vmem>>, vector<16xf32>,
      %jit3A_805 = arith.constant 1.000000e+00 : f32
      %jit3A_806 = arith.constant 0.000000e+00 : f32
      %broadcast_in_dim3A_807 = vector.broadcast %jit3A_805 : f32 to vector<16xf32>
      %broadcast_in_dim3A_808 = vector.broadcast %jit3A_806 : f32 to vector<16xf32>
      %select_n3A_809 = arith.select %eq3A_800, %broadcast_in_dim3A_807, %broadcast_in_dim3A_808 : vector<16xi1>, vector<16xf32>
      %add3A_810 = arith.addf %get3A_804, %select_n3A_809 : vector<16xf32>
      %swap3A_811 = arith.constant 0 : i32
      %swap3A_812 = arith.index_cast %swap3A_811 : i32 to index
      %swap3A_813 = arith.constant 0 : index
      %swap3A_814 = tpu.vector_load %arg7[%swap3A_812, %swap3A_813] {strides = array<i32>} : memref<15x16xf32, #tpu.memory_space<vmem>>, vector<16xf32>,
      tpu.vector_store %arg7[%swap3A_812, %swap3A_813], %add3A_810 {strides = array<i32>} : memref<15x16xf32, #tpu.memory_space<vmem>>, vector<16xf32>,
      %get3A_815 = arith.constant 0 : i32
      %get3A_816 = arith.index_cast %get3A_815 : i32 to index
      %get3A_817 = arith.constant 0 : index
      %get3A_818 = tpu.vector_load %arg8[%get3A_816, %get3A_817] {strides = array<i32>} : memref<15x16xf32, #tpu.memory_space<vmem>>, vector<16xf32>,
      %jit3A_819 = arith.constant 0.000000e+00 : f32
      %broadcast_in_dim3A_820 = vector.broadcast %jit3A_819 : f32 to vector<16xf32>
      %select_n3A_821 = arith.select %eq3A_800, %div3A, %broadcast_in_dim3A_820 : vector<16xi1>, vector<16xf32>
      %add3A_822 = arith.addf %get3A_818, %select_n3A_821 : vector<16xf32>
      %swap3A_823 = arith.constant 0 : i32
      %swap3A_824 = arith.index_cast %swap3A_823 : i32 to index
      %swap3A_825 = arith.constant 0 : index
      %swap3A_826 = tpu.vector_load %arg8[%swap3A_824, %swap3A_825] {strides = array<i32>} : memref<15x16xf32, #tpu.memory_space<vmem>>, vector<16xf32>,
      tpu.vector_store %arg8[%swap3A_824, %swap3A_825], %add3A_822 {strides = array<i32>} : memref<15x16xf32, #tpu.memory_space<vmem>>, vector<16xf32>,
      %get3A_827 = arith.constant 0 : i32
      %get3A_828 = arith.index_cast %get3A_827 : i32 to index
      %get3A_829 = arith.constant 0 : index
      %get3A_830 = tpu.vector_load %arg9[%get3A_828, %get3A_829] {strides = array<i32>} : memref<15x16xf32, #tpu.memory_space<vmem>>, vector<16xf32>,
      %jit3A_831 = arith.constant 0.000000e+00 : f32
      %broadcast_in_dim3A_832 = vector.broadcast %jit3A_831 : f32 to vector<16xf32>
      %select_n3A_833 = arith.select %eq3A_800, %select_n3A_660, %broadcast_in_dim3A_832 : vector<16xi1>, vector<16xf32>
      %add3A_834 = arith.addf %get3A_830, %select_n3A_833 : vector<16xf32>
      %swap3A_835 = arith.constant 0 : i32
      %swap3A_836 = arith.index_cast %swap3A_835 : i32 to index
      %swap3A_837 = arith.constant 0 : index
      %swap3A_838 = tpu.vector_load %arg9[%swap3A_836, %swap3A_837] {strides = array<i32>} : memref<15x16xf32, #tpu.memory_space<vmem>>, vector<16xf32>,
      tpu.vector_store %arg9[%swap3A_836, %swap3A_837], %add3A_834 {strides = array<i32>} : memref<15x16xf32, #tpu.memory_space<vmem>>, vector<16xf32>,
      %eq3A_839 = arith.constant 1 : i32
      %eq3A_840 = vector.broadcast %eq3A_839 : i32 to vector<16xi32>
      %eq3A_841 = arith.cmpi eq, %add3A_797, %eq3A_840 : vector<16xi32>
      %get3A_842 = arith.constant 1 : i32
      %get3A_843 = arith.index_cast %get3A_842 : i32 to index
      %get3A_844 = arith.constant 0 : index
      %get3A_845 = tpu.vector_load %arg7[%get3A_843, %get3A_844] {strides = array<i32>} : memref<15x16xf32, #tpu.memory_space<vmem>>, vector<16xf32>,
      %jit3A_846 = arith.constant 1.000000e+00 : f32
      %jit3A_847 = arith.constant 0.000000e+00 : f32
      %broadcast_in_dim3A_848 = vector.broadcast %jit3A_846 : f32 to vector<16xf32>
      %broadcast_in_dim3A_849 = vector.broadcast %jit3A_847 : f32 to vector<16xf32>
      %select_n3A_850 = arith.select %eq3A_841, %broadcast_in_dim3A_848, %broadcast_in_dim3A_849 : vector<16xi1>, vector<16xf32>
      %add3A_851 = arith.addf %get3A_845, %select_n3A_850 : vector<16xf32>
      %swap3A_852 = arith.constant 1 : i32
      %swap3A_853 = arith.index_cast %swap3A_852 : i32 to index
      %swap3A_854 = arith.constant 0 : index
      %swap3A_855 = tpu.vector_load %arg7[%swap3A_853, %swap3A_854] {strides = array<i32>} : memref<15x16xf32, #tpu.memory_space<vmem>>, vector<16xf32>,
      tpu.vector_store %arg7[%swap3A_853, %swap3A_854], %add3A_851 {strides = array<i32>} : memref<15x16xf32, #tpu.memory_space<vmem>>, vector<16xf32>,
      %get3A_856 = arith.constant 1 : i32
      %get3A_857 = arith.index_cast %get3A_856 : i32 to index
      %get3A_858 = arith.constant 0 : index
      %get3A_859 = tpu.vector_load %arg8[%get3A_857, %get3A_858] {strides = array<i32>} : memref<15x16xf32, #tpu.memory_space<vmem>>, vector<16xf32>,
      %jit3A_860 = arith.constant 0.000000e+00 : f32
      %broadcast_in_dim3A_861 = vector.broadcast %jit3A_860 : f32 to vector<16xf32>
      %select_n3A_862 = arith.select %eq3A_841, %div3A, %broadcast_in_dim3A_861 : vector<16xi1>, vector<16xf32>
      %add3A_863 = arith.addf %get3A_859, %select_n3A_862 : vector<16xf32>
      %swap3A_864 = arith.constant 1 : i32
      %swap3A_865 = arith.index_cast %swap3A_864 : i32 to index
      %swap3A_866 = arith.constant 0 : index
      %swap3A_867 = tpu.vector_load %arg8[%swap3A_865, %swap3A_866] {strides = array<i32>} : memref<15x16xf32, #tpu.memory_space<vmem>>, vector<16xf32>,
      tpu.vector_store %arg8[%swap3A_865, %swap3A_866], %add3A_863 {strides = array<i32>} : memref<15x16xf32, #tpu.memory_space<vmem>>, vector<16xf32>,
      %get3A_868 = arith.constant 1 : i32
      %get3A_869 = arith.index_cast %get3A_868 : i32 to index
      %get3A_870 = arith.constant 0 : index
      %get3A_871 = tpu.vector_load %arg9[%get3A_869, %get3A_870] {strides = array<i32>} : memref<15x16xf32, #tpu.memory_space<vmem>>, vector<16xf32>,
      %jit3A_872 = arith.constant 0.000000e+00 : f32
      %broadcast_in_dim3A_873 = vector.broadcast %jit3A_872 : f32 to vector<16xf32>
      %select_n3A_874 = arith.select %eq3A_841, %select_n3A_660, %broadcast_in_dim3A_873 : vector<16xi1>, vector<16xf32>
      %add3A_875 = arith.addf %get3A_871, %select_n3A_874 : vector<16xf32>
      %swap3A_876 = arith.constant 1 : i32
      %swap3A_877 = arith.index_cast %swap3A_876 : i32 to index
      %swap3A_878 = arith.constant 0 : index
      %swap3A_879 = tpu.vector_load %arg9[%swap3A_877, %swap3A_878] {strides = array<i32>} : memref<15x16xf32, #tpu.memory_space<vmem>>, vector<16xf32>,
      tpu.vector_store %arg9[%swap3A_877, %swap3A_878], %add3A_875 {strides = array<i32>} : memref<15x16xf32, #tpu.memory_space<vmem>>, vector<16xf32>,
      %eq3A_880 = arith.constant 2 : i32
      %eq3A_881 = vector.broadcast %eq3A_880 : i32 to vector<16xi32>
      %eq3A_882 = arith.cmpi eq, %add3A_797, %eq3A_881 : vector<16xi32>
      %get3A_883 = arith.constant 2 : i32
      %get3A_884 = arith.index_cast %get3A_883 : i32 to index
      %get3A_885 = arith.constant 0 : index
      %get3A_886 = tpu.vector_load %arg7[%get3A_884, %get3A_885] {strides = array<i32>} : memref<15x16xf32, #tpu.memory_space<vmem>>, vector<16xf32>,
      %jit3A_887 = arith.constant 1.000000e+00 : f32
      %jit3A_888 = arith.constant 0.000000e+00 : f32
      %broadcast_in_dim3A_889 = vector.broadcast %jit3A_887 : f32 to vector<16xf32>
      %broadcast_in_dim3A_890 = vector.broadcast %jit3A_888 : f32 to vector<16xf32>
      %select_n3A_891 = arith.select %eq3A_882, %broadcast_in_dim3A_889, %broadcast_in_dim3A_890 : vector<16xi1>, vector<16xf32>
      %add3A_892 = arith.addf %get3A_886, %select_n3A_891 : vector<16xf32>
      %swap3A_893 = arith.constant 2 : i32
      %swap3A_894 = arith.index_cast %swap3A_893 : i32 to index
      %swap3A_895 = arith.constant 0 : index
      %swap3A_896 = tpu.vector_load %arg7[%swap3A_894, %swap3A_895] {strides = array<i32>} : memref<15x16xf32, #tpu.memory_space<vmem>>, vector<16xf32>,
      tpu.vector_store %arg7[%swap3A_894, %swap3A_895], %add3A_892 {strides = array<i32>} : memref<15x16xf32, #tpu.memory_space<vmem>>, vector<16xf32>,
      %get3A_897 = arith.constant 2 : i32
      %get3A_898 = arith.index_cast %get3A_897 : i32 to index
      %get3A_899 = arith.constant 0 : index
      %get3A_900 = tpu.vector_load %arg8[%get3A_898, %get3A_899] {strides = array<i32>} : memref<15x16xf32, #tpu.memory_space<vmem>>, vector<16xf32>,
      %jit3A_901 = arith.constant 0.000000e+00 : f32
      %broadcast_in_dim3A_902 = vector.broadcast %jit3A_901 : f32 to vector<16xf32>
      %select_n3A_903 = arith.select %eq3A_882, %div3A, %broadcast_in_dim3A_902 : vector<16xi1>, vector<16xf32>
      %add3A_904 = arith.addf %get3A_900, %select_n3A_903 : vector<16xf32>
      %swap3A_905 = arith.constant 2 : i32
      %swap3A_906 = arith.index_cast %swap3A_905 : i32 to index
      %swap3A_907 = arith.constant 0 : index
      %swap3A_908 = tpu.vector_load %arg8[%swap3A_906, %swap3A_907] {strides = array<i32>} : memref<15x16xf32, #tpu.memory_space<vmem>>, vector<16xf32>,
      tpu.vector_store %arg8[%swap3A_906, %swap3A_907], %add3A_904 {strides = array<i32>} : memref<15x16xf32, #tpu.memory_space<vmem>>, vector<16xf32>,
      %get3A_909 = arith.constant 2 : i32
      %get3A_910 = arith.index_cast %get3A_909 : i32 to index
      %get3A_911 = arith.constant 0 : index
      %get3A_912 = tpu.vector_load %arg9[%get3A_910, %get3A_911] {strides = array<i32>} : memref<15x16xf32, #tpu.memory_space<vmem>>, vector<16xf32>,
      %jit3A_913 = arith.constant 0.000000e+00 : f32
      %broadcast_in_dim3A_914 = vector.broadcast %jit3A_913 : f32 to vector<16xf32>
      %select_n3A_915 = arith.select %eq3A_882, %select_n3A_660, %broadcast_in_dim3A_914 : vector<16xi1>, vector<16xf32>
      %add3A_916 = arith.addf %get3A_912, %select_n3A_915 : vector<16xf32>
      %swap3A_917 = arith.constant 2 : i32
      %swap3A_918 = arith.index_cast %swap3A_917 : i32 to index
      %swap3A_919 = arith.constant 0 : index
      %swap3A_920 = tpu.vector_load %arg9[%swap3A_918, %swap3A_919] {strides = array<i32>} : memref<15x16xf32, #tpu.memory_space<vmem>>, vector<16xf32>,
      tpu.vector_store %arg9[%swap3A_918, %swap3A_919], %add3A_916 {strides = array<i32>} : memref<15x16xf32, #tpu.memory_space<vmem>>, vector<16xf32>,
      %eq3A_921 = arith.constant 3 : i32
      %eq3A_922 = vector.broadcast %eq3A_921 : i32 to vector<16xi32>
      %eq3A_923 = arith.cmpi eq, %add3A_797, %eq3A_922 : vector<16xi32>
      %get3A_924 = arith.constant 3 : i32
      %get3A_925 = arith.index_cast %get3A_924 : i32 to index
      %get3A_926 = arith.constant 0 : index
      %get3A_927 = tpu.vector_load %arg7[%get3A_925, %get3A_926] {strides = array<i32>} : memref<15x16xf32, #tpu.memory_space<vmem>>, vector<16xf32>,
      %jit3A_928 = arith.constant 1.000000e+00 : f32
      %jit3A_929 = arith.constant 0.000000e+00 : f32
      %broadcast_in_dim3A_930 = vector.broadcast %jit3A_928 : f32 to vector<16xf32>
      %broadcast_in_dim3A_931 = vector.broadcast %jit3A_929 : f32 to vector<16xf32>
      %select_n3A_932 = arith.select %eq3A_923, %broadcast_in_dim3A_930, %broadcast_in_dim3A_931 : vector<16xi1>, vector<16xf32>
      %add3A_933 = arith.addf %get3A_927, %select_n3A_932 : vector<16xf32>
      %swap3A_934 = arith.constant 3 : i32
      %swap3A_935 = arith.index_cast %swap3A_934 : i32 to index
      %swap3A_936 = arith.constant 0 : index
      %swap3A_937 = tpu.vector_load %arg7[%swap3A_935, %swap3A_936] {strides = array<i32>} : memref<15x16xf32, #tpu.memory_space<vmem>>, vector<16xf32>,
      tpu.vector_store %arg7[%swap3A_935, %swap3A_936], %add3A_933 {strides = array<i32>} : memref<15x16xf32, #tpu.memory_space<vmem>>, vector<16xf32>,
      %get3A_938 = arith.constant 3 : i32
      %get3A_939 = arith.index_cast %get3A_938 : i32 to index
      %get3A_940 = arith.constant 0 : index
      %get3A_941 = tpu.vector_load %arg8[%get3A_939, %get3A_940] {strides = array<i32>} : memref<15x16xf32, #tpu.memory_space<vmem>>, vector<16xf32>,
      %jit3A_942 = arith.constant 0.000000e+00 : f32
      %broadcast_in_dim3A_943 = vector.broadcast %jit3A_942 : f32 to vector<16xf32>
      %select_n3A_944 = arith.select %eq3A_923, %div3A, %broadcast_in_dim3A_943 : vector<16xi1>, vector<16xf32>
      %add3A_945 = arith.addf %get3A_941, %select_n3A_944 : vector<16xf32>
      %swap3A_946 = arith.constant 3 : i32
      %swap3A_947 = arith.index_cast %swap3A_946 : i32 to index
      %swap3A_948 = arith.constant 0 : index
      %swap3A_949 = tpu.vector_load %arg8[%swap3A_947, %swap3A_948] {strides = array<i32>} : memref<15x16xf32, #tpu.memory_space<vmem>>, vector<16xf32>,
      tpu.vector_store %arg8[%swap3A_947, %swap3A_948], %add3A_945 {strides = array<i32>} : memref<15x16xf32, #tpu.memory_space<vmem>>, vector<16xf32>,
      %get3A_950 = arith.constant 3 : i32
      %get3A_951 = arith.index_cast %get3A_950 : i32 to index
      %get3A_952 = arith.constant 0 : index
      %get3A_953 = tpu.vector_load %arg9[%get3A_951, %get3A_952] {strides = array<i32>} : memref<15x16xf32, #tpu.memory_space<vmem>>, vector<16xf32>,
      %jit3A_954 = arith.constant 0.000000e+00 : f32
      %broadcast_in_dim3A_955 = vector.broadcast %jit3A_954 : f32 to vector<16xf32>
      %select_n3A_956 = arith.select %eq3A_923, %select_n3A_660, %broadcast_in_dim3A_955 : vector<16xi1>, vector<16xf32>
      %add3A_957 = arith.addf %get3A_953, %select_n3A_956 : vector<16xf32>
      %swap3A_958 = arith.constant 3 : i32
      %swap3A_959 = arith.index_cast %swap3A_958 : i32 to index
      %swap3A_960 = arith.constant 0 : index
      %swap3A_961 = tpu.vector_load %arg9[%swap3A_959, %swap3A_960] {strides = array<i32>} : memref<15x16xf32, #tpu.memory_space<vmem>>, vector<16xf32>,
      tpu.vector_store %arg9[%swap3A_959, %swap3A_960], %add3A_957 {strides = array<i32>} : memref<15x16xf32, #tpu.memory_space<vmem>>, vector<16xf32>,
      %eq3A_962 = arith.constant 4 : i32
      %eq3A_963 = vector.broadcast %eq3A_962 : i32 to vector<16xi32>
      %eq3A_964 = arith.cmpi eq, %add3A_797, %eq3A_963 : vector<16xi32>
      %get3A_965 = arith.constant 4 : i32
      %get3A_966 = arith.index_cast %get3A_965 : i32 to index
      %get3A_967 = arith.constant 0 : index
      %get3A_968 = tpu.vector_load %arg7[%get3A_966, %get3A_967] {strides = array<i32>} : memref<15x16xf32, #tpu.memory_space<vmem>>, vector<16xf32>,
      %jit3A_969 = arith.constant 1.000000e+00 : f32
      %jit3A_970 = arith.constant 0.000000e+00 : f32
      %broadcast_in_dim3A_971 = vector.broadcast %jit3A_969 : f32 to vector<16xf32>
      %broadcast_in_dim3A_972 = vector.broadcast %jit3A_970 : f32 to vector<16xf32>
      %select_n3A_973 = arith.select %eq3A_964, %broadcast_in_dim3A_971, %broadcast_in_dim3A_972 : vector<16xi1>, vector<16xf32>
      %add3A_974 = arith.addf %get3A_968, %select_n3A_973 : vector<16xf32>
      %swap3A_975 = arith.constant 4 : i32
      %swap3A_976 = arith.index_cast %swap3A_975 : i32 to index
      %swap3A_977 = arith.constant 0 : index
      %swap3A_978 = tpu.vector_load %arg7[%swap3A_976, %swap3A_977] {strides = array<i32>} : memref<15x16xf32, #tpu.memory_space<vmem>>, vector<16xf32>,
      tpu.vector_store %arg7[%swap3A_976, %swap3A_977], %add3A_974 {strides = array<i32>} : memref<15x16xf32, #tpu.memory_space<vmem>>, vector<16xf32>,
      %get3A_979 = arith.constant 4 : i32
      %get3A_980 = arith.index_cast %get3A_979 : i32 to index
      %get3A_981 = arith.constant 0 : index
      %get3A_982 = tpu.vector_load %arg8[%get3A_980, %get3A_981] {strides = array<i32>} : memref<15x16xf32, #tpu.memory_space<vmem>>, vector<16xf32>,
      %jit3A_983 = arith.constant 0.000000e+00 : f32
      %broadcast_in_dim3A_984 = vector.broadcast %jit3A_983 : f32 to vector<16xf32>
      %select_n3A_985 = arith.select %eq3A_964, %div3A, %broadcast_in_dim3A_984 : vector<16xi1>, vector<16xf32>
      %add3A_986 = arith.addf %get3A_982, %select_n3A_985 : vector<16xf32>
      %swap3A_987 = arith.constant 4 : i32
      %swap3A_988 = arith.index_cast %swap3A_987 : i32 to index
      %swap3A_989 = arith.constant 0 : index
      %swap3A_990 = tpu.vector_load %arg8[%swap3A_988, %swap3A_989] {strides = array<i32>} : memref<15x16xf32, #tpu.memory_space<vmem>>, vector<16xf32>,
      tpu.vector_store %arg8[%swap3A_988, %swap3A_989], %add3A_986 {strides = array<i32>} : memref<15x16xf32, #tpu.memory_space<vmem>>, vector<16xf32>,
      %get3A_991 = arith.constant 4 : i32
      %get3A_992 = arith.index_cast %get3A_991 : i32 to index
      %get3A_993 = arith.constant 0 : index
      %get3A_994 = tpu.vector_load %arg9[%get3A_992, %get3A_993] {strides = array<i32>} : memref<15x16xf32, #tpu.memory_space<vmem>>, vector<16xf32>,
      %jit3A_995 = arith.constant 0.000000e+00 : f32
      %broadcast_in_dim3A_996 = vector.broadcast %jit3A_995 : f32 to vector<16xf32>
      %select_n3A_997 = arith.select %eq3A_964, %select_n3A_660, %broadcast_in_dim3A_996 : vector<16xi1>, vector<16xf32>
      %add3A_998 = arith.addf %get3A_994, %select_n3A_997 : vector<16xf32>
      %swap3A_999 = arith.constant 4 : i32
      %swap3A_1000 = arith.index_cast %swap3A_999 : i32 to index
      %swap3A_1001 = arith.constant 0 : index
      %swap3A_1002 = tpu.vector_load %arg9[%swap3A_1000, %swap3A_1001] {strides = array<i32>} : memref<15x16xf32, #tpu.memory_space<vmem>>, vector<16xf32>,
      tpu.vector_store %arg9[%swap3A_1000, %swap3A_1001], %add3A_998 {strides = array<i32>} : memref<15x16xf32, #tpu.memory_space<vmem>>, vector<16xf32>,
      %eq3A_1003 = arith.constant 5 : i32
      %eq3A_1004 = vector.broadcast %eq3A_1003 : i32 to vector<16xi32>
      %eq3A_1005 = arith.cmpi eq, %add3A_797, %eq3A_1004 : vector<16xi32>
      %get3A_1006 = arith.constant 5 : i32
      %get3A_1007 = arith.index_cast %get3A_1006 : i32 to index
      %get3A_1008 = arith.constant 0 : index
      %get3A_1009 = tpu.vector_load %arg7[%get3A_1007, %get3A_1008] {strides = array<i32>} : memref<15x16xf32, #tpu.memory_space<vmem>>, vector<16xf32>,
      %jit3A_1010 = arith.constant 1.000000e+00 : f32
      %jit3A_1011 = arith.constant 0.000000e+00 : f32
      %broadcast_in_dim3A_1012 = vector.broadcast %jit3A_1010 : f32 to vector<16xf32>
      %broadcast_in_dim3A_1013 = vector.broadcast %jit3A_1011 : f32 to vector<16xf32>
      %select_n3A_1014 = arith.select %eq3A_1005, %broadcast_in_dim3A_1012, %broadcast_in_dim3A_1013 : vector<16xi1>, vector<16xf32>
      %add3A_1015 = arith.addf %get3A_1009, %select_n3A_1014 : vector<16xf32>
      %swap3A_1016 = arith.constant 5 : i32
      %swap3A_1017 = arith.index_cast %swap3A_1016 : i32 to index
      %swap3A_1018 = arith.constant 0 : index
      %swap3A_1019 = tpu.vector_load %arg7[%swap3A_1017, %swap3A_1018] {strides = array<i32>} : memref<15x16xf32, #tpu.memory_space<vmem>>, vector<16xf32>,
      tpu.vector_store %arg7[%swap3A_1017, %swap3A_1018], %add3A_1015 {strides = array<i32>} : memref<15x16xf32, #tpu.memory_space<vmem>>, vector<16xf32>,
      %get3A_1020 = arith.constant 5 : i32
      %get3A_1021 = arith.index_cast %get3A_1020 : i32 to index
      %get3A_1022 = arith.constant 0 : index
      %get3A_1023 = tpu.vector_load %arg8[%get3A_1021, %get3A_1022] {strides = array<i32>} : memref<15x16xf32, #tpu.memory_space<vmem>>, vector<16xf32>,
      %jit3A_1024 = arith.constant 0.000000e+00 : f32
      %broadcast_in_dim3A_1025 = vector.broadcast %jit3A_1024 : f32 to vector<16xf32>
      %select_n3A_1026 = arith.select %eq3A_1005, %div3A, %broadcast_in_dim3A_1025 : vector<16xi1>, vector<16xf32>
      %add3A_1027 = arith.addf %get3A_1023, %select_n3A_1026 : vector<16xf32>
      %swap3A_1028 = arith.constant 5 : i32
      %swap3A_1029 = arith.index_cast %swap3A_1028 : i32 to index
      %swap3A_1030 = arith.constant 0 : index
      %swap3A_1031 = tpu.vector_load %arg8[%swap3A_1029, %swap3A_1030] {strides = array<i32>} : memref<15x16xf32, #tpu.memory_space<vmem>>, vector<16xf32>,
      tpu.vector_store %arg8[%swap3A_1029, %swap3A_1030], %add3A_1027 {strides = array<i32>} : memref<15x16xf32, #tpu.memory_space<vmem>>, vector<16xf32>,
      %get3A_1032 = arith.constant 5 : i32
      %get3A_1033 = arith.index_cast %get3A_1032 : i32 to index
      %get3A_1034 = arith.constant 0 : index
      %get3A_1035 = tpu.vector_load %arg9[%get3A_1033, %get3A_1034] {strides = array<i32>} : memref<15x16xf32, #tpu.memory_space<vmem>>, vector<16xf32>,
      %jit3A_1036 = arith.constant 0.000000e+00 : f32
      %broadcast_in_dim3A_1037 = vector.broadcast %jit3A_1036 : f32 to vector<16xf32>
      %select_n3A_1038 = arith.select %eq3A_1005, %select_n3A_660, %broadcast_in_dim3A_1037 : vector<16xi1>, vector<16xf32>
      %add3A_1039 = arith.addf %get3A_1035, %select_n3A_1038 : vector<16xf32>
      %swap3A_1040 = arith.constant 5 : i32
      %swap3A_1041 = arith.index_cast %swap3A_1040 : i32 to index
      %swap3A_1042 = arith.constant 0 : index
      %swap3A_1043 = tpu.vector_load %arg9[%swap3A_1041, %swap3A_1042] {strides = array<i32>} : memref<15x16xf32, #tpu.memory_space<vmem>>, vector<16xf32>,
      tpu.vector_store %arg9[%swap3A_1041, %swap3A_1042], %add3A_1039 {strides = array<i32>} : memref<15x16xf32, #tpu.memory_space<vmem>>, vector<16xf32>,
      %eq3A_1044 = arith.constant 6 : i32
      %eq3A_1045 = vector.broadcast %eq3A_1044 : i32 to vector<16xi32>
      %eq3A_1046 = arith.cmpi eq, %add3A_797, %eq3A_1045 : vector<16xi32>
      %get3A_1047 = arith.constant 6 : i32
      %get3A_1048 = arith.index_cast %get3A_1047 : i32 to index
      %get3A_1049 = arith.constant 0 : index
      %get3A_1050 = tpu.vector_load %arg7[%get3A_1048, %get3A_1049] {strides = array<i32>} : memref<15x16xf32, #tpu.memory_space<vmem>>, vector<16xf32>,
      %jit3A_1051 = arith.constant 1.000000e+00 : f32
      %jit3A_1052 = arith.constant 0.000000e+00 : f32
      %broadcast_in_dim3A_1053 = vector.broadcast %jit3A_1051 : f32 to vector<16xf32>
      %broadcast_in_dim3A_1054 = vector.broadcast %jit3A_1052 : f32 to vector<16xf32>
      %select_n3A_1055 = arith.select %eq3A_1046, %broadcast_in_dim3A_1053, %broadcast_in_dim3A_1054 : vector<16xi1>, vector<16xf32>
      %add3A_1056 = arith.addf %get3A_1050, %select_n3A_1055 : vector<16xf32>
      %swap3A_1057 = arith.constant 6 : i32
      %swap3A_1058 = arith.index_cast %swap3A_1057 : i32 to index
      %swap3A_1059 = arith.constant 0 : index
      %swap3A_1060 = tpu.vector_load %arg7[%swap3A_1058, %swap3A_1059] {strides = array<i32>} : memref<15x16xf32, #tpu.memory_space<vmem>>, vector<16xf32>,
      tpu.vector_store %arg7[%swap3A_1058, %swap3A_1059], %add3A_1056 {strides = array<i32>} : memref<15x16xf32, #tpu.memory_space<vmem>>, vector<16xf32>,
      %get3A_1061 = arith.constant 6 : i32
      %get3A_1062 = arith.index_cast %get3A_1061 : i32 to index
      %get3A_1063 = arith.constant 0 : index
      %get3A_1064 = tpu.vector_load %arg8[%get3A_1062, %get3A_1063] {strides = array<i32>} : memref<15x16xf32, #tpu.memory_space<vmem>>, vector<16xf32>,
      %jit3A_1065 = arith.constant 0.000000e+00 : f32
      %broadcast_in_dim3A_1066 = vector.broadcast %jit3A_1065 : f32 to vector<16xf32>
      %select_n3A_1067 = arith.select %eq3A_1046, %div3A, %broadcast_in_dim3A_1066 : vector<16xi1>, vector<16xf32>
      %add3A_1068 = arith.addf %get3A_1064, %select_n3A_1067 : vector<16xf32>
      %swap3A_1069 = arith.constant 6 : i32
      %swap3A_1070 = arith.index_cast %swap3A_1069 : i32 to index
      %swap3A_1071 = arith.constant 0 : index
      %swap3A_1072 = tpu.vector_load %arg8[%swap3A_1070, %swap3A_1071] {strides = array<i32>} : memref<15x16xf32, #tpu.memory_space<vmem>>, vector<16xf32>,
      tpu.vector_store %arg8[%swap3A_1070, %swap3A_1071], %add3A_1068 {strides = array<i32>} : memref<15x16xf32, #tpu.memory_space<vmem>>, vector<16xf32>,
      %get3A_1073 = arith.constant 6 : i32
      %get3A_1074 = arith.index_cast %get3A_1073 : i32 to index
      %get3A_1075 = arith.constant 0 : index
      %get3A_1076 = tpu.vector_load %arg9[%get3A_1074, %get3A_1075] {strides = array<i32>} : memref<15x16xf32, #tpu.memory_space<vmem>>, vector<16xf32>,
      %jit3A_1077 = arith.constant 0.000000e+00 : f32
      %broadcast_in_dim3A_1078 = vector.broadcast %jit3A_1077 : f32 to vector<16xf32>
      %select_n3A_1079 = arith.select %eq3A_1046, %select_n3A_660, %broadcast_in_dim3A_1078 : vector<16xi1>, vector<16xf32>
      %add3A_1080 = arith.addf %get3A_1076, %select_n3A_1079 : vector<16xf32>
      %swap3A_1081 = arith.constant 6 : i32
      %swap3A_1082 = arith.index_cast %swap3A_1081 : i32 to index
      %swap3A_1083 = arith.constant 0 : index
      %swap3A_1084 = tpu.vector_load %arg9[%swap3A_1082, %swap3A_1083] {strides = array<i32>} : memref<15x16xf32, #tpu.memory_space<vmem>>, vector<16xf32>,
      tpu.vector_store %arg9[%swap3A_1082, %swap3A_1083], %add3A_1080 {strides = array<i32>} : memref<15x16xf32, #tpu.memory_space<vmem>>, vector<16xf32>,
      %eq3A_1085 = arith.constant 7 : i32
      %eq3A_1086 = vector.broadcast %eq3A_1085 : i32 to vector<16xi32>
      %eq3A_1087 = arith.cmpi eq, %add3A_797, %eq3A_1086 : vector<16xi32>
      %get3A_1088 = arith.constant 7 : i32
      %get3A_1089 = arith.index_cast %get3A_1088 : i32 to index
      %get3A_1090 = arith.constant 0 : index
      %get3A_1091 = tpu.vector_load %arg7[%get3A_1089, %get3A_1090] {strides = array<i32>} : memref<15x16xf32, #tpu.memory_space<vmem>>, vector<16xf32>,
      %jit3A_1092 = arith.constant 1.000000e+00 : f32
      %jit3A_1093 = arith.constant 0.000000e+00 : f32
      %broadcast_in_dim3A_1094 = vector.broadcast %jit3A_1092 : f32 to vector<16xf32>
      %broadcast_in_dim3A_1095 = vector.broadcast %jit3A_1093 : f32 to vector<16xf32>
      %select_n3A_1096 = arith.select %eq3A_1087, %broadcast_in_dim3A_1094, %broadcast_in_dim3A_1095 : vector<16xi1>, vector<16xf32>
      %add3A_1097 = arith.addf %get3A_1091, %select_n3A_1096 : vector<16xf32>
      %swap3A_1098 = arith.constant 7 : i32
      %swap3A_1099 = arith.index_cast %swap3A_1098 : i32 to index
      %swap3A_1100 = arith.constant 0 : index
      %swap3A_1101 = tpu.vector_load %arg7[%swap3A_1099, %swap3A_1100] {strides = array<i32>} : memref<15x16xf32, #tpu.memory_space<vmem>>, vector<16xf32>,
      tpu.vector_store %arg7[%swap3A_1099, %swap3A_1100], %add3A_1097 {strides = array<i32>} : memref<15x16xf32, #tpu.memory_space<vmem>>, vector<16xf32>,
      %get3A_1102 = arith.constant 7 : i32
      %get3A_1103 = arith.index_cast %get3A_1102 : i32 to index
      %get3A_1104 = arith.constant 0 : index
      %get3A_1105 = tpu.vector_load %arg8[%get3A_1103, %get3A_1104] {strides = array<i32>} : memref<15x16xf32, #tpu.memory_space<vmem>>, vector<16xf32>,
      %jit3A_1106 = arith.constant 0.000000e+00 : f32
      %broadcast_in_dim3A_1107 = vector.broadcast %jit3A_1106 : f32 to vector<16xf32>
      %select_n3A_1108 = arith.select %eq3A_1087, %div3A, %broadcast_in_dim3A_1107 : vector<16xi1>, vector<16xf32>
      %add3A_1109 = arith.addf %get3A_1105, %select_n3A_1108 : vector<16xf32>
      %swap3A_1110 = arith.constant 7 : i32
      %swap3A_1111 = arith.index_cast %swap3A_1110 : i32 to index
      %swap3A_1112 = arith.constant 0 : index
      %swap3A_1113 = tpu.vector_load %arg8[%swap3A_1111, %swap3A_1112] {strides = array<i32>} : memref<15x16xf32, #tpu.memory_space<vmem>>, vector<16xf32>,
      tpu.vector_store %arg8[%swap3A_1111, %swap3A_1112], %add3A_1109 {strides = array<i32>} : memref<15x16xf32, #tpu.memory_space<vmem>>, vector<16xf32>,
      %get3A_1114 = arith.constant 7 : i32
      %get3A_1115 = arith.index_cast %get3A_1114 : i32 to index
      %get3A_1116 = arith.constant 0 : index
      %get3A_1117 = tpu.vector_load %arg9[%get3A_1115, %get3A_1116] {strides = array<i32>} : memref<15x16xf32, #tpu.memory_space<vmem>>, vector<16xf32>,
      %jit3A_1118 = arith.constant 0.000000e+00 : f32
      %broadcast_in_dim3A_1119 = vector.broadcast %jit3A_1118 : f32 to vector<16xf32>
      %select_n3A_1120 = arith.select %eq3A_1087, %select_n3A_660, %broadcast_in_dim3A_1119 : vector<16xi1>, vector<16xf32>
      %add3A_1121 = arith.addf %get3A_1117, %select_n3A_1120 : vector<16xf32>
      %swap3A_1122 = arith.constant 7 : i32
      %swap3A_1123 = arith.index_cast %swap3A_1122 : i32 to index
      %swap3A_1124 = arith.constant 0 : index
      %swap3A_1125 = tpu.vector_load %arg9[%swap3A_1123, %swap3A_1124] {strides = array<i32>} : memref<15x16xf32, #tpu.memory_space<vmem>>, vector<16xf32>,
      tpu.vector_store %arg9[%swap3A_1123, %swap3A_1124], %add3A_1121 {strides = array<i32>} : memref<15x16xf32, #tpu.memory_space<vmem>>, vector<16xf32>,
      %eq3A_1126 = arith.constant 8 : i32
      %eq3A_1127 = vector.broadcast %eq3A_1126 : i32 to vector<16xi32>
      %eq3A_1128 = arith.cmpi eq, %add3A_797, %eq3A_1127 : vector<16xi32>
      %get3A_1129 = arith.constant 8 : i32
      %get3A_1130 = arith.index_cast %get3A_1129 : i32 to index
      %get3A_1131 = arith.constant 0 : index
      %get3A_1132 = tpu.vector_load %arg7[%get3A_1130, %get3A_1131] {strides = array<i32>} : memref<15x16xf32, #tpu.memory_space<vmem>>, vector<16xf32>,
      %jit3A_1133 = arith.constant 1.000000e+00 : f32
      %jit3A_1134 = arith.constant 0.000000e+00 : f32
      %broadcast_in_dim3A_1135 = vector.broadcast %jit3A_1133 : f32 to vector<16xf32>
      %broadcast_in_dim3A_1136 = vector.broadcast %jit3A_1134 : f32 to vector<16xf32>
      %select_n3A_1137 = arith.select %eq3A_1128, %broadcast_in_dim3A_1135, %broadcast_in_dim3A_1136 : vector<16xi1>, vector<16xf32>
      %add3A_1138 = arith.addf %get3A_1132, %select_n3A_1137 : vector<16xf32>
      %swap3A_1139 = arith.constant 8 : i32
      %swap3A_1140 = arith.index_cast %swap3A_1139 : i32 to index
      %swap3A_1141 = arith.constant 0 : index
      %swap3A_1142 = tpu.vector_load %arg7[%swap3A_1140, %swap3A_1141] {strides = array<i32>} : memref<15x16xf32, #tpu.memory_space<vmem>>, vector<16xf32>,
      tpu.vector_store %arg7[%swap3A_1140, %swap3A_1141], %add3A_1138 {strides = array<i32>} : memref<15x16xf32, #tpu.memory_space<vmem>>, vector<16xf32>,
      %get3A_1143 = arith.constant 8 : i32
      %get3A_1144 = arith.index_cast %get3A_1143 : i32 to index
      %get3A_1145 = arith.constant 0 : index
      %get3A_1146 = tpu.vector_load %arg8[%get3A_1144, %get3A_1145] {strides = array<i32>} : memref<15x16xf32, #tpu.memory_space<vmem>>, vector<16xf32>,
      %jit3A_1147 = arith.constant 0.000000e+00 : f32
      %broadcast_in_dim3A_1148 = vector.broadcast %jit3A_1147 : f32 to vector<16xf32>
      %select_n3A_1149 = arith.select %eq3A_1128, %div3A, %broadcast_in_dim3A_1148 : vector<16xi1>, vector<16xf32>
      %add3A_1150 = arith.addf %get3A_1146, %select_n3A_1149 : vector<16xf32>
      %swap3A_1151 = arith.constant 8 : i32
      %swap3A_1152 = arith.index_cast %swap3A_1151 : i32 to index
      %swap3A_1153 = arith.constant 0 : index
      %swap3A_1154 = tpu.vector_load %arg8[%swap3A_1152, %swap3A_1153] {strides = array<i32>} : memref<15x16xf32, #tpu.memory_space<vmem>>, vector<16xf32>,
      tpu.vector_store %arg8[%swap3A_1152, %swap3A_1153], %add3A_1150 {strides = array<i32>} : memref<15x16xf32, #tpu.memory_space<vmem>>, vector<16xf32>,
      %get3A_1155 = arith.constant 8 : i32
      %get3A_1156 = arith.index_cast %get3A_1155 : i32 to index
      %get3A_1157 = arith.constant 0 : index
      %get3A_1158 = tpu.vector_load %arg9[%get3A_1156, %get3A_1157] {strides = array<i32>} : memref<15x16xf32, #tpu.memory_space<vmem>>, vector<16xf32>,
      %jit3A_1159 = arith.constant 0.000000e+00 : f32
      %broadcast_in_dim3A_1160 = vector.broadcast %jit3A_1159 : f32 to vector<16xf32>
      %select_n3A_1161 = arith.select %eq3A_1128, %select_n3A_660, %broadcast_in_dim3A_1160 : vector<16xi1>, vector<16xf32>
      %add3A_1162 = arith.addf %get3A_1158, %select_n3A_1161 : vector<16xf32>
      %swap3A_1163 = arith.constant 8 : i32
      %swap3A_1164 = arith.index_cast %swap3A_1163 : i32 to index
      %swap3A_1165 = arith.constant 0 : index
      %swap3A_1166 = tpu.vector_load %arg9[%swap3A_1164, %swap3A_1165] {strides = array<i32>} : memref<15x16xf32, #tpu.memory_space<vmem>>, vector<16xf32>,
      tpu.vector_store %arg9[%swap3A_1164, %swap3A_1165], %add3A_1162 {strides = array<i32>} : memref<15x16xf32, #tpu.memory_space<vmem>>, vector<16xf32>,
      %eq3A_1167 = arith.constant 9 : i32
      %eq3A_1168 = vector.broadcast %eq3A_1167 : i32 to vector<16xi32>
      %eq3A_1169 = arith.cmpi eq, %add3A_797, %eq3A_1168 : vector<16xi32>
      %get3A_1170 = arith.constant 9 : i32
      %get3A_1171 = arith.index_cast %get3A_1170 : i32 to index
      %get3A_1172 = arith.constant 0 : index
      %get3A_1173 = tpu.vector_load %arg7[%get3A_1171, %get3A_1172] {strides = array<i32>} : memref<15x16xf32, #tpu.memory_space<vmem>>, vector<16xf32>,
      %jit3A_1174 = arith.constant 1.000000e+00 : f32
      %jit3A_1175 = arith.constant 0.000000e+00 : f32
      %broadcast_in_dim3A_1176 = vector.broadcast %jit3A_1174 : f32 to vector<16xf32>
      %broadcast_in_dim3A_1177 = vector.broadcast %jit3A_1175 : f32 to vector<16xf32>
      %select_n3A_1178 = arith.select %eq3A_1169, %broadcast_in_dim3A_1176, %broadcast_in_dim3A_1177 : vector<16xi1>, vector<16xf32>
      %add3A_1179 = arith.addf %get3A_1173, %select_n3A_1178 : vector<16xf32>
      %swap3A_1180 = arith.constant 9 : i32
      %swap3A_1181 = arith.index_cast %swap3A_1180 : i32 to index
      %swap3A_1182 = arith.constant 0 : index
      %swap3A_1183 = tpu.vector_load %arg7[%swap3A_1181, %swap3A_1182] {strides = array<i32>} : memref<15x16xf32, #tpu.memory_space<vmem>>, vector<16xf32>,
      tpu.vector_store %arg7[%swap3A_1181, %swap3A_1182], %add3A_1179 {strides = array<i32>} : memref<15x16xf32, #tpu.memory_space<vmem>>, vector<16xf32>,
      %get3A_1184 = arith.constant 9 : i32
      %get3A_1185 = arith.index_cast %get3A_1184 : i32 to index
      %get3A_1186 = arith.constant 0 : index
      %get3A_1187 = tpu.vector_load %arg8[%get3A_1185, %get3A_1186] {strides = array<i32>} : memref<15x16xf32, #tpu.memory_space<vmem>>, vector<16xf32>,
      %jit3A_1188 = arith.constant 0.000000e+00 : f32
      %broadcast_in_dim3A_1189 = vector.broadcast %jit3A_1188 : f32 to vector<16xf32>
      %select_n3A_1190 = arith.select %eq3A_1169, %div3A, %broadcast_in_dim3A_1189 : vector<16xi1>, vector<16xf32>
      %add3A_1191 = arith.addf %get3A_1187, %select_n3A_1190 : vector<16xf32>
      %swap3A_1192 = arith.constant 9 : i32
      %swap3A_1193 = arith.index_cast %swap3A_1192 : i32 to index
      %swap3A_1194 = arith.constant 0 : index
      %swap3A_1195 = tpu.vector_load %arg8[%swap3A_1193, %swap3A_1194] {strides = array<i32>} : memref<15x16xf32, #tpu.memory_space<vmem>>, vector<16xf32>,
      tpu.vector_store %arg8[%swap3A_1193, %swap3A_1194], %add3A_1191 {strides = array<i32>} : memref<15x16xf32, #tpu.memory_space<vmem>>, vector<16xf32>,
      %get3A_1196 = arith.constant 9 : i32
      %get3A_1197 = arith.index_cast %get3A_1196 : i32 to index
      %get3A_1198 = arith.constant 0 : index
      %get3A_1199 = tpu.vector_load %arg9[%get3A_1197, %get3A_1198] {strides = array<i32>} : memref<15x16xf32, #tpu.memory_space<vmem>>, vector<16xf32>,
      %jit3A_1200 = arith.constant 0.000000e+00 : f32
      %broadcast_in_dim3A_1201 = vector.broadcast %jit3A_1200 : f32 to vector<16xf32>
      %select_n3A_1202 = arith.select %eq3A_1169, %select_n3A_660, %broadcast_in_dim3A_1201 : vector<16xi1>, vector<16xf32>
      %add3A_1203 = arith.addf %get3A_1199, %select_n3A_1202 : vector<16xf32>
      %swap3A_1204 = arith.constant 9 : i32
      %swap3A_1205 = arith.index_cast %swap3A_1204 : i32 to index
      %swap3A_1206 = arith.constant 0 : index
      %swap3A_1207 = tpu.vector_load %arg9[%swap3A_1205, %swap3A_1206] {strides = array<i32>} : memref<15x16xf32, #tpu.memory_space<vmem>>, vector<16xf32>,
      tpu.vector_store %arg9[%swap3A_1205, %swap3A_1206], %add3A_1203 {strides = array<i32>} : memref<15x16xf32, #tpu.memory_space<vmem>>, vector<16xf32>,
      %eq3A_1208 = arith.constant 10 : i32
      %eq3A_1209 = vector.broadcast %eq3A_1208 : i32 to vector<16xi32>
      %eq3A_1210 = arith.cmpi eq, %add3A_797, %eq3A_1209 : vector<16xi32>
      %get3A_1211 = arith.constant 10 : i32
      %get3A_1212 = arith.index_cast %get3A_1211 : i32 to index
      %get3A_1213 = arith.constant 0 : index
      %get3A_1214 = tpu.vector_load %arg7[%get3A_1212, %get3A_1213] {strides = array<i32>} : memref<15x16xf32, #tpu.memory_space<vmem>>, vector<16xf32>,
      %jit3A_1215 = arith.constant 1.000000e+00 : f32
      %jit3A_1216 = arith.constant 0.000000e+00 : f32
      %broadcast_in_dim3A_1217 = vector.broadcast %jit3A_1215 : f32 to vector<16xf32>
      %broadcast_in_dim3A_1218 = vector.broadcast %jit3A_1216 : f32 to vector<16xf32>
      %select_n3A_1219 = arith.select %eq3A_1210, %broadcast_in_dim3A_1217, %broadcast_in_dim3A_1218 : vector<16xi1>, vector<16xf32>
      %add3A_1220 = arith.addf %get3A_1214, %select_n3A_1219 : vector<16xf32>
      %swap3A_1221 = arith.constant 10 : i32
      %swap3A_1222 = arith.index_cast %swap3A_1221 : i32 to index
      %swap3A_1223 = arith.constant 0 : index
      %swap3A_1224 = tpu.vector_load %arg7[%swap3A_1222, %swap3A_1223] {strides = array<i32>} : memref<15x16xf32, #tpu.memory_space<vmem>>, vector<16xf32>,
      tpu.vector_store %arg7[%swap3A_1222, %swap3A_1223], %add3A_1220 {strides = array<i32>} : memref<15x16xf32, #tpu.memory_space<vmem>>, vector<16xf32>,
      %get3A_1225 = arith.constant 10 : i32
      %get3A_1226 = arith.index_cast %get3A_1225 : i32 to index
      %get3A_1227 = arith.constant 0 : index
      %get3A_1228 = tpu.vector_load %arg8[%get3A_1226, %get3A_1227] {strides = array<i32>} : memref<15x16xf32, #tpu.memory_space<vmem>>, vector<16xf32>,
      %jit3A_1229 = arith.constant 0.000000e+00 : f32
      %broadcast_in_dim3A_1230 = vector.broadcast %jit3A_1229 : f32 to vector<16xf32>
      %select_n3A_1231 = arith.select %eq3A_1210, %div3A, %broadcast_in_dim3A_1230 : vector<16xi1>, vector<16xf32>
      %add3A_1232 = arith.addf %get3A_1228, %select_n3A_1231 : vector<16xf32>
      %swap3A_1233 = arith.constant 10 : i32
      %swap3A_1234 = arith.index_cast %swap3A_1233 : i32 to index
      %swap3A_1235 = arith.constant 0 : index
      %swap3A_1236 = tpu.vector_load %arg8[%swap3A_1234, %swap3A_1235] {strides = array<i32>} : memref<15x16xf32, #tpu.memory_space<vmem>>, vector<16xf32>,
      tpu.vector_store %arg8[%swap3A_1234, %swap3A_1235], %add3A_1232 {strides = array<i32>} : memref<15x16xf32, #tpu.memory_space<vmem>>, vector<16xf32>,
      %get3A_1237 = arith.constant 10 : i32
      %get3A_1238 = arith.index_cast %get3A_1237 : i32 to index
      %get3A_1239 = arith.constant 0 : index
      %get3A_1240 = tpu.vector_load %arg9[%get3A_1238, %get3A_1239] {strides = array<i32>} : memref<15x16xf32, #tpu.memory_space<vmem>>, vector<16xf32>,
      %jit3A_1241 = arith.constant 0.000000e+00 : f32
      %broadcast_in_dim3A_1242 = vector.broadcast %jit3A_1241 : f32 to vector<16xf32>
      %select_n3A_1243 = arith.select %eq3A_1210, %select_n3A_660, %broadcast_in_dim3A_1242 : vector<16xi1>, vector<16xf32>
      %add3A_1244 = arith.addf %get3A_1240, %select_n3A_1243 : vector<16xf32>
      %swap3A_1245 = arith.constant 10 : i32
      %swap3A_1246 = arith.index_cast %swap3A_1245 : i32 to index
      %swap3A_1247 = arith.constant 0 : index
      %swap3A_1248 = tpu.vector_load %arg9[%swap3A_1246, %swap3A_1247] {strides = array<i32>} : memref<15x16xf32, #tpu.memory_space<vmem>>, vector<16xf32>,
      tpu.vector_store %arg9[%swap3A_1246, %swap3A_1247], %add3A_1244 {strides = array<i32>} : memref<15x16xf32, #tpu.memory_space<vmem>>, vector<16xf32>,
      %eq3A_1249 = arith.constant 11 : i32
      %eq3A_1250 = vector.broadcast %eq3A_1249 : i32 to vector<16xi32>
      %eq3A_1251 = arith.cmpi eq, %add3A_797, %eq3A_1250 : vector<16xi32>
      %get3A_1252 = arith.constant 11 : i32
      %get3A_1253 = arith.index_cast %get3A_1252 : i32 to index
      %get3A_1254 = arith.constant 0 : index
      %get3A_1255 = tpu.vector_load %arg7[%get3A_1253, %get3A_1254] {strides = array<i32>} : memref<15x16xf32, #tpu.memory_space<vmem>>, vector<16xf32>,
      %jit3A_1256 = arith.constant 1.000000e+00 : f32
      %jit3A_1257 = arith.constant 0.000000e+00 : f32
      %broadcast_in_dim3A_1258 = vector.broadcast %jit3A_1256 : f32 to vector<16xf32>
      %broadcast_in_dim3A_1259 = vector.broadcast %jit3A_1257 : f32 to vector<16xf32>
      %select_n3A_1260 = arith.select %eq3A_1251, %broadcast_in_dim3A_1258, %broadcast_in_dim3A_1259 : vector<16xi1>, vector<16xf32>
      %add3A_1261 = arith.addf %get3A_1255, %select_n3A_1260 : vector<16xf32>
      %swap3A_1262 = arith.constant 11 : i32
      %swap3A_1263 = arith.index_cast %swap3A_1262 : i32 to index
      %swap3A_1264 = arith.constant 0 : index
      %swap3A_1265 = tpu.vector_load %arg7[%swap3A_1263, %swap3A_1264] {strides = array<i32>} : memref<15x16xf32, #tpu.memory_space<vmem>>, vector<16xf32>,
      tpu.vector_store %arg7[%swap3A_1263, %swap3A_1264], %add3A_1261 {strides = array<i32>} : memref<15x16xf32, #tpu.memory_space<vmem>>, vector<16xf32>,
      %get3A_1266 = arith.constant 11 : i32
      %get3A_1267 = arith.index_cast %get3A_1266 : i32 to index
      %get3A_1268 = arith.constant 0 : index
      %get3A_1269 = tpu.vector_load %arg8[%get3A_1267, %get3A_1268] {strides = array<i32>} : memref<15x16xf32, #tpu.memory_space<vmem>>, vector<16xf32>,
      %jit3A_1270 = arith.constant 0.000000e+00 : f32
      %broadcast_in_dim3A_1271 = vector.broadcast %jit3A_1270 : f32 to vector<16xf32>
      %select_n3A_1272 = arith.select %eq3A_1251, %div3A, %broadcast_in_dim3A_1271 : vector<16xi1>, vector<16xf32>
      %add3A_1273 = arith.addf %get3A_1269, %select_n3A_1272 : vector<16xf32>
      %swap3A_1274 = arith.constant 11 : i32
      %swap3A_1275 = arith.index_cast %swap3A_1274 : i32 to index
      %swap3A_1276 = arith.constant 0 : index
      %swap3A_1277 = tpu.vector_load %arg8[%swap3A_1275, %swap3A_1276] {strides = array<i32>} : memref<15x16xf32, #tpu.memory_space<vmem>>, vector<16xf32>,
      tpu.vector_store %arg8[%swap3A_1275, %swap3A_1276], %add3A_1273 {strides = array<i32>} : memref<15x16xf32, #tpu.memory_space<vmem>>, vector<16xf32>,
      %get3A_1278 = arith.constant 11 : i32
      %get3A_1279 = arith.index_cast %get3A_1278 : i32 to index
      %get3A_1280 = arith.constant 0 : index
      %get3A_1281 = tpu.vector_load %arg9[%get3A_1279, %get3A_1280] {strides = array<i32>} : memref<15x16xf32, #tpu.memory_space<vmem>>, vector<16xf32>,
      %jit3A_1282 = arith.constant 0.000000e+00 : f32
      %broadcast_in_dim3A_1283 = vector.broadcast %jit3A_1282 : f32 to vector<16xf32>
      %select_n3A_1284 = arith.select %eq3A_1251, %select_n3A_660, %broadcast_in_dim3A_1283 : vector<16xi1>, vector<16xf32>
      %add3A_1285 = arith.addf %get3A_1281, %select_n3A_1284 : vector<16xf32>
      %swap3A_1286 = arith.constant 11 : i32
      %swap3A_1287 = arith.index_cast %swap3A_1286 : i32 to index
      %swap3A_1288 = arith.constant 0 : index
      %swap3A_1289 = tpu.vector_load %arg9[%swap3A_1287, %swap3A_1288] {strides = array<i32>} : memref<15x16xf32, #tpu.memory_space<vmem>>, vector<16xf32>,
      tpu.vector_store %arg9[%swap3A_1287, %swap3A_1288], %add3A_1285 {strides = array<i32>} : memref<15x16xf32, #tpu.memory_space<vmem>>, vector<16xf32>,
      %eq3A_1290 = arith.constant 12 : i32
      %eq3A_1291 = vector.broadcast %eq3A_1290 : i32 to vector<16xi32>
      %eq3A_1292 = arith.cmpi eq, %add3A_797, %eq3A_1291 : vector<16xi32>
      %get3A_1293 = arith.constant 12 : i32
      %get3A_1294 = arith.index_cast %get3A_1293 : i32 to index
      %get3A_1295 = arith.constant 0 : index
      %get3A_1296 = tpu.vector_load %arg7[%get3A_1294, %get3A_1295] {strides = array<i32>} : memref<15x16xf32, #tpu.memory_space<vmem>>, vector<16xf32>,
      %jit3A_1297 = arith.constant 1.000000e+00 : f32
      %jit3A_1298 = arith.constant 0.000000e+00 : f32
      %broadcast_in_dim3A_1299 = vector.broadcast %jit3A_1297 : f32 to vector<16xf32>
      %broadcast_in_dim3A_1300 = vector.broadcast %jit3A_1298 : f32 to vector<16xf32>
      %select_n3A_1301 = arith.select %eq3A_1292, %broadcast_in_dim3A_1299, %broadcast_in_dim3A_1300 : vector<16xi1>, vector<16xf32>
      %add3A_1302 = arith.addf %get3A_1296, %select_n3A_1301 : vector<16xf32>
      %swap3A_1303 = arith.constant 12 : i32
      %swap3A_1304 = arith.index_cast %swap3A_1303 : i32 to index
      %swap3A_1305 = arith.constant 0 : index
      %swap3A_1306 = tpu.vector_load %arg7[%swap3A_1304, %swap3A_1305] {strides = array<i32>} : memref<15x16xf32, #tpu.memory_space<vmem>>, vector<16xf32>,
      tpu.vector_store %arg7[%swap3A_1304, %swap3A_1305], %add3A_1302 {strides = array<i32>} : memref<15x16xf32, #tpu.memory_space<vmem>>, vector<16xf32>,
      %get3A_1307 = arith.constant 12 : i32
      %get3A_1308 = arith.index_cast %get3A_1307 : i32 to index
      %get3A_1309 = arith.constant 0 : index
      %get3A_1310 = tpu.vector_load %arg8[%get3A_1308, %get3A_1309] {strides = array<i32>} : memref<15x16xf32, #tpu.memory_space<vmem>>, vector<16xf32>,
      %jit3A_1311 = arith.constant 0.000000e+00 : f32
      %broadcast_in_dim3A_1312 = vector.broadcast %jit3A_1311 : f32 to vector<16xf32>
      %select_n3A_1313 = arith.select %eq3A_1292, %div3A, %broadcast_in_dim3A_1312 : vector<16xi1>, vector<16xf32>
      %add3A_1314 = arith.addf %get3A_1310, %select_n3A_1313 : vector<16xf32>
      %swap3A_1315 = arith.constant 12 : i32
      %swap3A_1316 = arith.index_cast %swap3A_1315 : i32 to index
      %swap3A_1317 = arith.constant 0 : index
      %swap3A_1318 = tpu.vector_load %arg8[%swap3A_1316, %swap3A_1317] {strides = array<i32>} : memref<15x16xf32, #tpu.memory_space<vmem>>, vector<16xf32>,
      tpu.vector_store %arg8[%swap3A_1316, %swap3A_1317], %add3A_1314 {strides = array<i32>} : memref<15x16xf32, #tpu.memory_space<vmem>>, vector<16xf32>,
      %get3A_1319 = arith.constant 12 : i32
      %get3A_1320 = arith.index_cast %get3A_1319 : i32 to index
      %get3A_1321 = arith.constant 0 : index
      %get3A_1322 = tpu.vector_load %arg9[%get3A_1320, %get3A_1321] {strides = array<i32>} : memref<15x16xf32, #tpu.memory_space<vmem>>, vector<16xf32>,
      %jit3A_1323 = arith.constant 0.000000e+00 : f32
      %broadcast_in_dim3A_1324 = vector.broadcast %jit3A_1323 : f32 to vector<16xf32>
      %select_n3A_1325 = arith.select %eq3A_1292, %select_n3A_660, %broadcast_in_dim3A_1324 : vector<16xi1>, vector<16xf32>
      %add3A_1326 = arith.addf %get3A_1322, %select_n3A_1325 : vector<16xf32>
      %swap3A_1327 = arith.constant 12 : i32
      %swap3A_1328 = arith.index_cast %swap3A_1327 : i32 to index
      %swap3A_1329 = arith.constant 0 : index
      %swap3A_1330 = tpu.vector_load %arg9[%swap3A_1328, %swap3A_1329] {strides = array<i32>} : memref<15x16xf32, #tpu.memory_space<vmem>>, vector<16xf32>,
      tpu.vector_store %arg9[%swap3A_1328, %swap3A_1329], %add3A_1326 {strides = array<i32>} : memref<15x16xf32, #tpu.memory_space<vmem>>, vector<16xf32>,
      %eq3A_1331 = arith.constant 13 : i32
      %eq3A_1332 = vector.broadcast %eq3A_1331 : i32 to vector<16xi32>
      %eq3A_1333 = arith.cmpi eq, %add3A_797, %eq3A_1332 : vector<16xi32>
      %get3A_1334 = arith.constant 13 : i32
      %get3A_1335 = arith.index_cast %get3A_1334 : i32 to index
      %get3A_1336 = arith.constant 0 : index
      %get3A_1337 = tpu.vector_load %arg7[%get3A_1335, %get3A_1336] {strides = array<i32>} : memref<15x16xf32, #tpu.memory_space<vmem>>, vector<16xf32>,
      %jit3A_1338 = arith.constant 1.000000e+00 : f32
      %jit3A_1339 = arith.constant 0.000000e+00 : f32
      %broadcast_in_dim3A_1340 = vector.broadcast %jit3A_1338 : f32 to vector<16xf32>
      %broadcast_in_dim3A_1341 = vector.broadcast %jit3A_1339 : f32 to vector<16xf32>
      %select_n3A_1342 = arith.select %eq3A_1333, %broadcast_in_dim3A_1340, %broadcast_in_dim3A_1341 : vector<16xi1>, vector<16xf32>
      %add3A_1343 = arith.addf %get3A_1337, %select_n3A_1342 : vector<16xf32>
      %swap3A_1344 = arith.constant 13 : i32
      %swap3A_1345 = arith.index_cast %swap3A_1344 : i32 to index
      %swap3A_1346 = arith.constant 0 : index
      %swap3A_1347 = tpu.vector_load %arg7[%swap3A_1345, %swap3A_1346] {strides = array<i32>} : memref<15x16xf32, #tpu.memory_space<vmem>>, vector<16xf32>,
      tpu.vector_store %arg7[%swap3A_1345, %swap3A_1346], %add3A_1343 {strides = array<i32>} : memref<15x16xf32, #tpu.memory_space<vmem>>, vector<16xf32>,
      %get3A_1348 = arith.constant 13 : i32
      %get3A_1349 = arith.index_cast %get3A_1348 : i32 to index
      %get3A_1350 = arith.constant 0 : index
      %get3A_1351 = tpu.vector_load %arg8[%get3A_1349, %get3A_1350] {strides = array<i32>} : memref<15x16xf32, #tpu.memory_space<vmem>>, vector<16xf32>,
      %jit3A_1352 = arith.constant 0.000000e+00 : f32
      %broadcast_in_dim3A_1353 = vector.broadcast %jit3A_1352 : f32 to vector<16xf32>
      %select_n3A_1354 = arith.select %eq3A_1333, %div3A, %broadcast_in_dim3A_1353 : vector<16xi1>, vector<16xf32>
      %add3A_1355 = arith.addf %get3A_1351, %select_n3A_1354 : vector<16xf32>
      %swap3A_1356 = arith.constant 13 : i32
      %swap3A_1357 = arith.index_cast %swap3A_1356 : i32 to index
      %swap3A_1358 = arith.constant 0 : index
      %swap3A_1359 = tpu.vector_load %arg8[%swap3A_1357, %swap3A_1358] {strides = array<i32>} : memref<15x16xf32, #tpu.memory_space<vmem>>, vector<16xf32>,
      tpu.vector_store %arg8[%swap3A_1357, %swap3A_1358], %add3A_1355 {strides = array<i32>} : memref<15x16xf32, #tpu.memory_space<vmem>>, vector<16xf32>,
      %get3A_1360 = arith.constant 13 : i32
      %get3A_1361 = arith.index_cast %get3A_1360 : i32 to index
      %get3A_1362 = arith.constant 0 : index
      %get3A_1363 = tpu.vector_load %arg9[%get3A_1361, %get3A_1362] {strides = array<i32>} : memref<15x16xf32, #tpu.memory_space<vmem>>, vector<16xf32>,
      %jit3A_1364 = arith.constant 0.000000e+00 : f32
      %broadcast_in_dim3A_1365 = vector.broadcast %jit3A_1364 : f32 to vector<16xf32>
      %select_n3A_1366 = arith.select %eq3A_1333, %select_n3A_660, %broadcast_in_dim3A_1365 : vector<16xi1>, vector<16xf32>
      %add3A_1367 = arith.addf %get3A_1363, %select_n3A_1366 : vector<16xf32>
      %swap3A_1368 = arith.constant 13 : i32
      %swap3A_1369 = arith.index_cast %swap3A_1368 : i32 to index
      %swap3A_1370 = arith.constant 0 : index
      %swap3A_1371 = tpu.vector_load %arg9[%swap3A_1369, %swap3A_1370] {strides = array<i32>} : memref<15x16xf32, #tpu.memory_space<vmem>>, vector<16xf32>,
      tpu.vector_store %arg9[%swap3A_1369, %swap3A_1370], %add3A_1367 {strides = array<i32>} : memref<15x16xf32, #tpu.memory_space<vmem>>, vector<16xf32>,
      %eq3A_1372 = arith.constant 14 : i32
      %eq3A_1373 = vector.broadcast %eq3A_1372 : i32 to vector<16xi32>
      %eq3A_1374 = arith.cmpi eq, %add3A_797, %eq3A_1373 : vector<16xi32>
      %get3A_1375 = arith.constant 14 : i32
      %get3A_1376 = arith.index_cast %get3A_1375 : i32 to index
      %get3A_1377 = arith.constant 0 : index
      %get3A_1378 = tpu.vector_load %arg7[%get3A_1376, %get3A_1377] {strides = array<i32>} : memref<15x16xf32, #tpu.memory_space<vmem>>, vector<16xf32>,
      %jit3A_1379 = arith.constant 1.000000e+00 : f32
      %jit3A_1380 = arith.constant 0.000000e+00 : f32
      %broadcast_in_dim3A_1381 = vector.broadcast %jit3A_1379 : f32 to vector<16xf32>
      %broadcast_in_dim3A_1382 = vector.broadcast %jit3A_1380 : f32 to vector<16xf32>
      %select_n3A_1383 = arith.select %eq3A_1374, %broadcast_in_dim3A_1381, %broadcast_in_dim3A_1382 : vector<16xi1>, vector<16xf32>
      %add3A_1384 = arith.addf %get3A_1378, %select_n3A_1383 : vector<16xf32>
      %swap3A_1385 = arith.constant 14 : i32
      %swap3A_1386 = arith.index_cast %swap3A_1385 : i32 to index
      %swap3A_1387 = arith.constant 0 : index
      %swap3A_1388 = tpu.vector_load %arg7[%swap3A_1386, %swap3A_1387] {strides = array<i32>} : memref<15x16xf32, #tpu.memory_space<vmem>>, vector<16xf32>,
      tpu.vector_store %arg7[%swap3A_1386, %swap3A_1387], %add3A_1384 {strides = array<i32>} : memref<15x16xf32, #tpu.memory_space<vmem>>, vector<16xf32>,
      %get3A_1389 = arith.constant 14 : i32
      %get3A_1390 = arith.index_cast %get3A_1389 : i32 to index
      %get3A_1391 = arith.constant 0 : index
      %get3A_1392 = tpu.vector_load %arg8[%get3A_1390, %get3A_1391] {strides = array<i32>} : memref<15x16xf32, #tpu.memory_space<vmem>>, vector<16xf32>,
      %jit3A_1393 = arith.constant 0.000000e+00 : f32
      %broadcast_in_dim3A_1394 = vector.broadcast %jit3A_1393 : f32 to vector<16xf32>
      %select_n3A_1395 = arith.select %eq3A_1374, %div3A, %broadcast_in_dim3A_1394 : vector<16xi1>, vector<16xf32>
      %add3A_1396 = arith.addf %get3A_1392, %select_n3A_1395 : vector<16xf32>
      %swap3A_1397 = arith.constant 14 : i32
      %swap3A_1398 = arith.index_cast %swap3A_1397 : i32 to index
      %swap3A_1399 = arith.constant 0 : index
      %swap3A_1400 = tpu.vector_load %arg8[%swap3A_1398, %swap3A_1399] {strides = array<i32>} : memref<15x16xf32, #tpu.memory_space<vmem>>, vector<16xf32>,
      tpu.vector_store %arg8[%swap3A_1398, %swap3A_1399], %add3A_1396 {strides = array<i32>} : memref<15x16xf32, #tpu.memory_space<vmem>>, vector<16xf32>,
      %get3A_1401 = arith.constant 14 : i32
      %get3A_1402 = arith.index_cast %get3A_1401 : i32 to index
      %get3A_1403 = arith.constant 0 : index
      %get3A_1404 = tpu.vector_load %arg9[%get3A_1402, %get3A_1403] {strides = array<i32>} : memref<15x16xf32, #tpu.memory_space<vmem>>, vector<16xf32>,
      %jit3A_1405 = arith.constant 0.000000e+00 : f32
      %broadcast_in_dim3A_1406 = vector.broadcast %jit3A_1405 : f32 to vector<16xf32>
      %select_n3A_1407 = arith.select %eq3A_1374, %select_n3A_660, %broadcast_in_dim3A_1406 : vector<16xi1>, vector<16xf32>
      %add3A_1408 = arith.addf %get3A_1404, %select_n3A_1407 : vector<16xf32>
      %swap3A_1409 = arith.constant 14 : i32
      %swap3A_1410 = arith.index_cast %swap3A_1409 : i32 to index
      %swap3A_1411 = arith.constant 0 : index
      %swap3A_1412 = tpu.vector_load %arg9[%swap3A_1410, %swap3A_1411] {strides = array<i32>} : memref<15x16xf32, #tpu.memory_space<vmem>>, vector<16xf32>,
      tpu.vector_store %arg9[%swap3A_1410, %swap3A_1411], %add3A_1408 {strides = array<i32>} : memref<15x16xf32, #tpu.memory_space<vmem>>, vector<16xf32>,
      %add3A_1413 = arith.constant 2 : i32
      %add3A_1414 = arith.addi %add3A_319, %add3A_1413 : i32
      %lt3A = arith.constant 4 : i32
      %lt3A_1415 = arith.cmpi slt, %add3A_1414, %lt3A : i32
      %convert_element_type3A = arith.extui %lt3A_1415 : i1 to i32
      %cond3A = arith.constant 0 : i32
      %cond3A_1416 = arith.cmpi ne, %convert_element_type3A, %cond3A : i32
      scf.if %cond3A_1416 {
        %mul3A_2533 = arith.constant 16 : i32
        %mul3A_2534 = arith.muli %add3A_1414, %mul3A_2533 : i32
        %add3A_2535 = arith.addi %mul3A_2, %mul3A_2534 : i32
        %dma_start3A_2536 = arith.constant 0 : i32
        %dma_start3A_2537 = arith.constant 0 : i32
        %dma_start3A_2538 = arith.constant 0 : i32
        %dma_start3A_2539 = arith.constant 0 : i32
        %dma_start3A_2540 = tpu.memref_slice %arg5[%dma_start3A_2536, %dma_start3A_2538, %dma_start3A_2539] : memref<2x16x1000xf32, #tpu.memory_space<vmem>> -> memref<1x16x1000xf32, #tpu.memory_space<vmem>>
        %dma_start3A_2541 = tpu.memref_squeeze %dma_start3A_2540 : memref<1x16x1000xf32, #tpu.memory_space<vmem>> -> memref<16x1000xf32, #tpu.memory_space<vmem>>
        %dma_start3A_2542 = arith.constant 0 : i32
        %dma_start3A_2543 = tpu.memref_slice %arg2[%add3A_2535, %dma_start3A_2542] : memref<16384x1000xf32, #tpu.memory_space<hbm>> -> memref<16x1000xf32, #tpu.memory_space<hbm>>
        %dma_start3A_2544 = tpu.memref_slice %arg10[%dma_start3A_2537] : memref<2x!tpu.dma_semaphore, #tpu.memory_space<semaphore_mem>> -> memref<1x!tpu.dma_semaphore, #tpu.memory_space<semaphore_mem>>
        %dma_start3A_2545 = tpu.memref_squeeze %dma_start3A_2544 : memref<1x!tpu.dma_semaphore, #tpu.memory_space<semaphore_mem>> -> memref<!tpu.dma_semaphore, #tpu.memory_space<semaphore_mem>>
        %dma_start3A_2546 = arith.constant 0 : i32
        %dma_start3A_2547 = arith.constant 0 : i32
        %dma_start3A_2548 = tpu.memref_slice %arg5[%dma_start3A_2536, %dma_start3A_2546, %dma_start3A_2547] : memref<2x16x1000xf32, #tpu.memory_space<vmem>> -> memref<1x16x1000xf32, #tpu.memory_space<vmem>>
        %dma_start3A_2549 = tpu.memref_squeeze %dma_start3A_2548 : memref<1x16x1000xf32, #tpu.memory_space<vmem>> -> memref<16x1000xf32, #tpu.memory_space<vmem>>
        %dma_start3A_2550 = arith.constant 0 : i32
        %dma_start3A_2551 = tpu.memref_slice %arg2[%add3A_2535, %dma_start3A_2550] : memref<16384x1000xf32, #tpu.memory_space<hbm>> -> memref<16x1000xf32, #tpu.memory_space<hbm>>
        tpu.enqueue_dma source(%dma_start3A_2551 : memref<16x1000xf32, #tpu.memory_space<hbm>>) target(%dma_start3A_2549 : memref<16x1000xf32, #tpu.memory_space<vmem>>) target_semaphore(%dma_start3A_2545 : memref<!tpu.dma_semaphore, #tpu.memory_space<semaphore_mem>>)
      } else {
      }
      %mul3A_1417 = arith.constant 2 : i32
      %mul3A_1418 = arith.muli %mul3A_1417, %scan3A_315 : i32
      %add3A_1419 = arith.constant 1 : i32
      %add3A_1420 = arith.addi %mul3A_1418, %add3A_1419 : i32
      %mul3A_1421 = arith.constant 16 : i32
      %mul3A_1422 = arith.muli %add3A_1420, %mul3A_1421 : i32
      %add3A_1423 = arith.addi %mul3A_2, %mul3A_1422 : i32
      %dma_wait3A_1424 = arith.constant 1 : i32
      %dma_wait3A_1425 = arith.constant 1 : i32
      %dma_wait3A_1426 = arith.constant 0 : i32
      %dma_wait3A_1427 = arith.constant 0 : i32
      %dma_wait3A_1428 = tpu.memref_slice %arg5[%dma_wait3A_1424, %dma_wait3A_1426, %dma_wait3A_1427] : memref<2x16x1000xf32, #tpu.memory_space<vmem>> -> memref<1x16x1000xf32, #tpu.memory_space<vmem>>
      %dma_wait3A_1429 = tpu.memref_squeeze %dma_wait3A_1428 : memref<1x16x1000xf32, #tpu.memory_space<vmem>> -> memref<16x1000xf32, #tpu.memory_space<vmem>>
      %dma_wait3A_1430 = arith.constant 0 : i32
      %dma_wait3A_1431 = arith.constant 0 : i32
      %dma_wait3A_1432 = tpu.memref_slice %arg2[%dma_wait3A_1430, %dma_wait3A_1431] : memref<16384x1000xf32, #tpu.memory_space<hbm>> -> memref<16x1000xf32, #tpu.memory_space<hbm>>
      %dma_wait3A_1433 = tpu.memref_slice %arg10[%dma_wait3A_1425] : memref<2x!tpu.dma_semaphore, #tpu.memory_space<semaphore_mem>> -> memref<1x!tpu.dma_semaphore, #tpu.memory_space<semaphore_mem>>
      %dma_wait3A_1434 = tpu.memref_squeeze %dma_wait3A_1433 : memref<1x!tpu.dma_semaphore, #tpu.memory_space<semaphore_mem>> -> memref<!tpu.dma_semaphore, #tpu.memory_space<semaphore_mem>>
      %dma_wait3A_1435 = arith.constant 0 : i32
      %dma_wait3A_1436 = arith.constant 0 : i32
      %dma_wait3A_1437 = tpu.memref_slice %arg5[%dma_wait3A_1424, %dma_wait3A_1435, %dma_wait3A_1436] : memref<2x16x1000xf32, #tpu.memory_space<vmem>> -> memref<1x16x1000xf32, #tpu.memory_space<vmem>>
      %dma_wait3A_1438 = tpu.memref_squeeze %dma_wait3A_1437 : memref<1x16x1000xf32, #tpu.memory_space<vmem>> -> memref<16x1000xf32, #tpu.memory_space<vmem>>
      %dma_wait3A_1439 = arith.constant 0 : i32
      %dma_wait3A_1440 = arith.constant 0 : i32
      %dma_wait3A_1441 = tpu.memref_slice %arg2[%dma_wait3A_1439, %dma_wait3A_1440] : memref<16384x1000xf32, #tpu.memory_space<hbm>> -> memref<16x1000xf32, #tpu.memory_space<hbm>>
      tpu.wait_dma2 semaphore(%dma_wait3A_1434 : memref<!tpu.dma_semaphore, #tpu.memory_space<semaphore_mem>>) src(%dma_wait3A_1441 : memref<16x1000xf32, #tpu.memory_space<hbm>>) dst(%dma_wait3A_1438 : memref<16x1000xf32, #tpu.memory_space<vmem>>)
      %scan3A_1442 = arith.constant 0 : i32
      %scan3A_1443 = arith.constant 123 : i32
      %scan3A_1444 = arith.addi %scan3A_1442, %scan3A_1443 : i32
      %scan3A_1445 = arith.constant 1 : i32
      %scan3A_1446:9 = scf.for %scan3A_2533 = %scan3A_1442 to %scan3A_1444 step %scan3A_1445 iter_args(%scan3A_2534 = %iota3A, %scan3A_2535 = %broadcast_in_dim3A_305, %scan3A_2536 = %broadcast_in_dim3A_305, %scan3A_2537 = %broadcast_in_dim3A_305, %scan3A_2538 = %broadcast_in_dim3A_305, %scan3A_2539 = %broadcast_in_dim3A_307, %scan3A_2540 = %broadcast_in_dim3A_307, %scan3A_2541 = %broadcast_in_dim3A_307, %scan3A_2542 = %broadcast_in_dim3A_307) -> (vector<16xi32>, vector<16xf32>, vector<16xf32>, vector<16xf32>, vector<16xf32>, vector<16xf32>, vector<16xf32>, vector<16xf32>, vector<16xf32>)  : i32 {
        %add3A_2543 = arith.constant 0 : i32
        %add3A_2544 = vector.broadcast %add3A_2543 : i32 to vector<16xi32>
        %add3A_2545 = arith.addi %scan3A_2534, %add3A_2544 : vector<16xi32>
        %gather3A_2546 = arith.constant 1 : i32
        %gather3A_2547 = arith.constant 0 : i32
        %gather3A_2548 = arith.constant 0 : i32
        %gather3A_2549 = tpu.memref_slice %arg5[%gather3A_2546, %gather3A_2547, %gather3A_2548] : memref<2x16x1000xf32, #tpu.memory_space<vmem>> -> memref<1x16x1000xf32, #tpu.memory_space<vmem>>
        %gather3A_2550 = tpu.memref_squeeze %gather3A_2549 : memref<1x16x1000xf32, #tpu.memory_space<vmem>> -> memref<16x1000xf32, #tpu.memory_space<vmem>>
        %gather3A_2551 = tpu.vector_load_idx %gather3A_2550[%iota3A, %add3A_2545] : memref<16x1000xf32, #tpu.memory_space<vmem>>[vector<16xi32>, vector<16xi32>], vector<16xf32>,
        %max3A_2552 = arith.maximumf %scan3A_2535, %gather3A_2551 : vector<16xf32>
        %exp3A_2553 = math.exp %gather3A_2551 : vector<16xf32>
        %add3A_2554 = arith.addf %scan3A_2539, %exp3A_2553 : vector<16xf32>
        %add3A_2555 = arith.constant 1 : i32
        %add3A_2556 = vector.broadcast %add3A_2555 : i32 to vector<16xi32>
        %add3A_2557 = arith.addi %scan3A_2534, %add3A_2556 : vector<16xi32>
        %gather3A_2558 = arith.constant 1 : i32
        %gather3A_2559 = arith.constant 0 : i32
        %gather3A_2560 = arith.constant 0 : i32
        %gather3A_2561 = tpu.memref_slice %arg5[%gather3A_2558, %gather3A_2559, %gather3A_2560] : memref<2x16x1000xf32, #tpu.memory_space<vmem>> -> memref<1x16x1000xf32, #tpu.memory_space<vmem>>
        %gather3A_2562 = tpu.memref_squeeze %gather3A_2561 : memref<1x16x1000xf32, #tpu.memory_space<vmem>> -> memref<16x1000xf32, #tpu.memory_space<vmem>>
        %gather3A_2563 = tpu.vector_load_idx %gather3A_2562[%iota3A, %add3A_2557] : memref<16x1000xf32, #tpu.memory_space<vmem>>[vector<16xi32>, vector<16xi32>], vector<16xf32>,
        %max3A_2564 = arith.maximumf %scan3A_2536, %gather3A_2563 : vector<16xf32>
        %exp3A_2565 = math.exp %gather3A_2563 : vector<16xf32>
        %add3A_2566 = arith.addf %scan3A_2540, %exp3A_2565 : vector<16xf32>
        %add3A_2567 = arith.constant 2 : i32
        %add3A_2568 = vector.broadcast %add3A_2567 : i32 to vector<16xi32>
        %add3A_2569 = arith.addi %scan3A_2534, %add3A_2568 : vector<16xi32>
        %gather3A_2570 = arith.constant 1 : i32
        %gather3A_2571 = arith.constant 0 : i32
        %gather3A_2572 = arith.constant 0 : i32
        %gather3A_2573 = tpu.memref_slice %arg5[%gather3A_2570, %gather3A_2571, %gather3A_2572] : memref<2x16x1000xf32, #tpu.memory_space<vmem>> -> memref<1x16x1000xf32, #tpu.memory_space<vmem>>
        %gather3A_2574 = tpu.memref_squeeze %gather3A_2573 : memref<1x16x1000xf32, #tpu.memory_space<vmem>> -> memref<16x1000xf32, #tpu.memory_space<vmem>>
        %gather3A_2575 = tpu.vector_load_idx %gather3A_2574[%iota3A, %add3A_2569] : memref<16x1000xf32, #tpu.memory_space<vmem>>[vector<16xi32>, vector<16xi32>], vector<16xf32>,
        %max3A_2576 = arith.maximumf %scan3A_2537, %gather3A_2575 : vector<16xf32>
        %exp3A_2577 = math.exp %gather3A_2575 : vector<16xf32>
        %add3A_2578 = arith.addf %scan3A_2541, %exp3A_2577 : vector<16xf32>
        %add3A_2579 = arith.constant 3 : i32
        %add3A_2580 = vector.broadcast %add3A_2579 : i32 to vector<16xi32>
        %add3A_2581 = arith.addi %scan3A_2534, %add3A_2580 : vector<16xi32>
        %gather3A_2582 = arith.constant 1 : i32
        %gather3A_2583 = arith.constant 0 : i32
        %gather3A_2584 = arith.constant 0 : i32
        %gather3A_2585 = tpu.memref_slice %arg5[%gather3A_2582, %gather3A_2583, %gather3A_2584] : memref<2x16x1000xf32, #tpu.memory_space<vmem>> -> memref<1x16x1000xf32, #tpu.memory_space<vmem>>
        %gather3A_2586 = tpu.memref_squeeze %gather3A_2585 : memref<1x16x1000xf32, #tpu.memory_space<vmem>> -> memref<16x1000xf32, #tpu.memory_space<vmem>>
        %gather3A_2587 = tpu.vector_load_idx %gather3A_2586[%iota3A, %add3A_2581] : memref<16x1000xf32, #tpu.memory_space<vmem>>[vector<16xi32>, vector<16xi32>], vector<16xf32>,
        %max3A_2588 = arith.maximumf %scan3A_2538, %gather3A_2587 : vector<16xf32>
        %exp3A_2589 = math.exp %gather3A_2587 : vector<16xf32>
        %add3A_2590 = arith.addf %scan3A_2542, %exp3A_2589 : vector<16xf32>
        %add3A_2591 = arith.constant 4 : i32
        %add3A_2592 = vector.broadcast %add3A_2591 : i32 to vector<16xi32>
        %add3A_2593 = arith.addi %scan3A_2534, %add3A_2592 : vector<16xi32>
        %gather3A_2594 = arith.constant 1 : i32
        %gather3A_2595 = arith.constant 0 : i32
        %gather3A_2596 = arith.constant 0 : i32
        %gather3A_2597 = tpu.memref_slice %arg5[%gather3A_2594, %gather3A_2595, %gather3A_2596] : memref<2x16x1000xf32, #tpu.memory_space<vmem>> -> memref<1x16x1000xf32, #tpu.memory_space<vmem>>
        %gather3A_2598 = tpu.memref_squeeze %gather3A_2597 : memref<1x16x1000xf32, #tpu.memory_space<vmem>> -> memref<16x1000xf32, #tpu.memory_space<vmem>>
        %gather3A_2599 = tpu.vector_load_idx %gather3A_2598[%iota3A, %add3A_2593] : memref<16x1000xf32, #tpu.memory_space<vmem>>[vector<16xi32>, vector<16xi32>], vector<16xf32>,
        %max3A_2600 = arith.maximumf %max3A_2552, %gather3A_2599 : vector<16xf32>
        %exp3A_2601 = math.exp %gather3A_2599 : vector<16xf32>
        %add3A_2602 = arith.addf %add3A_2554, %exp3A_2601 : vector<16xf32>
        %add3A_2603 = arith.constant 5 : i32
        %add3A_2604 = vector.broadcast %add3A_2603 : i32 to vector<16xi32>
        %add3A_2605 = arith.addi %scan3A_2534, %add3A_2604 : vector<16xi32>
        %gather3A_2606 = arith.constant 1 : i32
        %gather3A_2607 = arith.constant 0 : i32
        %gather3A_2608 = arith.constant 0 : i32
        %gather3A_2609 = tpu.memref_slice %arg5[%gather3A_2606, %gather3A_2607, %gather3A_2608] : memref<2x16x1000xf32, #tpu.memory_space<vmem>> -> memref<1x16x1000xf32, #tpu.memory_space<vmem>>
        %gather3A_2610 = tpu.memref_squeeze %gather3A_2609 : memref<1x16x1000xf32, #tpu.memory_space<vmem>> -> memref<16x1000xf32, #tpu.memory_space<vmem>>
        %gather3A_2611 = tpu.vector_load_idx %gather3A_2610[%iota3A, %add3A_2605] : memref<16x1000xf32, #tpu.memory_space<vmem>>[vector<16xi32>, vector<16xi32>], vector<16xf32>,
        %max3A_2612 = arith.maximumf %max3A_2564, %gather3A_2611 : vector<16xf32>
        %exp3A_2613 = math.exp %gather3A_2611 : vector<16xf32>
        %add3A_2614 = arith.addf %add3A_2566, %exp3A_2613 : vector<16xf32>
        %add3A_2615 = arith.constant 6 : i32
        %add3A_2616 = vector.broadcast %add3A_2615 : i32 to vector<16xi32>
        %add3A_2617 = arith.addi %scan3A_2534, %add3A_2616 : vector<16xi32>
        %gather3A_2618 = arith.constant 1 : i32
        %gather3A_2619 = arith.constant 0 : i32
        %gather3A_2620 = arith.constant 0 : i32
        %gather3A_2621 = tpu.memref_slice %arg5[%gather3A_2618, %gather3A_2619, %gather3A_2620] : memref<2x16x1000xf32, #tpu.memory_space<vmem>> -> memref<1x16x1000xf32, #tpu.memory_space<vmem>>
        %gather3A_2622 = tpu.memref_squeeze %gather3A_2621 : memref<1x16x1000xf32, #tpu.memory_space<vmem>> -> memref<16x1000xf32, #tpu.memory_space<vmem>>
        %gather3A_2623 = tpu.vector_load_idx %gather3A_2622[%iota3A, %add3A_2617] : memref<16x1000xf32, #tpu.memory_space<vmem>>[vector<16xi32>, vector<16xi32>], vector<16xf32>,
        %max3A_2624 = arith.maximumf %max3A_2576, %gather3A_2623 : vector<16xf32>
        %exp3A_2625 = math.exp %gather3A_2623 : vector<16xf32>
        %add3A_2626 = arith.addf %add3A_2578, %exp3A_2625 : vector<16xf32>
        %add3A_2627 = arith.constant 7 : i32
        %add3A_2628 = vector.broadcast %add3A_2627 : i32 to vector<16xi32>
        %add3A_2629 = arith.addi %scan3A_2534, %add3A_2628 : vector<16xi32>
        %gather3A_2630 = arith.constant 1 : i32
        %gather3A_2631 = arith.constant 0 : i32
        %gather3A_2632 = arith.constant 0 : i32
        %gather3A_2633 = tpu.memref_slice %arg5[%gather3A_2630, %gather3A_2631, %gather3A_2632] : memref<2x16x1000xf32, #tpu.memory_space<vmem>> -> memref<1x16x1000xf32, #tpu.memory_space<vmem>>
        %gather3A_2634 = tpu.memref_squeeze %gather3A_2633 : memref<1x16x1000xf32, #tpu.memory_space<vmem>> -> memref<16x1000xf32, #tpu.memory_space<vmem>>
        %gather3A_2635 = tpu.vector_load_idx %gather3A_2634[%iota3A, %add3A_2629] : memref<16x1000xf32, #tpu.memory_space<vmem>>[vector<16xi32>, vector<16xi32>], vector<16xf32>,
        %max3A_2636 = arith.maximumf %max3A_2588, %gather3A_2635 : vector<16xf32>
        %exp3A_2637 = math.exp %gather3A_2635 : vector<16xf32>
        %add3A_2638 = arith.addf %add3A_2590, %exp3A_2637 : vector<16xf32>
        %add3A_2639 = arith.constant 8 : i32
        %add3A_2640 = vector.broadcast %add3A_2639 : i32 to vector<16xi32>
        %add3A_2641 = arith.addi %scan3A_2534, %add3A_2640 : vector<16xi32>
        scf.yield %add3A_2641, %max3A_2600, %max3A_2612, %max3A_2624, %max3A_2636, %add3A_2602, %add3A_2614, %add3A_2626, %add3A_2638 : vector<16xi32>, vector<16xf32>, vector<16xf32>, vector<16xf32>, vector<16xf32>, vector<16xf32>, vector<16xf32>, vector<16xf32>, vector<16xf32>
      }
      %scan3A_1447 = arith.constant 123 : i32
      %add3A_1448 = arith.constant 984 : i32
      %add3A_1449 = vector.broadcast %add3A_1448 : i32 to vector<16xi32>
      %add3A_1450 = arith.addi %iota3A, %add3A_1449 : vector<16xi32>
      %ge3A_1451 = arith.constant 1000 : i32
      %ge3A_1452 = vector.broadcast %ge3A_1451 : i32 to vector<16xi32>
      %ge3A_1453 = arith.cmpi sge, %add3A_1450, %ge3A_1452 : vector<16xi32>
      %sub3A_1454 = arith.constant 1000 : i32
      %sub3A_1455 = vector.broadcast %sub3A_1454 : i32 to vector<16xi32>
      %sub3A_1456 = arith.subi %add3A_1450, %sub3A_1455 : vector<16xi32>
      %select_n3A_1457 = arith.select %ge3A_1453, %sub3A_1456, %add3A_1450 : vector<16xi1>, vector<16xi32>
      %gather3A_1458 = arith.constant 1 : i32
      %gather3A_1459 = arith.constant 0 : i32
      %gather3A_1460 = arith.constant 0 : i32
      %gather3A_1461 = tpu.memref_slice %arg5[%gather3A_1458, %gather3A_1459, %gather3A_1460] : memref<2x16x1000xf32, #tpu.memory_space<vmem>> -> memref<1x16x1000xf32, #tpu.memory_space<vmem>>
      %gather3A_1462 = tpu.memref_squeeze %gather3A_1461 : memref<1x16x1000xf32, #tpu.memory_space<vmem>> -> memref<16x1000xf32, #tpu.memory_space<vmem>>
      %gather3A_1463 = tpu.vector_load_idx %gather3A_1462[%iota3A, %select_n3A_1457] : memref<16x1000xf32, #tpu.memory_space<vmem>>[vector<16xi32>, vector<16xi32>], vector<16xf32>,
      %max3A_1464 = arith.maximumf %scan3A_1446#1, %gather3A_1463 : vector<16xf32>
      %exp3A_1465 = math.exp %gather3A_1463 : vector<16xf32>
      %add3A_1466 = arith.addf %scan3A_1446#5, %exp3A_1465 : vector<16xf32>
      %add3A_1467 = arith.constant 985 : i32
      %add3A_1468 = vector.broadcast %add3A_1467 : i32 to vector<16xi32>
      %add3A_1469 = arith.addi %iota3A, %add3A_1468 : vector<16xi32>
      %ge3A_1470 = arith.constant 1000 : i32
      %ge3A_1471 = vector.broadcast %ge3A_1470 : i32 to vector<16xi32>
      %ge3A_1472 = arith.cmpi sge, %add3A_1469, %ge3A_1471 : vector<16xi32>
      %sub3A_1473 = arith.constant 1000 : i32
      %sub3A_1474 = vector.broadcast %sub3A_1473 : i32 to vector<16xi32>
      %sub3A_1475 = arith.subi %add3A_1469, %sub3A_1474 : vector<16xi32>
      %select_n3A_1476 = arith.select %ge3A_1472, %sub3A_1475, %add3A_1469 : vector<16xi1>, vector<16xi32>
      %gather3A_1477 = arith.constant 1 : i32
      %gather3A_1478 = arith.constant 0 : i32
      %gather3A_1479 = arith.constant 0 : i32
      %gather3A_1480 = tpu.memref_slice %arg5[%gather3A_1477, %gather3A_1478, %gather3A_1479] : memref<2x16x1000xf32, #tpu.memory_space<vmem>> -> memref<1x16x1000xf32, #tpu.memory_space<vmem>>
      %gather3A_1481 = tpu.memref_squeeze %gather3A_1480 : memref<1x16x1000xf32, #tpu.memory_space<vmem>> -> memref<16x1000xf32, #tpu.memory_space<vmem>>
      %gather3A_1482 = tpu.vector_load_idx %gather3A_1481[%iota3A, %select_n3A_1476] : memref<16x1000xf32, #tpu.memory_space<vmem>>[vector<16xi32>, vector<16xi32>], vector<16xf32>,
      %max3A_1483 = arith.maximumf %scan3A_1446#2, %gather3A_1482 : vector<16xf32>
      %exp3A_1484 = math.exp %gather3A_1482 : vector<16xf32>
      %add3A_1485 = arith.addf %scan3A_1446#6, %exp3A_1484 : vector<16xf32>
      %add3A_1486 = arith.constant 986 : i32
      %add3A_1487 = vector.broadcast %add3A_1486 : i32 to vector<16xi32>
      %add3A_1488 = arith.addi %iota3A, %add3A_1487 : vector<16xi32>
      %ge3A_1489 = arith.constant 1000 : i32
      %ge3A_1490 = vector.broadcast %ge3A_1489 : i32 to vector<16xi32>
      %ge3A_1491 = arith.cmpi sge, %add3A_1488, %ge3A_1490 : vector<16xi32>
      %sub3A_1492 = arith.constant 1000 : i32
      %sub3A_1493 = vector.broadcast %sub3A_1492 : i32 to vector<16xi32>
      %sub3A_1494 = arith.subi %add3A_1488, %sub3A_1493 : vector<16xi32>
      %select_n3A_1495 = arith.select %ge3A_1491, %sub3A_1494, %add3A_1488 : vector<16xi1>, vector<16xi32>
      %gather3A_1496 = arith.constant 1 : i32
      %gather3A_1497 = arith.constant 0 : i32
      %gather3A_1498 = arith.constant 0 : i32
      %gather3A_1499 = tpu.memref_slice %arg5[%gather3A_1496, %gather3A_1497, %gather3A_1498] : memref<2x16x1000xf32, #tpu.memory_space<vmem>> -> memref<1x16x1000xf32, #tpu.memory_space<vmem>>
      %gather3A_1500 = tpu.memref_squeeze %gather3A_1499 : memref<1x16x1000xf32, #tpu.memory_space<vmem>> -> memref<16x1000xf32, #tpu.memory_space<vmem>>
      %gather3A_1501 = tpu.vector_load_idx %gather3A_1500[%iota3A, %select_n3A_1495] : memref<16x1000xf32, #tpu.memory_space<vmem>>[vector<16xi32>, vector<16xi32>], vector<16xf32>,
      %max3A_1502 = arith.maximumf %scan3A_1446#3, %gather3A_1501 : vector<16xf32>
      %exp3A_1503 = math.exp %gather3A_1501 : vector<16xf32>
      %add3A_1504 = arith.addf %scan3A_1446#7, %exp3A_1503 : vector<16xf32>
      %add3A_1505 = arith.constant 987 : i32
      %add3A_1506 = vector.broadcast %add3A_1505 : i32 to vector<16xi32>
      %add3A_1507 = arith.addi %iota3A, %add3A_1506 : vector<16xi32>
      %ge3A_1508 = arith.constant 1000 : i32
      %ge3A_1509 = vector.broadcast %ge3A_1508 : i32 to vector<16xi32>
      %ge3A_1510 = arith.cmpi sge, %add3A_1507, %ge3A_1509 : vector<16xi32>
      %sub3A_1511 = arith.constant 1000 : i32
      %sub3A_1512 = vector.broadcast %sub3A_1511 : i32 to vector<16xi32>
      %sub3A_1513 = arith.subi %add3A_1507, %sub3A_1512 : vector<16xi32>
      %select_n3A_1514 = arith.select %ge3A_1510, %sub3A_1513, %add3A_1507 : vector<16xi1>, vector<16xi32>
      %gather3A_1515 = arith.constant 1 : i32
      %gather3A_1516 = arith.constant 0 : i32
      %gather3A_1517 = arith.constant 0 : i32
      %gather3A_1518 = tpu.memref_slice %arg5[%gather3A_1515, %gather3A_1516, %gather3A_1517] : memref<2x16x1000xf32, #tpu.memory_space<vmem>> -> memref<1x16x1000xf32, #tpu.memory_space<vmem>>
      %gather3A_1519 = tpu.memref_squeeze %gather3A_1518 : memref<1x16x1000xf32, #tpu.memory_space<vmem>> -> memref<16x1000xf32, #tpu.memory_space<vmem>>
      %gather3A_1520 = tpu.vector_load_idx %gather3A_1519[%iota3A, %select_n3A_1514] : memref<16x1000xf32, #tpu.memory_space<vmem>>[vector<16xi32>, vector<16xi32>], vector<16xf32>,
      %max3A_1521 = arith.maximumf %scan3A_1446#4, %gather3A_1520 : vector<16xf32>
      %exp3A_1522 = math.exp %gather3A_1520 : vector<16xf32>
      %add3A_1523 = arith.addf %scan3A_1446#8, %exp3A_1522 : vector<16xf32>
      %add3A_1524 = arith.constant 988 : i32
      %add3A_1525 = vector.broadcast %add3A_1524 : i32 to vector<16xi32>
      %add3A_1526 = arith.addi %iota3A, %add3A_1525 : vector<16xi32>
      %ge3A_1527 = arith.constant 1000 : i32
      %ge3A_1528 = vector.broadcast %ge3A_1527 : i32 to vector<16xi32>
      %ge3A_1529 = arith.cmpi sge, %add3A_1526, %ge3A_1528 : vector<16xi32>
      %sub3A_1530 = arith.constant 1000 : i32
      %sub3A_1531 = vector.broadcast %sub3A_1530 : i32 to vector<16xi32>
      %sub3A_1532 = arith.subi %add3A_1526, %sub3A_1531 : vector<16xi32>
      %select_n3A_1533 = arith.select %ge3A_1529, %sub3A_1532, %add3A_1526 : vector<16xi1>, vector<16xi32>
      %gather3A_1534 = arith.constant 1 : i32
      %gather3A_1535 = arith.constant 0 : i32
      %gather3A_1536 = arith.constant 0 : i32
      %gather3A_1537 = tpu.memref_slice %arg5[%gather3A_1534, %gather3A_1535, %gather3A_1536] : memref<2x16x1000xf32, #tpu.memory_space<vmem>> -> memref<1x16x1000xf32, #tpu.memory_space<vmem>>
      %gather3A_1538 = tpu.memref_squeeze %gather3A_1537 : memref<1x16x1000xf32, #tpu.memory_space<vmem>> -> memref<16x1000xf32, #tpu.memory_space<vmem>>
      %gather3A_1539 = tpu.vector_load_idx %gather3A_1538[%iota3A, %select_n3A_1533] : memref<16x1000xf32, #tpu.memory_space<vmem>>[vector<16xi32>, vector<16xi32>], vector<16xf32>,
      %max3A_1540 = arith.maximumf %max3A_1464, %gather3A_1539 : vector<16xf32>
      %exp3A_1541 = math.exp %gather3A_1539 : vector<16xf32>
      %add3A_1542 = arith.addf %add3A_1466, %exp3A_1541 : vector<16xf32>
      %add3A_1543 = arith.constant 989 : i32
      %add3A_1544 = vector.broadcast %add3A_1543 : i32 to vector<16xi32>
      %add3A_1545 = arith.addi %iota3A, %add3A_1544 : vector<16xi32>
      %ge3A_1546 = arith.constant 1000 : i32
      %ge3A_1547 = vector.broadcast %ge3A_1546 : i32 to vector<16xi32>
      %ge3A_1548 = arith.cmpi sge, %add3A_1545, %ge3A_1547 : vector<16xi32>
      %sub3A_1549 = arith.constant 1000 : i32
      %sub3A_1550 = vector.broadcast %sub3A_1549 : i32 to vector<16xi32>
      %sub3A_1551 = arith.subi %add3A_1545, %sub3A_1550 : vector<16xi32>
      %select_n3A_1552 = arith.select %ge3A_1548, %sub3A_1551, %add3A_1545 : vector<16xi1>, vector<16xi32>
      %gather3A_1553 = arith.constant 1 : i32
      %gather3A_1554 = arith.constant 0 : i32
      %gather3A_1555 = arith.constant 0 : i32
      %gather3A_1556 = tpu.memref_slice %arg5[%gather3A_1553, %gather3A_1554, %gather3A_1555] : memref<2x16x1000xf32, #tpu.memory_space<vmem>> -> memref<1x16x1000xf32, #tpu.memory_space<vmem>>
      %gather3A_1557 = tpu.memref_squeeze %gather3A_1556 : memref<1x16x1000xf32, #tpu.memory_space<vmem>> -> memref<16x1000xf32, #tpu.memory_space<vmem>>
      %gather3A_1558 = tpu.vector_load_idx %gather3A_1557[%iota3A, %select_n3A_1552] : memref<16x1000xf32, #tpu.memory_space<vmem>>[vector<16xi32>, vector<16xi32>], vector<16xf32>,
      %max3A_1559 = arith.maximumf %max3A_1483, %gather3A_1558 : vector<16xf32>
      %exp3A_1560 = math.exp %gather3A_1558 : vector<16xf32>
      %add3A_1561 = arith.addf %add3A_1485, %exp3A_1560 : vector<16xf32>
      %add3A_1562 = arith.constant 990 : i32
      %add3A_1563 = vector.broadcast %add3A_1562 : i32 to vector<16xi32>
      %add3A_1564 = arith.addi %iota3A, %add3A_1563 : vector<16xi32>
      %ge3A_1565 = arith.constant 1000 : i32
      %ge3A_1566 = vector.broadcast %ge3A_1565 : i32 to vector<16xi32>
      %ge3A_1567 = arith.cmpi sge, %add3A_1564, %ge3A_1566 : vector<16xi32>
      %sub3A_1568 = arith.constant 1000 : i32
      %sub3A_1569 = vector.broadcast %sub3A_1568 : i32 to vector<16xi32>
      %sub3A_1570 = arith.subi %add3A_1564, %sub3A_1569 : vector<16xi32>
      %select_n3A_1571 = arith.select %ge3A_1567, %sub3A_1570, %add3A_1564 : vector<16xi1>, vector<16xi32>
      %gather3A_1572 = arith.constant 1 : i32
      %gather3A_1573 = arith.constant 0 : i32
      %gather3A_1574 = arith.constant 0 : i32
      %gather3A_1575 = tpu.memref_slice %arg5[%gather3A_1572, %gather3A_1573, %gather3A_1574] : memref<2x16x1000xf32, #tpu.memory_space<vmem>> -> memref<1x16x1000xf32, #tpu.memory_space<vmem>>
      %gather3A_1576 = tpu.memref_squeeze %gather3A_1575 : memref<1x16x1000xf32, #tpu.memory_space<vmem>> -> memref<16x1000xf32, #tpu.memory_space<vmem>>
      %gather3A_1577 = tpu.vector_load_idx %gather3A_1576[%iota3A, %select_n3A_1571] : memref<16x1000xf32, #tpu.memory_space<vmem>>[vector<16xi32>, vector<16xi32>], vector<16xf32>,
      %max3A_1578 = arith.maximumf %max3A_1502, %gather3A_1577 : vector<16xf32>
      %exp3A_1579 = math.exp %gather3A_1577 : vector<16xf32>
      %add3A_1580 = arith.addf %add3A_1504, %exp3A_1579 : vector<16xf32>
      %add3A_1581 = arith.constant 991 : i32
      %add3A_1582 = vector.broadcast %add3A_1581 : i32 to vector<16xi32>
      %add3A_1583 = arith.addi %iota3A, %add3A_1582 : vector<16xi32>
      %ge3A_1584 = arith.constant 1000 : i32
      %ge3A_1585 = vector.broadcast %ge3A_1584 : i32 to vector<16xi32>
      %ge3A_1586 = arith.cmpi sge, %add3A_1583, %ge3A_1585 : vector<16xi32>
      %sub3A_1587 = arith.constant 1000 : i32
      %sub3A_1588 = vector.broadcast %sub3A_1587 : i32 to vector<16xi32>
      %sub3A_1589 = arith.subi %add3A_1583, %sub3A_1588 : vector<16xi32>
      %select_n3A_1590 = arith.select %ge3A_1586, %sub3A_1589, %add3A_1583 : vector<16xi1>, vector<16xi32>
      %gather3A_1591 = arith.constant 1 : i32
      %gather3A_1592 = arith.constant 0 : i32
      %gather3A_1593 = arith.constant 0 : i32
      %gather3A_1594 = tpu.memref_slice %arg5[%gather3A_1591, %gather3A_1592, %gather3A_1593] : memref<2x16x1000xf32, #tpu.memory_space<vmem>> -> memref<1x16x1000xf32, #tpu.memory_space<vmem>>
      %gather3A_1595 = tpu.memref_squeeze %gather3A_1594 : memref<1x16x1000xf32, #tpu.memory_space<vmem>> -> memref<16x1000xf32, #tpu.memory_space<vmem>>
      %gather3A_1596 = tpu.vector_load_idx %gather3A_1595[%iota3A, %select_n3A_1590] : memref<16x1000xf32, #tpu.memory_space<vmem>>[vector<16xi32>, vector<16xi32>], vector<16xf32>,
      %max3A_1597 = arith.maximumf %max3A_1521, %gather3A_1596 : vector<16xf32>
      %exp3A_1598 = math.exp %gather3A_1596 : vector<16xf32>
      %add3A_1599 = arith.addf %add3A_1523, %exp3A_1598 : vector<16xf32>
      %add3A_1600 = arith.constant 992 : i32
      %add3A_1601 = vector.broadcast %add3A_1600 : i32 to vector<16xi32>
      %add3A_1602 = arith.addi %iota3A, %add3A_1601 : vector<16xi32>
      %ge3A_1603 = arith.constant 1000 : i32
      %ge3A_1604 = vector.broadcast %ge3A_1603 : i32 to vector<16xi32>
      %ge3A_1605 = arith.cmpi sge, %add3A_1602, %ge3A_1604 : vector<16xi32>
      %sub3A_1606 = arith.constant 1000 : i32
      %sub3A_1607 = vector.broadcast %sub3A_1606 : i32 to vector<16xi32>
      %sub3A_1608 = arith.subi %add3A_1602, %sub3A_1607 : vector<16xi32>
      %select_n3A_1609 = arith.select %ge3A_1605, %sub3A_1608, %add3A_1602 : vector<16xi1>, vector<16xi32>
      %gather3A_1610 = arith.constant 1 : i32
      %gather3A_1611 = arith.constant 0 : i32
      %gather3A_1612 = arith.constant 0 : i32
      %gather3A_1613 = tpu.memref_slice %arg5[%gather3A_1610, %gather3A_1611, %gather3A_1612] : memref<2x16x1000xf32, #tpu.memory_space<vmem>> -> memref<1x16x1000xf32, #tpu.memory_space<vmem>>
      %gather3A_1614 = tpu.memref_squeeze %gather3A_1613 : memref<1x16x1000xf32, #tpu.memory_space<vmem>> -> memref<16x1000xf32, #tpu.memory_space<vmem>>
      %gather3A_1615 = tpu.vector_load_idx %gather3A_1614[%iota3A, %select_n3A_1609] : memref<16x1000xf32, #tpu.memory_space<vmem>>[vector<16xi32>, vector<16xi32>], vector<16xf32>,
      %max3A_1616 = arith.maximumf %max3A_1540, %gather3A_1615 : vector<16xf32>
      %exp3A_1617 = math.exp %gather3A_1615 : vector<16xf32>
      %add3A_1618 = arith.addf %add3A_1542, %exp3A_1617 : vector<16xf32>
      %add3A_1619 = arith.constant 993 : i32
      %add3A_1620 = vector.broadcast %add3A_1619 : i32 to vector<16xi32>
      %add3A_1621 = arith.addi %iota3A, %add3A_1620 : vector<16xi32>
      %ge3A_1622 = arith.constant 1000 : i32
      %ge3A_1623 = vector.broadcast %ge3A_1622 : i32 to vector<16xi32>
      %ge3A_1624 = arith.cmpi sge, %add3A_1621, %ge3A_1623 : vector<16xi32>
      %sub3A_1625 = arith.constant 1000 : i32
      %sub3A_1626 = vector.broadcast %sub3A_1625 : i32 to vector<16xi32>
      %sub3A_1627 = arith.subi %add3A_1621, %sub3A_1626 : vector<16xi32>
      %select_n3A_1628 = arith.select %ge3A_1624, %sub3A_1627, %add3A_1621 : vector<16xi1>, vector<16xi32>
      %gather3A_1629 = arith.constant 1 : i32
      %gather3A_1630 = arith.constant 0 : i32
      %gather3A_1631 = arith.constant 0 : i32
      %gather3A_1632 = tpu.memref_slice %arg5[%gather3A_1629, %gather3A_1630, %gather3A_1631] : memref<2x16x1000xf32, #tpu.memory_space<vmem>> -> memref<1x16x1000xf32, #tpu.memory_space<vmem>>
      %gather3A_1633 = tpu.memref_squeeze %gather3A_1632 : memref<1x16x1000xf32, #tpu.memory_space<vmem>> -> memref<16x1000xf32, #tpu.memory_space<vmem>>
      %gather3A_1634 = tpu.vector_load_idx %gather3A_1633[%iota3A, %select_n3A_1628] : memref<16x1000xf32, #tpu.memory_space<vmem>>[vector<16xi32>, vector<16xi32>], vector<16xf32>,
      %max3A_1635 = arith.maximumf %max3A_1559, %gather3A_1634 : vector<16xf32>
      %exp3A_1636 = math.exp %gather3A_1634 : vector<16xf32>
      %add3A_1637 = arith.addf %add3A_1561, %exp3A_1636 : vector<16xf32>
      %add3A_1638 = arith.constant 994 : i32
      %add3A_1639 = vector.broadcast %add3A_1638 : i32 to vector<16xi32>
      %add3A_1640 = arith.addi %iota3A, %add3A_1639 : vector<16xi32>
      %ge3A_1641 = arith.constant 1000 : i32
      %ge3A_1642 = vector.broadcast %ge3A_1641 : i32 to vector<16xi32>
      %ge3A_1643 = arith.cmpi sge, %add3A_1640, %ge3A_1642 : vector<16xi32>
      %sub3A_1644 = arith.constant 1000 : i32
      %sub3A_1645 = vector.broadcast %sub3A_1644 : i32 to vector<16xi32>
      %sub3A_1646 = arith.subi %add3A_1640, %sub3A_1645 : vector<16xi32>
      %select_n3A_1647 = arith.select %ge3A_1643, %sub3A_1646, %add3A_1640 : vector<16xi1>, vector<16xi32>
      %gather3A_1648 = arith.constant 1 : i32
      %gather3A_1649 = arith.constant 0 : i32
      %gather3A_1650 = arith.constant 0 : i32
      %gather3A_1651 = tpu.memref_slice %arg5[%gather3A_1648, %gather3A_1649, %gather3A_1650] : memref<2x16x1000xf32, #tpu.memory_space<vmem>> -> memref<1x16x1000xf32, #tpu.memory_space<vmem>>
      %gather3A_1652 = tpu.memref_squeeze %gather3A_1651 : memref<1x16x1000xf32, #tpu.memory_space<vmem>> -> memref<16x1000xf32, #tpu.memory_space<vmem>>
      %gather3A_1653 = tpu.vector_load_idx %gather3A_1652[%iota3A, %select_n3A_1647] : memref<16x1000xf32, #tpu.memory_space<vmem>>[vector<16xi32>, vector<16xi32>], vector<16xf32>,
      %max3A_1654 = arith.maximumf %max3A_1578, %gather3A_1653 : vector<16xf32>
      %exp3A_1655 = math.exp %gather3A_1653 : vector<16xf32>
      %add3A_1656 = arith.addf %add3A_1580, %exp3A_1655 : vector<16xf32>
      %add3A_1657 = arith.constant 995 : i32
      %add3A_1658 = vector.broadcast %add3A_1657 : i32 to vector<16xi32>
      %add3A_1659 = arith.addi %iota3A, %add3A_1658 : vector<16xi32>
      %ge3A_1660 = arith.constant 1000 : i32
      %ge3A_1661 = vector.broadcast %ge3A_1660 : i32 to vector<16xi32>
      %ge3A_1662 = arith.cmpi sge, %add3A_1659, %ge3A_1661 : vector<16xi32>
      %sub3A_1663 = arith.constant 1000 : i32
      %sub3A_1664 = vector.broadcast %sub3A_1663 : i32 to vector<16xi32>
      %sub3A_1665 = arith.subi %add3A_1659, %sub3A_1664 : vector<16xi32>
      %select_n3A_1666 = arith.select %ge3A_1662, %sub3A_1665, %add3A_1659 : vector<16xi1>, vector<16xi32>
      %gather3A_1667 = arith.constant 1 : i32
      %gather3A_1668 = arith.constant 0 : i32
      %gather3A_1669 = arith.constant 0 : i32
      %gather3A_1670 = tpu.memref_slice %arg5[%gather3A_1667, %gather3A_1668, %gather3A_1669] : memref<2x16x1000xf32, #tpu.memory_space<vmem>> -> memref<1x16x1000xf32, #tpu.memory_space<vmem>>
      %gather3A_1671 = tpu.memref_squeeze %gather3A_1670 : memref<1x16x1000xf32, #tpu.memory_space<vmem>> -> memref<16x1000xf32, #tpu.memory_space<vmem>>
      %gather3A_1672 = tpu.vector_load_idx %gather3A_1671[%iota3A, %select_n3A_1666] : memref<16x1000xf32, #tpu.memory_space<vmem>>[vector<16xi32>, vector<16xi32>], vector<16xf32>,
      %max3A_1673 = arith.maximumf %max3A_1597, %gather3A_1672 : vector<16xf32>
      %exp3A_1674 = math.exp %gather3A_1672 : vector<16xf32>
      %add3A_1675 = arith.addf %add3A_1599, %exp3A_1674 : vector<16xf32>
      %add3A_1676 = arith.constant 996 : i32
      %add3A_1677 = vector.broadcast %add3A_1676 : i32 to vector<16xi32>
      %add3A_1678 = arith.addi %iota3A, %add3A_1677 : vector<16xi32>
      %ge3A_1679 = arith.constant 1000 : i32
      %ge3A_1680 = vector.broadcast %ge3A_1679 : i32 to vector<16xi32>
      %ge3A_1681 = arith.cmpi sge, %add3A_1678, %ge3A_1680 : vector<16xi32>
      %sub3A_1682 = arith.constant 1000 : i32
      %sub3A_1683 = vector.broadcast %sub3A_1682 : i32 to vector<16xi32>
      %sub3A_1684 = arith.subi %add3A_1678, %sub3A_1683 : vector<16xi32>
      %select_n3A_1685 = arith.select %ge3A_1681, %sub3A_1684, %add3A_1678 : vector<16xi1>, vector<16xi32>
      %gather3A_1686 = arith.constant 1 : i32
      %gather3A_1687 = arith.constant 0 : i32
      %gather3A_1688 = arith.constant 0 : i32
      %gather3A_1689 = tpu.memref_slice %arg5[%gather3A_1686, %gather3A_1687, %gather3A_1688] : memref<2x16x1000xf32, #tpu.memory_space<vmem>> -> memref<1x16x1000xf32, #tpu.memory_space<vmem>>
      %gather3A_1690 = tpu.memref_squeeze %gather3A_1689 : memref<1x16x1000xf32, #tpu.memory_space<vmem>> -> memref<16x1000xf32, #tpu.memory_space<vmem>>
      %gather3A_1691 = tpu.vector_load_idx %gather3A_1690[%iota3A, %select_n3A_1685] : memref<16x1000xf32, #tpu.memory_space<vmem>>[vector<16xi32>, vector<16xi32>], vector<16xf32>,
      %max3A_1692 = arith.maximumf %max3A_1616, %gather3A_1691 : vector<16xf32>
      %exp3A_1693 = math.exp %gather3A_1691 : vector<16xf32>
      %add3A_1694 = arith.addf %add3A_1618, %exp3A_1693 : vector<16xf32>
      %add3A_1695 = arith.constant 997 : i32
      %add3A_1696 = vector.broadcast %add3A_1695 : i32 to vector<16xi32>
      %add3A_1697 = arith.addi %iota3A, %add3A_1696 : vector<16xi32>
      %ge3A_1698 = arith.constant 1000 : i32
      %ge3A_1699 = vector.broadcast %ge3A_1698 : i32 to vector<16xi32>
      %ge3A_1700 = arith.cmpi sge, %add3A_1697, %ge3A_1699 : vector<16xi32>
      %sub3A_1701 = arith.constant 1000 : i32
      %sub3A_1702 = vector.broadcast %sub3A_1701 : i32 to vector<16xi32>
      %sub3A_1703 = arith.subi %add3A_1697, %sub3A_1702 : vector<16xi32>
      %select_n3A_1704 = arith.select %ge3A_1700, %sub3A_1703, %add3A_1697 : vector<16xi1>, vector<16xi32>
      %gather3A_1705 = arith.constant 1 : i32
      %gather3A_1706 = arith.constant 0 : i32
      %gather3A_1707 = arith.constant 0 : i32
      %gather3A_1708 = tpu.memref_slice %arg5[%gather3A_1705, %gather3A_1706, %gather3A_1707] : memref<2x16x1000xf32, #tpu.memory_space<vmem>> -> memref<1x16x1000xf32, #tpu.memory_space<vmem>>
      %gather3A_1709 = tpu.memref_squeeze %gather3A_1708 : memref<1x16x1000xf32, #tpu.memory_space<vmem>> -> memref<16x1000xf32, #tpu.memory_space<vmem>>
      %gather3A_1710 = tpu.vector_load_idx %gather3A_1709[%iota3A, %select_n3A_1704] : memref<16x1000xf32, #tpu.memory_space<vmem>>[vector<16xi32>, vector<16xi32>], vector<16xf32>,
      %max3A_1711 = arith.maximumf %max3A_1635, %gather3A_1710 : vector<16xf32>
      %exp3A_1712 = math.exp %gather3A_1710 : vector<16xf32>
      %add3A_1713 = arith.addf %add3A_1637, %exp3A_1712 : vector<16xf32>
      %add3A_1714 = arith.constant 998 : i32
      %add3A_1715 = vector.broadcast %add3A_1714 : i32 to vector<16xi32>
      %add3A_1716 = arith.addi %iota3A, %add3A_1715 : vector<16xi32>
      %ge3A_1717 = arith.constant 1000 : i32
      %ge3A_1718 = vector.broadcast %ge3A_1717 : i32 to vector<16xi32>
      %ge3A_1719 = arith.cmpi sge, %add3A_1716, %ge3A_1718 : vector<16xi32>
      %sub3A_1720 = arith.constant 1000 : i32
      %sub3A_1721 = vector.broadcast %sub3A_1720 : i32 to vector<16xi32>
      %sub3A_1722 = arith.subi %add3A_1716, %sub3A_1721 : vector<16xi32>
      %select_n3A_1723 = arith.select %ge3A_1719, %sub3A_1722, %add3A_1716 : vector<16xi1>, vector<16xi32>
      %gather3A_1724 = arith.constant 1 : i32
      %gather3A_1725 = arith.constant 0 : i32
      %gather3A_1726 = arith.constant 0 : i32
      %gather3A_1727 = tpu.memref_slice %arg5[%gather3A_1724, %gather3A_1725, %gather3A_1726] : memref<2x16x1000xf32, #tpu.memory_space<vmem>> -> memref<1x16x1000xf32, #tpu.memory_space<vmem>>
      %gather3A_1728 = tpu.memref_squeeze %gather3A_1727 : memref<1x16x1000xf32, #tpu.memory_space<vmem>> -> memref<16x1000xf32, #tpu.memory_space<vmem>>
      %gather3A_1729 = tpu.vector_load_idx %gather3A_1728[%iota3A, %select_n3A_1723] : memref<16x1000xf32, #tpu.memory_space<vmem>>[vector<16xi32>, vector<16xi32>], vector<16xf32>,
      %max3A_1730 = arith.maximumf %max3A_1654, %gather3A_1729 : vector<16xf32>
      %exp3A_1731 = math.exp %gather3A_1729 : vector<16xf32>
      %add3A_1732 = arith.addf %add3A_1656, %exp3A_1731 : vector<16xf32>
      %add3A_1733 = arith.constant 999 : i32
      %add3A_1734 = vector.broadcast %add3A_1733 : i32 to vector<16xi32>
      %add3A_1735 = arith.addi %iota3A, %add3A_1734 : vector<16xi32>
      %ge3A_1736 = arith.constant 1000 : i32
      %ge3A_1737 = vector.broadcast %ge3A_1736 : i32 to vector<16xi32>
      %ge3A_1738 = arith.cmpi sge, %add3A_1735, %ge3A_1737 : vector<16xi32>
      %sub3A_1739 = arith.constant 1000 : i32
      %sub3A_1740 = vector.broadcast %sub3A_1739 : i32 to vector<16xi32>
      %sub3A_1741 = arith.subi %add3A_1735, %sub3A_1740 : vector<16xi32>
      %select_n3A_1742 = arith.select %ge3A_1738, %sub3A_1741, %add3A_1735 : vector<16xi1>, vector<16xi32>
      %gather3A_1743 = arith.constant 1 : i32
      %gather3A_1744 = arith.constant 0 : i32
      %gather3A_1745 = arith.constant 0 : i32
      %gather3A_1746 = tpu.memref_slice %arg5[%gather3A_1743, %gather3A_1744, %gather3A_1745] : memref<2x16x1000xf32, #tpu.memory_space<vmem>> -> memref<1x16x1000xf32, #tpu.memory_space<vmem>>
      %gather3A_1747 = tpu.memref_squeeze %gather3A_1746 : memref<1x16x1000xf32, #tpu.memory_space<vmem>> -> memref<16x1000xf32, #tpu.memory_space<vmem>>
      %gather3A_1748 = tpu.vector_load_idx %gather3A_1747[%iota3A, %select_n3A_1742] : memref<16x1000xf32, #tpu.memory_space<vmem>>[vector<16xi32>, vector<16xi32>], vector<16xf32>,
      %max3A_1749 = arith.maximumf %max3A_1673, %gather3A_1748 : vector<16xf32>
      %exp3A_1750 = math.exp %gather3A_1748 : vector<16xf32>
      %add3A_1751 = arith.addf %add3A_1675, %exp3A_1750 : vector<16xf32>
      %max3A_1752 = arith.maximumf %max3A_1692, %max3A_1711 : vector<16xf32>
      %max3A_1753 = arith.maximumf %max3A_1730, %max3A_1749 : vector<16xf32>
      %max3A_1754 = arith.maximumf %max3A_1752, %max3A_1753 : vector<16xf32>
      %add3A_1755 = arith.addf %add3A_1694, %add3A_1713 : vector<16xf32>
      %add3A_1756 = arith.addf %add3A_1732, %add3A_1751 : vector<16xf32>
      %add3A_1757 = arith.addf %add3A_1755, %add3A_1756 : vector<16xf32>
      "tpu.region"() ({
        %run_scoped3A_2533 = tpu.sem_alloc : memref<!tpu.dma_semaphore, #tpu.memory_space<semaphore_mem>>
        %dma_start3A_2534 = tpu.memref_slice %arg3[%add3A_1423] : memref<16384xi32, #tpu.memory_space<hbm>> -> memref<16xi32, #tpu.memory_space<hbm>>
        %dma_start3A_2535 = tpu.memref_slice %arg3[%add3A_1423] : memref<16384xi32, #tpu.memory_space<hbm>> -> memref<16xi32, #tpu.memory_space<hbm>>
        tpu.enqueue_dma source(%dma_start3A_2535 : memref<16xi32, #tpu.memory_space<hbm>>) target(%arg6 : memref<16xi32, #tpu.memory_space<vmem>>) target_semaphore(%run_scoped3A_2533 : memref<!tpu.dma_semaphore, #tpu.memory_space<semaphore_mem>>)
        %dma_wait3A_2536 = tpu.memref_slice %arg3[%add3A_1423] : memref<16384xi32, #tpu.memory_space<hbm>> -> memref<16xi32, #tpu.memory_space<hbm>>
        %dma_wait3A_2537 = tpu.memref_slice %arg3[%add3A_1423] : memref<16384xi32, #tpu.memory_space<hbm>> -> memref<16xi32, #tpu.memory_space<hbm>>
        tpu.wait_dma2 semaphore(%run_scoped3A_2533 : memref<!tpu.dma_semaphore, #tpu.memory_space<semaphore_mem>>) src(%dma_wait3A_2537 : memref<16xi32, #tpu.memory_space<hbm>>) dst(%arg6 : memref<16xi32, #tpu.memory_space<vmem>>)
        tpu.yield
      }) : () -> ()
      %get3A_1758 = arith.constant 0 : index
      %get3A_1759 = tpu.vector_load %arg6[%get3A_1758] {strides = array<i32>} : memref<16xi32, #tpu.memory_space<vmem>>, vector<16xi32>,
      %gather3A_1760 = arith.constant 1 : i32
      %gather3A_1761 = arith.constant 0 : i32
      %gather3A_1762 = arith.constant 0 : i32
      %gather3A_1763 = tpu.memref_slice %arg5[%gather3A_1760, %gather3A_1761, %gather3A_1762] : memref<2x16x1000xf32, #tpu.memory_space<vmem>> -> memref<1x16x1000xf32, #tpu.memory_space<vmem>>
      %gather3A_1764 = tpu.memref_squeeze %gather3A_1763 : memref<1x16x1000xf32, #tpu.memory_space<vmem>> -> memref<16x1000xf32, #tpu.memory_space<vmem>>
      %gather3A_1765 = tpu.vector_load_idx %gather3A_1764[%iota3A, %get3A_1759] : memref<16x1000xf32, #tpu.memory_space<vmem>>[vector<16xi32>, vector<16xi32>], vector<16xf32>,
      %eq3A_1766 = arith.cmpf oeq, %gather3A_1765, %max3A_1754 : vector<16xf32>
      %jit3A_1767 = arith.constant 1.000000e+00 : f32
      %jit3A_1768 = arith.constant 0.000000e+00 : f32
      %broadcast_in_dim3A_1769 = vector.broadcast %jit3A_1767 : f32 to vector<16xf32>
      %broadcast_in_dim3A_1770 = vector.broadcast %jit3A_1768 : f32 to vector<16xf32>
      %select_n3A_1771 = arith.select %eq3A_1766, %broadcast_in_dim3A_1769, %broadcast_in_dim3A_1770 : vector<16xi1>, vector<16xf32>
      %exp3A_1772 = math.exp %max3A_1754 : vector<16xf32>
      %div3A_1773 = arith.divf %exp3A_1772, %add3A_1757 : vector<16xf32>
      %broadcast_in_dim3A_1774 = arith.constant 0 : i32
      %broadcast_in_dim3A_1775 = vector.broadcast %broadcast_in_dim3A_1774 : i32 to vector<16xi32>
      %gt3A_1776 = arith.constant 0.0666666701 : f32
      %gt3A_1777 = vector.broadcast %gt3A_1776 : f32 to vector<16xf32>
      %gt3A_1778 = arith.cmpf ogt, %div3A_1773, %gt3A_1777 : vector<16xf32>
      %jit3A_1779 = arith.constant 1 : i32
      %jit3A_1780 = arith.constant 0 : i32
      %broadcast_in_dim3A_1781 = vector.broadcast %jit3A_1779 : i32 to vector<16xi32>
      %broadcast_in_dim3A_1782 = vector.broadcast %jit3A_1780 : i32 to vector<16xi32>
      %select_n3A_1783 = arith.select %gt3A_1778, %broadcast_in_dim3A_1781, %broadcast_in_dim3A_1782 : vector<16xi1>, vector<16xi32>
      %add3A_1784 = arith.addi %broadcast_in_dim3A_1775, %select_n3A_1783 : vector<16xi32>
      %gt3A_1785 = arith.constant 0.13333334 : f32
      %gt3A_1786 = vector.broadcast %gt3A_1785 : f32 to vector<16xf32>
      %gt3A_1787 = arith.cmpf ogt, %div3A_1773, %gt3A_1786 : vector<16xf32>
      %jit3A_1788 = arith.constant 1 : i32
      %jit3A_1789 = arith.constant 0 : i32
      %broadcast_in_dim3A_1790 = vector.broadcast %jit3A_1788 : i32 to vector<16xi32>
      %broadcast_in_dim3A_1791 = vector.broadcast %jit3A_1789 : i32 to vector<16xi32>
      %select_n3A_1792 = arith.select %gt3A_1787, %broadcast_in_dim3A_1790, %broadcast_in_dim3A_1791 : vector<16xi1>, vector<16xi32>
      %add3A_1793 = arith.addi %add3A_1784, %select_n3A_1792 : vector<16xi32>
      %gt3A_1794 = arith.constant 0.200000018 : f32
      %gt3A_1795 = vector.broadcast %gt3A_1794 : f32 to vector<16xf32>
      %gt3A_1796 = arith.cmpf ogt, %div3A_1773, %gt3A_1795 : vector<16xf32>
      %jit3A_1797 = arith.constant 1 : i32
      %jit3A_1798 = arith.constant 0 : i32
      %broadcast_in_dim3A_1799 = vector.broadcast %jit3A_1797 : i32 to vector<16xi32>
      %broadcast_in_dim3A_1800 = vector.broadcast %jit3A_1798 : i32 to vector<16xi32>
      %select_n3A_1801 = arith.select %gt3A_1796, %broadcast_in_dim3A_1799, %broadcast_in_dim3A_1800 : vector<16xi1>, vector<16xi32>
      %add3A_1802 = arith.addi %add3A_1793, %select_n3A_1801 : vector<16xi32>
      %gt3A_1803 = arith.constant 0.266666681 : f32
      %gt3A_1804 = vector.broadcast %gt3A_1803 : f32 to vector<16xf32>
      %gt3A_1805 = arith.cmpf ogt, %div3A_1773, %gt3A_1804 : vector<16xf32>
      %jit3A_1806 = arith.constant 1 : i32
      %jit3A_1807 = arith.constant 0 : i32
      %broadcast_in_dim3A_1808 = vector.broadcast %jit3A_1806 : i32 to vector<16xi32>
      %broadcast_in_dim3A_1809 = vector.broadcast %jit3A_1807 : i32 to vector<16xi32>
      %select_n3A_1810 = arith.select %gt3A_1805, %broadcast_in_dim3A_1808, %broadcast_in_dim3A_1809 : vector<16xi1>, vector<16xi32>
      %add3A_1811 = arith.addi %add3A_1802, %select_n3A_1810 : vector<16xi32>
      %gt3A_1812 = arith.constant 0.333333343 : f32
      %gt3A_1813 = vector.broadcast %gt3A_1812 : f32 to vector<16xf32>
      %gt3A_1814 = arith.cmpf ogt, %div3A_1773, %gt3A_1813 : vector<16xf32>
      %jit3A_1815 = arith.constant 1 : i32
      %jit3A_1816 = arith.constant 0 : i32
      %broadcast_in_dim3A_1817 = vector.broadcast %jit3A_1815 : i32 to vector<16xi32>
      %broadcast_in_dim3A_1818 = vector.broadcast %jit3A_1816 : i32 to vector<16xi32>
      %select_n3A_1819 = arith.select %gt3A_1814, %broadcast_in_dim3A_1817, %broadcast_in_dim3A_1818 : vector<16xi1>, vector<16xi32>
      %add3A_1820 = arith.addi %add3A_1811, %select_n3A_1819 : vector<16xi32>
      %gt3A_1821 = arith.constant 0.400000036 : f32
      %gt3A_1822 = vector.broadcast %gt3A_1821 : f32 to vector<16xf32>
      %gt3A_1823 = arith.cmpf ogt, %div3A_1773, %gt3A_1822 : vector<16xf32>
      %jit3A_1824 = arith.constant 1 : i32
      %jit3A_1825 = arith.constant 0 : i32
      %broadcast_in_dim3A_1826 = vector.broadcast %jit3A_1824 : i32 to vector<16xi32>
      %broadcast_in_dim3A_1827 = vector.broadcast %jit3A_1825 : i32 to vector<16xi32>
      %select_n3A_1828 = arith.select %gt3A_1823, %broadcast_in_dim3A_1826, %broadcast_in_dim3A_1827 : vector<16xi1>, vector<16xi32>
      %add3A_1829 = arith.addi %add3A_1820, %select_n3A_1828 : vector<16xi32>
      %gt3A_1830 = arith.constant 0.466666698 : f32
      %gt3A_1831 = vector.broadcast %gt3A_1830 : f32 to vector<16xf32>
      %gt3A_1832 = arith.cmpf ogt, %div3A_1773, %gt3A_1831 : vector<16xf32>
      %jit3A_1833 = arith.constant 1 : i32
      %jit3A_1834 = arith.constant 0 : i32
      %broadcast_in_dim3A_1835 = vector.broadcast %jit3A_1833 : i32 to vector<16xi32>
      %broadcast_in_dim3A_1836 = vector.broadcast %jit3A_1834 : i32 to vector<16xi32>
      %select_n3A_1837 = arith.select %gt3A_1832, %broadcast_in_dim3A_1835, %broadcast_in_dim3A_1836 : vector<16xi1>, vector<16xi32>
      %add3A_1838 = arith.addi %add3A_1829, %select_n3A_1837 : vector<16xi32>
      %gt3A_1839 = arith.constant 0.533333361 : f32
      %gt3A_1840 = vector.broadcast %gt3A_1839 : f32 to vector<16xf32>
      %gt3A_1841 = arith.cmpf ogt, %div3A_1773, %gt3A_1840 : vector<16xf32>
      %jit3A_1842 = arith.constant 1 : i32
      %jit3A_1843 = arith.constant 0 : i32
      %broadcast_in_dim3A_1844 = vector.broadcast %jit3A_1842 : i32 to vector<16xi32>
      %broadcast_in_dim3A_1845 = vector.broadcast %jit3A_1843 : i32 to vector<16xi32>
      %select_n3A_1846 = arith.select %gt3A_1841, %broadcast_in_dim3A_1844, %broadcast_in_dim3A_1845 : vector<16xi1>, vector<16xi32>
      %add3A_1847 = arith.addi %add3A_1838, %select_n3A_1846 : vector<16xi32>
      %gt3A_1848 = arith.constant 6.000000e-01 : f32
      %gt3A_1849 = vector.broadcast %gt3A_1848 : f32 to vector<16xf32>
      %gt3A_1850 = arith.cmpf ogt, %div3A_1773, %gt3A_1849 : vector<16xf32>
      %jit3A_1851 = arith.constant 1 : i32
      %jit3A_1852 = arith.constant 0 : i32
      %broadcast_in_dim3A_1853 = vector.broadcast %jit3A_1851 : i32 to vector<16xi32>
      %broadcast_in_dim3A_1854 = vector.broadcast %jit3A_1852 : i32 to vector<16xi32>
      %select_n3A_1855 = arith.select %gt3A_1850, %broadcast_in_dim3A_1853, %broadcast_in_dim3A_1854 : vector<16xi1>, vector<16xi32>
      %add3A_1856 = arith.addi %add3A_1847, %select_n3A_1855 : vector<16xi32>
      %gt3A_1857 = arith.constant 0.666666686 : f32
      %gt3A_1858 = vector.broadcast %gt3A_1857 : f32 to vector<16xf32>
      %gt3A_1859 = arith.cmpf ogt, %div3A_1773, %gt3A_1858 : vector<16xf32>
      %jit3A_1860 = arith.constant 1 : i32
      %jit3A_1861 = arith.constant 0 : i32
      %broadcast_in_dim3A_1862 = vector.broadcast %jit3A_1860 : i32 to vector<16xi32>
      %broadcast_in_dim3A_1863 = vector.broadcast %jit3A_1861 : i32 to vector<16xi32>
      %select_n3A_1864 = arith.select %gt3A_1859, %broadcast_in_dim3A_1862, %broadcast_in_dim3A_1863 : vector<16xi1>, vector<16xi32>
      %add3A_1865 = arith.addi %add3A_1856, %select_n3A_1864 : vector<16xi32>
      %gt3A_1866 = arith.constant 0.733333349 : f32
      %gt3A_1867 = vector.broadcast %gt3A_1866 : f32 to vector<16xf32>
      %gt3A_1868 = arith.cmpf ogt, %div3A_1773, %gt3A_1867 : vector<16xf32>
      %jit3A_1869 = arith.constant 1 : i32
      %jit3A_1870 = arith.constant 0 : i32
      %broadcast_in_dim3A_1871 = vector.broadcast %jit3A_1869 : i32 to vector<16xi32>
      %broadcast_in_dim3A_1872 = vector.broadcast %jit3A_1870 : i32 to vector<16xi32>
      %select_n3A_1873 = arith.select %gt3A_1868, %broadcast_in_dim3A_1871, %broadcast_in_dim3A_1872 : vector<16xi1>, vector<16xi32>
      %add3A_1874 = arith.addi %add3A_1865, %select_n3A_1873 : vector<16xi32>
      %gt3A_1875 = arith.constant 0.800000071 : f32
      %gt3A_1876 = vector.broadcast %gt3A_1875 : f32 to vector<16xf32>
      %gt3A_1877 = arith.cmpf ogt, %div3A_1773, %gt3A_1876 : vector<16xf32>
      %jit3A_1878 = arith.constant 1 : i32
      %jit3A_1879 = arith.constant 0 : i32
      %broadcast_in_dim3A_1880 = vector.broadcast %jit3A_1878 : i32 to vector<16xi32>
      %broadcast_in_dim3A_1881 = vector.broadcast %jit3A_1879 : i32 to vector<16xi32>
      %select_n3A_1882 = arith.select %gt3A_1877, %broadcast_in_dim3A_1880, %broadcast_in_dim3A_1881 : vector<16xi1>, vector<16xi32>
      %add3A_1883 = arith.addi %add3A_1874, %select_n3A_1882 : vector<16xi32>
      %gt3A_1884 = arith.constant 0.866666734 : f32
      %gt3A_1885 = vector.broadcast %gt3A_1884 : f32 to vector<16xf32>
      %gt3A_1886 = arith.cmpf ogt, %div3A_1773, %gt3A_1885 : vector<16xf32>
      %jit3A_1887 = arith.constant 1 : i32
      %jit3A_1888 = arith.constant 0 : i32
      %broadcast_in_dim3A_1889 = vector.broadcast %jit3A_1887 : i32 to vector<16xi32>
      %broadcast_in_dim3A_1890 = vector.broadcast %jit3A_1888 : i32 to vector<16xi32>
      %select_n3A_1891 = arith.select %gt3A_1886, %broadcast_in_dim3A_1889, %broadcast_in_dim3A_1890 : vector<16xi1>, vector<16xi32>
      %add3A_1892 = arith.addi %add3A_1883, %select_n3A_1891 : vector<16xi32>
      %gt3A_1893 = arith.constant 0.933333396 : f32
      %gt3A_1894 = vector.broadcast %gt3A_1893 : f32 to vector<16xf32>
      %gt3A_1895 = arith.cmpf ogt, %div3A_1773, %gt3A_1894 : vector<16xf32>
      %jit3A_1896 = arith.constant 1 : i32
      %jit3A_1897 = arith.constant 0 : i32
      %broadcast_in_dim3A_1898 = vector.broadcast %jit3A_1896 : i32 to vector<16xi32>
      %broadcast_in_dim3A_1899 = vector.broadcast %jit3A_1897 : i32 to vector<16xi32>
      %select_n3A_1900 = arith.select %gt3A_1895, %broadcast_in_dim3A_1898, %broadcast_in_dim3A_1899 : vector<16xi1>, vector<16xi32>
      %add3A_1901 = arith.addi %add3A_1892, %select_n3A_1900 : vector<16xi32>
      %gt3A_1902 = arith.constant 1.000000e+00 : f32
      %gt3A_1903 = vector.broadcast %gt3A_1902 : f32 to vector<16xf32>
      %gt3A_1904 = arith.cmpf ogt, %div3A_1773, %gt3A_1903 : vector<16xf32>
      %jit3A_1905 = arith.constant 1 : i32
      %jit3A_1906 = arith.constant 0 : i32
      %broadcast_in_dim3A_1907 = vector.broadcast %jit3A_1905 : i32 to vector<16xi32>
      %broadcast_in_dim3A_1908 = vector.broadcast %jit3A_1906 : i32 to vector<16xi32>
      %select_n3A_1909 = arith.select %gt3A_1904, %broadcast_in_dim3A_1907, %broadcast_in_dim3A_1908 : vector<16xi1>, vector<16xi32>
      %add3A_1910 = arith.addi %add3A_1901, %select_n3A_1909 : vector<16xi32>
      %eq3A_1911 = arith.constant 0 : i32
      %eq3A_1912 = vector.broadcast %eq3A_1911 : i32 to vector<16xi32>
      %eq3A_1913 = arith.cmpi eq, %add3A_1910, %eq3A_1912 : vector<16xi32>
      %get3A_1914 = arith.constant 0 : i32
      %get3A_1915 = arith.index_cast %get3A_1914 : i32 to index
      %get3A_1916 = arith.constant 0 : index
      %get3A_1917 = tpu.vector_load %arg7[%get3A_1915, %get3A_1916] {strides = array<i32>} : memref<15x16xf32, #tpu.memory_space<vmem>>, vector<16xf32>,
      %jit3A_1918 = arith.constant 1.000000e+00 : f32
      %jit3A_1919 = arith.constant 0.000000e+00 : f32
      %broadcast_in_dim3A_1920 = vector.broadcast %jit3A_1918 : f32 to vector<16xf32>
      %broadcast_in_dim3A_1921 = vector.broadcast %jit3A_1919 : f32 to vector<16xf32>
      %select_n3A_1922 = arith.select %eq3A_1913, %broadcast_in_dim3A_1920, %broadcast_in_dim3A_1921 : vector<16xi1>, vector<16xf32>
      %add3A_1923 = arith.addf %get3A_1917, %select_n3A_1922 : vector<16xf32>
      %swap3A_1924 = arith.constant 0 : i32
      %swap3A_1925 = arith.index_cast %swap3A_1924 : i32 to index
      %swap3A_1926 = arith.constant 0 : index
      %swap3A_1927 = tpu.vector_load %arg7[%swap3A_1925, %swap3A_1926] {strides = array<i32>} : memref<15x16xf32, #tpu.memory_space<vmem>>, vector<16xf32>,
      tpu.vector_store %arg7[%swap3A_1925, %swap3A_1926], %add3A_1923 {strides = array<i32>} : memref<15x16xf32, #tpu.memory_space<vmem>>, vector<16xf32>,
      %get3A_1928 = arith.constant 0 : i32
      %get3A_1929 = arith.index_cast %get3A_1928 : i32 to index
      %get3A_1930 = arith.constant 0 : index
      %get3A_1931 = tpu.vector_load %arg8[%get3A_1929, %get3A_1930] {strides = array<i32>} : memref<15x16xf32, #tpu.memory_space<vmem>>, vector<16xf32>,
      %jit3A_1932 = arith.constant 0.000000e+00 : f32
      %broadcast_in_dim3A_1933 = vector.broadcast %jit3A_1932 : f32 to vector<16xf32>
      %select_n3A_1934 = arith.select %eq3A_1913, %div3A_1773, %broadcast_in_dim3A_1933 : vector<16xi1>, vector<16xf32>
      %add3A_1935 = arith.addf %get3A_1931, %select_n3A_1934 : vector<16xf32>
      %swap3A_1936 = arith.constant 0 : i32
      %swap3A_1937 = arith.index_cast %swap3A_1936 : i32 to index
      %swap3A_1938 = arith.constant 0 : index
      %swap3A_1939 = tpu.vector_load %arg8[%swap3A_1937, %swap3A_1938] {strides = array<i32>} : memref<15x16xf32, #tpu.memory_space<vmem>>, vector<16xf32>,
      tpu.vector_store %arg8[%swap3A_1937, %swap3A_1938], %add3A_1935 {strides = array<i32>} : memref<15x16xf32, #tpu.memory_space<vmem>>, vector<16xf32>,
      %get3A_1940 = arith.constant 0 : i32
      %get3A_1941 = arith.index_cast %get3A_1940 : i32 to index
      %get3A_1942 = arith.constant 0 : index
      %get3A_1943 = tpu.vector_load %arg9[%get3A_1941, %get3A_1942] {strides = array<i32>} : memref<15x16xf32, #tpu.memory_space<vmem>>, vector<16xf32>,
      %jit3A_1944 = arith.constant 0.000000e+00 : f32
      %broadcast_in_dim3A_1945 = vector.broadcast %jit3A_1944 : f32 to vector<16xf32>
      %select_n3A_1946 = arith.select %eq3A_1913, %select_n3A_1771, %broadcast_in_dim3A_1945 : vector<16xi1>, vector<16xf32>
      %add3A_1947 = arith.addf %get3A_1943, %select_n3A_1946 : vector<16xf32>
      %swap3A_1948 = arith.constant 0 : i32
      %swap3A_1949 = arith.index_cast %swap3A_1948 : i32 to index
      %swap3A_1950 = arith.constant 0 : index
      %swap3A_1951 = tpu.vector_load %arg9[%swap3A_1949, %swap3A_1950] {strides = array<i32>} : memref<15x16xf32, #tpu.memory_space<vmem>>, vector<16xf32>,
      tpu.vector_store %arg9[%swap3A_1949, %swap3A_1950], %add3A_1947 {strides = array<i32>} : memref<15x16xf32, #tpu.memory_space<vmem>>, vector<16xf32>,
      %eq3A_1952 = arith.constant 1 : i32
      %eq3A_1953 = vector.broadcast %eq3A_1952 : i32 to vector<16xi32>
      %eq3A_1954 = arith.cmpi eq, %add3A_1910, %eq3A_1953 : vector<16xi32>
      %get3A_1955 = arith.constant 1 : i32
      %get3A_1956 = arith.index_cast %get3A_1955 : i32 to index
      %get3A_1957 = arith.constant 0 : index
      %get3A_1958 = tpu.vector_load %arg7[%get3A_1956, %get3A_1957] {strides = array<i32>} : memref<15x16xf32, #tpu.memory_space<vmem>>, vector<16xf32>,
      %jit3A_1959 = arith.constant 1.000000e+00 : f32
      %jit3A_1960 = arith.constant 0.000000e+00 : f32
      %broadcast_in_dim3A_1961 = vector.broadcast %jit3A_1959 : f32 to vector<16xf32>
      %broadcast_in_dim3A_1962 = vector.broadcast %jit3A_1960 : f32 to vector<16xf32>
      %select_n3A_1963 = arith.select %eq3A_1954, %broadcast_in_dim3A_1961, %broadcast_in_dim3A_1962 : vector<16xi1>, vector<16xf32>
      %add3A_1964 = arith.addf %get3A_1958, %select_n3A_1963 : vector<16xf32>
      %swap3A_1965 = arith.constant 1 : i32
      %swap3A_1966 = arith.index_cast %swap3A_1965 : i32 to index
      %swap3A_1967 = arith.constant 0 : index
      %swap3A_1968 = tpu.vector_load %arg7[%swap3A_1966, %swap3A_1967] {strides = array<i32>} : memref<15x16xf32, #tpu.memory_space<vmem>>, vector<16xf32>,
      tpu.vector_store %arg7[%swap3A_1966, %swap3A_1967], %add3A_1964 {strides = array<i32>} : memref<15x16xf32, #tpu.memory_space<vmem>>, vector<16xf32>,
      %get3A_1969 = arith.constant 1 : i32
      %get3A_1970 = arith.index_cast %get3A_1969 : i32 to index
      %get3A_1971 = arith.constant 0 : index
      %get3A_1972 = tpu.vector_load %arg8[%get3A_1970, %get3A_1971] {strides = array<i32>} : memref<15x16xf32, #tpu.memory_space<vmem>>, vector<16xf32>,
      %jit3A_1973 = arith.constant 0.000000e+00 : f32
      %broadcast_in_dim3A_1974 = vector.broadcast %jit3A_1973 : f32 to vector<16xf32>
      %select_n3A_1975 = arith.select %eq3A_1954, %div3A_1773, %broadcast_in_dim3A_1974 : vector<16xi1>, vector<16xf32>
      %add3A_1976 = arith.addf %get3A_1972, %select_n3A_1975 : vector<16xf32>
      %swap3A_1977 = arith.constant 1 : i32
      %swap3A_1978 = arith.index_cast %swap3A_1977 : i32 to index
      %swap3A_1979 = arith.constant 0 : index
      %swap3A_1980 = tpu.vector_load %arg8[%swap3A_1978, %swap3A_1979] {strides = array<i32>} : memref<15x16xf32, #tpu.memory_space<vmem>>, vector<16xf32>,
      tpu.vector_store %arg8[%swap3A_1978, %swap3A_1979], %add3A_1976 {strides = array<i32>} : memref<15x16xf32, #tpu.memory_space<vmem>>, vector<16xf32>,
      %get3A_1981 = arith.constant 1 : i32
      %get3A_1982 = arith.index_cast %get3A_1981 : i32 to index
      %get3A_1983 = arith.constant 0 : index
      %get3A_1984 = tpu.vector_load %arg9[%get3A_1982, %get3A_1983] {strides = array<i32>} : memref<15x16xf32, #tpu.memory_space<vmem>>, vector<16xf32>,
      %jit3A_1985 = arith.constant 0.000000e+00 : f32
      %broadcast_in_dim3A_1986 = vector.broadcast %jit3A_1985 : f32 to vector<16xf32>
      %select_n3A_1987 = arith.select %eq3A_1954, %select_n3A_1771, %broadcast_in_dim3A_1986 : vector<16xi1>, vector<16xf32>
      %add3A_1988 = arith.addf %get3A_1984, %select_n3A_1987 : vector<16xf32>
      %swap3A_1989 = arith.constant 1 : i32
      %swap3A_1990 = arith.index_cast %swap3A_1989 : i32 to index
      %swap3A_1991 = arith.constant 0 : index
      %swap3A_1992 = tpu.vector_load %arg9[%swap3A_1990, %swap3A_1991] {strides = array<i32>} : memref<15x16xf32, #tpu.memory_space<vmem>>, vector<16xf32>,
      tpu.vector_store %arg9[%swap3A_1990, %swap3A_1991], %add3A_1988 {strides = array<i32>} : memref<15x16xf32, #tpu.memory_space<vmem>>, vector<16xf32>,
      %eq3A_1993 = arith.constant 2 : i32
      %eq3A_1994 = vector.broadcast %eq3A_1993 : i32 to vector<16xi32>
      %eq3A_1995 = arith.cmpi eq, %add3A_1910, %eq3A_1994 : vector<16xi32>
      %get3A_1996 = arith.constant 2 : i32
      %get3A_1997 = arith.index_cast %get3A_1996 : i32 to index
      %get3A_1998 = arith.constant 0 : index
      %get3A_1999 = tpu.vector_load %arg7[%get3A_1997, %get3A_1998] {strides = array<i32>} : memref<15x16xf32, #tpu.memory_space<vmem>>, vector<16xf32>,
      %jit3A_2000 = arith.constant 1.000000e+00 : f32
      %jit3A_2001 = arith.constant 0.000000e+00 : f32
      %broadcast_in_dim3A_2002 = vector.broadcast %jit3A_2000 : f32 to vector<16xf32>
      %broadcast_in_dim3A_2003 = vector.broadcast %jit3A_2001 : f32 to vector<16xf32>
      %select_n3A_2004 = arith.select %eq3A_1995, %broadcast_in_dim3A_2002, %broadcast_in_dim3A_2003 : vector<16xi1>, vector<16xf32>
      %add3A_2005 = arith.addf %get3A_1999, %select_n3A_2004 : vector<16xf32>
      %swap3A_2006 = arith.constant 2 : i32
      %swap3A_2007 = arith.index_cast %swap3A_2006 : i32 to index
      %swap3A_2008 = arith.constant 0 : index
      %swap3A_2009 = tpu.vector_load %arg7[%swap3A_2007, %swap3A_2008] {strides = array<i32>} : memref<15x16xf32, #tpu.memory_space<vmem>>, vector<16xf32>,
      tpu.vector_store %arg7[%swap3A_2007, %swap3A_2008], %add3A_2005 {strides = array<i32>} : memref<15x16xf32, #tpu.memory_space<vmem>>, vector<16xf32>,
      %get3A_2010 = arith.constant 2 : i32
      %get3A_2011 = arith.index_cast %get3A_2010 : i32 to index
      %get3A_2012 = arith.constant 0 : index
      %get3A_2013 = tpu.vector_load %arg8[%get3A_2011, %get3A_2012] {strides = array<i32>} : memref<15x16xf32, #tpu.memory_space<vmem>>, vector<16xf32>,
      %jit3A_2014 = arith.constant 0.000000e+00 : f32
      %broadcast_in_dim3A_2015 = vector.broadcast %jit3A_2014 : f32 to vector<16xf32>
      %select_n3A_2016 = arith.select %eq3A_1995, %div3A_1773, %broadcast_in_dim3A_2015 : vector<16xi1>, vector<16xf32>
      %add3A_2017 = arith.addf %get3A_2013, %select_n3A_2016 : vector<16xf32>
      %swap3A_2018 = arith.constant 2 : i32
      %swap3A_2019 = arith.index_cast %swap3A_2018 : i32 to index
      %swap3A_2020 = arith.constant 0 : index
      %swap3A_2021 = tpu.vector_load %arg8[%swap3A_2019, %swap3A_2020] {strides = array<i32>} : memref<15x16xf32, #tpu.memory_space<vmem>>, vector<16xf32>,
      tpu.vector_store %arg8[%swap3A_2019, %swap3A_2020], %add3A_2017 {strides = array<i32>} : memref<15x16xf32, #tpu.memory_space<vmem>>, vector<16xf32>,
      %get3A_2022 = arith.constant 2 : i32
      %get3A_2023 = arith.index_cast %get3A_2022 : i32 to index
      %get3A_2024 = arith.constant 0 : index
      %get3A_2025 = tpu.vector_load %arg9[%get3A_2023, %get3A_2024] {strides = array<i32>} : memref<15x16xf32, #tpu.memory_space<vmem>>, vector<16xf32>,
      %jit3A_2026 = arith.constant 0.000000e+00 : f32
      %broadcast_in_dim3A_2027 = vector.broadcast %jit3A_2026 : f32 to vector<16xf32>
      %select_n3A_2028 = arith.select %eq3A_1995, %select_n3A_1771, %broadcast_in_dim3A_2027 : vector<16xi1>, vector<16xf32>
      %add3A_2029 = arith.addf %get3A_2025, %select_n3A_2028 : vector<16xf32>
      %swap3A_2030 = arith.constant 2 : i32
      %swap3A_2031 = arith.index_cast %swap3A_2030 : i32 to index
      %swap3A_2032 = arith.constant 0 : index
      %swap3A_2033 = tpu.vector_load %arg9[%swap3A_2031, %swap3A_2032] {strides = array<i32>} : memref<15x16xf32, #tpu.memory_space<vmem>>, vector<16xf32>,
      tpu.vector_store %arg9[%swap3A_2031, %swap3A_2032], %add3A_2029 {strides = array<i32>} : memref<15x16xf32, #tpu.memory_space<vmem>>, vector<16xf32>,
      %eq3A_2034 = arith.constant 3 : i32
      %eq3A_2035 = vector.broadcast %eq3A_2034 : i32 to vector<16xi32>
      %eq3A_2036 = arith.cmpi eq, %add3A_1910, %eq3A_2035 : vector<16xi32>
      %get3A_2037 = arith.constant 3 : i32
      %get3A_2038 = arith.index_cast %get3A_2037 : i32 to index
      %get3A_2039 = arith.constant 0 : index
      %get3A_2040 = tpu.vector_load %arg7[%get3A_2038, %get3A_2039] {strides = array<i32>} : memref<15x16xf32, #tpu.memory_space<vmem>>, vector<16xf32>,
      %jit3A_2041 = arith.constant 1.000000e+00 : f32
      %jit3A_2042 = arith.constant 0.000000e+00 : f32
      %broadcast_in_dim3A_2043 = vector.broadcast %jit3A_2041 : f32 to vector<16xf32>
      %broadcast_in_dim3A_2044 = vector.broadcast %jit3A_2042 : f32 to vector<16xf32>
      %select_n3A_2045 = arith.select %eq3A_2036, %broadcast_in_dim3A_2043, %broadcast_in_dim3A_2044 : vector<16xi1>, vector<16xf32>
      %add3A_2046 = arith.addf %get3A_2040, %select_n3A_2045 : vector<16xf32>
      %swap3A_2047 = arith.constant 3 : i32
      %swap3A_2048 = arith.index_cast %swap3A_2047 : i32 to index
      %swap3A_2049 = arith.constant 0 : index
      %swap3A_2050 = tpu.vector_load %arg7[%swap3A_2048, %swap3A_2049] {strides = array<i32>} : memref<15x16xf32, #tpu.memory_space<vmem>>, vector<16xf32>,
      tpu.vector_store %arg7[%swap3A_2048, %swap3A_2049], %add3A_2046 {strides = array<i32>} : memref<15x16xf32, #tpu.memory_space<vmem>>, vector<16xf32>,
      %get3A_2051 = arith.constant 3 : i32
      %get3A_2052 = arith.index_cast %get3A_2051 : i32 to index
      %get3A_2053 = arith.constant 0 : index
      %get3A_2054 = tpu.vector_load %arg8[%get3A_2052, %get3A_2053] {strides = array<i32>} : memref<15x16xf32, #tpu.memory_space<vmem>>, vector<16xf32>,
      %jit3A_2055 = arith.constant 0.000000e+00 : f32
      %broadcast_in_dim3A_2056 = vector.broadcast %jit3A_2055 : f32 to vector<16xf32>
      %select_n3A_2057 = arith.select %eq3A_2036, %div3A_1773, %broadcast_in_dim3A_2056 : vector<16xi1>, vector<16xf32>
      %add3A_2058 = arith.addf %get3A_2054, %select_n3A_2057 : vector<16xf32>
      %swap3A_2059 = arith.constant 3 : i32
      %swap3A_2060 = arith.index_cast %swap3A_2059 : i32 to index
      %swap3A_2061 = arith.constant 0 : index
      %swap3A_2062 = tpu.vector_load %arg8[%swap3A_2060, %swap3A_2061] {strides = array<i32>} : memref<15x16xf32, #tpu.memory_space<vmem>>, vector<16xf32>,
      tpu.vector_store %arg8[%swap3A_2060, %swap3A_2061], %add3A_2058 {strides = array<i32>} : memref<15x16xf32, #tpu.memory_space<vmem>>, vector<16xf32>,
      %get3A_2063 = arith.constant 3 : i32
      %get3A_2064 = arith.index_cast %get3A_2063 : i32 to index
      %get3A_2065 = arith.constant 0 : index
      %get3A_2066 = tpu.vector_load %arg9[%get3A_2064, %get3A_2065] {strides = array<i32>} : memref<15x16xf32, #tpu.memory_space<vmem>>, vector<16xf32>,
      %jit3A_2067 = arith.constant 0.000000e+00 : f32
      %broadcast_in_dim3A_2068 = vector.broadcast %jit3A_2067 : f32 to vector<16xf32>
      %select_n3A_2069 = arith.select %eq3A_2036, %select_n3A_1771, %broadcast_in_dim3A_2068 : vector<16xi1>, vector<16xf32>
      %add3A_2070 = arith.addf %get3A_2066, %select_n3A_2069 : vector<16xf32>
      %swap3A_2071 = arith.constant 3 : i32
      %swap3A_2072 = arith.index_cast %swap3A_2071 : i32 to index
      %swap3A_2073 = arith.constant 0 : index
      %swap3A_2074 = tpu.vector_load %arg9[%swap3A_2072, %swap3A_2073] {strides = array<i32>} : memref<15x16xf32, #tpu.memory_space<vmem>>, vector<16xf32>,
      tpu.vector_store %arg9[%swap3A_2072, %swap3A_2073], %add3A_2070 {strides = array<i32>} : memref<15x16xf32, #tpu.memory_space<vmem>>, vector<16xf32>,
      %eq3A_2075 = arith.constant 4 : i32
      %eq3A_2076 = vector.broadcast %eq3A_2075 : i32 to vector<16xi32>
      %eq3A_2077 = arith.cmpi eq, %add3A_1910, %eq3A_2076 : vector<16xi32>
      %get3A_2078 = arith.constant 4 : i32
      %get3A_2079 = arith.index_cast %get3A_2078 : i32 to index
      %get3A_2080 = arith.constant 0 : index
      %get3A_2081 = tpu.vector_load %arg7[%get3A_2079, %get3A_2080] {strides = array<i32>} : memref<15x16xf32, #tpu.memory_space<vmem>>, vector<16xf32>,
      %jit3A_2082 = arith.constant 1.000000e+00 : f32
      %jit3A_2083 = arith.constant 0.000000e+00 : f32
      %broadcast_in_dim3A_2084 = vector.broadcast %jit3A_2082 : f32 to vector<16xf32>
      %broadcast_in_dim3A_2085 = vector.broadcast %jit3A_2083 : f32 to vector<16xf32>
      %select_n3A_2086 = arith.select %eq3A_2077, %broadcast_in_dim3A_2084, %broadcast_in_dim3A_2085 : vector<16xi1>, vector<16xf32>
      %add3A_2087 = arith.addf %get3A_2081, %select_n3A_2086 : vector<16xf32>
      %swap3A_2088 = arith.constant 4 : i32
      %swap3A_2089 = arith.index_cast %swap3A_2088 : i32 to index
      %swap3A_2090 = arith.constant 0 : index
      %swap3A_2091 = tpu.vector_load %arg7[%swap3A_2089, %swap3A_2090] {strides = array<i32>} : memref<15x16xf32, #tpu.memory_space<vmem>>, vector<16xf32>,
      tpu.vector_store %arg7[%swap3A_2089, %swap3A_2090], %add3A_2087 {strides = array<i32>} : memref<15x16xf32, #tpu.memory_space<vmem>>, vector<16xf32>,
      %get3A_2092 = arith.constant 4 : i32
      %get3A_2093 = arith.index_cast %get3A_2092 : i32 to index
      %get3A_2094 = arith.constant 0 : index
      %get3A_2095 = tpu.vector_load %arg8[%get3A_2093, %get3A_2094] {strides = array<i32>} : memref<15x16xf32, #tpu.memory_space<vmem>>, vector<16xf32>,
      %jit3A_2096 = arith.constant 0.000000e+00 : f32
      %broadcast_in_dim3A_2097 = vector.broadcast %jit3A_2096 : f32 to vector<16xf32>
      %select_n3A_2098 = arith.select %eq3A_2077, %div3A_1773, %broadcast_in_dim3A_2097 : vector<16xi1>, vector<16xf32>
      %add3A_2099 = arith.addf %get3A_2095, %select_n3A_2098 : vector<16xf32>
      %swap3A_2100 = arith.constant 4 : i32
      %swap3A_2101 = arith.index_cast %swap3A_2100 : i32 to index
      %swap3A_2102 = arith.constant 0 : index
      %swap3A_2103 = tpu.vector_load %arg8[%swap3A_2101, %swap3A_2102] {strides = array<i32>} : memref<15x16xf32, #tpu.memory_space<vmem>>, vector<16xf32>,
      tpu.vector_store %arg8[%swap3A_2101, %swap3A_2102], %add3A_2099 {strides = array<i32>} : memref<15x16xf32, #tpu.memory_space<vmem>>, vector<16xf32>,
      %get3A_2104 = arith.constant 4 : i32
      %get3A_2105 = arith.index_cast %get3A_2104 : i32 to index
      %get3A_2106 = arith.constant 0 : index
      %get3A_2107 = tpu.vector_load %arg9[%get3A_2105, %get3A_2106] {strides = array<i32>} : memref<15x16xf32, #tpu.memory_space<vmem>>, vector<16xf32>,
      %jit3A_2108 = arith.constant 0.000000e+00 : f32
      %broadcast_in_dim3A_2109 = vector.broadcast %jit3A_2108 : f32 to vector<16xf32>
      %select_n3A_2110 = arith.select %eq3A_2077, %select_n3A_1771, %broadcast_in_dim3A_2109 : vector<16xi1>, vector<16xf32>
      %add3A_2111 = arith.addf %get3A_2107, %select_n3A_2110 : vector<16xf32>
      %swap3A_2112 = arith.constant 4 : i32
      %swap3A_2113 = arith.index_cast %swap3A_2112 : i32 to index
      %swap3A_2114 = arith.constant 0 : index
      %swap3A_2115 = tpu.vector_load %arg9[%swap3A_2113, %swap3A_2114] {strides = array<i32>} : memref<15x16xf32, #tpu.memory_space<vmem>>, vector<16xf32>,
      tpu.vector_store %arg9[%swap3A_2113, %swap3A_2114], %add3A_2111 {strides = array<i32>} : memref<15x16xf32, #tpu.memory_space<vmem>>, vector<16xf32>,
      %eq3A_2116 = arith.constant 5 : i32
      %eq3A_2117 = vector.broadcast %eq3A_2116 : i32 to vector<16xi32>
      %eq3A_2118 = arith.cmpi eq, %add3A_1910, %eq3A_2117 : vector<16xi32>
      %get3A_2119 = arith.constant 5 : i32
      %get3A_2120 = arith.index_cast %get3A_2119 : i32 to index
      %get3A_2121 = arith.constant 0 : index
      %get3A_2122 = tpu.vector_load %arg7[%get3A_2120, %get3A_2121] {strides = array<i32>} : memref<15x16xf32, #tpu.memory_space<vmem>>, vector<16xf32>,
      %jit3A_2123 = arith.constant 1.000000e+00 : f32
      %jit3A_2124 = arith.constant 0.000000e+00 : f32
      %broadcast_in_dim3A_2125 = vector.broadcast %jit3A_2123 : f32 to vector<16xf32>
      %broadcast_in_dim3A_2126 = vector.broadcast %jit3A_2124 : f32 to vector<16xf32>
      %select_n3A_2127 = arith.select %eq3A_2118, %broadcast_in_dim3A_2125, %broadcast_in_dim3A_2126 : vector<16xi1>, vector<16xf32>
      %add3A_2128 = arith.addf %get3A_2122, %select_n3A_2127 : vector<16xf32>
      %swap3A_2129 = arith.constant 5 : i32
      %swap3A_2130 = arith.index_cast %swap3A_2129 : i32 to index
      %swap3A_2131 = arith.constant 0 : index
      %swap3A_2132 = tpu.vector_load %arg7[%swap3A_2130, %swap3A_2131] {strides = array<i32>} : memref<15x16xf32, #tpu.memory_space<vmem>>, vector<16xf32>,
      tpu.vector_store %arg7[%swap3A_2130, %swap3A_2131], %add3A_2128 {strides = array<i32>} : memref<15x16xf32, #tpu.memory_space<vmem>>, vector<16xf32>,
      %get3A_2133 = arith.constant 5 : i32
      %get3A_2134 = arith.index_cast %get3A_2133 : i32 to index
      %get3A_2135 = arith.constant 0 : index
      %get3A_2136 = tpu.vector_load %arg8[%get3A_2134, %get3A_2135] {strides = array<i32>} : memref<15x16xf32, #tpu.memory_space<vmem>>, vector<16xf32>,
      %jit3A_2137 = arith.constant 0.000000e+00 : f32
      %broadcast_in_dim3A_2138 = vector.broadcast %jit3A_2137 : f32 to vector<16xf32>
      %select_n3A_2139 = arith.select %eq3A_2118, %div3A_1773, %broadcast_in_dim3A_2138 : vector<16xi1>, vector<16xf32>
      %add3A_2140 = arith.addf %get3A_2136, %select_n3A_2139 : vector<16xf32>
      %swap3A_2141 = arith.constant 5 : i32
      %swap3A_2142 = arith.index_cast %swap3A_2141 : i32 to index
      %swap3A_2143 = arith.constant 0 : index
      %swap3A_2144 = tpu.vector_load %arg8[%swap3A_2142, %swap3A_2143] {strides = array<i32>} : memref<15x16xf32, #tpu.memory_space<vmem>>, vector<16xf32>,
      tpu.vector_store %arg8[%swap3A_2142, %swap3A_2143], %add3A_2140 {strides = array<i32>} : memref<15x16xf32, #tpu.memory_space<vmem>>, vector<16xf32>,
      %get3A_2145 = arith.constant 5 : i32
      %get3A_2146 = arith.index_cast %get3A_2145 : i32 to index
      %get3A_2147 = arith.constant 0 : index
      %get3A_2148 = tpu.vector_load %arg9[%get3A_2146, %get3A_2147] {strides = array<i32>} : memref<15x16xf32, #tpu.memory_space<vmem>>, vector<16xf32>,
      %jit3A_2149 = arith.constant 0.000000e+00 : f32
      %broadcast_in_dim3A_2150 = vector.broadcast %jit3A_2149 : f32 to vector<16xf32>
      %select_n3A_2151 = arith.select %eq3A_2118, %select_n3A_1771, %broadcast_in_dim3A_2150 : vector<16xi1>, vector<16xf32>
      %add3A_2152 = arith.addf %get3A_2148, %select_n3A_2151 : vector<16xf32>
      %swap3A_2153 = arith.constant 5 : i32
      %swap3A_2154 = arith.index_cast %swap3A_2153 : i32 to index
      %swap3A_2155 = arith.constant 0 : index
      %swap3A_2156 = tpu.vector_load %arg9[%swap3A_2154, %swap3A_2155] {strides = array<i32>} : memref<15x16xf32, #tpu.memory_space<vmem>>, vector<16xf32>,
      tpu.vector_store %arg9[%swap3A_2154, %swap3A_2155], %add3A_2152 {strides = array<i32>} : memref<15x16xf32, #tpu.memory_space<vmem>>, vector<16xf32>,
      %eq3A_2157 = arith.constant 6 : i32
      %eq3A_2158 = vector.broadcast %eq3A_2157 : i32 to vector<16xi32>
      %eq3A_2159 = arith.cmpi eq, %add3A_1910, %eq3A_2158 : vector<16xi32>
      %get3A_2160 = arith.constant 6 : i32
      %get3A_2161 = arith.index_cast %get3A_2160 : i32 to index
      %get3A_2162 = arith.constant 0 : index
      %get3A_2163 = tpu.vector_load %arg7[%get3A_2161, %get3A_2162] {strides = array<i32>} : memref<15x16xf32, #tpu.memory_space<vmem>>, vector<16xf32>,
      %jit3A_2164 = arith.constant 1.000000e+00 : f32
      %jit3A_2165 = arith.constant 0.000000e+00 : f32
      %broadcast_in_dim3A_2166 = vector.broadcast %jit3A_2164 : f32 to vector<16xf32>
      %broadcast_in_dim3A_2167 = vector.broadcast %jit3A_2165 : f32 to vector<16xf32>
      %select_n3A_2168 = arith.select %eq3A_2159, %broadcast_in_dim3A_2166, %broadcast_in_dim3A_2167 : vector<16xi1>, vector<16xf32>
      %add3A_2169 = arith.addf %get3A_2163, %select_n3A_2168 : vector<16xf32>
      %swap3A_2170 = arith.constant 6 : i32
      %swap3A_2171 = arith.index_cast %swap3A_2170 : i32 to index
      %swap3A_2172 = arith.constant 0 : index
      %swap3A_2173 = tpu.vector_load %arg7[%swap3A_2171, %swap3A_2172] {strides = array<i32>} : memref<15x16xf32, #tpu.memory_space<vmem>>, vector<16xf32>,
      tpu.vector_store %arg7[%swap3A_2171, %swap3A_2172], %add3A_2169 {strides = array<i32>} : memref<15x16xf32, #tpu.memory_space<vmem>>, vector<16xf32>,
      %get3A_2174 = arith.constant 6 : i32
      %get3A_2175 = arith.index_cast %get3A_2174 : i32 to index
      %get3A_2176 = arith.constant 0 : index
      %get3A_2177 = tpu.vector_load %arg8[%get3A_2175, %get3A_2176] {strides = array<i32>} : memref<15x16xf32, #tpu.memory_space<vmem>>, vector<16xf32>,
      %jit3A_2178 = arith.constant 0.000000e+00 : f32
      %broadcast_in_dim3A_2179 = vector.broadcast %jit3A_2178 : f32 to vector<16xf32>
      %select_n3A_2180 = arith.select %eq3A_2159, %div3A_1773, %broadcast_in_dim3A_2179 : vector<16xi1>, vector<16xf32>
      %add3A_2181 = arith.addf %get3A_2177, %select_n3A_2180 : vector<16xf32>
      %swap3A_2182 = arith.constant 6 : i32
      %swap3A_2183 = arith.index_cast %swap3A_2182 : i32 to index
      %swap3A_2184 = arith.constant 0 : index
      %swap3A_2185 = tpu.vector_load %arg8[%swap3A_2183, %swap3A_2184] {strides = array<i32>} : memref<15x16xf32, #tpu.memory_space<vmem>>, vector<16xf32>,
      tpu.vector_store %arg8[%swap3A_2183, %swap3A_2184], %add3A_2181 {strides = array<i32>} : memref<15x16xf32, #tpu.memory_space<vmem>>, vector<16xf32>,
      %get3A_2186 = arith.constant 6 : i32
      %get3A_2187 = arith.index_cast %get3A_2186 : i32 to index
      %get3A_2188 = arith.constant 0 : index
      %get3A_2189 = tpu.vector_load %arg9[%get3A_2187, %get3A_2188] {strides = array<i32>} : memref<15x16xf32, #tpu.memory_space<vmem>>, vector<16xf32>,
      %jit3A_2190 = arith.constant 0.000000e+00 : f32
      %broadcast_in_dim3A_2191 = vector.broadcast %jit3A_2190 : f32 to vector<16xf32>
      %select_n3A_2192 = arith.select %eq3A_2159, %select_n3A_1771, %broadcast_in_dim3A_2191 : vector<16xi1>, vector<16xf32>
      %add3A_2193 = arith.addf %get3A_2189, %select_n3A_2192 : vector<16xf32>
      %swap3A_2194 = arith.constant 6 : i32
      %swap3A_2195 = arith.index_cast %swap3A_2194 : i32 to index
      %swap3A_2196 = arith.constant 0 : index
      %swap3A_2197 = tpu.vector_load %arg9[%swap3A_2195, %swap3A_2196] {strides = array<i32>} : memref<15x16xf32, #tpu.memory_space<vmem>>, vector<16xf32>,
      tpu.vector_store %arg9[%swap3A_2195, %swap3A_2196], %add3A_2193 {strides = array<i32>} : memref<15x16xf32, #tpu.memory_space<vmem>>, vector<16xf32>,
      %eq3A_2198 = arith.constant 7 : i32
      %eq3A_2199 = vector.broadcast %eq3A_2198 : i32 to vector<16xi32>
      %eq3A_2200 = arith.cmpi eq, %add3A_1910, %eq3A_2199 : vector<16xi32>
      %get3A_2201 = arith.constant 7 : i32
      %get3A_2202 = arith.index_cast %get3A_2201 : i32 to index
      %get3A_2203 = arith.constant 0 : index
      %get3A_2204 = tpu.vector_load %arg7[%get3A_2202, %get3A_2203] {strides = array<i32>} : memref<15x16xf32, #tpu.memory_space<vmem>>, vector<16xf32>,
      %jit3A_2205 = arith.constant 1.000000e+00 : f32
      %jit3A_2206 = arith.constant 0.000000e+00 : f32
      %broadcast_in_dim3A_2207 = vector.broadcast %jit3A_2205 : f32 to vector<16xf32>
      %broadcast_in_dim3A_2208 = vector.broadcast %jit3A_2206 : f32 to vector<16xf32>
      %select_n3A_2209 = arith.select %eq3A_2200, %broadcast_in_dim3A_2207, %broadcast_in_dim3A_2208 : vector<16xi1>, vector<16xf32>
      %add3A_2210 = arith.addf %get3A_2204, %select_n3A_2209 : vector<16xf32>
      %swap3A_2211 = arith.constant 7 : i32
      %swap3A_2212 = arith.index_cast %swap3A_2211 : i32 to index
      %swap3A_2213 = arith.constant 0 : index
      %swap3A_2214 = tpu.vector_load %arg7[%swap3A_2212, %swap3A_2213] {strides = array<i32>} : memref<15x16xf32, #tpu.memory_space<vmem>>, vector<16xf32>,
      tpu.vector_store %arg7[%swap3A_2212, %swap3A_2213], %add3A_2210 {strides = array<i32>} : memref<15x16xf32, #tpu.memory_space<vmem>>, vector<16xf32>,
      %get3A_2215 = arith.constant 7 : i32
      %get3A_2216 = arith.index_cast %get3A_2215 : i32 to index
      %get3A_2217 = arith.constant 0 : index
      %get3A_2218 = tpu.vector_load %arg8[%get3A_2216, %get3A_2217] {strides = array<i32>} : memref<15x16xf32, #tpu.memory_space<vmem>>, vector<16xf32>,
      %jit3A_2219 = arith.constant 0.000000e+00 : f32
      %broadcast_in_dim3A_2220 = vector.broadcast %jit3A_2219 : f32 to vector<16xf32>
      %select_n3A_2221 = arith.select %eq3A_2200, %div3A_1773, %broadcast_in_dim3A_2220 : vector<16xi1>, vector<16xf32>
      %add3A_2222 = arith.addf %get3A_2218, %select_n3A_2221 : vector<16xf32>
      %swap3A_2223 = arith.constant 7 : i32
      %swap3A_2224 = arith.index_cast %swap3A_2223 : i32 to index
      %swap3A_2225 = arith.constant 0 : index
      %swap3A_2226 = tpu.vector_load %arg8[%swap3A_2224, %swap3A_2225] {strides = array<i32>} : memref<15x16xf32, #tpu.memory_space<vmem>>, vector<16xf32>,
      tpu.vector_store %arg8[%swap3A_2224, %swap3A_2225], %add3A_2222 {strides = array<i32>} : memref<15x16xf32, #tpu.memory_space<vmem>>, vector<16xf32>,
      %get3A_2227 = arith.constant 7 : i32
      %get3A_2228 = arith.index_cast %get3A_2227 : i32 to index
      %get3A_2229 = arith.constant 0 : index
      %get3A_2230 = tpu.vector_load %arg9[%get3A_2228, %get3A_2229] {strides = array<i32>} : memref<15x16xf32, #tpu.memory_space<vmem>>, vector<16xf32>,
      %jit3A_2231 = arith.constant 0.000000e+00 : f32
      %broadcast_in_dim3A_2232 = vector.broadcast %jit3A_2231 : f32 to vector<16xf32>
      %select_n3A_2233 = arith.select %eq3A_2200, %select_n3A_1771, %broadcast_in_dim3A_2232 : vector<16xi1>, vector<16xf32>
      %add3A_2234 = arith.addf %get3A_2230, %select_n3A_2233 : vector<16xf32>
      %swap3A_2235 = arith.constant 7 : i32
      %swap3A_2236 = arith.index_cast %swap3A_2235 : i32 to index
      %swap3A_2237 = arith.constant 0 : index
      %swap3A_2238 = tpu.vector_load %arg9[%swap3A_2236, %swap3A_2237] {strides = array<i32>} : memref<15x16xf32, #tpu.memory_space<vmem>>, vector<16xf32>,
      tpu.vector_store %arg9[%swap3A_2236, %swap3A_2237], %add3A_2234 {strides = array<i32>} : memref<15x16xf32, #tpu.memory_space<vmem>>, vector<16xf32>,
      %eq3A_2239 = arith.constant 8 : i32
      %eq3A_2240 = vector.broadcast %eq3A_2239 : i32 to vector<16xi32>
      %eq3A_2241 = arith.cmpi eq, %add3A_1910, %eq3A_2240 : vector<16xi32>
      %get3A_2242 = arith.constant 8 : i32
      %get3A_2243 = arith.index_cast %get3A_2242 : i32 to index
      %get3A_2244 = arith.constant 0 : index
      %get3A_2245 = tpu.vector_load %arg7[%get3A_2243, %get3A_2244] {strides = array<i32>} : memref<15x16xf32, #tpu.memory_space<vmem>>, vector<16xf32>,
      %jit3A_2246 = arith.constant 1.000000e+00 : f32
      %jit3A_2247 = arith.constant 0.000000e+00 : f32
      %broadcast_in_dim3A_2248 = vector.broadcast %jit3A_2246 : f32 to vector<16xf32>
      %broadcast_in_dim3A_2249 = vector.broadcast %jit3A_2247 : f32 to vector<16xf32>
      %select_n3A_2250 = arith.select %eq3A_2241, %broadcast_in_dim3A_2248, %broadcast_in_dim3A_2249 : vector<16xi1>, vector<16xf32>
      %add3A_2251 = arith.addf %get3A_2245, %select_n3A_2250 : vector<16xf32>
      %swap3A_2252 = arith.constant 8 : i32
      %swap3A_2253 = arith.index_cast %swap3A_2252 : i32 to index
      %swap3A_2254 = arith.constant 0 : index
      %swap3A_2255 = tpu.vector_load %arg7[%swap3A_2253, %swap3A_2254] {strides = array<i32>} : memref<15x16xf32, #tpu.memory_space<vmem>>, vector<16xf32>,
      tpu.vector_store %arg7[%swap3A_2253, %swap3A_2254], %add3A_2251 {strides = array<i32>} : memref<15x16xf32, #tpu.memory_space<vmem>>, vector<16xf32>,
      %get3A_2256 = arith.constant 8 : i32
      %get3A_2257 = arith.index_cast %get3A_2256 : i32 to index
      %get3A_2258 = arith.constant 0 : index
      %get3A_2259 = tpu.vector_load %arg8[%get3A_2257, %get3A_2258] {strides = array<i32>} : memref<15x16xf32, #tpu.memory_space<vmem>>, vector<16xf32>,
      %jit3A_2260 = arith.constant 0.000000e+00 : f32
      %broadcast_in_dim3A_2261 = vector.broadcast %jit3A_2260 : f32 to vector<16xf32>
      %select_n3A_2262 = arith.select %eq3A_2241, %div3A_1773, %broadcast_in_dim3A_2261 : vector<16xi1>, vector<16xf32>
      %add3A_2263 = arith.addf %get3A_2259, %select_n3A_2262 : vector<16xf32>
      %swap3A_2264 = arith.constant 8 : i32
      %swap3A_2265 = arith.index_cast %swap3A_2264 : i32 to index
      %swap3A_2266 = arith.constant 0 : index
      %swap3A_2267 = tpu.vector_load %arg8[%swap3A_2265, %swap3A_2266] {strides = array<i32>} : memref<15x16xf32, #tpu.memory_space<vmem>>, vector<16xf32>,
      tpu.vector_store %arg8[%swap3A_2265, %swap3A_2266], %add3A_2263 {strides = array<i32>} : memref<15x16xf32, #tpu.memory_space<vmem>>, vector<16xf32>,
      %get3A_2268 = arith.constant 8 : i32
      %get3A_2269 = arith.index_cast %get3A_2268 : i32 to index
      %get3A_2270 = arith.constant 0 : index
      %get3A_2271 = tpu.vector_load %arg9[%get3A_2269, %get3A_2270] {strides = array<i32>} : memref<15x16xf32, #tpu.memory_space<vmem>>, vector<16xf32>,
      %jit3A_2272 = arith.constant 0.000000e+00 : f32
      %broadcast_in_dim3A_2273 = vector.broadcast %jit3A_2272 : f32 to vector<16xf32>
      %select_n3A_2274 = arith.select %eq3A_2241, %select_n3A_1771, %broadcast_in_dim3A_2273 : vector<16xi1>, vector<16xf32>
      %add3A_2275 = arith.addf %get3A_2271, %select_n3A_2274 : vector<16xf32>
      %swap3A_2276 = arith.constant 8 : i32
      %swap3A_2277 = arith.index_cast %swap3A_2276 : i32 to index
      %swap3A_2278 = arith.constant 0 : index
      %swap3A_2279 = tpu.vector_load %arg9[%swap3A_2277, %swap3A_2278] {strides = array<i32>} : memref<15x16xf32, #tpu.memory_space<vmem>>, vector<16xf32>,
      tpu.vector_store %arg9[%swap3A_2277, %swap3A_2278], %add3A_2275 {strides = array<i32>} : memref<15x16xf32, #tpu.memory_space<vmem>>, vector<16xf32>,
      %eq3A_2280 = arith.constant 9 : i32
      %eq3A_2281 = vector.broadcast %eq3A_2280 : i32 to vector<16xi32>
      %eq3A_2282 = arith.cmpi eq, %add3A_1910, %eq3A_2281 : vector<16xi32>
      %get3A_2283 = arith.constant 9 : i32
      %get3A_2284 = arith.index_cast %get3A_2283 : i32 to index
      %get3A_2285 = arith.constant 0 : index
      %get3A_2286 = tpu.vector_load %arg7[%get3A_2284, %get3A_2285] {strides = array<i32>} : memref<15x16xf32, #tpu.memory_space<vmem>>, vector<16xf32>,
      %jit3A_2287 = arith.constant 1.000000e+00 : f32
      %jit3A_2288 = arith.constant 0.000000e+00 : f32
      %broadcast_in_dim3A_2289 = vector.broadcast %jit3A_2287 : f32 to vector<16xf32>
      %broadcast_in_dim3A_2290 = vector.broadcast %jit3A_2288 : f32 to vector<16xf32>
      %select_n3A_2291 = arith.select %eq3A_2282, %broadcast_in_dim3A_2289, %broadcast_in_dim3A_2290 : vector<16xi1>, vector<16xf32>
      %add3A_2292 = arith.addf %get3A_2286, %select_n3A_2291 : vector<16xf32>
      %swap3A_2293 = arith.constant 9 : i32
      %swap3A_2294 = arith.index_cast %swap3A_2293 : i32 to index
      %swap3A_2295 = arith.constant 0 : index
      %swap3A_2296 = tpu.vector_load %arg7[%swap3A_2294, %swap3A_2295] {strides = array<i32>} : memref<15x16xf32, #tpu.memory_space<vmem>>, vector<16xf32>,
      tpu.vector_store %arg7[%swap3A_2294, %swap3A_2295], %add3A_2292 {strides = array<i32>} : memref<15x16xf32, #tpu.memory_space<vmem>>, vector<16xf32>,
      %get3A_2297 = arith.constant 9 : i32
      %get3A_2298 = arith.index_cast %get3A_2297 : i32 to index
      %get3A_2299 = arith.constant 0 : index
      %get3A_2300 = tpu.vector_load %arg8[%get3A_2298, %get3A_2299] {strides = array<i32>} : memref<15x16xf32, #tpu.memory_space<vmem>>, vector<16xf32>,
      %jit3A_2301 = arith.constant 0.000000e+00 : f32
      %broadcast_in_dim3A_2302 = vector.broadcast %jit3A_2301 : f32 to vector<16xf32>
      %select_n3A_2303 = arith.select %eq3A_2282, %div3A_1773, %broadcast_in_dim3A_2302 : vector<16xi1>, vector<16xf32>
      %add3A_2304 = arith.addf %get3A_2300, %select_n3A_2303 : vector<16xf32>
      %swap3A_2305 = arith.constant 9 : i32
      %swap3A_2306 = arith.index_cast %swap3A_2305 : i32 to index
      %swap3A_2307 = arith.constant 0 : index
      %swap3A_2308 = tpu.vector_load %arg8[%swap3A_2306, %swap3A_2307] {strides = array<i32>} : memref<15x16xf32, #tpu.memory_space<vmem>>, vector<16xf32>,
      tpu.vector_store %arg8[%swap3A_2306, %swap3A_2307], %add3A_2304 {strides = array<i32>} : memref<15x16xf32, #tpu.memory_space<vmem>>, vector<16xf32>,
      %get3A_2309 = arith.constant 9 : i32
      %get3A_2310 = arith.index_cast %get3A_2309 : i32 to index
      %get3A_2311 = arith.constant 0 : index
      %get3A_2312 = tpu.vector_load %arg9[%get3A_2310, %get3A_2311] {strides = array<i32>} : memref<15x16xf32, #tpu.memory_space<vmem>>, vector<16xf32>,
      %jit3A_2313 = arith.constant 0.000000e+00 : f32
      %broadcast_in_dim3A_2314 = vector.broadcast %jit3A_2313 : f32 to vector<16xf32>
      %select_n3A_2315 = arith.select %eq3A_2282, %select_n3A_1771, %broadcast_in_dim3A_2314 : vector<16xi1>, vector<16xf32>
      %add3A_2316 = arith.addf %get3A_2312, %select_n3A_2315 : vector<16xf32>
      %swap3A_2317 = arith.constant 9 : i32
      %swap3A_2318 = arith.index_cast %swap3A_2317 : i32 to index
      %swap3A_2319 = arith.constant 0 : index
      %swap3A_2320 = tpu.vector_load %arg9[%swap3A_2318, %swap3A_2319] {strides = array<i32>} : memref<15x16xf32, #tpu.memory_space<vmem>>, vector<16xf32>,
      tpu.vector_store %arg9[%swap3A_2318, %swap3A_2319], %add3A_2316 {strides = array<i32>} : memref<15x16xf32, #tpu.memory_space<vmem>>, vector<16xf32>,
      %eq3A_2321 = arith.constant 10 : i32
      %eq3A_2322 = vector.broadcast %eq3A_2321 : i32 to vector<16xi32>
      %eq3A_2323 = arith.cmpi eq, %add3A_1910, %eq3A_2322 : vector<16xi32>
      %get3A_2324 = arith.constant 10 : i32
      %get3A_2325 = arith.index_cast %get3A_2324 : i32 to index
      %get3A_2326 = arith.constant 0 : index
      %get3A_2327 = tpu.vector_load %arg7[%get3A_2325, %get3A_2326] {strides = array<i32>} : memref<15x16xf32, #tpu.memory_space<vmem>>, vector<16xf32>,
      %jit3A_2328 = arith.constant 1.000000e+00 : f32
      %jit3A_2329 = arith.constant 0.000000e+00 : f32
      %broadcast_in_dim3A_2330 = vector.broadcast %jit3A_2328 : f32 to vector<16xf32>
      %broadcast_in_dim3A_2331 = vector.broadcast %jit3A_2329 : f32 to vector<16xf32>
      %select_n3A_2332 = arith.select %eq3A_2323, %broadcast_in_dim3A_2330, %broadcast_in_dim3A_2331 : vector<16xi1>, vector<16xf32>
      %add3A_2333 = arith.addf %get3A_2327, %select_n3A_2332 : vector<16xf32>
      %swap3A_2334 = arith.constant 10 : i32
      %swap3A_2335 = arith.index_cast %swap3A_2334 : i32 to index
      %swap3A_2336 = arith.constant 0 : index
      %swap3A_2337 = tpu.vector_load %arg7[%swap3A_2335, %swap3A_2336] {strides = array<i32>} : memref<15x16xf32, #tpu.memory_space<vmem>>, vector<16xf32>,
      tpu.vector_store %arg7[%swap3A_2335, %swap3A_2336], %add3A_2333 {strides = array<i32>} : memref<15x16xf32, #tpu.memory_space<vmem>>, vector<16xf32>,
      %get3A_2338 = arith.constant 10 : i32
      %get3A_2339 = arith.index_cast %get3A_2338 : i32 to index
      %get3A_2340 = arith.constant 0 : index
      %get3A_2341 = tpu.vector_load %arg8[%get3A_2339, %get3A_2340] {strides = array<i32>} : memref<15x16xf32, #tpu.memory_space<vmem>>, vector<16xf32>,
      %jit3A_2342 = arith.constant 0.000000e+00 : f32
      %broadcast_in_dim3A_2343 = vector.broadcast %jit3A_2342 : f32 to vector<16xf32>
      %select_n3A_2344 = arith.select %eq3A_2323, %div3A_1773, %broadcast_in_dim3A_2343 : vector<16xi1>, vector<16xf32>
      %add3A_2345 = arith.addf %get3A_2341, %select_n3A_2344 : vector<16xf32>
      %swap3A_2346 = arith.constant 10 : i32
      %swap3A_2347 = arith.index_cast %swap3A_2346 : i32 to index
      %swap3A_2348 = arith.constant 0 : index
      %swap3A_2349 = tpu.vector_load %arg8[%swap3A_2347, %swap3A_2348] {strides = array<i32>} : memref<15x16xf32, #tpu.memory_space<vmem>>, vector<16xf32>,
      tpu.vector_store %arg8[%swap3A_2347, %swap3A_2348], %add3A_2345 {strides = array<i32>} : memref<15x16xf32, #tpu.memory_space<vmem>>, vector<16xf32>,
      %get3A_2350 = arith.constant 10 : i32
      %get3A_2351 = arith.index_cast %get3A_2350 : i32 to index
      %get3A_2352 = arith.constant 0 : index
      %get3A_2353 = tpu.vector_load %arg9[%get3A_2351, %get3A_2352] {strides = array<i32>} : memref<15x16xf32, #tpu.memory_space<vmem>>, vector<16xf32>,
      %jit3A_2354 = arith.constant 0.000000e+00 : f32
      %broadcast_in_dim3A_2355 = vector.broadcast %jit3A_2354 : f32 to vector<16xf32>
      %select_n3A_2356 = arith.select %eq3A_2323, %select_n3A_1771, %broadcast_in_dim3A_2355 : vector<16xi1>, vector<16xf32>
      %add3A_2357 = arith.addf %get3A_2353, %select_n3A_2356 : vector<16xf32>
      %swap3A_2358 = arith.constant 10 : i32
      %swap3A_2359 = arith.index_cast %swap3A_2358 : i32 to index
      %swap3A_2360 = arith.constant 0 : index
      %swap3A_2361 = tpu.vector_load %arg9[%swap3A_2359, %swap3A_2360] {strides = array<i32>} : memref<15x16xf32, #tpu.memory_space<vmem>>, vector<16xf32>,
      tpu.vector_store %arg9[%swap3A_2359, %swap3A_2360], %add3A_2357 {strides = array<i32>} : memref<15x16xf32, #tpu.memory_space<vmem>>, vector<16xf32>,
      %eq3A_2362 = arith.constant 11 : i32
      %eq3A_2363 = vector.broadcast %eq3A_2362 : i32 to vector<16xi32>
      %eq3A_2364 = arith.cmpi eq, %add3A_1910, %eq3A_2363 : vector<16xi32>
      %get3A_2365 = arith.constant 11 : i32
      %get3A_2366 = arith.index_cast %get3A_2365 : i32 to index
      %get3A_2367 = arith.constant 0 : index
      %get3A_2368 = tpu.vector_load %arg7[%get3A_2366, %get3A_2367] {strides = array<i32>} : memref<15x16xf32, #tpu.memory_space<vmem>>, vector<16xf32>,
      %jit3A_2369 = arith.constant 1.000000e+00 : f32
      %jit3A_2370 = arith.constant 0.000000e+00 : f32
      %broadcast_in_dim3A_2371 = vector.broadcast %jit3A_2369 : f32 to vector<16xf32>
      %broadcast_in_dim3A_2372 = vector.broadcast %jit3A_2370 : f32 to vector<16xf32>
      %select_n3A_2373 = arith.select %eq3A_2364, %broadcast_in_dim3A_2371, %broadcast_in_dim3A_2372 : vector<16xi1>, vector<16xf32>
      %add3A_2374 = arith.addf %get3A_2368, %select_n3A_2373 : vector<16xf32>
      %swap3A_2375 = arith.constant 11 : i32
      %swap3A_2376 = arith.index_cast %swap3A_2375 : i32 to index
      %swap3A_2377 = arith.constant 0 : index
      %swap3A_2378 = tpu.vector_load %arg7[%swap3A_2376, %swap3A_2377] {strides = array<i32>} : memref<15x16xf32, #tpu.memory_space<vmem>>, vector<16xf32>,
      tpu.vector_store %arg7[%swap3A_2376, %swap3A_2377], %add3A_2374 {strides = array<i32>} : memref<15x16xf32, #tpu.memory_space<vmem>>, vector<16xf32>,
      %get3A_2379 = arith.constant 11 : i32
      %get3A_2380 = arith.index_cast %get3A_2379 : i32 to index
      %get3A_2381 = arith.constant 0 : index
      %get3A_2382 = tpu.vector_load %arg8[%get3A_2380, %get3A_2381] {strides = array<i32>} : memref<15x16xf32, #tpu.memory_space<vmem>>, vector<16xf32>,
      %jit3A_2383 = arith.constant 0.000000e+00 : f32
      %broadcast_in_dim3A_2384 = vector.broadcast %jit3A_2383 : f32 to vector<16xf32>
      %select_n3A_2385 = arith.select %eq3A_2364, %div3A_1773, %broadcast_in_dim3A_2384 : vector<16xi1>, vector<16xf32>
      %add3A_2386 = arith.addf %get3A_2382, %select_n3A_2385 : vector<16xf32>
      %swap3A_2387 = arith.constant 11 : i32
      %swap3A_2388 = arith.index_cast %swap3A_2387 : i32 to index
      %swap3A_2389 = arith.constant 0 : index
      %swap3A_2390 = tpu.vector_load %arg8[%swap3A_2388, %swap3A_2389] {strides = array<i32>} : memref<15x16xf32, #tpu.memory_space<vmem>>, vector<16xf32>,
      tpu.vector_store %arg8[%swap3A_2388, %swap3A_2389], %add3A_2386 {strides = array<i32>} : memref<15x16xf32, #tpu.memory_space<vmem>>, vector<16xf32>,
      %get3A_2391 = arith.constant 11 : i32
      %get3A_2392 = arith.index_cast %get3A_2391 : i32 to index
      %get3A_2393 = arith.constant 0 : index
      %get3A_2394 = tpu.vector_load %arg9[%get3A_2392, %get3A_2393] {strides = array<i32>} : memref<15x16xf32, #tpu.memory_space<vmem>>, vector<16xf32>,
      %jit3A_2395 = arith.constant 0.000000e+00 : f32
      %broadcast_in_dim3A_2396 = vector.broadcast %jit3A_2395 : f32 to vector<16xf32>
      %select_n3A_2397 = arith.select %eq3A_2364, %select_n3A_1771, %broadcast_in_dim3A_2396 : vector<16xi1>, vector<16xf32>
      %add3A_2398 = arith.addf %get3A_2394, %select_n3A_2397 : vector<16xf32>
      %swap3A_2399 = arith.constant 11 : i32
      %swap3A_2400 = arith.index_cast %swap3A_2399 : i32 to index
      %swap3A_2401 = arith.constant 0 : index
      %swap3A_2402 = tpu.vector_load %arg9[%swap3A_2400, %swap3A_2401] {strides = array<i32>} : memref<15x16xf32, #tpu.memory_space<vmem>>, vector<16xf32>,
      tpu.vector_store %arg9[%swap3A_2400, %swap3A_2401], %add3A_2398 {strides = array<i32>} : memref<15x16xf32, #tpu.memory_space<vmem>>, vector<16xf32>,
      %eq3A_2403 = arith.constant 12 : i32
      %eq3A_2404 = vector.broadcast %eq3A_2403 : i32 to vector<16xi32>
      %eq3A_2405 = arith.cmpi eq, %add3A_1910, %eq3A_2404 : vector<16xi32>
      %get3A_2406 = arith.constant 12 : i32
      %get3A_2407 = arith.index_cast %get3A_2406 : i32 to index
      %get3A_2408 = arith.constant 0 : index
      %get3A_2409 = tpu.vector_load %arg7[%get3A_2407, %get3A_2408] {strides = array<i32>} : memref<15x16xf32, #tpu.memory_space<vmem>>, vector<16xf32>,
      %jit3A_2410 = arith.constant 1.000000e+00 : f32
      %jit3A_2411 = arith.constant 0.000000e+00 : f32
      %broadcast_in_dim3A_2412 = vector.broadcast %jit3A_2410 : f32 to vector<16xf32>
      %broadcast_in_dim3A_2413 = vector.broadcast %jit3A_2411 : f32 to vector<16xf32>
      %select_n3A_2414 = arith.select %eq3A_2405, %broadcast_in_dim3A_2412, %broadcast_in_dim3A_2413 : vector<16xi1>, vector<16xf32>
      %add3A_2415 = arith.addf %get3A_2409, %select_n3A_2414 : vector<16xf32>
      %swap3A_2416 = arith.constant 12 : i32
      %swap3A_2417 = arith.index_cast %swap3A_2416 : i32 to index
      %swap3A_2418 = arith.constant 0 : index
      %swap3A_2419 = tpu.vector_load %arg7[%swap3A_2417, %swap3A_2418] {strides = array<i32>} : memref<15x16xf32, #tpu.memory_space<vmem>>, vector<16xf32>,
      tpu.vector_store %arg7[%swap3A_2417, %swap3A_2418], %add3A_2415 {strides = array<i32>} : memref<15x16xf32, #tpu.memory_space<vmem>>, vector<16xf32>,
      %get3A_2420 = arith.constant 12 : i32
      %get3A_2421 = arith.index_cast %get3A_2420 : i32 to index
      %get3A_2422 = arith.constant 0 : index
      %get3A_2423 = tpu.vector_load %arg8[%get3A_2421, %get3A_2422] {strides = array<i32>} : memref<15x16xf32, #tpu.memory_space<vmem>>, vector<16xf32>,
      %jit3A_2424 = arith.constant 0.000000e+00 : f32
      %broadcast_in_dim3A_2425 = vector.broadcast %jit3A_2424 : f32 to vector<16xf32>
      %select_n3A_2426 = arith.select %eq3A_2405, %div3A_1773, %broadcast_in_dim3A_2425 : vector<16xi1>, vector<16xf32>
      %add3A_2427 = arith.addf %get3A_2423, %select_n3A_2426 : vector<16xf32>
      %swap3A_2428 = arith.constant 12 : i32
      %swap3A_2429 = arith.index_cast %swap3A_2428 : i32 to index
      %swap3A_2430 = arith.constant 0 : index
      %swap3A_2431 = tpu.vector_load %arg8[%swap3A_2429, %swap3A_2430] {strides = array<i32>} : memref<15x16xf32, #tpu.memory_space<vmem>>, vector<16xf32>,
      tpu.vector_store %arg8[%swap3A_2429, %swap3A_2430], %add3A_2427 {strides = array<i32>} : memref<15x16xf32, #tpu.memory_space<vmem>>, vector<16xf32>,
      %get3A_2432 = arith.constant 12 : i32
      %get3A_2433 = arith.index_cast %get3A_2432 : i32 to index
      %get3A_2434 = arith.constant 0 : index
      %get3A_2435 = tpu.vector_load %arg9[%get3A_2433, %get3A_2434] {strides = array<i32>} : memref<15x16xf32, #tpu.memory_space<vmem>>, vector<16xf32>,
      %jit3A_2436 = arith.constant 0.000000e+00 : f32
      %broadcast_in_dim3A_2437 = vector.broadcast %jit3A_2436 : f32 to vector<16xf32>
      %select_n3A_2438 = arith.select %eq3A_2405, %select_n3A_1771, %broadcast_in_dim3A_2437 : vector<16xi1>, vector<16xf32>
      %add3A_2439 = arith.addf %get3A_2435, %select_n3A_2438 : vector<16xf32>
      %swap3A_2440 = arith.constant 12 : i32
      %swap3A_2441 = arith.index_cast %swap3A_2440 : i32 to index
      %swap3A_2442 = arith.constant 0 : index
      %swap3A_2443 = tpu.vector_load %arg9[%swap3A_2441, %swap3A_2442] {strides = array<i32>} : memref<15x16xf32, #tpu.memory_space<vmem>>, vector<16xf32>,
      tpu.vector_store %arg9[%swap3A_2441, %swap3A_2442], %add3A_2439 {strides = array<i32>} : memref<15x16xf32, #tpu.memory_space<vmem>>, vector<16xf32>,
      %eq3A_2444 = arith.constant 13 : i32
      %eq3A_2445 = vector.broadcast %eq3A_2444 : i32 to vector<16xi32>
      %eq3A_2446 = arith.cmpi eq, %add3A_1910, %eq3A_2445 : vector<16xi32>
      %get3A_2447 = arith.constant 13 : i32
      %get3A_2448 = arith.index_cast %get3A_2447 : i32 to index
      %get3A_2449 = arith.constant 0 : index
      %get3A_2450 = tpu.vector_load %arg7[%get3A_2448, %get3A_2449] {strides = array<i32>} : memref<15x16xf32, #tpu.memory_space<vmem>>, vector<16xf32>,
      %jit3A_2451 = arith.constant 1.000000e+00 : f32
      %jit3A_2452 = arith.constant 0.000000e+00 : f32
      %broadcast_in_dim3A_2453 = vector.broadcast %jit3A_2451 : f32 to vector<16xf32>
      %broadcast_in_dim3A_2454 = vector.broadcast %jit3A_2452 : f32 to vector<16xf32>
      %select_n3A_2455 = arith.select %eq3A_2446, %broadcast_in_dim3A_2453, %broadcast_in_dim3A_2454 : vector<16xi1>, vector<16xf32>
      %add3A_2456 = arith.addf %get3A_2450, %select_n3A_2455 : vector<16xf32>
      %swap3A_2457 = arith.constant 13 : i32
      %swap3A_2458 = arith.index_cast %swap3A_2457 : i32 to index
      %swap3A_2459 = arith.constant 0 : index
      %swap3A_2460 = tpu.vector_load %arg7[%swap3A_2458, %swap3A_2459] {strides = array<i32>} : memref<15x16xf32, #tpu.memory_space<vmem>>, vector<16xf32>,
      tpu.vector_store %arg7[%swap3A_2458, %swap3A_2459], %add3A_2456 {strides = array<i32>} : memref<15x16xf32, #tpu.memory_space<vmem>>, vector<16xf32>,
      %get3A_2461 = arith.constant 13 : i32
      %get3A_2462 = arith.index_cast %get3A_2461 : i32 to index
      %get3A_2463 = arith.constant 0 : index
      %get3A_2464 = tpu.vector_load %arg8[%get3A_2462, %get3A_2463] {strides = array<i32>} : memref<15x16xf32, #tpu.memory_space<vmem>>, vector<16xf32>,
      %jit3A_2465 = arith.constant 0.000000e+00 : f32
      %broadcast_in_dim3A_2466 = vector.broadcast %jit3A_2465 : f32 to vector<16xf32>
      %select_n3A_2467 = arith.select %eq3A_2446, %div3A_1773, %broadcast_in_dim3A_2466 : vector<16xi1>, vector<16xf32>
      %add3A_2468 = arith.addf %get3A_2464, %select_n3A_2467 : vector<16xf32>
      %swap3A_2469 = arith.constant 13 : i32
      %swap3A_2470 = arith.index_cast %swap3A_2469 : i32 to index
      %swap3A_2471 = arith.constant 0 : index
      %swap3A_2472 = tpu.vector_load %arg8[%swap3A_2470, %swap3A_2471] {strides = array<i32>} : memref<15x16xf32, #tpu.memory_space<vmem>>, vector<16xf32>,
      tpu.vector_store %arg8[%swap3A_2470, %swap3A_2471], %add3A_2468 {strides = array<i32>} : memref<15x16xf32, #tpu.memory_space<vmem>>, vector<16xf32>,
      %get3A_2473 = arith.constant 13 : i32
      %get3A_2474 = arith.index_cast %get3A_2473 : i32 to index
      %get3A_2475 = arith.constant 0 : index
      %get3A_2476 = tpu.vector_load %arg9[%get3A_2474, %get3A_2475] {strides = array<i32>} : memref<15x16xf32, #tpu.memory_space<vmem>>, vector<16xf32>,
      %jit3A_2477 = arith.constant 0.000000e+00 : f32
      %broadcast_in_dim3A_2478 = vector.broadcast %jit3A_2477 : f32 to vector<16xf32>
      %select_n3A_2479 = arith.select %eq3A_2446, %select_n3A_1771, %broadcast_in_dim3A_2478 : vector<16xi1>, vector<16xf32>
      %add3A_2480 = arith.addf %get3A_2476, %select_n3A_2479 : vector<16xf32>
      %swap3A_2481 = arith.constant 13 : i32
      %swap3A_2482 = arith.index_cast %swap3A_2481 : i32 to index
      %swap3A_2483 = arith.constant 0 : index
      %swap3A_2484 = tpu.vector_load %arg9[%swap3A_2482, %swap3A_2483] {strides = array<i32>} : memref<15x16xf32, #tpu.memory_space<vmem>>, vector<16xf32>,
      tpu.vector_store %arg9[%swap3A_2482, %swap3A_2483], %add3A_2480 {strides = array<i32>} : memref<15x16xf32, #tpu.memory_space<vmem>>, vector<16xf32>,
      %eq3A_2485 = arith.constant 14 : i32
      %eq3A_2486 = vector.broadcast %eq3A_2485 : i32 to vector<16xi32>
      %eq3A_2487 = arith.cmpi eq, %add3A_1910, %eq3A_2486 : vector<16xi32>
      %get3A_2488 = arith.constant 14 : i32
      %get3A_2489 = arith.index_cast %get3A_2488 : i32 to index
      %get3A_2490 = arith.constant 0 : index
      %get3A_2491 = tpu.vector_load %arg7[%get3A_2489, %get3A_2490] {strides = array<i32>} : memref<15x16xf32, #tpu.memory_space<vmem>>, vector<16xf32>,
      %jit3A_2492 = arith.constant 1.000000e+00 : f32
      %jit3A_2493 = arith.constant 0.000000e+00 : f32
      %broadcast_in_dim3A_2494 = vector.broadcast %jit3A_2492 : f32 to vector<16xf32>
      %broadcast_in_dim3A_2495 = vector.broadcast %jit3A_2493 : f32 to vector<16xf32>
      %select_n3A_2496 = arith.select %eq3A_2487, %broadcast_in_dim3A_2494, %broadcast_in_dim3A_2495 : vector<16xi1>, vector<16xf32>
      %add3A_2497 = arith.addf %get3A_2491, %select_n3A_2496 : vector<16xf32>
      %swap3A_2498 = arith.constant 14 : i32
      %swap3A_2499 = arith.index_cast %swap3A_2498 : i32 to index
      %swap3A_2500 = arith.constant 0 : index
      %swap3A_2501 = tpu.vector_load %arg7[%swap3A_2499, %swap3A_2500] {strides = array<i32>} : memref<15x16xf32, #tpu.memory_space<vmem>>, vector<16xf32>,
      tpu.vector_store %arg7[%swap3A_2499, %swap3A_2500], %add3A_2497 {strides = array<i32>} : memref<15x16xf32, #tpu.memory_space<vmem>>, vector<16xf32>,
      %get3A_2502 = arith.constant 14 : i32
      %get3A_2503 = arith.index_cast %get3A_2502 : i32 to index
      %get3A_2504 = arith.constant 0 : index
      %get3A_2505 = tpu.vector_load %arg8[%get3A_2503, %get3A_2504] {strides = array<i32>} : memref<15x16xf32, #tpu.memory_space<vmem>>, vector<16xf32>,
      %jit3A_2506 = arith.constant 0.000000e+00 : f32
      %broadcast_in_dim3A_2507 = vector.broadcast %jit3A_2506 : f32 to vector<16xf32>
      %select_n3A_2508 = arith.select %eq3A_2487, %div3A_1773, %broadcast_in_dim3A_2507 : vector<16xi1>, vector<16xf32>
      %add3A_2509 = arith.addf %get3A_2505, %select_n3A_2508 : vector<16xf32>
      %swap3A_2510 = arith.constant 14 : i32
      %swap3A_2511 = arith.index_cast %swap3A_2510 : i32 to index
      %swap3A_2512 = arith.constant 0 : index
      %swap3A_2513 = tpu.vector_load %arg8[%swap3A_2511, %swap3A_2512] {strides = array<i32>} : memref<15x16xf32, #tpu.memory_space<vmem>>, vector<16xf32>,
      tpu.vector_store %arg8[%swap3A_2511, %swap3A_2512], %add3A_2509 {strides = array<i32>} : memref<15x16xf32, #tpu.memory_space<vmem>>, vector<16xf32>,
      %get3A_2514 = arith.constant 14 : i32
      %get3A_2515 = arith.index_cast %get3A_2514 : i32 to index
      %get3A_2516 = arith.constant 0 : index
      %get3A_2517 = tpu.vector_load %arg9[%get3A_2515, %get3A_2516] {strides = array<i32>} : memref<15x16xf32, #tpu.memory_space<vmem>>, vector<16xf32>,
      %jit3A_2518 = arith.constant 0.000000e+00 : f32
      %broadcast_in_dim3A_2519 = vector.broadcast %jit3A_2518 : f32 to vector<16xf32>
      %select_n3A_2520 = arith.select %eq3A_2487, %select_n3A_1771, %broadcast_in_dim3A_2519 : vector<16xi1>, vector<16xf32>
      %add3A_2521 = arith.addf %get3A_2517, %select_n3A_2520 : vector<16xf32>
      %swap3A_2522 = arith.constant 14 : i32
      %swap3A_2523 = arith.index_cast %swap3A_2522 : i32 to index
      %swap3A_2524 = arith.constant 0 : index
      %swap3A_2525 = tpu.vector_load %arg9[%swap3A_2523, %swap3A_2524] {strides = array<i32>} : memref<15x16xf32, #tpu.memory_space<vmem>>, vector<16xf32>,
      tpu.vector_store %arg9[%swap3A_2523, %swap3A_2524], %add3A_2521 {strides = array<i32>} : memref<15x16xf32, #tpu.memory_space<vmem>>, vector<16xf32>,
      %add3A_2526 = arith.constant 2 : i32
      %add3A_2527 = arith.addi %add3A_1420, %add3A_2526 : i32
      %lt3A_2528 = arith.constant 4 : i32
      %lt3A_2529 = arith.cmpi slt, %add3A_2527, %lt3A_2528 : i32
      %convert_element_type3A_2530 = arith.extui %lt3A_2529 : i1 to i32
      %cond3A_2531 = arith.constant 0 : i32
      %cond3A_2532 = arith.cmpi ne, %convert_element_type3A_2530, %cond3A_2531 : i32
      scf.if %cond3A_2532 {
        %mul3A_2533 = arith.constant 16 : i32
        %mul3A_2534 = arith.muli %add3A_2527, %mul3A_2533 : i32
        %add3A_2535 = arith.addi %mul3A_2, %mul3A_2534 : i32
        %dma_start3A_2536 = arith.constant 1 : i32
        %dma_start3A_2537 = arith.constant 1 : i32
        %dma_start3A_2538 = arith.constant 0 : i32
        %dma_start3A_2539 = arith.constant 0 : i32
        %dma_start3A_2540 = tpu.memref_slice %arg5[%dma_start3A_2536, %dma_start3A_2538, %dma_start3A_2539] : memref<2x16x1000xf32, #tpu.memory_space<vmem>> -> memref<1x16x1000xf32, #tpu.memory_space<vmem>>
        %dma_start3A_2541 = tpu.memref_squeeze %dma_start3A_2540 : memref<1x16x1000xf32, #tpu.memory_space<vmem>> -> memref<16x1000xf32, #tpu.memory_space<vmem>>
        %dma_start3A_2542 = arith.constant 0 : i32
        %dma_start3A_2543 = tpu.memref_slice %arg2[%add3A_2535, %dma_start3A_2542] : memref<16384x1000xf32, #tpu.memory_space<hbm>> -> memref<16x1000xf32, #tpu.memory_space<hbm>>
        %dma_start3A_2544 = tpu.memref_slice %arg10[%dma_start3A_2537] : memref<2x!tpu.dma_semaphore, #tpu.memory_space<semaphore_mem>> -> memref<1x!tpu.dma_semaphore, #tpu.memory_space<semaphore_mem>>
        %dma_start3A_2545 = tpu.memref_squeeze %dma_start3A_2544 : memref<1x!tpu.dma_semaphore, #tpu.memory_space<semaphore_mem>> -> memref<!tpu.dma_semaphore, #tpu.memory_space<semaphore_mem>>
        %dma_start3A_2546 = arith.constant 0 : i32
        %dma_start3A_2547 = arith.constant 0 : i32
        %dma_start3A_2548 = tpu.memref_slice %arg5[%dma_start3A_2536, %dma_start3A_2546, %dma_start3A_2547] : memref<2x16x1000xf32, #tpu.memory_space<vmem>> -> memref<1x16x1000xf32, #tpu.memory_space<vmem>>
        %dma_start3A_2549 = tpu.memref_squeeze %dma_start3A_2548 : memref<1x16x1000xf32, #tpu.memory_space<vmem>> -> memref<16x1000xf32, #tpu.memory_space<vmem>>
        %dma_start3A_2550 = arith.constant 0 : i32
        %dma_start3A_2551 = tpu.memref_slice %arg2[%add3A_2535, %dma_start3A_2550] : memref<16384x1000xf32, #tpu.memory_space<hbm>> -> memref<16x1000xf32, #tpu.memory_space<hbm>>
        tpu.enqueue_dma source(%dma_start3A_2551 : memref<16x1000xf32, #tpu.memory_space<hbm>>) target(%dma_start3A_2549 : memref<16x1000xf32, #tpu.memory_space<vmem>>) target_semaphore(%dma_start3A_2545 : memref<!tpu.dma_semaphore, #tpu.memory_space<semaphore_mem>>)
      } else {
      }
    }
    %scan3A_312 = arith.constant 2 : i32
    %run_scoped3A = arith.constant 0 : i32
    "tpu.region"() ({
      %run_scoped3A_315 = tpu.sem_alloc : memref<!tpu.dma_semaphore, #tpu.memory_space<semaphore_mem>>
      %dma_start3A_316 = arith.constant 0 : i32
      %dma_start3A_317 = arith.constant 0 : i32
      %dma_start3A_318 = tpu.memref_slice %arg4[%add3A, %run_scoped3A, %dma_start3A_316, %dma_start3A_317] : memref<32x3x15x16xf32, #tpu.memory_space<hbm>> -> memref<1x1x15x16xf32, #tpu.memory_space<hbm>>
      %dma_start3A_319 = tpu.memref_squeeze %dma_start3A_318 : memref<1x1x15x16xf32, #tpu.memory_space<hbm>> -> memref<15x16xf32, #tpu.memory_space<hbm>>
      %dma_start3A_320 = arith.constant 0 : i32
      %dma_start3A_321 = arith.constant 0 : i32
      %dma_start3A_322 = tpu.memref_slice %arg4[%add3A, %run_scoped3A, %dma_start3A_320, %dma_start3A_321] : memref<32x3x15x16xf32, #tpu.memory_space<hbm>> -> memref<1x1x15x16xf32, #tpu.memory_space<hbm>>
      %dma_start3A_323 = tpu.memref_squeeze %dma_start3A_322 : memref<1x1x15x16xf32, #tpu.memory_space<hbm>> -> memref<15x16xf32, #tpu.memory_space<hbm>>
      tpu.enqueue_dma source(%arg7 : memref<15x16xf32, #tpu.memory_space<vmem>>) target(%dma_start3A_323 : memref<15x16xf32, #tpu.memory_space<hbm>>) target_semaphore(%run_scoped3A_315 : memref<!tpu.dma_semaphore, #tpu.memory_space<semaphore_mem>>)
      %dma_wait3A = arith.constant 0 : i32
      %dma_wait3A_324 = arith.constant 0 : i32
      %dma_wait3A_325 = tpu.memref_slice %arg4[%add3A, %run_scoped3A, %dma_wait3A, %dma_wait3A_324] : memref<32x3x15x16xf32, #tpu.memory_space<hbm>> -> memref<1x1x15x16xf32, #tpu.memory_space<hbm>>
      %dma_wait3A_326 = tpu.memref_squeeze %dma_wait3A_325 : memref<1x1x15x16xf32, #tpu.memory_space<hbm>> -> memref<15x16xf32, #tpu.memory_space<hbm>>
      %dma_wait3A_327 = arith.constant 0 : i32
      %dma_wait3A_328 = arith.constant 0 : i32
      %dma_wait3A_329 = tpu.memref_slice %arg4[%add3A, %run_scoped3A, %dma_wait3A_327, %dma_wait3A_328] : memref<32x3x15x16xf32, #tpu.memory_space<hbm>> -> memref<1x1x15x16xf32, #tpu.memory_space<hbm>>
      %dma_wait3A_330 = tpu.memref_squeeze %dma_wait3A_329 : memref<1x1x15x16xf32, #tpu.memory_space<hbm>> -> memref<15x16xf32, #tpu.memory_space<hbm>>
      tpu.wait_dma2 semaphore(%run_scoped3A_315 : memref<!tpu.dma_semaphore, #tpu.memory_space<semaphore_mem>>) src(%arg7 : memref<15x16xf32, #tpu.memory_space<vmem>>) dst(%dma_wait3A_330 : memref<15x16xf32, #tpu.memory_space<hbm>>)
      tpu.yield
    }) : () -> ()
    %run_scoped3A_313 = arith.constant 1 : i32
    "tpu.region"() ({
      %run_scoped3A_315 = tpu.sem_alloc : memref<!tpu.dma_semaphore, #tpu.memory_space<semaphore_mem>>
      %dma_start3A_316 = arith.constant 0 : i32
      %dma_start3A_317 = arith.constant 0 : i32
      %dma_start3A_318 = tpu.memref_slice %arg4[%add3A, %run_scoped3A_313, %dma_start3A_316, %dma_start3A_317] : memref<32x3x15x16xf32, #tpu.memory_space<hbm>> -> memref<1x1x15x16xf32, #tpu.memory_space<hbm>>
      %dma_start3A_319 = tpu.memref_squeeze %dma_start3A_318 : memref<1x1x15x16xf32, #tpu.memory_space<hbm>> -> memref<15x16xf32, #tpu.memory_space<hbm>>
      %dma_start3A_320 = arith.constant 0 : i32
      %dma_start3A_321 = arith.constant 0 : i32
      %dma_start3A_322 = tpu.memref_slice %arg4[%add3A, %run_scoped3A_313, %dma_start3A_320, %dma_start3A_321] : memref<32x3x15x16xf32, #tpu.memory_space<hbm>> -> memref<1x1x15x16xf32, #tpu.memory_space<hbm>>
      %dma_start3A_323 = tpu.memref_squeeze %dma_start3A_322 : memref<1x1x15x16xf32, #tpu.memory_space<hbm>> -> memref<15x16xf32, #tpu.memory_space<hbm>>
      tpu.enqueue_dma source(%arg8 : memref<15x16xf32, #tpu.memory_space<vmem>>) target(%dma_start3A_323 : memref<15x16xf32, #tpu.memory_space<hbm>>) target_semaphore(%run_scoped3A_315 : memref<!tpu.dma_semaphore, #tpu.memory_space<semaphore_mem>>)
      %dma_wait3A = arith.constant 0 : i32
      %dma_wait3A_324 = arith.constant 0 : i32
      %dma_wait3A_325 = tpu.memref_slice %arg4[%add3A, %run_scoped3A_313, %dma_wait3A, %dma_wait3A_324] : memref<32x3x15x16xf32, #tpu.memory_space<hbm>> -> memref<1x1x15x16xf32, #tpu.memory_space<hbm>>
      %dma_wait3A_326 = tpu.memref_squeeze %dma_wait3A_325 : memref<1x1x15x16xf32, #tpu.memory_space<hbm>> -> memref<15x16xf32, #tpu.memory_space<hbm>>
      %dma_wait3A_327 = arith.constant 0 : i32
      %dma_wait3A_328 = arith.constant 0 : i32
      %dma_wait3A_329 = tpu.memref_slice %arg4[%add3A, %run_scoped3A_313, %dma_wait3A_327, %dma_wait3A_328] : memref<32x3x15x16xf32, #tpu.memory_space<hbm>> -> memref<1x1x15x16xf32, #tpu.memory_space<hbm>>
      %dma_wait3A_330 = tpu.memref_squeeze %dma_wait3A_329 : memref<1x1x15x16xf32, #tpu.memory_space<hbm>> -> memref<15x16xf32, #tpu.memory_space<hbm>>
      tpu.wait_dma2 semaphore(%run_scoped3A_315 : memref<!tpu.dma_semaphore, #tpu.memory_space<semaphore_mem>>) src(%arg8 : memref<15x16xf32, #tpu.memory_space<vmem>>) dst(%dma_wait3A_330 : memref<15x16xf32, #tpu.memory_space<hbm>>)
      tpu.yield
    }) : () -> ()
    %run_scoped3A_314 = arith.constant 2 : i32
    "tpu.region"() ({
      %run_scoped3A_315 = tpu.sem_alloc : memref<!tpu.dma_semaphore, #tpu.memory_space<semaphore_mem>>
      %dma_start3A_316 = arith.constant 0 : i32
      %dma_start3A_317 = arith.constant 0 : i32
      %dma_start3A_318 = tpu.memref_slice %arg4[%add3A, %run_scoped3A_314, %dma_start3A_316, %dma_start3A_317] : memref<32x3x15x16xf32, #tpu.memory_space<hbm>> -> memref<1x1x15x16xf32, #tpu.memory_space<hbm>>
      %dma_start3A_319 = tpu.memref_squeeze %dma_start3A_318 : memref<1x1x15x16xf32, #tpu.memory_space<hbm>> -> memref<15x16xf32, #tpu.memory_space<hbm>>
      %dma_start3A_320 = arith.constant 0 : i32
      %dma_start3A_321 = arith.constant 0 : i32
      %dma_start3A_322 = tpu.memref_slice %arg4[%add3A, %run_scoped3A_314, %dma_start3A_320, %dma_start3A_321] : memref<32x3x15x16xf32, #tpu.memory_space<hbm>> -> memref<1x1x15x16xf32, #tpu.memory_space<hbm>>
      %dma_start3A_323 = tpu.memref_squeeze %dma_start3A_322 : memref<1x1x15x16xf32, #tpu.memory_space<hbm>> -> memref<15x16xf32, #tpu.memory_space<hbm>>
      tpu.enqueue_dma source(%arg9 : memref<15x16xf32, #tpu.memory_space<vmem>>) target(%dma_start3A_323 : memref<15x16xf32, #tpu.memory_space<hbm>>) target_semaphore(%run_scoped3A_315 : memref<!tpu.dma_semaphore, #tpu.memory_space<semaphore_mem>>)
      %dma_wait3A = arith.constant 0 : i32
      %dma_wait3A_324 = arith.constant 0 : i32
      %dma_wait3A_325 = tpu.memref_slice %arg4[%add3A, %run_scoped3A_314, %dma_wait3A, %dma_wait3A_324] : memref<32x3x15x16xf32, #tpu.memory_space<hbm>> -> memref<1x1x15x16xf32, #tpu.memory_space<hbm>>
      %dma_wait3A_326 = tpu.memref_squeeze %dma_wait3A_325 : memref<1x1x15x16xf32, #tpu.memory_space<hbm>> -> memref<15x16xf32, #tpu.memory_space<hbm>>
      %dma_wait3A_327 = arith.constant 0 : i32
      %dma_wait3A_328 = arith.constant 0 : i32
      %dma_wait3A_329 = tpu.memref_slice %arg4[%add3A, %run_scoped3A_314, %dma_wait3A_327, %dma_wait3A_328] : memref<32x3x15x16xf32, #tpu.memory_space<hbm>> -> memref<1x1x15x16xf32, #tpu.memory_space<hbm>>
      %dma_wait3A_330 = tpu.memref_squeeze %dma_wait3A_329 : memref<1x1x15x16xf32, #tpu.memory_space<hbm>> -> memref<15x16xf32, #tpu.memory_space<hbm>>
      tpu.wait_dma2 semaphore(%run_scoped3A_315 : memref<!tpu.dma_semaphore, #tpu.memory_space<semaphore_mem>>) src(%arg9 : memref<15x16xf32, #tpu.memory_space<vmem>>) dst(%dma_wait3A_330 : memref<15x16xf32, #tpu.memory_space<hbm>>)
      tpu.yield
    }) : () -> ()
    return
  }
}

module attributes {stable_mosaic.version = 14 : i64} {
  func.func @_combine(%arg0: memref<32x3x15x16xf32, #tpu.memory_space<vmem>>, %arg1: memref<1x128xf32, #tpu.memory_space<vmem>>, %arg2: memref<1x128xf32, #tpu.memory_space<vmem>>, %arg3: memref<1x128xf32, #tpu.memory_space<vmem>>, %arg4: memref<1x1xf32, #tpu.memory_space<vmem>>) attributes {dimension_semantics = [], scalar_prefetch = 0 : i64, scratch_operands = 0 : i64, tpu.core_type = #tpu.core_type<tc>} {
    %get3A = arith.constant 0 : index
    %get3A_0 = arith.constant 0 : index
    %get3A_1 = arith.constant 0 : index
    %get3A_2 = arith.constant 0 : index
    %get3A_3 = vector.load %arg0[%get3A, %get3A_0, %get3A_1, %get3A_2] : memref<32x3x15x16xf32, #tpu.memory_space<vmem>>, vector<32x3x15x16xf32>
    %reduce_sum3A = arith.constant dense<0.000000e+00> : vector<3x15x16xf32>
    %reduce_sum3A_4 = vector.multi_reduction <add>, %get3A_3, %reduce_sum3A [0] : vector<32x3x15x16xf32> to vector<3x15x16xf32>
    %reduce_sum3A_5 = arith.constant dense<0.000000e+00> : vector<3x15xf32>
    %reduce_sum3A_6 = vector.multi_reduction <add>, %reduce_sum3A_4, %reduce_sum3A_5 [2] : vector<3x15x16xf32> to vector<3x15xf32>
    %slice3A = vector.extract_strided_slice %reduce_sum3A_6 {offsets = [0, 0], sizes = [1, 15], strides = [1, 1]} : vector<3x15xf32> to vector<1x15xf32>
    %get3A_7 = arith.constant 0 : index
    %get3A_8 = arith.constant 0 : index
    %get3A_9 = vector.load %arg1[%get3A_7, %get3A_8] : memref<1x128xf32, #tpu.memory_space<vmem>>, vector<1x15xf32>
    %add3A = arith.addf %slice3A, %get3A_9 : vector<1x15xf32>
    %slice3A_10 = vector.extract_strided_slice %reduce_sum3A_6 {offsets = [1, 0], sizes = [1, 15], strides = [1, 1]} : vector<3x15xf32> to vector<1x15xf32>
    %get3A_11 = arith.constant 0 : index
    %get3A_12 = arith.constant 0 : index
    %get3A_13 = vector.load %arg2[%get3A_11, %get3A_12] : memref<1x128xf32, #tpu.memory_space<vmem>>, vector<1x15xf32>
    %add3A_14 = arith.addf %slice3A_10, %get3A_13 : vector<1x15xf32>
    %slice3A_15 = vector.extract_strided_slice %reduce_sum3A_6 {offsets = [2, 0], sizes = [1, 15], strides = [1, 1]} : vector<3x15xf32> to vector<1x15xf32>
    %get3A_16 = arith.constant 0 : index
    %get3A_17 = arith.constant 0 : index
    %get3A_18 = vector.load %arg3[%get3A_16, %get3A_17] : memref<1x128xf32, #tpu.memory_space<vmem>>, vector<1x15xf32>
    %add3A_19 = arith.addf %slice3A_15, %get3A_18 : vector<1x15xf32>
    %gt3A = arith.constant 0.000000e+00 : f32
    %gt3A_20 = vector.broadcast %gt3A : f32 to vector<1x15xf32>
    %gt3A_21 = arith.cmpf ogt, %add3A, %gt3A_20 : vector<1x15xf32>
    %jit3A = arith.constant 1.000000e+00 : f32
    %broadcast_in_dim3A = vector.broadcast %jit3A : f32 to vector<1x15xf32>
    %select_n3A = arith.select %gt3A_21, %add3A, %broadcast_in_dim3A : vector<1x15xi1>, vector<1x15xf32>
    %gt3A_22 = arith.constant 0.000000e+00 : f32
    %gt3A_23 = vector.broadcast %gt3A_22 : f32 to vector<1x15xf32>
    %gt3A_24 = arith.cmpf ogt, %add3A, %gt3A_23 : vector<1x15xf32>
    %div3A = arith.divf %add3A_14, %select_n3A : vector<1x15xf32>
    %div3A_25 = arith.divf %add3A_19, %select_n3A : vector<1x15xf32>
    %sub3A = arith.subf %div3A, %div3A_25 : vector<1x15xf32>
    %jit3A_26 = arith.constant 0.000000e+00 : f32
    %broadcast_in_dim3A_27 = vector.broadcast %jit3A_26 : f32 to vector<1x15xf32>
    %select_n3A_28 = arith.select %gt3A_24, %sub3A, %broadcast_in_dim3A_27 : vector<1x15xi1>, vector<1x15xf32>
    %abs3A = math.absf %select_n3A_28 : vector<1x15xf32>
    %div3A_29 = arith.constant 1.638400e+04 : f32
    %div3A_30 = vector.broadcast %div3A_29 : f32 to vector<1x15xf32>
    %div3A_31 = arith.divf %add3A, %div3A_30 : vector<1x15xf32>
    %mul3A = arith.mulf %abs3A, %div3A_31 : vector<1x15xf32>
    %reduce_sum3A_32 = vector.shape_cast %mul3A : vector<1x15xf32> to vector<1x1x15xf32>
    %reduce_sum3A_33 = arith.constant dense<0.000000e+00> : vector<1xf32>
    %reduce_sum3A_34 = vector.multi_reduction <add>, %reduce_sum3A_32, %reduce_sum3A_33 [1, 2] : vector<1x1x15xf32> to vector<1xf32>
    %reduce_sum3A_35 = vector.shape_cast %reduce_sum3A_34 : vector<1xf32> to vector<1x1x1xf32>
    %reduce_sum3A_36 = vector.extract %reduce_sum3A_35[0, 0, 0] : f32 from vector<1x1x1xf32>
    %reshape3A = vector.broadcast %reduce_sum3A_36 : f32 to vector<1x1xf32>
    %swap3A = arith.constant 0 : index
    %swap3A_37 = arith.constant 0 : index
    %swap3A_38 = vector.load %arg4[%swap3A, %swap3A_37] : memref<1x1xf32, #tpu.memory_space<vmem>>, vector<1x1xf32>
    tpu.vector_store %arg4[%swap3A, %swap3A_37], %reshape3A {strides = array<i32>} : memref<1x1xf32, #tpu.memory_space<vmem>>, vector<1x1xf32>,
    return
  }
}

module attributes {stable_mosaic.version = 14 : i64} {
  func.func @_tc_block(%arg0: i32, %arg1: memref<2048x1000xf32, #tpu.memory_space<vmem>>, %arg2: memref<1x1x2048xi32, #tpu.memory_space<vmem>>, %arg3: memref<1x128xf32, #tpu.memory_space<vmem>>, %arg4: memref<1x128xf32, #tpu.memory_space<vmem>>, %arg5: memref<1x128xf32, #tpu.memory_space<vmem>>) attributes {dimension_semantics = [#tpu.dimension_semantics<arbitrary>], iteration_bounds = array<i64: 7>, scalar_prefetch = 0 : i64, scratch_operands = 0 : i64, tpu.core_type = #tpu.core_type<tc>, window_params = [{transform_indices = @transform_0, window_bounds = array<i64: 2048, 1000>}, {transform_indices = @transform_1, window_bounds = array<i64: 1, 1, 2048>}, {pipeline_mode = #tpu.pipeline_mode<synchronous>, transform_indices = @transform_2, window_bounds = array<i64: 1, 128>}, {pipeline_mode = #tpu.pipeline_mode<synchronous>, transform_indices = @transform_3, window_bounds = array<i64: 1, 128>}, {pipeline_mode = #tpu.pipeline_mode<synchronous>, transform_indices = @transform_4, window_bounds = array<i64: 1, 128>}]} {
    %eq3A = arith.constant 0 : i32
    %eq3A_0 = arith.cmpi eq, %arg0, %eq3A : i32
    %convert_element_type3A = arith.extui %eq3A_0 : i1 to i32
    %cond3A = arith.constant 0 : i32
    %cond3A_1 = arith.cmpi ne, %convert_element_type3A, %cond3A : i32
    scf.if %cond3A_1 {
      %broadcast_in_dim3A_245 = arith.constant 0.000000e+00 : f32
      %broadcast_in_dim3A_246 = vector.broadcast %broadcast_in_dim3A_245 : f32 to vector<1x128xf32>
      %swap3A_247 = arith.constant 0 : index
      %swap3A_248 = arith.constant 0 : index
      %swap3A_249 = vector.load %arg3[%swap3A_247, %swap3A_248] : memref<1x128xf32, #tpu.memory_space<vmem>>, vector<1x128xf32>
      tpu.vector_store %arg3[%swap3A_247, %swap3A_248], %broadcast_in_dim3A_246 {strides = array<i32>} : memref<1x128xf32, #tpu.memory_space<vmem>>, vector<1x128xf32>,
      %broadcast_in_dim3A_250 = arith.constant 0.000000e+00 : f32
      %broadcast_in_dim3A_251 = vector.broadcast %broadcast_in_dim3A_250 : f32 to vector<1x128xf32>
      %swap3A_252 = arith.constant 0 : index
      %swap3A_253 = arith.constant 0 : index
      %swap3A_254 = vector.load %arg4[%swap3A_252, %swap3A_253] : memref<1x128xf32, #tpu.memory_space<vmem>>, vector<1x128xf32>
      tpu.vector_store %arg4[%swap3A_252, %swap3A_253], %broadcast_in_dim3A_251 {strides = array<i32>} : memref<1x128xf32, #tpu.memory_space<vmem>>, vector<1x128xf32>,
      %broadcast_in_dim3A_255 = arith.constant 0.000000e+00 : f32
      %broadcast_in_dim3A_256 = vector.broadcast %broadcast_in_dim3A_255 : f32 to vector<1x128xf32>
      %swap3A_257 = arith.constant 0 : index
      %swap3A_258 = arith.constant 0 : index
      %swap3A_259 = vector.load %arg5[%swap3A_257, %swap3A_258] : memref<1x128xf32, #tpu.memory_space<vmem>>, vector<1x128xf32>
      tpu.vector_store %arg5[%swap3A_257, %swap3A_258], %broadcast_in_dim3A_256 {strides = array<i32>} : memref<1x128xf32, #tpu.memory_space<vmem>>, vector<1x128xf32>,
    } else {
    }
    %get3A = arith.constant 0 : index
    %get3A_2 = arith.constant 0 : index
    %get3A_3 = vector.load %arg1[%get3A, %get3A_2] : memref<2048x1000xf32, #tpu.memory_space<vmem>>, vector<2048x1000xf32>
    %get3A_4 = arith.constant 0 : index
    %get3A_5 = arith.constant 0 : index
    %get3A_6 = arith.constant 0 : index
    %get3A_7 = vector.load %arg2[%get3A_4, %get3A_5, %get3A_6] : memref<1x1x2048xi32, #tpu.memory_space<vmem>>, vector<1x1x2048xi32>
    %get3A_8 = vector.shape_cast %get3A_7 : vector<1x1x2048xi32> to vector<2048xi32>
    %reduce_max3A = arith.constant dense<0xFF800000> : vector<2048xf32>
    %reduce_max3A_9 = vector.multi_reduction <maximumf>, %get3A_3, %reduce_max3A [1] : vector<2048x1000xf32> to vector<2048xf32>
    %broadcast_in_dim3A = vector.shape_cast %reduce_max3A_9 : vector<2048xf32> to vector<2048x1xf32>
    %sub3A = vector.broadcast %broadcast_in_dim3A : vector<2048x1xf32> to vector<2048x1000xf32>
    %sub3A_10 = arith.subf %get3A_3, %sub3A : vector<2048x1000xf32>
    %exp3A = math.exp %sub3A_10 : vector<2048x1000xf32>
    %reduce_sum3A = arith.constant dense<0.000000e+00> : vector<2048xf32>
    %reduce_sum3A_11 = vector.multi_reduction <add>, %exp3A, %reduce_sum3A [1] : vector<2048x1000xf32> to vector<2048xf32>
    %div3A = arith.constant 1.000000e+00 : f32
    %div3A_12 = vector.broadcast %div3A : f32 to vector<2048xf32>
    %div3A_13 = arith.divf %div3A_12, %reduce_sum3A_11 : vector<2048xf32>
    %iota3A = tpu.iota {dimensions = array<i32: 1>} : vector<2048x1000xi32>
    %eq3A_14 = vector.broadcast %broadcast_in_dim3A : vector<2048x1xf32> to vector<2048x1000xf32>
    %eq3A_15 = arith.cmpf oeq, %get3A_3, %eq3A_14 : vector<2048x1000xf32>
    %jit3A = arith.constant 1000 : i32
    %broadcast_in_dim3A_16 = vector.broadcast %jit3A : i32 to vector<2048x1000xi32>
    %select_n3A = arith.select %eq3A_15, %iota3A, %broadcast_in_dim3A_16 : vector<2048x1000xi1>, vector<2048x1000xi32>
    %reduce_min3A = arith.constant dense<2147483647> : vector<2048xi32>
    %reduce_min3A_17 = vector.multi_reduction <minsi>, %select_n3A, %reduce_min3A [1] : vector<2048x1000xi32> to vector<2048xi32>
    %eq3A_18 = arith.cmpi eq, %reduce_min3A_17, %get3A_8 : vector<2048xi32>
    %convert_element_type3A_19 = arith.extui %eq3A_18 : vector<2048xi1> to vector<2048xi32>
    %convert_element_type3A_20 = arith.sitofp %convert_element_type3A_19 : vector<2048xi32> to vector<2048xf32>
    %iota3A_21 = tpu.iota {dimensions = array<i32: 1>} : vector<1x128xi32>
    %broadcast_in_dim3A_22 = arith.constant 2.000000e+00 : f32
    %broadcast_in_dim3A_23 = vector.broadcast %broadcast_in_dim3A_22 : f32 to vector<1x128xf32>
    %broadcast_in_dim3A_24 = arith.constant 3.000000e+00 : f32
    %broadcast_in_dim3A_25 = vector.broadcast %broadcast_in_dim3A_24 : f32 to vector<1x128xf32>
    %eq3A_26 = arith.constant 0 : i32
    %eq3A_27 = vector.broadcast %eq3A_26 : i32 to vector<1x128xi32>
    %eq3A_28 = arith.cmpi eq, %iota3A_21, %eq3A_27 : vector<1x128xi32>
    %jit3A_29 = arith.constant 0.000000e+00 : f32
    %broadcast_in_dim3A_30 = vector.broadcast %jit3A_29 : f32 to vector<1x128xf32>
    %select_n3A_31 = arith.select %eq3A_28, %broadcast_in_dim3A_30, %broadcast_in_dim3A_23 : vector<1x128xi1>, vector<1x128xf32>
    %eq3A_32 = arith.constant 0 : i32
    %eq3A_33 = vector.broadcast %eq3A_32 : i32 to vector<1x128xi32>
    %eq3A_34 = arith.cmpi eq, %iota3A_21, %eq3A_33 : vector<1x128xi32>
    %jit3A_35 = arith.constant 0.0666666701 : f32
    %broadcast_in_dim3A_36 = vector.broadcast %jit3A_35 : f32 to vector<1x128xf32>
    %select_n3A_37 = arith.select %eq3A_34, %broadcast_in_dim3A_36, %broadcast_in_dim3A_25 : vector<1x128xi1>, vector<1x128xf32>
    %eq3A_38 = arith.constant 1 : i32
    %eq3A_39 = vector.broadcast %eq3A_38 : i32 to vector<1x128xi32>
    %eq3A_40 = arith.cmpi eq, %iota3A_21, %eq3A_39 : vector<1x128xi32>
    %jit3A_41 = arith.constant 0.0666666701 : f32
    %broadcast_in_dim3A_42 = vector.broadcast %jit3A_41 : f32 to vector<1x128xf32>
    %select_n3A_43 = arith.select %eq3A_40, %broadcast_in_dim3A_42, %select_n3A_31 : vector<1x128xi1>, vector<1x128xf32>
    %eq3A_44 = arith.constant 1 : i32
    %eq3A_45 = vector.broadcast %eq3A_44 : i32 to vector<1x128xi32>
    %eq3A_46 = arith.cmpi eq, %iota3A_21, %eq3A_45 : vector<1x128xi32>
    %jit3A_47 = arith.constant 0.13333334 : f32
    %broadcast_in_dim3A_48 = vector.broadcast %jit3A_47 : f32 to vector<1x128xf32>
    %select_n3A_49 = arith.select %eq3A_46, %broadcast_in_dim3A_48, %select_n3A_37 : vector<1x128xi1>, vector<1x128xf32>
    %eq3A_50 = arith.constant 2 : i32
    %eq3A_51 = vector.broadcast %eq3A_50 : i32 to vector<1x128xi32>
    %eq3A_52 = arith.cmpi eq, %iota3A_21, %eq3A_51 : vector<1x128xi32>
    %jit3A_53 = arith.constant 0.13333334 : f32
    %broadcast_in_dim3A_54 = vector.broadcast %jit3A_53 : f32 to vector<1x128xf32>
    %select_n3A_55 = arith.select %eq3A_52, %broadcast_in_dim3A_54, %select_n3A_43 : vector<1x128xi1>, vector<1x128xf32>
    %eq3A_56 = arith.constant 2 : i32
    %eq3A_57 = vector.broadcast %eq3A_56 : i32 to vector<1x128xi32>
    %eq3A_58 = arith.cmpi eq, %iota3A_21, %eq3A_57 : vector<1x128xi32>
    %jit3A_59 = arith.constant 0.200000018 : f32
    %broadcast_in_dim3A_60 = vector.broadcast %jit3A_59 : f32 to vector<1x128xf32>
    %select_n3A_61 = arith.select %eq3A_58, %broadcast_in_dim3A_60, %select_n3A_49 : vector<1x128xi1>, vector<1x128xf32>
    %eq3A_62 = arith.constant 3 : i32
    %eq3A_63 = vector.broadcast %eq3A_62 : i32 to vector<1x128xi32>
    %eq3A_64 = arith.cmpi eq, %iota3A_21, %eq3A_63 : vector<1x128xi32>
    %jit3A_65 = arith.constant 0.200000018 : f32
    %broadcast_in_dim3A_66 = vector.broadcast %jit3A_65 : f32 to vector<1x128xf32>
    %select_n3A_67 = arith.select %eq3A_64, %broadcast_in_dim3A_66, %select_n3A_55 : vector<1x128xi1>, vector<1x128xf32>
    %eq3A_68 = arith.constant 3 : i32
    %eq3A_69 = vector.broadcast %eq3A_68 : i32 to vector<1x128xi32>
    %eq3A_70 = arith.cmpi eq, %iota3A_21, %eq3A_69 : vector<1x128xi32>
    %jit3A_71 = arith.constant 0.266666681 : f32
    %broadcast_in_dim3A_72 = vector.broadcast %jit3A_71 : f32 to vector<1x128xf32>
    %select_n3A_73 = arith.select %eq3A_70, %broadcast_in_dim3A_72, %select_n3A_61 : vector<1x128xi1>, vector<1x128xf32>
    %eq3A_74 = arith.constant 4 : i32
    %eq3A_75 = vector.broadcast %eq3A_74 : i32 to vector<1x128xi32>
    %eq3A_76 = arith.cmpi eq, %iota3A_21, %eq3A_75 : vector<1x128xi32>
    %jit3A_77 = arith.constant 0.266666681 : f32
    %broadcast_in_dim3A_78 = vector.broadcast %jit3A_77 : f32 to vector<1x128xf32>
    %select_n3A_79 = arith.select %eq3A_76, %broadcast_in_dim3A_78, %select_n3A_67 : vector<1x128xi1>, vector<1x128xf32>
    %eq3A_80 = arith.constant 4 : i32
    %eq3A_81 = vector.broadcast %eq3A_80 : i32 to vector<1x128xi32>
    %eq3A_82 = arith.cmpi eq, %iota3A_21, %eq3A_81 : vector<1x128xi32>
    %jit3A_83 = arith.constant 0.333333343 : f32
    %broadcast_in_dim3A_84 = vector.broadcast %jit3A_83 : f32 to vector<1x128xf32>
    %select_n3A_85 = arith.select %eq3A_82, %broadcast_in_dim3A_84, %select_n3A_73 : vector<1x128xi1>, vector<1x128xf32>
    %eq3A_86 = arith.constant 5 : i32
    %eq3A_87 = vector.broadcast %eq3A_86 : i32 to vector<1x128xi32>
    %eq3A_88 = arith.cmpi eq, %iota3A_21, %eq3A_87 : vector<1x128xi32>
    %jit3A_89 = arith.constant 0.333333343 : f32
    %broadcast_in_dim3A_90 = vector.broadcast %jit3A_89 : f32 to vector<1x128xf32>
    %select_n3A_91 = arith.select %eq3A_88, %broadcast_in_dim3A_90, %select_n3A_79 : vector<1x128xi1>, vector<1x128xf32>
    %eq3A_92 = arith.constant 5 : i32
    %eq3A_93 = vector.broadcast %eq3A_92 : i32 to vector<1x128xi32>
    %eq3A_94 = arith.cmpi eq, %iota3A_21, %eq3A_93 : vector<1x128xi32>
    %jit3A_95 = arith.constant 0.400000036 : f32
    %broadcast_in_dim3A_96 = vector.broadcast %jit3A_95 : f32 to vector<1x128xf32>
    %select_n3A_97 = arith.select %eq3A_94, %broadcast_in_dim3A_96, %select_n3A_85 : vector<1x128xi1>, vector<1x128xf32>
    %eq3A_98 = arith.constant 6 : i32
    %eq3A_99 = vector.broadcast %eq3A_98 : i32 to vector<1x128xi32>
    %eq3A_100 = arith.cmpi eq, %iota3A_21, %eq3A_99 : vector<1x128xi32>
    %jit3A_101 = arith.constant 0.400000036 : f32
    %broadcast_in_dim3A_102 = vector.broadcast %jit3A_101 : f32 to vector<1x128xf32>
    %select_n3A_103 = arith.select %eq3A_100, %broadcast_in_dim3A_102, %select_n3A_91 : vector<1x128xi1>, vector<1x128xf32>
    %eq3A_104 = arith.constant 6 : i32
    %eq3A_105 = vector.broadcast %eq3A_104 : i32 to vector<1x128xi32>
    %eq3A_106 = arith.cmpi eq, %iota3A_21, %eq3A_105 : vector<1x128xi32>
    %jit3A_107 = arith.constant 0.466666698 : f32
    %broadcast_in_dim3A_108 = vector.broadcast %jit3A_107 : f32 to vector<1x128xf32>
    %select_n3A_109 = arith.select %eq3A_106, %broadcast_in_dim3A_108, %select_n3A_97 : vector<1x128xi1>, vector<1x128xf32>
    %eq3A_110 = arith.constant 7 : i32
    %eq3A_111 = vector.broadcast %eq3A_110 : i32 to vector<1x128xi32>
    %eq3A_112 = arith.cmpi eq, %iota3A_21, %eq3A_111 : vector<1x128xi32>
    %jit3A_113 = arith.constant 0.466666698 : f32
    %broadcast_in_dim3A_114 = vector.broadcast %jit3A_113 : f32 to vector<1x128xf32>
    %select_n3A_115 = arith.select %eq3A_112, %broadcast_in_dim3A_114, %select_n3A_103 : vector<1x128xi1>, vector<1x128xf32>
    %eq3A_116 = arith.constant 7 : i32
    %eq3A_117 = vector.broadcast %eq3A_116 : i32 to vector<1x128xi32>
    %eq3A_118 = arith.cmpi eq, %iota3A_21, %eq3A_117 : vector<1x128xi32>
    %jit3A_119 = arith.constant 0.533333361 : f32
    %broadcast_in_dim3A_120 = vector.broadcast %jit3A_119 : f32 to vector<1x128xf32>
    %select_n3A_121 = arith.select %eq3A_118, %broadcast_in_dim3A_120, %select_n3A_109 : vector<1x128xi1>, vector<1x128xf32>
    %eq3A_122 = arith.constant 8 : i32
    %eq3A_123 = vector.broadcast %eq3A_122 : i32 to vector<1x128xi32>
    %eq3A_124 = arith.cmpi eq, %iota3A_21, %eq3A_123 : vector<1x128xi32>
    %jit3A_125 = arith.constant 0.533333361 : f32
    %broadcast_in_dim3A_126 = vector.broadcast %jit3A_125 : f32 to vector<1x128xf32>
    %select_n3A_127 = arith.select %eq3A_124, %broadcast_in_dim3A_126, %select_n3A_115 : vector<1x128xi1>, vector<1x128xf32>
    %eq3A_128 = arith.constant 8 : i32
    %eq3A_129 = vector.broadcast %eq3A_128 : i32 to vector<1x128xi32>
    %eq3A_130 = arith.cmpi eq, %iota3A_21, %eq3A_129 : vector<1x128xi32>
    %jit3A_131 = arith.constant 6.000000e-01 : f32
    %broadcast_in_dim3A_132 = vector.broadcast %jit3A_131 : f32 to vector<1x128xf32>
    %select_n3A_133 = arith.select %eq3A_130, %broadcast_in_dim3A_132, %select_n3A_121 : vector<1x128xi1>, vector<1x128xf32>
    %eq3A_134 = arith.constant 9 : i32
    %eq3A_135 = vector.broadcast %eq3A_134 : i32 to vector<1x128xi32>
    %eq3A_136 = arith.cmpi eq, %iota3A_21, %eq3A_135 : vector<1x128xi32>
    %jit3A_137 = arith.constant 6.000000e-01 : f32
    %broadcast_in_dim3A_138 = vector.broadcast %jit3A_137 : f32 to vector<1x128xf32>
    %select_n3A_139 = arith.select %eq3A_136, %broadcast_in_dim3A_138, %select_n3A_127 : vector<1x128xi1>, vector<1x128xf32>
    %eq3A_140 = arith.constant 9 : i32
    %eq3A_141 = vector.broadcast %eq3A_140 : i32 to vector<1x128xi32>
    %eq3A_142 = arith.cmpi eq, %iota3A_21, %eq3A_141 : vector<1x128xi32>
    %jit3A_143 = arith.constant 0.666666686 : f32
    %broadcast_in_dim3A_144 = vector.broadcast %jit3A_143 : f32 to vector<1x128xf32>
    %select_n3A_145 = arith.select %eq3A_142, %broadcast_in_dim3A_144, %select_n3A_133 : vector<1x128xi1>, vector<1x128xf32>
    %eq3A_146 = arith.constant 10 : i32
    %eq3A_147 = vector.broadcast %eq3A_146 : i32 to vector<1x128xi32>
    %eq3A_148 = arith.cmpi eq, %iota3A_21, %eq3A_147 : vector<1x128xi32>
    %jit3A_149 = arith.constant 0.666666686 : f32
    %broadcast_in_dim3A_150 = vector.broadcast %jit3A_149 : f32 to vector<1x128xf32>
    %select_n3A_151 = arith.select %eq3A_148, %broadcast_in_dim3A_150, %select_n3A_139 : vector<1x128xi1>, vector<1x128xf32>
    %eq3A_152 = arith.constant 10 : i32
    %eq3A_153 = vector.broadcast %eq3A_152 : i32 to vector<1x128xi32>
    %eq3A_154 = arith.cmpi eq, %iota3A_21, %eq3A_153 : vector<1x128xi32>
    %jit3A_155 = arith.constant 0.733333349 : f32
    %broadcast_in_dim3A_156 = vector.broadcast %jit3A_155 : f32 to vector<1x128xf32>
    %select_n3A_157 = arith.select %eq3A_154, %broadcast_in_dim3A_156, %select_n3A_145 : vector<1x128xi1>, vector<1x128xf32>
    %eq3A_158 = arith.constant 11 : i32
    %eq3A_159 = vector.broadcast %eq3A_158 : i32 to vector<1x128xi32>
    %eq3A_160 = arith.cmpi eq, %iota3A_21, %eq3A_159 : vector<1x128xi32>
    %jit3A_161 = arith.constant 0.733333349 : f32
    %broadcast_in_dim3A_162 = vector.broadcast %jit3A_161 : f32 to vector<1x128xf32>
    %select_n3A_163 = arith.select %eq3A_160, %broadcast_in_dim3A_162, %select_n3A_151 : vector<1x128xi1>, vector<1x128xf32>
    %eq3A_164 = arith.constant 11 : i32
    %eq3A_165 = vector.broadcast %eq3A_164 : i32 to vector<1x128xi32>
    %eq3A_166 = arith.cmpi eq, %iota3A_21, %eq3A_165 : vector<1x128xi32>
    %jit3A_167 = arith.constant 0.800000071 : f32
    %broadcast_in_dim3A_168 = vector.broadcast %jit3A_167 : f32 to vector<1x128xf32>
    %select_n3A_169 = arith.select %eq3A_166, %broadcast_in_dim3A_168, %select_n3A_157 : vector<1x128xi1>, vector<1x128xf32>
    %eq3A_170 = arith.constant 12 : i32
    %eq3A_171 = vector.broadcast %eq3A_170 : i32 to vector<1x128xi32>
    %eq3A_172 = arith.cmpi eq, %iota3A_21, %eq3A_171 : vector<1x128xi32>
    %jit3A_173 = arith.constant 0.800000071 : f32
    %broadcast_in_dim3A_174 = vector.broadcast %jit3A_173 : f32 to vector<1x128xf32>
    %select_n3A_175 = arith.select %eq3A_172, %broadcast_in_dim3A_174, %select_n3A_163 : vector<1x128xi1>, vector<1x128xf32>
    %eq3A_176 = arith.constant 12 : i32
    %eq3A_177 = vector.broadcast %eq3A_176 : i32 to vector<1x128xi32>
    %eq3A_178 = arith.cmpi eq, %iota3A_21, %eq3A_177 : vector<1x128xi32>
    %jit3A_179 = arith.constant 0.866666734 : f32
    %broadcast_in_dim3A_180 = vector.broadcast %jit3A_179 : f32 to vector<1x128xf32>
    %select_n3A_181 = arith.select %eq3A_178, %broadcast_in_dim3A_180, %select_n3A_169 : vector<1x128xi1>, vector<1x128xf32>
    %eq3A_182 = arith.constant 13 : i32
    %eq3A_183 = vector.broadcast %eq3A_182 : i32 to vector<1x128xi32>
    %eq3A_184 = arith.cmpi eq, %iota3A_21, %eq3A_183 : vector<1x128xi32>
    %jit3A_185 = arith.constant 0.866666734 : f32
    %broadcast_in_dim3A_186 = vector.broadcast %jit3A_185 : f32 to vector<1x128xf32>
    %select_n3A_187 = arith.select %eq3A_184, %broadcast_in_dim3A_186, %select_n3A_175 : vector<1x128xi1>, vector<1x128xf32>
    %eq3A_188 = arith.constant 13 : i32
    %eq3A_189 = vector.broadcast %eq3A_188 : i32 to vector<1x128xi32>
    %eq3A_190 = arith.cmpi eq, %iota3A_21, %eq3A_189 : vector<1x128xi32>
    %jit3A_191 = arith.constant 0.933333396 : f32
    %broadcast_in_dim3A_192 = vector.broadcast %jit3A_191 : f32 to vector<1x128xf32>
    %select_n3A_193 = arith.select %eq3A_190, %broadcast_in_dim3A_192, %select_n3A_181 : vector<1x128xi1>, vector<1x128xf32>
    %eq3A_194 = arith.constant 14 : i32
    %eq3A_195 = vector.broadcast %eq3A_194 : i32 to vector<1x128xi32>
    %eq3A_196 = arith.cmpi eq, %iota3A_21, %eq3A_195 : vector<1x128xi32>
    %jit3A_197 = arith.constant 0.933333396 : f32
    %broadcast_in_dim3A_198 = vector.broadcast %jit3A_197 : f32 to vector<1x128xf32>
    %select_n3A_199 = arith.select %eq3A_196, %broadcast_in_dim3A_198, %select_n3A_187 : vector<1x128xi1>, vector<1x128xf32>
    %eq3A_200 = arith.constant 14 : i32
    %eq3A_201 = vector.broadcast %eq3A_200 : i32 to vector<1x128xi32>
    %eq3A_202 = arith.cmpi eq, %iota3A_21, %eq3A_201 : vector<1x128xi32>
    %jit3A_203 = arith.constant 1.000000e+00 : f32
    %broadcast_in_dim3A_204 = vector.broadcast %jit3A_203 : f32 to vector<1x128xf32>
    %select_n3A_205 = arith.select %eq3A_202, %broadcast_in_dim3A_204, %select_n3A_193 : vector<1x128xi1>, vector<1x128xf32>
    %broadcast_in_dim3A_206 = vector.shape_cast %div3A_13 : vector<2048xf32> to vector<2048x1xf32>
    %gt3A = vector.broadcast %broadcast_in_dim3A_206 : vector<2048x1xf32> to vector<2048x128xf32>
    %gt3A_207 = vector.broadcast %select_n3A_199 : vector<1x128xf32> to vector<2048x128xf32>
    %gt3A_208 = arith.cmpf ogt, %gt3A, %gt3A_207 : vector<2048x128xf32>
    %le3A = vector.broadcast %broadcast_in_dim3A_206 : vector<2048x1xf32> to vector<2048x128xf32>
    %le3A_209 = vector.broadcast %select_n3A_205 : vector<1x128xf32> to vector<2048x128xf32>
    %le3A_210 = arith.cmpf ole, %le3A, %le3A_209 : vector<2048x128xf32>
    %and3A = arith.andi %gt3A_208, %le3A_210 : vector<2048x128xi1>
    %convert_element_type3A_211 = arith.extui %and3A : vector<2048x128xi1> to vector<2048x128xi32>
    %convert_element_type3A_212 = arith.sitofp %convert_element_type3A_211 : vector<2048x128xi32> to vector<2048x128xf32>
    %get3A_213 = arith.constant 0 : index
    %get3A_214 = arith.constant 0 : index
    %get3A_215 = vector.load %arg3[%get3A_213, %get3A_214] : memref<1x128xf32, #tpu.memory_space<vmem>>, vector<1x128xf32>
    %reduce_sum3A_216 = arith.constant dense<0.000000e+00> : vector<128xf32>
    %reduce_sum3A_217 = vector.multi_reduction <add>, %convert_element_type3A_212, %reduce_sum3A_216 [0] : vector<2048x128xf32> to vector<128xf32>
    %broadcast_in_dim3A_218 = vector.shape_cast %reduce_sum3A_217 : vector<128xf32> to vector<1x128xf32>
    %add3A = arith.addf %get3A_215, %broadcast_in_dim3A_218 : vector<1x128xf32>
    %swap3A = arith.constant 0 : index
    %swap3A_219 = arith.constant 0 : index
    %swap3A_220 = vector.load %arg3[%swap3A, %swap3A_219] : memref<1x128xf32, #tpu.memory_space<vmem>>, vector<1x128xf32>
    tpu.vector_store %arg3[%swap3A, %swap3A_219], %add3A {strides = array<i32>} : memref<1x128xf32, #tpu.memory_space<vmem>>, vector<1x128xf32>,
    %get3A_221 = arith.constant 0 : index
    %get3A_222 = arith.constant 0 : index
    %get3A_223 = vector.load %arg4[%get3A_221, %get3A_222] : memref<1x128xf32, #tpu.memory_space<vmem>>, vector<1x128xf32>
    %mul3A = vector.broadcast %broadcast_in_dim3A_206 : vector<2048x1xf32> to vector<2048x128xf32>
    %mul3A_224 = arith.mulf %convert_element_type3A_212, %mul3A : vector<2048x128xf32>
    %reduce_sum3A_225 = arith.constant dense<0.000000e+00> : vector<128xf32>
    %reduce_sum3A_226 = vector.multi_reduction <add>, %mul3A_224, %reduce_sum3A_225 [0] : vector<2048x128xf32> to vector<128xf32>
    %broadcast_in_dim3A_227 = vector.shape_cast %reduce_sum3A_226 : vector<128xf32> to vector<1x128xf32>
    %add3A_228 = arith.addf %get3A_223, %broadcast_in_dim3A_227 : vector<1x128xf32>
    %swap3A_229 = arith.constant 0 : index
    %swap3A_230 = arith.constant 0 : index
    %swap3A_231 = vector.load %arg4[%swap3A_229, %swap3A_230] : memref<1x128xf32, #tpu.memory_space<vmem>>, vector<1x128xf32>
    tpu.vector_store %arg4[%swap3A_229, %swap3A_230], %add3A_228 {strides = array<i32>} : memref<1x128xf32, #tpu.memory_space<vmem>>, vector<1x128xf32>,
    %get3A_232 = arith.constant 0 : index
    %get3A_233 = arith.constant 0 : index
    %get3A_234 = vector.load %arg5[%get3A_232, %get3A_233] : memref<1x128xf32, #tpu.memory_space<vmem>>, vector<1x128xf32>
    %broadcast_in_dim3A_235 = vector.shape_cast %convert_element_type3A_20 : vector<2048xf32> to vector<2048x1xf32>
    %mul3A_236 = vector.broadcast %broadcast_in_dim3A_235 : vector<2048x1xf32> to vector<2048x128xf32>
    %mul3A_237 = arith.mulf %convert_element_type3A_212, %mul3A_236 : vector<2048x128xf32>
    %reduce_sum3A_238 = arith.constant dense<0.000000e+00> : vector<128xf32>
    %reduce_sum3A_239 = vector.multi_reduction <add>, %mul3A_237, %reduce_sum3A_238 [0] : vector<2048x128xf32> to vector<128xf32>
    %broadcast_in_dim3A_240 = vector.shape_cast %reduce_sum3A_239 : vector<128xf32> to vector<1x128xf32>
    %add3A_241 = arith.addf %get3A_234, %broadcast_in_dim3A_240 : vector<1x128xf32>
    %swap3A_242 = arith.constant 0 : index
    %swap3A_243 = arith.constant 0 : index
    %swap3A_244 = vector.load %arg5[%swap3A_242, %swap3A_243] : memref<1x128xf32, #tpu.memory_space<vmem>>, vector<1x128xf32>
    tpu.vector_store %arg5[%swap3A_242, %swap3A_243], %add3A_241 {strides = array<i32>} : memref<1x128xf32, #tpu.memory_space<vmem>>, vector<1x128xf32>,
    return
  }
  func.func @transform_0(%arg0: i32) -> (i32, i32) {
    %add3A = arith.constant 1 : i32
    %add3A_0 = arith.addi %arg0, %add3A : i32
    %c0_i32 = arith.constant 0 : i32
    %c0_i32_1 = arith.constant 0 : i32
    return %add3A_0, %c0_i32 : i32, i32
  }
  func.func @transform_1(%arg0: i32) -> (i32, i32, i32) {
    %add3A = arith.constant 1 : i32
    %add3A_0 = arith.addi %arg0, %add3A : i32
    %c0_i32 = arith.constant 0 : i32
    %c0_i32_1 = arith.constant 0 : i32
    %c0_i32_2 = arith.constant 0 : i32
    return %add3A_0, %c0_i32, %c0_i32_1 : i32, i32, i32
  }
  func.func @transform_2(%arg0: i32) -> (i32, i32) {
    %c0_i32 = arith.constant 0 : i32
    %c0_i32_0 = arith.constant 0 : i32
    %c0_i32_1 = arith.constant 0 : i32
    return %c0_i32, %c0_i32_0 : i32, i32
  }
  func.func @transform_3(%arg0: i32) -> (i32, i32) {
    %c0_i32 = arith.constant 0 : i32
    %c0_i32_0 = arith.constant 0 : i32
    %c0_i32_1 = arith.constant 0 : i32
    return %c0_i32, %c0_i32_0 : i32, i32
  }
  func.func @transform_4(%arg0: i32) -> (i32, i32) {
    %c0_i32 = arith.constant 0 : i32
    %c0_i32_0 = arith.constant 0 : i32
    %c0_i32_1 = arith.constant 0 : i32
    return %c0_i32, %c0_i32_0 : i32, i32
  }
}

</mosaic_0001>

<sc_bundles>
// kernel: _ece.5.cloned.1.call-start
scs
__scs_entry_jumppad:
0x0: {  	(pc) =	sbr.rel $0x88, $3  }
0x1: {  	(tag) =	ssettag $0x0;
	lr =	simm.s32 $0x1  }
0x2: {  	[smem:$0x3F9F] =	sst lr;
	_ =	strace $0xD0000000  }
0x3: {  	_ = 	snop  }
0x4: {  	_ = 	snop  }
0x5: {  	_ = 	snop  }
0x6: {  	_ = 	snop  }
0x7: {  	_ = 	snop  }
__scs_overlays_trampoline_lowered:
0x8: {  	[smem:$0x3FAE] =	sst s0  }
0x9: {  	[smem:$0x3FAF] =	sst s1  }
0xa: {  	[smem:$0x3FB0] =	sst s2  }
0xb: {  	[smem:$0x3FB1] =	sst s3  }
0xc: {  	[smem:$0x3FB2] =	sst s4  }
0xd: {  	[smem:$0x3FB3] =	sst s5  }
0xe: {  	[smem:$0x3FB4] =	sst s6  }
0xf: {  	[smem:$0x3FB5] =	sst s7  }
0x10: {  	[smem:$0x3FB6] =	sst s8  }
0x11: {  	[smem:$0x3FB7] =	sst s9;
	s0 =	simm.s32 @!p0 $0x0  }
0x12: {  	s1 =	sld [smem:$0x3F9D];
	s0 =	simm.s32 @p0 $0x1  }
0x13: {  	[smem:$0x3FB8] =	sst s0;
	s0 =	simm.s32 @!p1 $0x0  }
0x14: {  	s2 =	sld [smem:$0x3F9C];
	s0 =	simm.s32 @p1 $0x1  }
0x15: {  	[smem:$0x3FB9] =	sst s0;
	s0 =	simm.s32 @!p2 $0x0  }
0x16: {  	s3 =	sld [smem:$0x3FDB];
	s0 =	simm.s32 @p2 $0x1  }
0x17: {  	s4 =	simm.s32 $0x1BF5;
	[smem:$0x3FBB] =	sst s0  }
0x18: {  	s0 =	sld [smem:$0x3F9E];
	_ =	swait.ge [sflag:s4], $0x0  }
0x19: {  	s7 =	sld [smem:$0x3F9F]  }
0x1a: {  	s8 =	sadd.s32 $0xFFFFE003, lr  }
0x1b: {  	s9 =	sadd.s32 $0xFFFFFEF7, lr;
	s5 =	simm.s32 $0xFFFFFFFF;
	p2 =	slt.u32 s8, $0xFFFFF086  }
0x1c: {  	p1 =	slt.u32 s9, $0xF7A;
	s5 =	simm.s32 @!p2 $0x0  }
0x1d: {  	s5 =	simm.s32 @p1 $0x1;
	p0 =	seq.s32 s7, s2  }
0x1e: {  	s7 =	smul.u32 @!p0 $0xF7A, s2;
	p2 =	seq.s32 @!p0 s5, $0x0  }
0x1f: {  	s9 =	smul.u32 $0xF7A, s1;
	s8 =	simm.s32 @!p0 $0x1BF5;
	p2 =	por !p2, p0  }
0x20: {  	[sflag:s8] =	ssyncset.s32 @!p0 $0xFFFFF086;
	s6 =	sadd.s32 @!p0 s3, s7;
	s7 =	simm.s32 @!p0 $0x108  }
0x21: {  	s3 =	sadd.s32 s3, s9;
	s6 =	sadd.s32 @!p0 $0x88, s6;
	s7 =	simm.s32 @p2 $0x1082  }
0x22: {  	[simem:s7], [sflag:s8] =	dma.local @!p0 [hbm:s6], $0xF7A  }
0x23: {  	s9 =	sor.u32 $0xD0000000, s2;
	s6 =	simm.s32 $0x108;
	_ =	swait.ge @!p0 [sflag:s8], $0x0  }
0x24: {  	s3 =	sadd.s32 $0x88, s3;
	s6 =	simm.s32 @!p1 $0x1082;
	[sflag:s4] =	ssyncset.s32 $0xFFFFF086  }
0x25: {  	[simem:s6], [sflag:s4] =	dma.local [hbm:s3], $0xF7A  }
0x26: {  	[smem:$0x3F9F] =	sst s1;
	(tag) =	ssettag s2;
	_ =	strace s9  }
0x27: {  	s1 =	sld [smem:$0x3FAF]  }
0x28: {  	s2 =	sld [smem:$0x3FB0]  }
0x29: {  	s4 =	sld [smem:$0x3FB2]  }
0x2a: {  	p0 =	seq.s32 s5, $0x0;
	s5 =	sld [smem:$0x3FB3]  }
0x2b: {  	s6 =	sld [smem:$0x3FB4]  }
0x2c: {  	s7 =	sld [smem:$0x3FB5]  }
0x2d: {  	s3 =	simm.s32 $0x108;
	s8 =	sld [smem:$0x3FB6]  }
0x2e: {  	s3 =	simm.s32 @!p0 $0x1082;
	s9 =	sld [smem:$0x3FB7]  }
0x2f: {  	lr =	sadd.s32 s0, s3;
	s0 =	sld [smem:$0x3FAE]  }
0x30: {  	s3 =	sld [smem:$0x3FB1]  }
0x31: {  	[smem:$0x3FBA] =	sst s10  }
0x32: {  	s10 =	sld [smem:$0x3FB8];
	_ =	sdelay $0x3  }
0x33: {  	p0 =	seq.s32 s10, $0x1;
	s10 =	sld [smem:$0x3FBA];
	_ =	sdelay $0x3  }
0x34: {  	[smem:$0x3FBA] =	sst s10  }
0x35: {  	s10 =	sld [smem:$0x3FB9];
	_ =	sdelay $0x3  }
0x36: {  	p1 =	seq.s32 s10, $0x1;
	s10 =	sld [smem:$0x3FBA];
	_ =	sdelay $0x3  }
0x37: {  	[smem:$0x3FBA] =	sst s10  }
0x38: {  	s10 =	sld [smem:$0x3FBB]  }
0x39: {  	_ = 	snop;
	(pc) =	sbr.ind lr, $3  }
0x3a: {  	_ = 	snop  }
0x3b: {  	_ = 	snop  }
0x3c: {  	p2 =	seq.s32 s10, $0x1;
	s10 =	sld [smem:$0x3FBA]  }
0x3d: {  	_ =	shalt  }
0x3e: {  	_ =	shalt  }
0x3f: {  	_ =	shalt  }
0x40: {  	_ =	shalt  }
0x41: {  	_ =	shalt  }
0x42: {  	_ =	shalt  }
0x43: {  	_ =	shalt  }
0x44: {  	_ =	shalt  }
0x45: {  	_ =	shalt  }
0x46: {  	_ =	shalt  }
0x47: {  	_ =	shalt  }
0x48: {  	_ =	shalt  }
0x49: {  	_ =	shalt  }
0x4a: {  	_ =	shalt  }
0x4b: {  	_ =	shalt  }
0x4c: {  	_ =	shalt  }
0x4d: {  	_ =	shalt  }
0x4e: {  	_ =	shalt  }
0x4f: {  	_ =	shalt  }
0x50: {  	_ =	shalt  }
0x51: {  	_ =	shalt  }
0x52: {  	_ =	shalt  }
0x53: {  	_ =	shalt  }
0x54: {  	_ =	shalt  }
0x55: {  	_ =	shalt  }
0x56: {  	_ =	shalt  }
0x57: {  	_ =	shalt  }
0x58: {  	_ =	shalt  }
0x59: {  	_ =	shalt  }
0x5a: {  	_ =	shalt  }
0x5b: {  	_ =	shalt  }
0x5c: {  	_ =	shalt  }
0x5d: {  	_ =	shalt  }
0x5e: {  	_ =	shalt  }
0x5f: {  	_ =	shalt  }
0x60: {  	_ =	shalt  }
0x61: {  	_ =	shalt  }
0x62: {  	_ =	shalt  }
0x63: {  	_ =	shalt  }
0x64: {  	_ =	shalt  }
0x65: {  	_ =	shalt  }
0x66: {  	_ =	shalt  }
0x67: {  	_ =	shalt  }
0x68: {  	_ =	shalt  }
0x69: {  	_ =	shalt  }
0x6a: {  	_ =	shalt  }
0x6b: {  	_ =	shalt  }
0x6c: {  	_ =	shalt  }
0x6d: {  	_ =	shalt  }
0x6e: {  	_ =	shalt  }
0x6f: {  	_ =	shalt  }
0x70: {  	_ =	shalt  }
0x71: {  	_ =	shalt  }
0x72: {  	_ =	shalt  }
0x73: {  	_ =	shalt  }
0x74: {  	_ =	shalt  }
0x75: {  	_ =	shalt  }
0x76: {  	_ =	shalt  }
0x77: {  	_ =	shalt  }
0x78: {  	_ =	shalt  }
0x79: {  	_ =	shalt  }
0x7a: {  	_ =	shalt  }
0x7b: {  	_ =	shalt  }
0x7c: {  	_ =	shalt  }
0x7d: {  	_ =	shalt  }
0x7e: {  	_ =	shalt  }
0x7f: {  	_ =	shalt  }
0x80: {  	_ =	shalt  }
0x81: {  	_ =	shalt  }
0x82: {  	_ =	shalt  }
0x83: {  	_ =	shalt  }
0x84: {  	_ =	shalt  }
0x85: {  	_ =	shalt  }
0x86: {  	_ =	shalt  }
0x87: {  	_ =	shalt  }
.Lfunc_end0:
.L_simem_size_0:
called_computation_lowered:
.L_overlay_start_0:
0x88: {  	s2 =	sld [smem:$0x3FD9]  }
0x89: {  	s3 =	sld [smem:$0x3FFE];
	_ =	sdelay $0x1  }
0x8a: {  	s1 =	srdreg.scid  }
0x8b: {  	s0 =	sand.u32 $0x1, s1  }
0x8c: {  	s17 =	sshll.u32 s0, $0xA;
	s2 =	sadd.s32 s3, s2  }
0x8d: {  	s2 =	sadd.s32 s2, s17  }
0x8e: {  	[smem:$0x3FC6] =	sst s2  }
0x8f: {  	_ = 	snop  }
0x90: {  	s2 =	sld [smem:$0x3FC8];
	(tm) =	ssettm $0x1  }
0x91: {  	s18 =	sld [smem:$0x3FFB];
	_ =	sdelay $0x3  }
0x92: {  	_ =	strace s18  }
0x93: {  	s3 =	sld [smem:$0x3FFC];
	_ =	sdelay $0x3  }
0x94: {  	_ =	strace s3  }
0x95: {  	s3 =	sld [smem:$0x3FFD];
	_ =	sdelay $0x3  }
0x96: {  	_ =	strace s3  }
0x97: {  	_ =	strace $0x8FFFFFFF  }
0x98: {  	s19 =	sld [smem:$0x3FDB];
	_ =	sdelay $0x1  }
0x99: {  	s4 =	simm.s32 $_scs_section_size  }
0x9a: {  	s5 =	simm.s32 $_size__tile_overlayer_lowered;
	s6 =	simm.s32 $_tile_overlayer_lowered  }
0x9b: {  	s22 =	simm.s32 $0x1BFF;
	s21 =	sshll.u32 s6, $0x1;
	s3 =	sadd.s32 s4, s19  }
0x9c: {  	s7 =	simm.s32 $0x0;
	s20 =	sshll.u32 s5, $0x1;
	s5 =	sadd.s32 s21, s3  }
0x9d: {  	[timem:s7], [sflag:s22] =	dma.local [hbm:s5], s20  }
0x9e: {  	_ =	swait.ge [sflag:s22], s20  }
0x9f: {  	s4 =	ssub.s32 $0x0, s20;
	[sflag:s22] =	ssyncset.done $0x0  }
0xa0: {  	[sflag:s22] =	ssyncadd.s32 s4;
	_ =	sdelay $0x1  }
0xa1: {  	s23 =	simm.s32 $0x1B8B  }
0xa2: {  	_ =	swait.ge [sflag:s23], $0x1  }
0xa3: {  	[sflag:s23] =	ssyncset.done $0x0  }
0xa4: {  	s25 =	simm.s32 $0x1B8E;
	s24 =	sld [smem:$0x3FFE];
	[sflag:s23] =	ssyncadd.s32 $0xFFFFFFFF  }
0xa5: {  	s26 =	simm.s32 $execute0_lowered;
	[smem:$0x3FD2] =	sst s25  }
0xa6: {  	s5 =	sshll.u32 s26, $0x1;
	_ =	strace $0x80000046;
	[dreg:$0x1] =	wrdreg $0xFFFFFFFF  }
0xa7: {  	s28 =	simm.s32 $_size_execute0_lowered;
	s3 =	sadd.s32 s3, s5;
	[dreg:$0x0] =	wrdreg $0x0  }
0xa8: {  	s5 =	sshll.u32 s28, $0x1;
	[dreg:$0x2] =	wrdreg s3  }
0xa9: {  	[dreg:$0x3] =	wrdreg s5  }
0xaa: {  	[dreg:$0x4] =	wrdreg $0xC0  }
0xab: {  	_ =	task [dreg:s7], $0x5FFFF  }
0xac: {  	[dreg:$0x1] =	wrdreg $0xFFFFFFFF  }
0xad: {  	[dreg:$0x0] =	wrdreg $0x60  }
0xae: {  	[dreg:$0x2] =	wrdreg s24  }
0xaf: {  	[dreg:$0x3] =	wrdreg s2  }
0xb0: {  	[dreg:$0x4] =	wrdreg $0x9  }
0xb1: {  	_ =	task.clear_ibuf [dreg:s7], $0x5FFFF;
	_ =	strace $0x90000046  }
0xb2: {  	s29 =	simm.s32 $0x9;
	_ =	strace $0x80000048  }
0xb3: {  	_ =	swait.ge [sflag:s29], $0x1  }
0xb4: {  	[sflag:s29] =	ssyncadd.s32 $0xFFFFFFFF  }
0xb5: {  	_ =	strace $0x90000048  }
0xb6: {  	_ =	sfence  }
0xb7: {  	s30 =	sld [smem:$0x0];
	_ =	sdelay $0x2  }
0xb8: {  	s31 =	sshll.u32 s1, $0xD;
	s1 =	sshrl.u32 s1, $0x2  }
0xb9: {  	s3 =	sand.u32 $0x4000, s31;
	s1 =	sadd.s32 s1, s30  }
0xba: {  	s0 =	sor.u32 s3, s0;
	s1 =	sshll.u32 s1, $0x11  }
0xbb: {  	s0 =	sor.u32 s1, s0  }
0xbc: {  	s0 =	sadd.s32 $0x8F2B, s0  }
0xbd: {  	[sflag:s0] =	ssyncadd.remote.s32 $0x1  }
0xbe: {  	_ =	sfence.sel $0xFFFF  }
0xbf: {  	[dreg:$0x0] =	wrdreg $0xFFFFFFFF;
	(pc) =	sbr.abs _section_cstart, $3  }
0xc0: {  	[dreg:$0x1] =	wrdreg $0xFFFFFFFF  }
0xc1: {  	_ =	task.clear_ibuf [dreg:s7], $0x2FFFF;
	_ =	strace $0x9FFFFFFF  }
0xc2: {  	(tm) =	ssettm $0x7FFFFFFF  }
0xc3: {  	_ =	shalt  }
tec
execute0_lowered:
.L_overlay_start_1:
0x0: {  	(tag) =	ssettag $0x1  }
0x1: {  	v3 =	vimm.s32 $0x2380;
	vm14 =	vcmask $0x300;
	v0 =	vimm.s32 $0x3FE7  }
0x2: {  	vm13 =	vcmask $0x704;
	vm12 =	vcmask $0xB08;
	vm11 =	vcmask $0xF0C  }
0x3: {  	vm10 =	vcmask $0x1310;
	vm9 =	vcmask $0x1714;
	vm8 =	vcmask $0x1B18  }
0x4: {  	vm7 =	vcmask $0x1F1C;
	vm6 =	vcmask $0x2320;
	vm5 =	vcmask $0x2724  }
0x5: {  	vm4 =	vcmask $0x2B28;
	vm3 =	vcmask $0x2F2C;
	vm2 =	vcmask $0x3330  }
0x6: {  	vm1 =	vcmask $0x3734;
	vm0 =	vcmask $0x3B38;
	v4 =	vimm.s32 $0x2381  }
0x7: {  	v5 =	vimm.s32 $0x2382;
	v6 =	vimm.s32 $0x2383;
	v7 =	vimm.s32 $0x2384  }
0x8: {  	v8 =	vimm.s32 $0x2385;
	v9 =	vimm.s32 $0x2386;
	v10 =	vimm.s32 $0x2387  }
0x9: {  	v11 =	vimm.s32 $0x2388;
	v12 =	vimm.s32 $0x2389;
	v13 =	vimm.s32 $0x238A  }
0xa: {  	v14 =	vimm.s32 $0x238B;
	v15 =	vimm.s32 $0x238C;
	v16 =	vimm.s32 $0x238D  }
0xb: {  	v17 =	vimm.s32 $0x238E;
	v18 =	vimm.s32 $0x0;
	v1 =	vsel vm14, $0x0, v3  }
0xc: {  	v0 =	vsel vm14, $0x1C58, v0;
	v3 =	vsel vm14, $0x1C59, v3;
	v4 =	vsel vm14, $0x1C5A, v4  }
0xd: {  	v5 =	vsel vm14, $0x1C5B, v5;
	v6 =	vsel vm14, $0x1C5C, v6;
	v7 =	vsel vm14, $0x1C5D, v7  }
0xe: {  	v8 =	vsel vm14, $0x1C5E, v8;
	v9 =	vsel vm14, $0x1C5F, v9;
	v10 =	vsel vm14, $0x1C60, v10  }
0xf: {  	v11 =	vsel vm14, $0x1C61, v11;
	v12 =	vsel vm14, $0x1C62, v12;
	v13 =	vsel vm14, $0x1C63, v13  }
0x10: {  	v14 =	vsel vm14, $0x1C64, v14;
	v15 =	vsel vm14, $0x1C65, v15;
	v16 =	vsel vm14, $0x1C66, v16  }
0x11: {  	v17 =	vsel vm14, $0x1C67, v17;
	v1 =	vsel vm13, $0x80, v1;
	v0 =	vsel vm13, $0x1CD9, v0  }
0x12: {  	v3 =	vsel vm13, $0x1CDA, v3;
	v4 =	vsel vm13, $0x1CDB, v4;
	v5 =	vsel vm13, $0x1CDC, v5  }
0x13: {  	v6 =	vsel vm13, $0x1CDD, v6;
	v7 =	vsel vm13, $0x1CDE, v7;
	v8 =	vsel vm13, $0x1CDF, v8  }
0x14: {  	v9 =	vsel vm13, $0x1CE0, v9;
	v10 =	vsel vm13, $0x1CE1, v10;
	v11 =	vsel vm13, $0x1CE2, v11  }
0x15: {  	v12 =	vsel vm13, $0x1CE3, v12;
	v13 =	vsel vm13, $0x1CE4, v13;
	v14 =	vsel vm13, $0x1CE5, v14  }
0x16: {  	v15 =	vsel vm13, $0x1CE6, v15;
	v16 =	vsel vm13, $0x1CE7, v16;
	v17 =	vsel vm13, $0x80, v17  }
0x17: {  	v1 =	vsel vm12, $0x100, v1;
	v0 =	vsel vm12, $0x1D5A, v0;
	v3 =	vsel vm12, $0x1D5B, v3  }
0x18: {  	v4 =	vsel vm12, $0x1D5C, v4;
	v5 =	vsel vm12, $0x1D5D, v5;
	v6 =	vsel vm12, $0x1D5E, v6  }
0x19: {  	v7 =	vsel vm12, $0x1D5F, v7;
	v8 =	vsel vm12, $0x1D60, v8;
	v9 =	vsel vm12, $0x1D61, v9  }
0x1a: {  	v10 =	vsel vm12, $0x1D62, v10;
	v11 =	vsel vm12, $0x1D63, v11;
	v12 =	vsel vm12, $0x1D64, v12  }
0x1b: {  	v13 =	vsel vm12, $0x1D65, v13;
	v14 =	vsel vm12, $0x1D66, v14;
	v15 =	vsel vm12, $0x1D67, v15  }
0x1c: {  	v16 =	vsel vm12, $0x100, v16;
	v17 =	vsel vm12, $0x101, v17;
	v1 =	vsel vm11, $0x180, v1  }
0x1d: {  	v0 =	vsel vm11, $0x1DDB, v0;
	v3 =	vsel vm11, $0x1DDC, v3;
	v4 =	vsel vm11, $0x1DDD, v4  }
0x1e: {  	v5 =	vsel vm11, $0x1DDE, v5;
	v6 =	vsel vm11, $0x1DDF, v6;
	v7 =	vsel vm11, $0x1DE0, v7  }
0x1f: {  	v8 =	vsel vm11, $0x1DE1, v8;
	v9 =	vsel vm11, $0x1DE2, v9;
	v10 =	vsel vm11, $0x1DE3, v10  }
0x20: {  	v11 =	vsel vm11, $0x1DE4, v11;
	v12 =	vsel vm11, $0x1DE5, v12;
	v13 =	vsel vm11, $0x1DE6, v13  }
0x21: {  	v14 =	vsel vm11, $0x1DE7, v14;
	v15 =	vsel vm11, $0x180, v15;
	v16 =	vsel vm11, $0x181, v16  }
0x22: {  	v17 =	vsel vm11, $0x182, v17;
	v1 =	vsel vm10, $0x200, v1;
	v0 =	vsel vm10, $0x1E5C, v0  }
0x23: {  	v3 =	vsel vm10, $0x1E5D, v3;
	v4 =	vsel vm10, $0x1E5E, v4;
	v5 =	vsel vm10, $0x1E5F, v5  }
0x24: {  	v6 =	vsel vm10, $0x1E60, v6;
	v7 =	vsel vm10, $0x1E61, v7;
	v8 =	vsel vm10, $0x1E62, v8  }
0x25: {  	v9 =	vsel vm10, $0x1E63, v9;
	v10 =	vsel vm10, $0x1E64, v10;
	v11 =	vsel vm10, $0x1E65, v11  }
0x26: {  	v12 =	vsel vm10, $0x1E66, v12;
	v13 =	vsel vm10, $0x1E67, v13;
	v14 =	vsel vm10, $0x200, v14  }
0x27: {  	v15 =	vsel vm10, $0x201, v15;
	v16 =	vsel vm10, $0x202, v16;
	v17 =	vsel vm10, $0x203, v17  }
0x28: {  	v1 =	vsel vm9, $0x280, v1;
	v0 =	vsel vm9, $0x1EDD, v0;
	v3 =	vsel vm9, $0x1EDE, v3  }
0x29: {  	v4 =	vsel vm9, $0x1EDF, v4;
	v5 =	vsel vm9, $0x1EE0, v5;
	v6 =	vsel vm9, $0x1EE1, v6  }
0x2a: {  	v7 =	vsel vm9, $0x1EE2, v7;
	v8 =	vsel vm9, $0x1EE3, v8;
	v9 =	vsel vm9, $0x1EE4, v9  }
0x2b: {  	v10 =	vsel vm9, $0x1EE5, v10;
	v11 =	vsel vm9, $0x1EE6, v11;
	v12 =	vsel vm9, $0x1EE7, v12  }
0x2c: {  	v13 =	vsel vm9, $0x280, v13;
	v14 =	vsel vm9, $0x281, v14;
	v15 =	vsel vm9, $0x282, v15  }
0x2d: {  	v16 =	vsel vm9, $0x283, v16;
	v17 =	vsel vm9, $0x284, v17;
	v1 =	vsel vm8, $0x300, v1  }
0x2e: {  	v0 =	vsel vm8, $0x1F5E, v0;
	v3 =	vsel vm8, $0x1F5F, v3;
	v4 =	vsel vm8, $0x1F60, v4  }
0x2f: {  	v5 =	vsel vm8, $0x1F61, v5;
	v6 =	vsel vm8, $0x1F62, v6;
	v7 =	vsel vm8, $0x1F63, v7  }
0x30: {  	v8 =	vsel vm8, $0x1F64, v8;
	v9 =	vsel vm8, $0x1F65, v9;
	v10 =	vsel vm8, $0x1F66, v10  }
0x31: {  	v11 =	vsel vm8, $0x1F67, v11;
	v12 =	vsel vm8, $0x300, v12;
	v13 =	vsel vm8, $0x301, v13  }
0x32: {  	v14 =	vsel vm8, $0x302, v14;
	v15 =	vsel vm8, $0x303, v15;
	v16 =	vsel vm8, $0x304, v16  }
0x33: {  	v17 =	vsel vm8, $0x305, v17;
	v1 =	vsel vm7, $0x380, v1;
	v0 =	vsel vm7, $0x1FDF, v0  }
0x34: {  	v3 =	vsel vm7, $0x1FE0, v3;
	v4 =	vsel vm7, $0x1FE1, v4;
	v5 =	vsel vm7, $0x1FE2, v5  }
0x35: {  	v6 =	vsel vm7, $0x1FE3, v6;
	v7 =	vsel vm7, $0x1FE4, v7;
	v8 =	vsel vm7, $0x1FE5, v8  }
0x36: {  	v9 =	vsel vm7, $0x1FE6, v9;
	v10 =	vsel vm7, $0x1FE7, v10;
	v11 =	vsel vm7, $0x380, v11  }
0x37: {  	v12 =	vsel vm7, $0x381, v12;
	v13 =	vsel vm7, $0x382, v13;
	v14 =	vsel vm7, $0x383, v14  }
0x38: {  	v15 =	vsel vm7, $0x384, v15;
	v16 =	vsel vm7, $0x385, v16;
	v17 =	vsel vm7, $0x386, v17  }
0x39: {  	v1 =	vsel vm6, $0x2000, v1;
	v0 =	vsel vm6, $0x3C60, v0;
	v3 =	vsel vm6, $0x3C61, v3  }
0x3a: {  	v4 =	vsel vm6, $0x3C62, v4;
	v5 =	vsel vm6, $0x3C63, v5;
	v6 =	vsel vm6, $0x3C64, v6  }
0x3b: {  	v7 =	vsel vm6, $0x3C65, v7;
	v8 =	vsel vm6, $0x3C66, v8;
	v9 =	vsel vm6, $0x3C67, v9  }
0x3c: {  	v10 =	vsel vm6, $0x2000, v10;
	v11 =	vsel vm6, $0x2001, v11;
	v12 =	vsel vm6, $0x2002, v12  }
0x3d: {  	v13 =	vsel vm6, $0x2003, v13;
	v14 =	vsel vm6, $0x2004, v14;
	v15 =	vsel vm6, $0x2005, v15  }
0x3e: {  	v16 =	vsel vm6, $0x2006, v16;
	v17 =	vsel vm6, $0x2007, v17;
	v1 =	vsel vm5, $0x2080, v1  }
0x3f: {  	v0 =	vsel vm5, $0x3CE1, v0;
	v3 =	vsel vm5, $0x3CE2, v3;
	v4 =	vsel vm5, $0x3CE3, v4  }
0x40: {  	v5 =	vsel vm5, $0x3CE4, v5;
	v6 =	vsel vm5, $0x3CE5, v6;
	v7 =	vsel vm5, $0x3CE6, v7  }
0x41: {  	v8 =	vsel vm5, $0x3CE7, v8;
	v9 =	vsel vm5, $0x2080, v9;
	v10 =	vsel vm5, $0x2081, v10  }
0x42: {  	v11 =	vsel vm5, $0x2082, v11;
	v12 =	vsel vm5, $0x2083, v12;
	v13 =	vsel vm5, $0x2084, v13  }
0x43: {  	v14 =	vsel vm5, $0x2085, v14;
	v15 =	vsel vm5, $0x2086, v15;
	v16 =	vsel vm5, $0x2087, v16  }
0x44: {  	v17 =	vsel vm5, $0x2088, v17;
	v1 =	vsel vm4, $0x2100, v1;
	v0 =	vsel vm4, $0x3D62, v0  }
0x45: {  	v3 =	vsel vm4, $0x3D63, v3;
	v4 =	vsel vm4, $0x3D64, v4;
	v5 =	vsel vm4, $0x3D65, v5  }
0x46: {  	v6 =	vsel vm4, $0x3D66, v6;
	v7 =	vsel vm4, $0x3D67, v7;
	v8 =	vsel vm4, $0x2100, v8  }
0x47: {  	v9 =	vsel vm4, $0x2101, v9;
	v10 =	vsel vm4, $0x2102, v10;
	v11 =	vsel vm4, $0x2103, v11  }
0x48: {  	v12 =	vsel vm4, $0x2104, v12;
	v13 =	vsel vm4, $0x2105, v13;
	v14 =	vsel vm4, $0x2106, v14  }
0x49: {  	v15 =	vsel vm4, $0x2107, v15;
	v16 =	vsel vm4, $0x2108, v16;
	v17 =	vsel vm4, $0x2109, v17  }
0x4a: {  	v1 =	vsel vm3, $0x2180, v1;
	v0 =	vsel vm3, $0x3DE3, v0;
	v3 =	vsel vm3, $0x3DE4, v3  }
0x4b: {  	v4 =	vsel vm3, $0x3DE5, v4;
	v5 =	vsel vm3, $0x3DE6, v5;
	v6 =	vsel vm3, $0x3DE7, v6  }
0x4c: {  	v7 =	vsel vm3, $0x2180, v7;
	v8 =	vsel vm3, $0x2181, v8;
	v9 =	vsel vm3, $0x2182, v9  }
0x4d: {  	v10 =	vsel vm3, $0x2183, v10;
	v11 =	vsel vm3, $0x2184, v11;
	v12 =	vsel vm3, $0x2185, v12  }
0x4e: {  	v13 =	vsel vm3, $0x2186, v13;
	v14 =	vsel vm3, $0x2187, v14;
	v15 =	vsel vm3, $0x2188, v15  }
0x4f: {  	v16 =	vsel vm3, $0x2189, v16;
	v17 =	vsel vm3, $0x218A, v17;
	v1 =	vsel vm2, $0x2200, v1  }
0x50: {  	v0 =	vsel vm2, $0x3E64, v0;
	v3 =	vsel vm2, $0x3E65, v3;
	v4 =	vsel vm2, $0x3E66, v4  }
0x51: {  	v5 =	vsel vm2, $0x3E67, v5;
	v6 =	vsel vm2, $0x2200, v6;
	v7 =	vsel vm2, $0x2201, v7  }
0x52: {  	v8 =	vsel vm2, $0x2202, v8;
	v9 =	vsel vm2, $0x2203, v9;
	v10 =	vsel vm2, $0x2204, v10  }
0x53: {  	v11 =	vsel vm2, $0x2205, v11;
	v12 =	vsel vm2, $0x2206, v12;
	v13 =	vsel vm2, $0x2207, v13  }
0x54: {  	s4 =	rddreg [dreg:$0x0];
	s1 =	srdreg.scid;
	v14 =	vsel vm2, $0x2208, v14;
	v15 =	vsel vm2, $0x2209, v15;
	v16 =	vsel vm2, $0x220A, v16  }
0x55: {  	s0 =	stileid.u32;
	s2 =	rddreg [dreg:$0x1];
	s3 =	simm.s32 $0x0;
	v17 =	vsel vm2, $0x220B, v17;
	v1 =	vsel vm1, $0x2280, v1;
	v2 =	vsel vm1, $0x3EE5, v0  }
0x56: {  	s13 =	simm.s32 $0x4000;
	s14 =	simm.s32 $0x1;
	s15 =	simm.s32 $0x8000;
	v0 =	vimm.f32 $0.0e+00;
	v3 =	vsel vm1, $0x3EE6, v3;
	v4 =	vsel vm1, $0x3EE7, v4  }
0x57: {  	s18 =	simm.s32 $0x8080;
	s5 =	sand.u32 $0x1, s1;
	s6 =	sshll.u32 s0, $0x1;
	v5 =	vsel vm1, $0x2280, v5;
	v6 =	vsel vm1, $0x2281, v6;
	v7 =	vsel vm1, $0x2282, v7  }
0x58: {  	s19 =	simm.s32 $0x8880;
	s20 =	simm.s32 $0x9080;
	s7 =	sor.u32 s5, s6;
	v8 =	vsel vm1, $0x2283, v8;
	v9 =	vsel vm1, $0x2284, v9;
	v2 =	vsel vm0, $0x3F66, v2  }
0x59: {  	s5 =	ssub.s32 $0x2, s5;
	s6 =	smul.u32 $0x1800, s7;
	s8 =	sshll.u32 s7, $0xD;
	v10 =	vsel vm1, $0x2285, v10;
	v11 =	vsel vm1, $0x2286, v11;
	[tilespmem:$0x1FF90] =	vst v2;
	v2 =	vsel vm0, $0x3F67, v3  }
0x5a: {  	[smem:$0x7FF] =	sst s3;
	s9 =	sshrl.u32 s5, $0x1;
	s10 =	sadd.s32 s8, s4;
	v12 =	vsel vm1, $0x2287, v12;
	v13 =	vsel vm1, $0x2288, v13;
	[tilespmem:$0x1FFA0] =	vst v2;
	v2 =	vsel vm0, $0x2300, v4  }
0x5b: {  	s12 =	ssub.s32 s5, s9;
	s6 =	sshrl.u32 s6, $0x3;
	s5 =	sadd.s32 $0x1200, s10;
	v14 =	vsel vm1, $0x2289, v14;
	v15 =	vsel vm1, $0x228A, v15;
	[tilespmem:$0x1FFB0] =	vst v2;
	v2 =	vsel vm0, $0x2301, v5  }
.Ltmp0:
0x5c: {  	s8 =	sadd.s32 $0x1A00, s10;
	s11 =	sadd.s32 s6, s4;
	v16 =	vsel vm1, $0x228B, v16;
	v17 =	vsel vm1, $0x228C, v17;
	[tilespmem:$0x1FFC0] =	vst v2;
	v2 =	vsel vm0, $0x2302, v6;
	(pc) =	sbr.rel .LBB2_1-.Ltmp0, $4  }
0x5d: {  	s16 =	simm.s32 $0x3;
	s4 =	sadd.s32 $0xA00, s10;
	s6 =	sadd.s32 $0x200A00, s11;
	v1 =	vsel vm0, $0x2300, v1;
	v9 =	vsel vm0, $0x2305, v9;
	[tilespmem:$0x1FFD0] =	vst v2;
	v2 =	vsel vm0, $0x2303, v7  }
0x5e: {  	s17 =	simm.s32 $0x2;
	s21 =	simm.s32 $0x0;
	s9 =	sadd.s32 $0x200B00, s11;
	v10 =	vsel vm0, $0x2306, v10;
	v11 =	vsel vm0, $0x2307, v11;
	[tilespmem:$0x1FFE0] =	vst v2;
	v2 =	vsel vm0, $0x2304, v8  }
0x5f: {  	s1 =	rddreg [dreg:$0x2];
	s7 =	sshll.u32 s7, $0x3;
	s11 =	sadd.s32 $0x200C00, s11;
	v12 =	vsel vm0, $0x2308, v12;
	v13 =	vsel vm0, $0x2309, v13;
	v14 =	vsel vm0, $0x230A, v14;
	[tilespmem:$0x1FFF0] =	vst v2  }
0x60: {  	s12 =	smax.u32 s12, $0x1;
	s10 =	sadd.s32 $0x2200, s10;
	v15 =	vsel vm0, $0x230B, v15;
	v16 =	vsel vm0, $0x230C, v16;
	v17 =	vsel vm0, $0x230D, v17;
	_ =	strace $0x80000047  }
.LBB2_8:
0x61: {  	[hbm4b:s6+s3] =	stream.linear.scatter [tilespmem:s18], [sflag:$0x3], $0x780, $0x38;
	[tilespmem:$0x9880] =	vst v63  }
0x62: {  	_ =	swait.ge [sflag:s16], $0x780  }
0x63: {  	[sflag:s16] =	ssyncset.done $0x0  }
0x64: {  	[sflag:s16] =	ssyncadd.s32 $0xFFFFF880  }
0x65: {  	[hbm4b:s9+s3] =	stream.linear.scatter [tilespmem:s19], [sflag:$0x3], $0x780, $0x38;
	[tilespmem:$0x9880] =	vst v63  }
0x66: {  	s21 =	sadd.s32 $0x1, s21;
	_ =	swait.ge [sflag:s16], $0x780  }
0x67: {  	p0 =	sne.s32 s21, s12;
	[sflag:s16] =	ssyncset.done $0x0  }
.Ltmp1:
0x68: {  	[sflag:s16] =	ssyncadd.s32 $0xFFFFF880;
	(pc) =	sbr.rel @!p0 .LBB2_9-.Ltmp1, $4  }
0x69: {  	[hbm4b:s11+s3] =	stream.linear.scatter [tilespmem:s20], [sflag:$0x3], $0x780, $0x38;
	[tilespmem:$0x9880] =	vst v63  }
0x6a: {  	_ =	swait.ge [sflag:s16], $0x780  }
0x6b: {  	[sflag:s16] =	ssyncset.done $0x0  }
0x6c: {  	[sflag:s16] =	ssyncadd.s32 $0xFFFFF880  }
.LBB2_1:
0x6d: {  	[tilespmem:$0x8080] =	vst v0  }
0x6e: {  	[tilespmem:$0x8880] =	vst v0  }
0x6f: {  	[tilespmem:$0x9080] =	vst v0  }
0x70: {  	[tilespmem:$0x8100] =	vst v0  }
0x71: {  	[tilespmem:$0x8900] =	vst v0  }
0x72: {  	[tilespmem:$0x9100] =	vst v0  }
0x73: {  	[tilespmem:$0x8180] =	vst v0  }
0x74: {  	[tilespmem:$0x8980] =	vst v0  }
0x75: {  	[tilespmem:$0x9180] =	vst v0  }
0x76: {  	[tilespmem:$0x8200] =	vst v0  }
0x77: {  	[tilespmem:$0x8A00] =	vst v0  }
0x78: {  	[tilespmem:$0x9200] =	vst v0  }
0x79: {  	[tilespmem:$0x8280] =	vst v0  }
0x7a: {  	[tilespmem:$0x8A80] =	vst v0  }
0x7b: {  	[tilespmem:$0x9280] =	vst v0  }
0x7c: {  	[tilespmem:$0x8300] =	vst v0  }
0x7d: {  	[tilespmem:$0x8B00] =	vst v0  }
0x7e: {  	[tilespmem:$0x9300] =	vst v0  }
0x7f: {  	[tilespmem:$0x8380] =	vst v0  }
0x80: {  	[tilespmem:$0x8B80] =	vst v0  }
0x81: {  	[tilespmem:$0x9380] =	vst v0  }
0x82: {  	[tilespmem:$0x8400] =	vst v0  }
0x83: {  	[tilespmem:$0x8C00] =	vst v0  }
0x84: {  	[tilespmem:$0x9400] =	vst v0  }
0x85: {  	[tilespmem:$0x8480] =	vst v0  }
0x86: {  	[tilespmem:$0x8C80] =	vst v0  }
0x87: {  	[tilespmem:$0x9480] =	vst v0  }
0x88: {  	[tilespmem:$0x8500] =	vst v0  }
0x89: {  	[tilespmem:$0x8D00] =	vst v0  }
0x8a: {  	[tilespmem:$0x9500] =	vst v0  }
0x8b: {  	[tilespmem:$0x8580] =	vst v0  }
0x8c: {  	[tilespmem:$0x8D80] =	vst v0  }
0x8d: {  	[tilespmem:$0x9580] =	vst v0  }
0x8e: {  	[tilespmem:$0x8600] =	vst v0  }
0x8f: {  	[tilespmem:$0x8E00] =	vst v0  }
0x90: {  	[tilespmem:$0x9600] =	vst v0  }
0x91: {  	[tilespmem:$0x8680] =	vst v0  }
0x92: {  	[tilespmem:$0x8E80] =	vst v0  }
0x93: {  	[tilespmem:$0x9680] =	vst v0  }
0x94: {  	[tilespmem:$0x8700] =	vst v0  }
0x95: {  	[tilespmem:$0x8F00] =	vst v0  }
0x96: {  	[tilespmem:$0x9700] =	vst v0  }
0x97: {  	[tilespmem:$0x8780] =	vst v0  }
0x98: {  	[tilespmem:$0x8F80] =	vst v0  }
0x99: {  	[tilespmem:$0x9780] =	vst v0;
	p0 =	por $0x1, $0x1;
	s23 =	smov.u32 s5;
	s22 =	simm.s32 $0x0  }
0x9a: {  	[tilespmem:s3], [sflag:$0x1] =	stream.linear.gather [hbm4b:s4+s3], $0x4000, $0x38;
	[tilespmem:$0x9880] =	vst v63  }
.LBB2_2:
0x9b: {  	v20 =	vlaneseq.u32  }
0x9c: {  	v19 =	vimm.f32 $-Inf;
	v32 =	vimm.f32 $0.0e+00;
	v21 =	vand.u32 $0x7F, v20  }
0x9d: {  	v22 =	vadd.s32 $0x4, v20;
	v23 =	vadd.s32 $0x5, v20;
	v24 =	vadd.s32 $0x6, v20  }
0x9e: {  	v25 =	vshll.u32 v20, $0x3;
	v26 =	vadd.s32 $0x1, v20;
	v27 =	vadd.s32 $0x7, v20  }
0x9f: {  	v28 =	vadd.s32 $0x2, v20;
	v29 =	vadd.s32 $0x3, v20;
	v30 =	vand.u32 $0x7F, v22  }
0xa0: {  	v31 =	vand.u32 $0x7F, v23;
	v33 =	vand.u32 $0x7F, v24;
	v22 =	vshll.u32 v22, $0x3  }
0xa1: {  	v34 =	vand.u32 $0x7F, v27;
	v23 =	vshll.u32 v23, $0x3;
	v24 =	vshll.u32 v24, $0x3  }
0xa2: {  	v27 =	vshll.u32 v27, $0x3;
	v25 =	vand.u32 $0xFFFFFC00, v25;
	v35 =	vand.u32 $0x7F, v26  }
0xa3: {  	v36 =	vand.u32 $0x7F, v28;
	v26 =	vshll.u32 v26, $0x3;
	v37 =	vand.u32 $0x7F, v29  }
0xa4: {  	v28 =	vshll.u32 v28, $0x3;
	v29 =	vshll.u32 v29, $0x3;
	v21 =	vor.u32 v21, v25  }
0xa5: {  	v22 =	vand.u32 $0xFFFFFC00, v22;
	v23 =	vand.u32 $0xFFFFFC00, v23;
	v25 =	vand.u32 $0xFFFFFC00, v26  }
0xa6: {  	v26 =	vand.u32 $0xFFFFFC00, v28;
	v21 =	vadd.s32 v1, v21;
	v22 =	vor.u32 v30, v22  }
0xa7: {  	[tilespmem:s13], [sflag:$0x2] =	stream.linear.gather [hbm4b:s23+s3], $0x4000, $0x38;
	v28 =	vand.u32 $0xFFFFFC00, v29;
	v23 =	vor.u32 v31, v23;
	v22 =	vadd.s32 v1, v22;
	[tilespmem:$0x9880] =	vst v63  }
0xa8: {  	_ =	swait.ge [sflag:s14], $0x4000;
	v25 =	vor.u32 v35, v25;
	v26 =	vor.u32 v36, v26;
	v23 =	vadd.s32 v1, v23  }
0xa9: {  	[sflag:s14] =	ssyncset.done $0x0;
	v25 =	vadd.s32 v1, v25;
	v29 =	vadd.s32 v1, v26;
	v26 =	vor.u32 v37, v28  }
0xaa: {  	[sflag:s14] =	ssyncadd.s32 $0xFFFFC000;
	v24 =	vand.u32 $0xFFFFFC00, v24;
	v28 =	vadd.s32 v1, v26;
	v26 =	vand.u32 $0xFFFFFC00, v27  }
0xab: {  	v4 =	vld.idx.msk [tilespmem:v21+s3+$0x0], $0xffff;
	v21 =	vor.u32 v33, v24;
	v24 =	vor.u32 v34, v26;
	v26 =	vadd.s32 $0x8, v20  }
0xac: {  	v5 =	vld.idx.msk [tilespmem:v22+s3+$0x0], $0xffff;
	v21 =	vadd.s32 v1, v21;
	v31 =	vand.u32 $0x7F, v26;
	v22 =	vadd.s32 v1, v24  }
0xad: {  	v23 =	vld.idx.msk [tilespmem:v23+s3+$0x0], $0xffff;
	v24 =	vadd.s32 $0x4, v26;
	v30 =	vadd.s32 $0x5, v26;
	v6 =	vadd.s32 $0x6, v26  }
0xae: {  	v25 =	vld.idx.msk [tilespmem:v25+s3+$0x0], $0xffff;
	v7 =	vshll.u32 v26, $0x3;
	v48 =	vadd.s32 $0x1, v26;
	v38 =	vadd.s32 $0x7, v26  }
0xaf: {  	v44 =	vld.idx.msk [tilespmem:v29+s3+$0x0], $0xffff;
	v39 =	vadd.s32 $0x2, v26;
	v40 =	vadd.s32 $0x3, v26;
	v41 =	vand.u32 $0x7F, v24  }
0xb0: {  	v20 =	vld.idx.msk [tilespmem:v28+s3+$0x0], $0xffff;
	v42 =	vand.u32 $0x7F, v30;
	v27 =	vand.u32 $0x7F, v6;
	v29 =	vmul.f32 $1.442695020e+00, v4  }
0xb1: {  	v24 =	vshll.u32 v24, $0x3;
	v28 =	vand.u32 $0x7F, v38;
	v21 =	vld.idx.msk [tilespmem:v21+s3+$0x0], $0xffff;
	v43 =	vmul.f32 $1.442695020e+00, v5  }
0xb2: {  	v45 =	vshll.u32 v30, $0x3;
	v22 =	vld.idx.msk [tilespmem:v22+s3+$0x0], $0xffff;
	v46 =	vmul.f32 $1.442695020e+00, v23;
	(erf) = vpow2.f32 v29  }
0xb3: {  	v30 =	vshll.u32 v6, $0x3;
	v49 =	vmul.f32 $1.442695020e+00, v25;
	(erf) = vpow2.f32 v43  }
0xb4: {  	v36 =	vand.u32 $0xFFFFFC00, v7;
	v50 =	vmul.f32 $1.442695020e+00, v44;
	(erf) = vpow2.f32 v46  }
0xb5: {  	v52 =	vand.u32 $0x7F, v48;
	v51 =	vmul.f32 $1.442695020e+00, v20;
	(erf) = vpow2.f32 v49  }
0xb6: {  	v47 =	vand.u32 $0x7F, v39;
	v53 =	vmul.f32 $1.442695020e+00, v21;
	(erf) = vpow2.f32 v50  }
0xb7: {  	v55 =	vshll.u32 v48, $0x3;
	v54 =	vmul.f32 $1.442695020e+00, v22;
	(erf) = vpow2.f32 v51  }
0xb8: {  	v37 =	vand.u32 $0x7F, v40;
	v39 =	vshll.u32 v39, $0x3;
	(erf) = vpow2.f32 v53  }
0xb9: {  	v40 =	vshll.u32 v40, $0x3;
	v31 =	vor.u32 v31, v36;
	(erf) = vpow2.f32 v54  }
0xba: {  	v24 =	vand.u32 $0xFFFFFC00, v24;
	v56 =	vand.u32 $0xFFFFFC00, v45;
	v57 =	vand.u32 $0xFFFFFC00, v39  }
0xbb: {  	v39 =	vadd.s32 v1, v31;
	v24 =	vor.u32 v41, v24;
	v36 =	vor.u32 v42, v56;
	v58 =	vpop (erf)  }
0xbc: {  	v42 =	vadd.s32 v1, v24;
	v24 =	vmax.f32 v19, v4;
	v61 =	vmax.f32 v19, v25;
	v48 =	vpop (erf)  }
0xbd: {  	v24 =	vmax.f32 v24, v5;
	v29 =	vshll.u32 v38, $0x3;
	v38 =	vand.u32 $0xFFFFFC00, v40;
	v31 =	vpop (erf)  }
0xbe: {  	v40 =	vadd.s32 v1, v36;
	v43 =	vand.u32 $0xFFFFFC00, v55;
	v59 =	vadd.f32 v58, v32;
	v60 =	vpop (erf)  }
0xbf: {  	v23 =	vmax.f32 v61, v23;
	v36 =	vmax.f32 v19, v44;
	v34 =	vor.u32 v52, v43;
	v62 =	vpop (erf)  }
0xc0: {  	v43 =	vor.u32 v47, v57;
	v25 =	vadd.f32 v48, v59;
	v33 =	vadd.f32 v60, v32;
	v63 =	vpop (erf)  }
0xc1: {  	s23 =	simm.s32 $0x79;
	v41 =	vadd.s32 v1, v34;
	v34 =	vadd.f32 v62, v32;
	v32 =	vadd.f32 v63, v32;
	v35 =	vpop (erf)  }
.LBB2_3:
0xc2: {  	p1 =	sne.s32 s23, $0x1;
	v19 =	vmax.f32 v19, v20;
	v33 =	vadd.f32 v31, v33;
	v36 =	vmax.f32 v36, v21;
	v20 =	vpop (erf)  }
0xc3: {  	v34 =	vadd.f32 v35, v34;
	v19 =	vmax.f32 v19, v22;
	v32 =	vadd.f32 v20, v32  }
0xc4: {  	v21 =	vor.u32 v37, v38;
	v20 =	vadd.s32 v1, v43;
	v22 =	vand.u32 $0xFFFFFC00, v30  }
0xc5: {  	v21 =	vadd.s32 v1, v21;
	v22 =	vor.u32 v27, v22;
	v27 =	vand.u32 $0xFFFFFC00, v29;
	v35 =	vld.idx.msk [tilespmem:v39+s3+$0x0], $0xffff  }
0xc6: {  	v26 =	vadd.s32 $0x8, v26;
	v22 =	vadd.s32 v1, v22;
	v27 =	vor.u32 v28, v27;
	v44 =	vld.idx.msk [tilespmem:v42+s3+$0x0], $0xffff  }
0xc7: {  	v31 =	vand.u32 $0x7F, v26;
	v29 =	vadd.s32 v1, v27;
	v45 =	vld.idx.msk [tilespmem:v40+s3+$0x0], $0xffff  }
0xc8: {  	v30 =	vadd.s32 $0x5, v26;
	v37 =	vadd.s32 $0x6, v26;
	v28 =	vadd.s32 $0x4, v26;
	v46 =	vld.idx.msk [tilespmem:v41+s3+$0x0], $0xffff  }
0xc9: {  	v38 =	vshll.u32 v26, $0x3;
	v39 =	vadd.s32 $0x1, v26;
	v40 =	vadd.s32 $0x7, v26;
	v47 =	vld.idx.msk [tilespmem:v20+s3+$0x0], $0xffff  }
0xca: {  	v42 =	vadd.s32 $0x3, v26;
	v43 =	vand.u32 $0x7F, v28;
	v41 =	vadd.s32 $0x2, v26;
	v20 =	vld.idx.msk [tilespmem:v21+s3+$0x0], $0xffff  }
0xcb: {  	v48 =	vand.u32 $0x7F, v30;
	v27 =	vand.u32 $0x7F, v37;
	v49 =	vmul.f32 $1.442695020e+00, v35;
	v21 =	vld.idx.msk [tilespmem:v22+s3+$0x0], $0xffff  }
0xcc: {  	v50 =	vshll.u32 v28, $0x3;
	v28 =	vand.u32 $0x7F, v40;
	v51 =	vmul.f32 $1.442695020e+00, v44;
	v22 =	vld.idx.msk [tilespmem:v29+s3+$0x0], $0xffff  }
0xcd: {  	v52 =	vshll.u32 v30, $0x3;
	v53 =	vmul.f32 $1.442695020e+00, v45;
	(erf) = vpow2.f32 v49  }
0xce: {  	v30 =	vshll.u32 v37, $0x3;
	v37 =	vmul.f32 $1.442695020e+00, v46;
	(erf) = vpow2.f32 v51  }
0xcf: {  	v29 =	vshll.u32 v40, $0x3;
	v40 =	vmul.f32 $1.442695020e+00, v47;
	(erf) = vpow2.f32 v53  }
0xd0: {  	v38 =	vand.u32 $0xFFFFFC00, v38;
	v49 =	vmul.f32 $1.442695020e+00, v20;
	(erf) = vpow2.f32 v37  }
0xd1: {  	v51 =	vand.u32 $0x7F, v39;
	v53 =	vmul.f32 $1.442695020e+00, v21;
	(erf) = vpow2.f32 v40  }
0xd2: {  	v40 =	vand.u32 $0x7F, v41;
	v54 =	vmul.f32 $1.442695020e+00, v22;
	(erf) = vpow2.f32 v49  }
0xd3: {  	v39 =	vshll.u32 v39, $0x3;
	v37 =	vand.u32 $0x7F, v42;
	(erf) = vpow2.f32 v53  }
0xd4: {  	v42 =	vshll.u32 v42, $0x3;
	v41 =	vshll.u32 v41, $0x3;
	(erf) = vpow2.f32 v54  }
0xd5: {  	v31 =	vor.u32 v31, v38;
	v2 =	vand.u32 $0xFFFFFC00, v50;
	v50 =	vand.u32 $0xFFFFFC00, v52  }
0xd6: {  	v52 =	vand.u32 $0xFFFFFC00, v39;
	v38 =	vand.u32 $0xFFFFFC00, v42;
	v41 =	vand.u32 $0xFFFFFC00, v41;
	v53 =	vpop (erf)  }
0xd7: {  	v2 =	vor.u32 v43, v2;
	v48 =	vor.u32 v48, v50;
	v39 =	vadd.s32 v1, v31;
	v49 =	vpop (erf)  }
.Ltmp2:
0xd8: {  	v50 =	vor.u32 v51, v52;
	v42 =	vadd.s32 v1, v2;
	v43 =	vor.u32 v40, v41;
	v31 =	vpop (erf);
	(pc) =	sbr.rel @p1 .LBB2_3-.Ltmp2, $4  }
0xd9: {  	v24 =	vmax.f32 v24, v35;
	v40 =	vadd.s32 v1, v48;
	v25 =	vadd.f32 v53, v25;
	v35 =	vpop (erf)  }
0xda: {  	v24 =	vmax.f32 v24, v44;
	v23 =	vmax.f32 v23, v46;
	v41 =	vadd.s32 v1, v50;
	v44 =	vpop (erf)  }
0xdb: {  	v23 =	vmax.f32 v23, v45;
	v25 =	vadd.f32 v49, v25;
	v33 =	vadd.f32 v35, v33;
	v35 =	vpop (erf)  }
0xdc: {  	s23 =	sadd.s32 $0xFFFFFFFF, s23;
	v36 =	vmax.f32 v36, v47;
	v34 =	vadd.f32 v44, v34;
	v32 =	vadd.f32 v35, v32;
	v35 =	vpop (erf)  }
0xdd: {  	v2 =	vld [tilespmem:$0x1FF90];
	_ =	sdelay $0x5  }
0xde: {  	v37 =	vor.u32 v37, v38;
	v38 =	vld.idx.msk [tilespmem:v39+s3+$0x0], $0xffff  }
0xdf: {  	v39 =	vld.idx.msk [tilespmem:v41+s3+$0x0], $0xffff  }
0xe0: {  	v41 =	vld.idx.msk [tilespmem:v2+s3+$0x0], $0xffff  }
0xe1: {  	v2 =	vld [tilespmem:$0x1FFD0];
	_ =	sdelay $0x1  }
0xe2: {  	v26 =	vadd.s32 v1, v43;
	_ =	sdelay $0x1  }
0xe3: {  	v30 =	vand.u32 $0xFFFFFC00, v30  }
0xe4: {  	v29 =	vand.u32 $0xFFFFFC00, v29;
	v37 =	vadd.s32 v1, v37;
	v27 =	vor.u32 v27, v30;
	v30 =	vld.idx.msk [tilespmem:v42+s3+$0x0], $0xffff  }
0xe5: {  	v28 =	vor.u32 v28, v29;
	v29 =	vld.idx.msk [tilespmem:v40+s3+$0x0], $0xffff  }
0xe6: {  	v26 =	vld.idx.msk [tilespmem:v26+s3+$0x0], $0xffff  }
0xe7: {  	v42 =	vld.idx.msk [tilespmem:v2+s3+$0x0], $0xffff  }
0xe8: {  	v2 =	vld [tilespmem:$0x1FFA0]  }
0xe9: {  	v56 =	vmul.f32 $1.442695020e+00, v38;
	v37 =	vld.idx.msk [tilespmem:v37+s3+$0x0], $0xffff  }
0xea: {  	v57 =	vmul.f32 $1.442695020e+00, v30  }
0xeb: {  	v58 =	vmul.f32 $1.442695020e+00, v29;
	(erf) = vpow2.f32 v56  }
0xec: {  	v59 =	vmul.f32 $1.442695020e+00, v39;
	(erf) = vpow2.f32 v57  }
0xed: {  	v27 =	vadd.s32 v1, v27;
	(erf) = vpow2.f32 v58;
	v60 =	vmul.f32 $1.442695020e+00, v26  }
0xee: {  	(erf) = vpow2.f32 v59;
	v44 =	vmul.f32 $1.442695020e+00, v37  }
0xef: {  	(erf) = vpow2.f32 v60  }
0xf0: {  	(erf) = vpow2.f32 v44;
	v44 =	vld.idx.msk [tilespmem:v2+s3+$0x0], $0xffff  }
0xf1: {  	v2 =	vld [tilespmem:$0x1FFE0]  }
0xf2: {  	v27 =	vld.idx.msk [tilespmem:v27+s3+$0x0], $0xffff;
	_ =	sdelay $0x4  }
0xf3: {  	v45 =	vmul.f32 $1.442695020e+00, v27;
	_ =	sdelay $0x1  }
0xf4: {  	(erf) = vpow2.f32 v45;
	v45 =	vld.idx.msk [tilespmem:v2+s3+$0x0], $0xffff  }
0xf5: {  	v2 =	vld [tilespmem:$0x1FFB0];
	_ =	sdelay $0x6  }
0xf6: {  	v28 =	vadd.s32 v1, v28  }
0xf7: {  	v52 =	vld.idx.msk [tilespmem:v2+s3+$0x0], $0xffff  }
0xf8: {  	v2 =	vld [tilespmem:$0x1FFF0];
	_ =	sdelay $0x2  }
0xf9: {  	v28 =	vld.idx.msk [tilespmem:v28+s3+$0x0], $0xffff;
	_ =	sdelay $0x2  }
0xfa: {  	v40 =	vld.idx.msk [tilespmem:v10+s3+$0x0], $0xffff  }
0xfb: {  	v43 =	vld.idx.msk [tilespmem:v14+s3+$0x0], $0xffff  }
0xfc: {  	v46 =	vmul.f32 $1.442695020e+00, v28;
	v54 =	vld.idx.msk [tilespmem:v2+s3+$0x0], $0xffff  }
0xfd: {  	v47 =	vmul.f32 $1.442695020e+00, v41;
	v2 =	vld [tilespmem:$0x1FFC0]  }
0xfe: {  	(erf) = vpow2.f32 v46;
	v46 =	vld.idx.msk [tilespmem:v11+s3+$0x0], $0xffff;
	v48 =	vmul.f32 $1.442695020e+00, v42  }
0xff: {  	v49 =	vpop (erf);
	v50 =	vld.idx.msk [tilespmem:v15+s3+$0x0], $0xffff;
	v61 =	vmul.f32 $1.442695020e+00, v40;
	(erf) = vpow2.f32 v47  }
0x100: {  	v62 =	vmul.f32 $1.442695020e+00, v43;
	v51 =	vpop (erf);
	(erf) = vpow2.f32 v48  }
0x101: {  	v53 =	vpop (erf);
	(erf) = vpow2.f32 v61;
	v63 =	vmul.f32 $1.442695020e+00, v44  }
0x102: {  	v56 =	vld.idx.msk [tilespmem:v12+s3+$0x0], $0xffff;
	v55 =	vpop (erf);
	(erf) = vpow2.f32 v62;
	v4 =	vmul.f32 $1.442695020e+00, v45  }
0x103: {  	v58 =	vld.idx.msk [tilespmem:v16+s3+$0x0], $0xffff;
	v57 =	vpop (erf);
	v5 =	vmul.f32 $1.442695020e+00, v46;
	(erf) = vpow2.f32 v63  }
0x104: {  	v6 =	vmul.f32 $1.442695020e+00, v50;
	v59 =	vpop (erf);
	(erf) = vpow2.f32 v4  }
0x105: {  	v61 =	vpop (erf);
	(erf) = vpow2.f32 v5;
	v7 =	vmul.f32 $1.442695020e+00, v52;
	v60 =	vld.idx.msk [tilespmem:v2+s3+$0x0], $0xffff  }
0x106: {  	v62 =	vpop (erf);
	(erf) = vpow2.f32 v6;
	v48 =	vmul.f32 $1.442695020e+00, v54  }
0x107: {  	v47 =	vmul.f32 $1.442695020e+00, v56;
	v63 =	vld.idx.msk [tilespmem:v9+s3+$0x0], $0xffff;
	v2 =	vpop (erf);
	(erf) = vpow2.f32 v7  }
0x108: {  	v4 =	vpop (erf);
	(erf) = vpow2.f32 v48;
	v48 =	vmul.f32 $1.442695020e+00, v58  }
0x109: {  	v3 =	vld.idx.msk [tilespmem:v13+s3+$0x0], $0xffff  }
0x10a: {  	v5 =	vpop (erf);
	(erf) = vpow2.f32 v47;
	v47 =	vmul.f32 $1.442695020e+00, v60  }
0x10b: {  	v19 =	vmax.f32 v19, v20;
	v20 =	vadd.f32 v31, v33;
	v6 =	vld.idx.msk [tilespmem:v17+s3+$0x0], $0xffff;
	v7 =	vpop (erf);
	(erf) = vpow2.f32 v48  }
0x10c: {  	v21 =	vmax.f32 v36, v21;
	v48 =	vpop (erf);
	(erf) = vpow2.f32 v47;
	v47 =	vmul.f32 $1.442695020e+00, v63  }
0x10d: {  	v34 =	vadd.f32 v35, v34;
	v19 =	vmax.f32 v19, v22;
	v25 =	vadd.f32 v51, v25;
	v8 =	vpop (erf)  }
0x10e: {  	v22 =	vadd.f32 v49, v32;
	v36 =	vmul.f32 $1.442695020e+00, v3;
	v31 =	vpop (erf);
	(erf) = vpow2.f32 v47  }
0x10f: {  	v25 =	vadd.f32 v53, v25;
	v20 =	vadd.f32 v57, v20;
	v32 =	vpop (erf)  }
0x110: {  	v22 =	vadd.f32 v61, v22;
	v49 =	vmul.f32 $1.442695020e+00, v6;
	(erf) = vpow2.f32 v36;
	v47 =	vpop (erf)  }
0x111: {  	v24 =	vmax.f32 v24, v38;
	v23 =	vmax.f32 v23, v39;
	v20 =	vadd.f32 v55, v20;
	v57 =	vpop (erf)  }
0x112: {  	v24 =	vmax.f32 v24, v30;
	v4 =	vadd.f32 v4, v25;
	(erf) = vpow2.f32 v49;
	v61 =	vpop (erf)  }
0x113: {  	v23 =	vmax.f32 v23, v29;
	v34 =	vadd.f32 v59, v34;
	v8 =	vadd.f32 v8, v20;
	v30 =	vpop (erf)  }
0x114: {  	v19 =	vmax.f32 v19, v37;
	v2 =	vadd.f32 v2, v22;
	v4 =	vadd.f32 v5, v4;
	v22 =	vpop (erf)  }
0x115: {  	v21 =	vmax.f32 v21, v26;
	v19 =	vmax.f32 v19, v28;
	v29 =	vadd.f32 v62, v34;
	v20 =	vpop (erf)  }
0x116: {  	v19 =	vmax.f32 v19, v60;
	v4 =	vadd.f32 v7, v4;
	v2 =	vadd.f32 v20, v2  }
0x117: {  	v19 =	vmax.f32 v19, v63;
	v37 =	vadd.f32 v31, v8;
	v25 =	vadd.f32 v57, v29;
	v8 =	vpop (erf)  }
0x118: {  	v3 =	vmax.f32 v19, v3;
	v2 =	vadd.f32 v8, v2;
	v8 =	vmax.f32 v24, v41  }
0x119: {  	v4 =	vadd.f32 v48, v4;
	v20 =	vmax.f32 v21, v27;
	v21 =	vadd.f32 v61, v25;
	v38 =	vpop (erf)  }
0x11a: {  	v3 =	vmax.f32 v3, v6;
	v5 =	vadd.f32 v32, v37;
	v2 =	vadd.f32 v38, v2  }
0x11b: {  	v20 =	vmax.f32 v20, v52;
	v21 =	vadd.f32 v30, v21;
	v39 =	vmax.f32 v8, v42;
	v8 =	vpop (erf)  }
0x11c: {  	v20 =	vmax.f32 v20, v54;
	v2 =	vadd.f32 v8, v2;
	v8 =	vmax.f32 v23, v44  }
0x11d: {  	v5 =	vadd.f32 v47, v5;
	v20 =	vmax.f32 v20, v56;
	v8 =	vmax.f32 v8, v45  }
0x11e: {  	v7 =	vmax.f32 v39, v40;
	v21 =	vadd.f32 v22, v21;
	v8 =	vmax.f32 v8, v46  }
0x11f: {  	v19 =	vmax.f32 v20, v58;
	v7 =	vmax.f32 v7, v43;
	v8 =	vmax.f32 v8, v50  }
0x120: {  	s22 =	sor.u32 s7, s22;
	v3 =	vmax.f32 v19, v3;
	v40 =	vmax.f32 v7, v8  }
0x121: {  	s23 =	sadd.s32 s2, s22;
	v4 =	vadd.f32 v5, v4;
	v2 =	vadd.f32 v2, v21;
	v3 =	vmax.f32 v40, v3  }
0x122: {  	[tilespmem:s15], [sflag:$0x3] =	stream.linear.gather [hbm4b:s23+s3], $0x10, $0x38;
	v41 =	vmul.f32 $1.442695020e+00, v3;
	[tilespmem:$0x9880] =	vst v63  }
0x123: {  	_ =	swait.ge [sflag:s16], $0x10;
	v2 =	vadd.f32 v2, v4  }
0x124: {  	(erf) = vpow2.f32 v41  }
0x125: {  	(erf) = vrcp.f32 v2;
	_ =	sdelay $0x1  }
0x126: {  	[sflag:s16] =	ssyncset.done $0x0  }
0x127: {  	[sflag:s16] =	ssyncadd.s32 $0xFFFFFFF0  }
0x128: {  	v2 =	vld [tilespmem:$0x8000];
	_ =	sdelay $0x3  }
0x129: {  	v5 =	vpop (erf)  }
0x12a: {  	v42 =	vshll.u32 v2, $0x3;
	v43 =	vpop (erf)  }
0x12b: {  	v2 =	vand.u32 $0x7F, v2;
	v4 =	vand.u32 $0xFFFFFC00, v42;
	v19 =	vmul.f32 v43, v5  }
0x12c: {  	v2 =	vor.u32 v2, v4  }
0x12d: {  	v2 =	vadd.s32 v1, v2;
	vm0 =	vgt.f32 v19, $6.666667010e-02;
	vm1 =	vgt.f32 v19, $1.333333400e-01  }
0x12e: {  	vm11 =	vgt.f32 v19, $2.000000180e-01;
	v44 =	vsel vm0, $0x1, v18;
	v45 =	vsel vm1, $0x1, v18  }
0x12f: {  	vm12 =	vgt.f32 v19, $2.666666810e-01;
	v46 =	vsel vm11, $0x1, v18;
	v4 =	vadd.s32 v45, v44  }
0x130: {  	vm13 =	vgt.f32 v19, $3.333333430e-01;
	v47 =	vsel vm12, $0x1, v18;
	v4 =	vadd.s32 v46, v4  }
0x131: {  	v50 =	vld [tilespmem:$0x8080];
	vm14 =	vgt.f32 v19, $4.000000360e-01;
	v48 =	vsel vm13, $0x1, v18;
	v4 =	vadd.s32 v47, v4  }
0x132: {  	v52 =	vld [tilespmem:$0x8880];
	vm15 =	vgt.f32 v19, $4.666666980e-01;
	v49 =	vsel vm14, $0x1, v18;
	v4 =	vadd.s32 v48, v4  }
0x133: {  	v22 =	vld [tilespmem:$0x8100];
	vm4 =	vgt.f32 v19, $5.333333610e-01;
	v51 =	vsel vm15, $0x1, v18;
	v4 =	vadd.s32 v49, v4  }
0x134: {  	v23 =	vld [tilespmem:$0x8900];
	vm5 =	vgt.f32 v19, $6.000000240e-01;
	v53 =	vsel vm4, $0x1, v18;
	v4 =	vadd.s32 v51, v4  }
0x135: {  	v24 =	vld [tilespmem:$0x9100];
	vm6 =	vgt.f32 v19, $6.666666860e-01;
	v54 =	vsel vm5, $0x1, v18;
	v4 =	vadd.s32 v53, v4  }
0x136: {  	v25 =	vld [tilespmem:$0x8180];
	vm7 =	vgt.f32 v19, $7.333333490e-01;
	v55 =	vsel vm6, $0x1, v18;
	v4 =	vadd.s32 v54, v4  }
0x137: {  	v26 =	vld [tilespmem:$0x8980];
	vm8 =	vgt.f32 v19, $8.000000710e-01;
	v56 =	vsel vm7, $0x1, v18;
	v4 =	vadd.s32 v55, v4  }
0x138: {  	v27 =	vld [tilespmem:$0x9180];
	vm9 =	vgt.f32 v19, $8.666667340e-01;
	v57 =	vsel vm8, $0x1, v18;
	v4 =	vadd.s32 v56, v4  }
0x139: {  	vm10 =	vgt.f32 v19, $9.333333960e-01;
	v2 =	vld.idx.msk [tilespmem:v2+s3+$0x0], $0xffff;
	v58 =	vsel vm9, $0x1, v18;
	v4 =	vadd.s32 v57, v4  }
0x13a: {  	v28 =	vld [tilespmem:$0x8200];
	v59 =	vsel vm10, $0x1, v18;
	vm11 =	vgt.f32 v19, $1.000000000e+00;
	v4 =	vadd.s32 v58, v4  }
0x13b: {  	v61 =	vld [tilespmem:$0x8A00];
	v60 =	vsel vm11, $0x1, v18;
	v4 =	vadd.s32 v59, v4  }
0x13c: {  	v8 =	vld [tilespmem:$0x9080];
	v21 =	vadd.s32 v60, v4  }
0x13d: {  	v62 =	vld [tilespmem:$0x8280];
	vm13 =	veq.s32 v21, $0x0  }
0x13e: {  	v31 =	vld [tilespmem:$0x8A80];
	vm12 =	veq.f32 v2, v3;
	v3 =	vsel vm13, $0x3F800000, v0  }
0x13f: {  	v37 =	vld [tilespmem:$0x8B00];
	v20 =	vsel vm12, $0x3F800000, v0;
	v29 =	vnsel vm13, $0x0, v19;
	v3 =	vadd.f32 v3, v50  }
0x140: {  	v39 =	vld [tilespmem:$0x8380];
	vm14 =	veq.s32 v21, $0x1;
	v30 =	vnsel vm13, $0x0, v20;
	v63 =	vadd.f32 v29, v52  }
0x141: {  	v43 =	vld [tilespmem:$0x8C00];
	vm4 =	veq.s32 v21, $0x3;
	v36 =	vsel vm14, $0x3F800000, v0;
	v8 =	vadd.f32 v30, v8;
	[tilespmem:$0x8080] =	vst v3  }
0x142: {  	v48 =	vld [tilespmem:$0x8D00];
	v41 =	vnsel vm4, $0x0, v19;
	v7 =	vadd.f32 v36, v22;
	[tilespmem:$0x8880] =	vst v63  }
0x143: {  	v2 =	vld [tilespmem:$0x9200];
	v30 =	vnsel vm14, $0x0, v20;
	v4 =	vadd.f32 v61, v41;
	[tilespmem:$0x9080] =	vst v8  }
0x144: {  	v54 =	vld [tilespmem:$0x8600];
	vm15 =	veq.s32 v21, $0x2;
	v38 =	vadd.f32 v30, v24;
	v3 =	vnsel vm14, $0x0, v19;
	[tilespmem:$0x8100] =	vst v7  }
0x145: {  	v22 =	vld [tilespmem:$0x8300];
	v8 =	vnsel vm15, $0x0, v19;
	[tilespmem:$0x8A00] =	vst v4;
	v3 =	vadd.f32 v3, v23  }
0x146: {  	v57 =	vld [tilespmem:$0x9680];
	vm5 =	veq.s32 v21, $0x4;
	v23 =	vsel vm15, $0x3F800000, v0;
	v8 =	vadd.f32 v26, v8;
	[tilespmem:$0x9100] =	vst v38  }
0x147: {  	vm6 =	veq.s32 v21, $0x5;
	v29 =	vld [tilespmem:$0x9280];
	v30 =	vnsel vm15, $0x0, v20;
	v40 =	vadd.f32 v23, v25;
	[tilespmem:$0x8900] =	vst v3  }
0x148: {  	vm7 =	veq.s32 v21, $0x6;
	v24 =	vld [tilespmem:$0x9300];
	v23 =	vsel vm4, $0x3F800000, v0;
	v3 =	vadd.f32 v27, v30;
	[tilespmem:$0x8980] =	vst v8  }
0x149: {  	vm8 =	veq.s32 v21, $0x7;
	v45 =	vsel vm6, $0x3F800000, v0;
	v63 =	vld [tilespmem:$0x8F80];
	v23 =	vadd.f32 v28, v23;
	[tilespmem:$0x8180] =	vst v40  }
0x14a: {  	vm9 =	veq.s32 v21, $0x8;
	v26 =	vld [tilespmem:$0x9380];
	v27 =	vnsel vm4, $0x0, v20;
	v6 =	vadd.f32 v22, v45;
	[tilespmem:$0x9180] =	vst v3  }
0x14b: {  	vm10 =	veq.s32 v21, $0x9;
	v25 =	vld [tilespmem:$0x8B80];
	v8 =	vnsel vm5, $0x0, v19;
	v2 =	vadd.f32 v2, v27;
	[tilespmem:$0x8200] =	vst v23  }
0x14c: {  	vm11 =	veq.s32 v21, $0xA;
	v42 =	vsel vm5, $0x3F800000, v0;
	v28 =	vld [tilespmem:$0x8400];
	v44 =	vadd.f32 v31, v8;
	[tilespmem:$0x8300] =	vst v6  }
0x14d: {  	vm12 =	veq.s32 v21, $0xB;
	v30 =	vld [tilespmem:$0x9400];
	v27 =	vnsel vm5, $0x0, v20;
	v3 =	vadd.f32 v62, v42;
	[tilespmem:$0x9200] =	vst v2  }
0x14e: {  	v46 =	vnsel vm6, $0x0, v19;
	v53 =	vnsel vm9, $0x0, v19;
	v22 =	vld [tilespmem:$0x8C80];
	v23 =	vadd.f32 v29, v27;
	[tilespmem:$0x8A80] =	vst v44  }
0x14f: {  	v56 =	vsel vm10, $0x3F800000, v0;
	v8 =	vld [tilespmem:$0x8480];
	v27 =	vnsel vm6, $0x0, v20;
	v2 =	vadd.f32 v37, v46;
	[tilespmem:$0x8280] =	vst v3  }
0x150: {  	v60 =	vnsel vm12, $0x0, v19;
	v29 =	vld [tilespmem:$0x9480];
	v47 =	vadd.f32 v24, v27;
	v24 =	vsel vm7, $0x3F800000, v0;
	[tilespmem:$0x9280] =	vst v23  }
0x151: {  	vm13 =	veq.s32 v21, $0xC;
	v31 =	vnsel vm7, $0x0, v20;
	v27 =	vld [tilespmem:$0x8500];
	v49 =	vadd.f32 v39, v24;
	[tilespmem:$0x8B00] =	vst v2  }
0x152: {  	v50 =	vnsel vm8, $0x0, v19;
	v3 =	vnsel vm7, $0x0, v19;
	v23 =	vadd.f32 v26, v31;
	v26 =	vld [tilespmem:$0x8580];
	[tilespmem:$0x9300] =	vst v47  }
0x153: {  	v52 =	vsel vm9, $0x3F800000, v0;
	v24 =	vsel vm8, $0x3F800000, v0;
	v31 =	vld [tilespmem:$0x8D80];
	v3 =	vadd.f32 v25, v3;
	[tilespmem:$0x8380] =	vst v49  }
0x154: {  	vm14 =	veq.s32 v21, $0xD;
	vm15 =	veq.s32 v21, $0xE;
	v25 =	vld [tilespmem:$0x9500];
	v24 =	vadd.f32 v28, v24;
	[tilespmem:$0x9380] =	vst v23  }
0x155: {  	v28 =	vnsel vm8, $0x0, v20;
	v2 =	vadd.f32 v43, v50;
	v4 =	vadd.f32 v22, v53;
	v22 =	vld [tilespmem:$0x9600];
	[tilespmem:$0x8B80] =	vst v3  }
0x156: {  	v35 =	vnsel vm14, $0x0, v19;
	v21 =	vsel vm15, $0x3F800000, v0;
	v51 =	vadd.f32 v30, v28;
	v28 =	vld [tilespmem:$0x9580];
	[tilespmem:$0x8400] =	vst v24  }
0x157: {  	v62 =	vnsel vm13, $0x0, v19;
	v30 =	vnsel vm9, $0x0, v20;
	v55 =	vadd.f32 v8, v52;
	v8 =	vld [tilespmem:$0x8E00];
	[tilespmem:$0x8C00] =	vst v2  }
0x158: {  	v23 =	vnsel vm10, $0x0, v19;
	v3 =	vadd.f32 v29, v30;
	v29 =	vld [tilespmem:$0x8680];
	v2 =	vnsel vm11, $0x0, v19;
	[tilespmem:$0x8C80] =	vst v4  }
0x159: {  	v7 =	vadd.f32 v27, v56;
	v27 =	vnsel vm10, $0x0, v20;
	[tilespmem:$0x9400] =	vst v51;
	v2 =	vadd.f32 v31, v2;
	v31 =	vld [tilespmem:$0x9700]  }
0x15a: {  	v23 =	vadd.f32 v48, v23;
	[tilespmem:$0x8480] =	vst v55;
	v24 =	vadd.f32 v25, v27;
	v25 =	vsel vm11, $0x3F800000, v0;
	v27 =	vld [tilespmem:$0x8E80]  }
0x15b: {  	v30 =	vnsel vm11, $0x0, v20;
	v19 =	vnsel vm15, $0x0, v19;
	[tilespmem:$0x9480] =	vst v3;
	v58 =	vadd.f32 v26, v25;
	v26 =	vld [tilespmem:$0x8700]  }
0x15c: {  	[tilespmem:$0x8D00] =	vst v23;
	v23 =	vsel vm14, $0x3F800000, v0;
	v59 =	vadd.f32 v28, v30;
	v28 =	vld [tilespmem:$0x8F00];
	v30 =	vnsel vm12, $0x0, v20  }
0x15d: {  	[tilespmem:$0x8500] =	vst v7;
	v25 =	vsel vm12, $0x3F800000, v0;
	v3 =	vadd.f32 v8, v60;
	v61 =	vadd.f32 v22, v30;
	v22 =	vld [tilespmem:$0x8780]  }
0x15e: {  	v8 =	vsel vm13, $0x3F800000, v0;
	[tilespmem:$0x8D80] =	vst v2;
	v25 =	vadd.f32 v54, v25;
	v30 =	vnsel vm13, $0x0, v20  }
0x15f: {  	v8 =	vadd.f32 v29, v8;
	[tilespmem:$0x9500] =	vst v24;
	v29 =	vimm.f32 $0.0e+00;
	v24 =	vadd.f32 v57, v30  }
0x160: {  	[tilespmem:$0x8580] =	vst v58;
	v7 =	vadd.f32 v27, v62;
	v23 =	vadd.f32 v26, v23;
	v26 =	vnsel vm14, $0x0, v20  }
0x161: {  	[tilespmem:$0x9580] =	vst v59;
	v2 =	vadd.f32 v28, v35;
	v20 =	vnsel vm15, $0x0, v20;
	v36 =	vadd.f32 v31, v26  }
0x162: {  	[tilespmem:$0x8E00] =	vst v3;
	v37 =	vadd.f32 v22, v21;
	v21 =	vadd.f32 v63, v19;
	v22 =	vlaneseq.u32  }
0x163: {  	[tilespmem:$0x8600] =	vst v25;
	v19 =	vimm.f32 $-Inf;
	v3 =	vand.u32 $0x7F, v22;
	v38 =	vadd.s32 $0x4, v22  }
0x164: {  	[tilespmem:$0x8680] =	vst v8;
	v25 =	vadd.s32 $0x5, v22;
	v26 =	vadd.s32 $0x6, v22;
	v8 =	vshll.u32 v22, $0x3  }
0x165: {  	[tilespmem:$0x9600] =	vst v61;
	v27 =	vld [tilespmem:$0x9780];
	v28 =	vadd.s32 $0x7, v22;
	v39 =	vadd.s32 $0x2, v22;
	v30 =	vadd.s32 $0x3, v22  }
0x166: {  	[tilespmem:$0x9680] =	vst v24;
	v31 =	vand.u32 $0x7F, v38;
	v24 =	vand.u32 $0x7F, v25;
	v40 =	vand.u32 $0x7F, v26  }
0x167: {  	[tilespmem:$0x8700] =	vst v23;
	v4 =	vshll.u32 v38, $0x3;
	v23 =	vand.u32 $0x7F, v28;
	v25 =	vshll.u32 v25, $0x3  }
0x168: {  	[tilespmem:$0x8F00] =	vst v2;
	v26 =	vshll.u32 v26, $0x3;
	v2 =	vshll.u32 v28, $0x3;
	v8 =	vand.u32 $0xFFFFFC00, v8  }
0x169: {  	[tilespmem:$0x8E80] =	vst v7;
	v41 =	vand.u32 $0x7F, v39;
	v42 =	vand.u32 $0x7F, v30;
	v43 =	vshll.u32 v39, $0x3  }
0x16a: {  	[tilespmem:$0x9700] =	vst v36;
	v44 =	vshll.u32 v30, $0x3;
	v20 =	vadd.f32 v27, v20;
	v27 =	vadd.s32 $0x1, v22  }
0x16b: {  	[tilespmem:$0x8780] =	vst v37;
	v3 =	vor.u32 v3, v8;
	v4 =	vand.u32 $0xFFFFFC00, v4;
	v8 =	vand.u32 $0xFFFFFC00, v25  }
0x16c: {  	[tilespmem:$0x8F80] =	vst v21;
	v5 =	vand.u32 $0xFFFFFC00, v43;
	v7 =	vand.u32 $0xFFFFFC00, v44;
	v28 =	vand.u32 $0x7F, v27  }
0x16d: {  	s23 =	simm.s32 @p0 $0x0;
	v27 =	vshll.u32 v27, $0x3;
	v3 =	vadd.s32 v1, v3;
	v4 =	vor.u32 v31, v4;
	[tilespmem:$0x9780] =	vst v20  }
0x16e: {  	v8 =	vor.u32 v24, v8;
	v21 =	vand.u32 $0xFFFFFC00, v27;
	v4 =	vadd.s32 v1, v4;
	[tilespmem:s23], [sflag:$0x1] =	stream.linear.gather @p0 [hbm4b:s8+s23], $0x4000, $0x38;
	[tilespmem:$0x9880] =	vst v63  }
0x16f: {  	v2 =	vand.u32 $0xFFFFFC00, v2;
	v45 =	vadd.s32 v1, v8;
	v20 =	vor.u32 v28, v21;
	_ =	swait.ge [sflag:s17], $0x4000  }
0x170: {  	v5 =	vor.u32 v41, v5;
	v7 =	vor.u32 v42, v7;
	v8 =	vadd.s32 v1, v20;
	[sflag:s17] =	ssyncset.done $0x0  }
0x171: {  	v2 =	vor.u32 v23, v2;
	v5 =	vadd.s32 v1, v5;
	v20 =	vand.u32 $0xFFFFFC00, v26;
	[sflag:s17] =	ssyncadd.s32 $0xFFFFC000  }
0x172: {  	v7 =	vadd.s32 v1, v7;
	v26 =	vadd.s32 $0x8, v22;
	v20 =	vor.u32 v40, v20;
	v3 =	vld.idx.msk [tilespmem:v3+s13+$0x0], $0xffff  }
0x173: {  	v2 =	vadd.s32 v1, v2;
	v23 =	vand.u32 $0x7F, v26;
	v21 =	vadd.s32 v1, v20;
	v4 =	vld.idx.msk [tilespmem:v4+s13+$0x0], $0xffff  }
0x174: {  	v22 =	vadd.s32 $0x4, v26;
	v24 =	vadd.s32 $0x5, v26;
	v25 =	vadd.s32 $0x6, v26;
	v6 =	vld.idx.msk [tilespmem:v45+s13+$0x0], $0xffff  }
0x175: {  	v46 =	vshll.u32 v26, $0x3;
	v47 =	vadd.s32 $0x1, v26;
	v30 =	vadd.s32 $0x7, v26;
	v8 =	vld.idx.msk [tilespmem:v8+s13+$0x0], $0xffff  }
0x176: {  	v48 =	vadd.s32 $0x2, v26;
	v49 =	vadd.s32 $0x3, v26;
	v50 =	vand.u32 $0x7F, v22;
	v5 =	vld.idx.msk [tilespmem:v5+s13+$0x0], $0xffff  }
0x177: {  	v51 =	vand.u32 $0x7F, v24;
	v27 =	vand.u32 $0x7F, v25;
	v20 =	vld.idx.msk [tilespmem:v7+s13+$0x0], $0xffff;
	v31 =	vmul.f32 $1.442695020e+00, v3  }
0x178: {  	v52 =	vshll.u32 v22, $0x3;
	v28 =	vand.u32 $0x7F, v30;
	v21 =	vld.idx.msk [tilespmem:v21+s13+$0x0], $0xffff;
	v53 =	vmul.f32 $1.442695020e+00, v4  }
0x179: {  	v22 =	vld.idx.msk [tilespmem:v2+s13+$0x0], $0xffff;
	v2 =	vshll.u32 v24, $0x3;
	v24 =	vmul.f32 $1.442695020e+00, v6;
	(erf) = vpow2.f32 v31  }
0x17a: {  	v31 =	vshll.u32 v25, $0x3;
	v25 =	vmul.f32 $1.442695020e+00, v8;
	(erf) = vpow2.f32 v53  }
0x17b: {  	v30 =	vshll.u32 v30, $0x3;
	v54 =	vmul.f32 $1.442695020e+00, v5;
	(erf) = vpow2.f32 v24  }
0x17c: {  	v57 =	vand.u32 $0x7F, v48;
	v55 =	vmul.f32 $1.442695020e+00, v20;
	(erf) = vpow2.f32 v25  }
0x17d: {  	v59 =	vshll.u32 v47, $0x3;
	v56 =	vmul.f32 $1.442695020e+00, v21;
	(erf) = vpow2.f32 v54  }
0x17e: {  	v37 =	vand.u32 $0x7F, v49;
	v58 =	vmul.f32 $1.442695020e+00, v22;
	(erf) = vpow2.f32 v55  }
0x17f: {  	v60 =	vshll.u32 v48, $0x3;
	v32 =	vand.u32 $0xFFFFFC00, v59;
	(erf) = vpow2.f32 v56  }
0x180: {  	v2 =	vand.u32 $0xFFFFFC00, v2;
	v24 =	vand.u32 $0xFFFFFC00, v46;
	(erf) = vpow2.f32 v58  }
0x181: {  	v2 =	vor.u32 v51, v2;
	v23 =	vor.u32 v23, v24;
	v24 =	vand.u32 $0xFFFFFC00, v52  }
0x182: {  	v40 =	vadd.s32 v1, v2;
	v39 =	vadd.s32 v1, v23;
	v23 =	vor.u32 v50, v24;
	v62 =	vpop (erf)  }
0x183: {  	v2 =	vmax.f32 v19, v3;
	v25 =	vand.u32 $0x7F, v47;
	v63 =	vpop (erf);
	v3 =	vadd.f32 v62, v29  }
0x184: {  	v61 =	vshll.u32 v49, $0x3;
	v33 =	vand.u32 $0xFFFFFC00, v60;
	v24 =	vor.u32 v25, v32;
	v32 =	vpop (erf)  }
0x185: {  	v38 =	vand.u32 $0xFFFFFC00, v61;
	v43 =	vor.u32 v57, v33;
	v42 =	vadd.s32 v1, v23;
	v23 =	vpop (erf)  }
0x186: {  	v36 =	vmax.f32 v19, v5;
	v41 =	vadd.s32 v1, v24;
	v24 =	vmax.f32 v2, v4;
	v2 =	vpop (erf)  }
0x187: {  	v8 =	vmax.f32 v19, v8;
	v25 =	vadd.f32 v63, v3;
	v33 =	vadd.f32 v23, v29;
	v3 =	vpop (erf)  }
0x188: {  	s23 =	simm.s32 $0x79;
	v23 =	vmax.f32 v8, v6;
	v34 =	vadd.f32 v2, v29;
	v29 =	vadd.f32 v3, v29;
	v35 =	vpop (erf)  }
.LBB2_5:
0x189: {  	p1 =	sne.s32 s23, $0x1;
	v2 =	vmax.f32 v19, v20;
	v3 =	vadd.f32 v32, v33;
	v4 =	vmax.f32 v36, v21;
	v5 =	vpop (erf)  }
0x18a: {  	v6 =	vadd.f32 v35, v34;
	v19 =	vmax.f32 v2, v22;
	v2 =	vadd.f32 v5, v29  }
0x18b: {  	v7 =	vor.u32 v37, v38;
	v8 =	vand.u32 $0xFFFFFC00, v31;
	v5 =	vadd.s32 v1, v43  }
0x18c: {  	v20 =	vand.u32 $0xFFFFFC00, v30;
	v7 =	vadd.s32 v1, v7;
	v8 =	vor.u32 v27, v8;
	v29 =	vld.idx.msk [tilespmem:v39+s13+$0x0], $0xffff  }
0x18d: {  	v26 =	vadd.s32 $0x8, v26;
	v20 =	vor.u32 v28, v20;
	v8 =	vadd.s32 v1, v8;
	v33 =	vld.idx.msk [tilespmem:v42+s13+$0x0], $0xffff  }
0x18e: {  	v32 =	vand.u32 $0x7F, v26;
	v22 =	vadd.s32 v1, v20;
	v34 =	vld.idx.msk [tilespmem:v40+s13+$0x0], $0xffff  }
0x18f: {  	v28 =	vadd.s32 $0x4, v26;
	v30 =	vadd.s32 $0x5, v26;
	v31 =	vadd.s32 $0x6, v26;
	v35 =	vld.idx.msk [tilespmem:v41+s13+$0x0], $0xffff  }
0x190: {  	v36 =	vshll.u32 v26, $0x3;
	v37 =	vadd.s32 $0x1, v26;
	v38 =	vadd.s32 $0x7, v26;
	v5 =	vld.idx.msk [tilespmem:v5+s13+$0x0], $0xffff  }
0x191: {  	v39 =	vadd.s32 $0x2, v26;
	v40 =	vadd.s32 $0x3, v26;
	v41 =	vand.u32 $0x7F, v28;
	v20 =	vld.idx.msk [tilespmem:v7+s13+$0x0], $0xffff  }
0x192: {  	v27 =	vand.u32 $0x7F, v31;
	v7 =	vand.u32 $0x7F, v30;
	v42 =	vmul.f32 $1.442695020e+00, v29;
	v21 =	vld.idx.msk [tilespmem:v8+s13+$0x0], $0xffff  }
0x193: {  	v8 =	vshll.u32 v28, $0x3;
	v28 =	vand.u32 $0x7F, v38;
	v43 =	vmul.f32 $1.442695020e+00, v33;
	v22 =	vld.idx.msk [tilespmem:v22+s13+$0x0], $0xffff  }
0x194: {  	v44 =	vshll.u32 v30, $0x3;
	v45 =	vmul.f32 $1.442695020e+00, v34;
	(erf) = vpow2.f32 v42  }
0x195: {  	v31 =	vshll.u32 v31, $0x3;
	v42 =	vmul.f32 $1.442695020e+00, v35;
	(erf) = vpow2.f32 v43  }
0x196: {  	v30 =	vshll.u32 v38, $0x3;
	v38 =	vmul.f32 $1.442695020e+00, v5;
	(erf) = vpow2.f32 v45  }
0x197: {  	v36 =	vand.u32 $0xFFFFFC00, v36;
	v43 =	vmul.f32 $1.442695020e+00, v20;
	(erf) = vpow2.f32 v42  }
0x198: {  	v42 =	vand.u32 $0x7F, v37;
	v45 =	vmul.f32 $1.442695020e+00, v21;
	(erf) = vpow2.f32 v38  }
0x199: {  	v46 =	vand.u32 $0x7F, v39;
	v38 =	vmul.f32 $1.442695020e+00, v22;
	(erf) = vpow2.f32 v43  }
0x19a: {  	v43 =	vshll.u32 v37, $0x3;
	v37 =	vand.u32 $0x7F, v40;
	(erf) = vpow2.f32 v45  }
0x19b: {  	v39 =	vshll.u32 v39, $0x3;
	v40 =	vshll.u32 v40, $0x3;
	(erf) = vpow2.f32 v38  }
0x19c: {  	v32 =	vor.u32 v32, v36;
	v47 =	vand.u32 $0xFFFFFC00, v44;
	v8 =	vand.u32 $0xFFFFFC00, v8  }
0x19d: {  	v44 =	vand.u32 $0xFFFFFC00, v39;
	v43 =	vand.u32 $0xFFFFFC00, v43;
	v38 =	vand.u32 $0xFFFFFC00, v40;
	v45 =	vpop (erf)  }
0x19e: {  	v39 =	vadd.s32 v1, v32;
	v7 =	vor.u32 v7, v47;
	v8 =	vor.u32 v41, v8;
	v36 =	vpop (erf)  }
.Ltmp3:
0x19f: {  	v41 =	vor.u32 v42, v43;
	v43 =	vor.u32 v46, v44;
	v42 =	vadd.s32 v1, v8;
	v32 =	vpop (erf);
	(pc) =	sbr.rel @p1 .LBB2_5-.Ltmp3, $4  }
0x1a0: {  	v29 =	vmax.f32 v24, v29;
	v40 =	vadd.s32 v1, v7;
	v8 =	vadd.f32 v45, v25;
	v25 =	vpop (erf)  }
0x1a1: {  	v24 =	vmax.f32 v29, v33;
	v23 =	vmax.f32 v23, v35;
	v41 =	vadd.s32 v1, v41;
	v7 =	vpop (erf)  }
0x1a2: {  	v23 =	vmax.f32 v23, v34;
	v33 =	vadd.f32 v25, v3;
	v25 =	vadd.f32 v36, v8;
	v3 =	vpop (erf)  }
0x1a3: {  	s23 =	sadd.s32 $0xFFFFFFFF, s23;
	v36 =	vmax.f32 v4, v5;
	v34 =	vadd.f32 v7, v6;
	v29 =	vadd.f32 v3, v2;
	v35 =	vpop (erf)  }
0x1a4: {  	_ =	sdelay $0x3  }
0x1a5: {  	v5 =	vld.idx.msk [tilespmem:v39+s13+$0x0], $0xffff  }
0x1a6: {  	v7 =	vld.idx.msk [tilespmem:v42+s13+$0x0], $0xffff  }
0x1a7: {  	v8 =	vld.idx.msk [tilespmem:v40+s13+$0x0], $0xffff  }
0x1a8: {  	v26 =	vld.idx.msk [tilespmem:v41+s13+$0x0], $0xffff  }
0x1a9: {  	v46 =	vld [tilespmem:$0x1FF90]  }
0x1aa: {  	v48 =	vld [tilespmem:$0x1FFD0]  }
0x1ab: {  	v2 =	vadd.s32 v1, v43;
	v3 =	vor.u32 v37, v38;
	v4 =	vand.u32 $0xFFFFFC00, v31;
	v31 =	vld.idx.msk [tilespmem:v14+s13+$0x0], $0xffff  }
0x1ac: {  	v6 =	vand.u32 $0xFFFFFC00, v30;
	v52 =	vld [tilespmem:$0x1FFA0];
	v3 =	vadd.s32 v1, v3;
	v4 =	vor.u32 v27, v4  }
0x1ad: {  	v53 =	vld [tilespmem:$0x1FFE0];
	v6 =	vor.u32 v28, v6;
	v4 =	vadd.s32 v1, v4  }
0x1ae: {  	v39 =	vld.idx.msk [tilespmem:v11+s13+$0x0], $0xffff;
	v6 =	vadd.s32 v1, v6  }
0x1af: {  	v27 =	vld.idx.msk [tilespmem:v10+s13+$0x0], $0xffff  }
0x1b0: {  	v2 =	vld.idx.msk [tilespmem:v2+s13+$0x0], $0xffff  }
0x1b1: {  	v42 =	vmul.f32 $1.442695020e+00, v5;
	v3 =	vld.idx.msk [tilespmem:v3+s13+$0x0], $0xffff  }
0x1b2: {  	v43 =	vmul.f32 $1.442695020e+00, v7;
	v4 =	vld.idx.msk [tilespmem:v4+s13+$0x0], $0xffff  }
0x1b3: {  	v44 =	vmul.f32 $1.442695020e+00, v8;
	v6 =	vld.idx.msk [tilespmem:v6+s13+$0x0], $0xffff;
	(erf) = vpow2.f32 v42  }
0x1b4: {  	v45 =	vmul.f32 $1.442695020e+00, v26;
	(erf) = vpow2.f32 v43;
	v28 =	vld.idx.msk [tilespmem:v46+s13+$0x0], $0xffff  }
0x1b5: {  	v30 =	vld.idx.msk [tilespmem:v48+s13+$0x0], $0xffff;
	(erf) = vpow2.f32 v44;
	v47 =	vmul.f32 $1.442695020e+00, v2  }
0x1b6: {  	(erf) = vpow2.f32 v45;
	v45 =	vld [tilespmem:$0x1FFB0]  }
0x1b7: {  	(erf) = vpow2.f32 v47;
	v47 =	vld [tilespmem:$0x1FFF0]  }
0x1b8: {  	v37 =	vld.idx.msk [tilespmem:v52+s13+$0x0], $0xffff;
	v49 =	vmul.f32 $1.442695020e+00, v3  }
0x1b9: {  	v57 =	vmul.f32 $1.442695020e+00, v31;
	v38 =	vld.idx.msk [tilespmem:v53+s13+$0x0], $0xffff;
	v50 =	vmul.f32 $1.442695020e+00, v4  }
0x1ba: {  	v53 =	vld [tilespmem:$0x1FFC0];
	v51 =	vmul.f32 $1.442695020e+00, v6;
	(erf) = vpow2.f32 v49  }
0x1bb: {  	v54 =	vmul.f32 $1.442695020e+00, v28;
	(erf) = vpow2.f32 v50  }
0x1bc: {  	v43 =	vld.idx.msk [tilespmem:v15+s13+$0x0], $0xffff;
	v55 =	vmul.f32 $1.442695020e+00, v30;
	(erf) = vpow2.f32 v51  }
0x1bd: {  	v56 =	vmul.f32 $1.442695020e+00, v27;
	v42 =	vpop (erf);
	v49 =	vld.idx.msk [tilespmem:v12+s13+$0x0], $0xffff;
	(erf) = vpow2.f32 v54  }
0x1be: {  	v60 =	vmul.f32 $1.442695020e+00, v39;
	v44 =	vpop (erf);
	(erf) = vpow2.f32 v55;
	v45 =	vld.idx.msk [tilespmem:v45+s13+$0x0], $0xffff  }
0x1bf: {  	v58 =	vmul.f32 $1.442695020e+00, v37;
	v46 =	vpop (erf);
	(erf) = vpow2.f32 v56;
	v47 =	vld.idx.msk [tilespmem:v47+s13+$0x0], $0xffff  }
0x1c0: {  	v59 =	vmul.f32 $1.442695020e+00, v38;
	v51 =	vld.idx.msk [tilespmem:v16+s13+$0x0], $0xffff;
	v48 =	vpop (erf);
	(erf) = vpow2.f32 v57  }
0x1c1: {  	v19 =	vmax.f32 v19, v20;
	v61 =	vmul.f32 $1.442695020e+00, v43;
	v50 =	vpop (erf);
	(erf) = vpow2.f32 v58  }
0x1c2: {  	v20 =	vadd.f32 v32, v33;
	v53 =	vld.idx.msk [tilespmem:v53+s13+$0x0], $0xffff;
	v40 =	vmul.f32 $1.442695020e+00, v49;
	v52 =	vpop (erf);
	(erf) = vpow2.f32 v59  }
0x1c3: {  	v21 =	vmax.f32 v36, v21;
	v54 =	vpop (erf);
	(erf) = vpow2.f32 v60;
	v62 =	vmul.f32 $1.442695020e+00, v45  }
0x1c4: {  	v34 =	vadd.f32 v35, v34;
	v56 =	vld.idx.msk [tilespmem:v9+s13+$0x0], $0xffff;
	v55 =	vpop (erf);
	(erf) = vpow2.f32 v61;
	v63 =	vmul.f32 $1.442695020e+00, v47  }
0x1c5: {  	v19 =	vmax.f32 v19, v22;
	v41 =	vmul.f32 $1.442695020e+00, v51;
	v57 =	vpop (erf);
	(erf) = vpow2.f32 v62  }
0x1c6: {  	v5 =	vmax.f32 v24, v5;
	v23 =	vmax.f32 v23, v26;
	v58 =	vld.idx.msk [tilespmem:v13+s13+$0x0], $0xffff;
	v59 =	vpop (erf);
	(erf) = vpow2.f32 v63  }
0x1c7: {  	v5 =	vmax.f32 v5, v7;
	v60 =	vpop (erf);
	(erf) = vpow2.f32 v40;
	v40 =	vmul.f32 $1.442695020e+00, v53  }
0x1c8: {  	v8 =	vmax.f32 v23, v8;
	v2 =	vmax.f32 v21, v2;
	v61 =	vld.idx.msk [tilespmem:v17+s13+$0x0], $0xffff;
	v62 =	vpop (erf);
	(erf) = vpow2.f32 v41  }
0x1c9: {  	v3 =	vmax.f32 v19, v3;
	v41 =	vpop (erf);
	(erf) = vpow2.f32 v40;
	v40 =	vmul.f32 $1.442695020e+00, v56  }
0x1ca: {  	v2 =	vmax.f32 v2, v4;
	v3 =	vmax.f32 v3, v6;
	v5 =	vmax.f32 v5, v28;
	v63 =	vpop (erf)  }
0x1cb: {  	v8 =	vmax.f32 v8, v37;
	v36 =	vmul.f32 $1.442695020e+00, v58;
	v32 =	vpop (erf);
	(erf) = vpow2.f32 v40  }
0x1cc: {  	v5 =	vmax.f32 v5, v30;
	v20 =	vadd.f32 v50, v20;
	v40 =	vadd.f32 v42, v29;
	v29 =	vpop (erf)  }
0x1cd: {  	v8 =	vmax.f32 v8, v38;
	v42 =	vmul.f32 $1.442695020e+00, v61;
	v24 =	vpop (erf);
	(erf) = vpow2.f32 v36  }
0x1ce: {  	v5 =	vmax.f32 v5, v27;
	v25 =	vadd.f32 v44, v25;
	v20 =	vadd.f32 v48, v20;
	v44 =	vpop (erf)  }
0x1cf: {  	v34 =	vadd.f32 v52, v34;
	v22 =	vadd.f32 v54, v40;
	(erf) = vpow2.f32 v42;
	v50 =	vpop (erf)  }
0x1d0: {  	v8 =	vmax.f32 v8, v39;
	v52 =	vadd.f32 v46, v25;
	v20 =	vadd.f32 v63, v20;
	v54 =	vpop (erf)  }
0x1d1: {  	v5 =	vmax.f32 v5, v31;
	v36 =	vadd.f32 v55, v34;
	v22 =	vadd.f32 v57, v22;
	v40 =	vpop (erf)  }
0x1d2: {  	v8 =	vmax.f32 v8, v43;
	v3 =	vmax.f32 v3, v53;
	v7 =	vadd.f32 v59, v52;
	v42 =	vpop (erf)  }
0x1d3: {  	v2 =	vmax.f32 v2, v45;
	v19 =	vadd.f32 v44, v36;
	v21 =	vadd.f32 v42, v22  }
0x1d4: {  	v3 =	vmax.f32 v3, v56;
	v46 =	vadd.f32 v32, v20;
	v44 =	vadd.f32 v60, v7;
	v20 =	vpop (erf)  }
0x1d5: {  	v2 =	vmax.f32 v2, v47;
	v48 =	vadd.f32 v50, v19;
	v19 =	vadd.f32 v20, v21  }
0x1d6: {  	v3 =	vmax.f32 v3, v58;
	v7 =	vadd.f32 v29, v46;
	v4 =	vadd.f32 v62, v44;
	v20 =	vpop (erf)  }
0x1d7: {  	v2 =	vmax.f32 v2, v49;
	v6 =	vadd.f32 v54, v48;
	v19 =	vadd.f32 v20, v19  }
0x1d8: {  	v2 =	vmax.f32 v2, v51;
	v7 =	vadd.f32 v24, v7;
	v4 =	vadd.f32 v41, v4;
	v20 =	vpop (erf)  }
0x1d9: {  	v3 =	vmax.f32 v3, v61;
	v6 =	vadd.f32 v40, v6;
	v19 =	vadd.f32 v20, v19  }
0x1da: {  	s22 =	sadd.s32 s22, s2;
	v5 =	vmax.f32 v5, v8;
	v2 =	vmax.f32 v2, v3  }
0x1db: {  	s22 =	sadd.s32 $0x2, s22;
	v2 =	vmax.f32 v5, v2;
	v3 =	vadd.f32 v7, v4;
	v49 =	vadd.f32 v19, v6  }
0x1dc: {  	[tilespmem:s15], [sflag:$0x3] =	stream.linear.gather [hbm4b:s22+s3], $0x10, $0x38;
	v5 =	vmul.f32 $1.442695020e+00, v2;
	[tilespmem:$0x9880] =	vst v63  }
0x1dd: {  	_ =	swait.ge [sflag:s16], $0x10;
	v3 =	vadd.f32 v49, v3  }
0x1de: {  	(erf) = vpow2.f32 v5  }
0x1df: {  	(erf) = vrcp.f32 v3;
	_ =	sdelay $0x1  }
0x1e0: {  	[sflag:s16] =	ssyncset.done $0x0  }
0x1e1: {  	[sflag:s16] =	ssyncadd.s32 $0xFFFFFFF0  }
0x1e2: {  	v3 =	vld [tilespmem:$0x8000];
	_ =	sdelay $0x3  }
0x1e3: {  	v50 =	vpop (erf)  }
0x1e4: {  	v51 =	vshll.u32 v3, $0x3;
	v52 =	vpop (erf)  }
0x1e5: {  	v3 =	vand.u32 $0x7F, v3;
	v5 =	vand.u32 $0xFFFFFC00, v51;
	v19 =	vmul.f32 v52, v50  }
0x1e6: {  	v3 =	vor.u32 v3, v5  }
0x1e7: {  	v3 =	vadd.s32 v1, v3;
	vm0 =	vgt.f32 v19, $6.666667010e-02;
	vm1 =	vgt.f32 v19, $1.333333400e-01  }
0x1e8: {  	vm11 =	vgt.f32 v19, $2.000000180e-01;
	v53 =	vsel vm0, $0x1, v18;
	v54 =	vsel vm1, $0x1, v18  }
0x1e9: {  	vm12 =	vgt.f32 v19, $2.666666810e-01;
	v55 =	vsel vm11, $0x1, v18;
	v4 =	vadd.s32 v54, v53  }
0x1ea: {  	vm13 =	vgt.f32 v19, $3.333333430e-01;
	v56 =	vsel vm12, $0x1, v18;
	v4 =	vadd.s32 v55, v4  }
0x1eb: {  	vm14 =	vgt.f32 v19, $4.000000360e-01;
	v57 =	vsel vm13, $0x1, v18;
	v4 =	vadd.s32 v56, v4  }
0x1ec: {  	vm15 =	vgt.f32 v19, $4.666666980e-01;
	v58 =	vsel vm14, $0x1, v18;
	v4 =	vadd.s32 v57, v4  }
0x1ed: {  	vm4 =	vgt.f32 v19, $5.333333610e-01;
	v59 =	vsel vm15, $0x1, v18;
	v4 =	vadd.s32 v58, v4  }
0x1ee: {  	vm5 =	vgt.f32 v19, $6.000000240e-01;
	v60 =	vsel vm4, $0x1, v18;
	v4 =	vadd.s32 v59, v4  }
0x1ef: {  	vm6 =	vgt.f32 v19, $6.666666860e-01;
	v61 =	vsel vm5, $0x1, v18;
	v4 =	vadd.s32 v60, v4  }
0x1f0: {  	vm7 =	vgt.f32 v19, $7.333333490e-01;
	v62 =	vsel vm6, $0x1, v18;
	v4 =	vadd.s32 v61, v4  }
0x1f1: {  	vm8 =	vgt.f32 v19, $8.000000710e-01;
	v63 =	vsel vm7, $0x1, v18;
	v4 =	vadd.s32 v62, v4  }
0x1f2: {  	vm9 =	vgt.f32 v19, $8.666667340e-01;
	v21 =	vsel vm8, $0x1, v18;
	v4 =	vadd.s32 v63, v4  }
0x1f3: {  	vm10 =	vgt.f32 v19, $9.333333960e-01;
	v3 =	vld.idx.msk [tilespmem:v3+s13+$0x0], $0xffff;
	v22 =	vsel vm9, $0x1, v18;
	v4 =	vadd.s32 v21, v4  }
0x1f4: {  	v24 =	vld [tilespmem:$0x8080];
	v23 =	vsel vm10, $0x1, v18;
	vm11 =	vgt.f32 v19, $1.000000000e+00;
	v4 =	vadd.s32 v22, v4  }
0x1f5: {  	v26 =	vld [tilespmem:$0x8880];
	v25 =	vsel vm11, $0x1, v18;
	v4 =	vadd.s32 v23, v4  }
0x1f6: {  	v27 =	vld [tilespmem:$0x9080];
	v21 =	vadd.s32 v25, v4  }
0x1f7: {  	v28 =	vld [tilespmem:$0x8100];
	vm12 =	veq.s32 v21, $0x0  }
0x1f8: {  	vm13 =	veq.f32 v3, v2;
	v3 =	vld [tilespmem:$0x8900];
	v2 =	vsel vm12, $0x3F800000, v0  }
0x1f9: {  	v8 =	vld [tilespmem:$0x9100];
	v20 =	vsel vm13, $0x3F800000, v0;
	v29 =	vnsel vm12, $0x0, v19;
	v2 =	vadd.f32 v2, v24  }
0x1fa: {  	v31 =	vld [tilespmem:$0x8180];
	vm14 =	veq.s32 v21, $0x1;
	v30 =	vnsel vm12, $0x0, v20;
	v6 =	vadd.f32 v29, v26  }
0x1fb: {  	v33 =	vld [tilespmem:$0x8980];
	v32 =	vsel vm14, $0x3F800000, v0;
	[tilespmem:$0x8080] =	vst v2;
	v2 =	vadd.f32 v30, v27  }
0x1fc: {  	v35 =	vld [tilespmem:$0x9180];
	v34 =	vnsel vm14, $0x0, v19;
	v4 =	vadd.f32 v32, v28;
	[tilespmem:$0x8880] =	vst v6  }
0x1fd: {  	v36 =	vld [tilespmem:$0x8200];
	vm15 =	veq.s32 v21, $0x2;
	[tilespmem:$0x9080] =	vst v2;
	v2 =	vadd.f32 v34, v3;
	v3 =	vnsel vm14, $0x0, v20  }
0x1fe: {  	v37 =	vsel vm15, $0x3F800000, v0;
	[tilespmem:$0x8100] =	vst v4;
	v3 =	vadd.f32 v3, v8;
	v8 =	vld [tilespmem:$0x8A00]  }
0x1ff: {  	v39 =	vld [tilespmem:$0x9200];
	v38 =	vnsel vm15, $0x0, v19;
	[tilespmem:$0x8900] =	vst v2;
	v2 =	vadd.f32 v37, v31  }
0x200: {  	v41 =	vld [tilespmem:$0x8280];
	vm4 =	veq.s32 v21, $0x3;
	v40 =	vnsel vm15, $0x0, v20;
	[tilespmem:$0x9100] =	vst v3;
	v3 =	vadd.f32 v38, v33  }
0x201: {  	v43 =	vld [tilespmem:$0x8A80];
	v42 =	vsel vm4, $0x3F800000, v0;
	[tilespmem:$0x8180] =	vst v2;
	v2 =	vadd.f32 v35, v40  }
0x202: {  	v45 =	vld [tilespmem:$0x9280];
	v44 =	vnsel vm4, $0x0, v19;
	[tilespmem:$0x8980] =	vst v3;
	v3 =	vadd.f32 v36, v42  }
0x203: {  	vm5 =	veq.s32 v21, $0x4;
	v46 =	vnsel vm4, $0x0, v20;
	[tilespmem:$0x9180] =	vst v2;
	v2 =	vadd.f32 v8, v44;
	v8 =	vld [tilespmem:$0x8300]  }
0x204: {  	v48 =	vld [tilespmem:$0x8B00];
	v47 =	vsel vm5, $0x3F800000, v0;
	[tilespmem:$0x8200] =	vst v3;
	v3 =	vadd.f32 v39, v46  }
0x205: {  	v50 =	vld [tilespmem:$0x9300];
	v49 =	vnsel vm5, $0x0, v19;
	[tilespmem:$0x8A00] =	vst v2;
	v2 =	vadd.f32 v41, v47  }
0x206: {  	v52 =	vld [tilespmem:$0x8380];
	vm6 =	veq.s32 v21, $0x5;
	v51 =	vnsel vm5, $0x0, v20;
	[tilespmem:$0x9200] =	vst v3;
	v3 =	vadd.f32 v43, v49  }
0x207: {  	v54 =	vld [tilespmem:$0x8B80];
	v53 =	vsel vm6, $0x3F800000, v0;
	[tilespmem:$0x8280] =	vst v2;
	v2 =	vadd.f32 v45, v51  }
0x208: {  	v55 =	vnsel vm6, $0x0, v19;
	[tilespmem:$0x8A80] =	vst v3;
	v3 =	vadd.f32 v8, v53;
	v8 =	vld [tilespmem:$0x9380]  }
0x209: {  	v57 =	vld [tilespmem:$0x8400];
	vm7 =	veq.s32 v21, $0x6;
	v56 =	vnsel vm6, $0x0, v20;
	[tilespmem:$0x9280] =	vst v2;
	v2 =	vadd.f32 v48, v55  }
0x20a: {  	v59 =	vld [tilespmem:$0x8C00];
	v58 =	vsel vm7, $0x3F800000, v0;
	[tilespmem:$0x8300] =	vst v3;
	v3 =	vadd.f32 v50, v56  }
0x20b: {  	v61 =	vld [tilespmem:$0x9400];
	v60 =	vnsel vm7, $0x0, v19;
	[tilespmem:$0x8B00] =	vst v2;
	v2 =	vadd.f32 v52, v58  }
0x20c: {  	v63 =	vld [tilespmem:$0x8480];
	vm8 =	veq.s32 v21, $0x7;
	v62 =	vnsel vm7, $0x0, v20;
	[tilespmem:$0x9300] =	vst v3;
	v3 =	vadd.f32 v54, v60  }
0x20d: {  	v24 =	vsel vm8, $0x3F800000, v0;
	[tilespmem:$0x8380] =	vst v2;
	v2 =	vadd.f32 v8, v62;
	v8 =	vld [tilespmem:$0x8C80]  }
0x20e: {  	v25 =	vnsel vm8, $0x0, v19;
	v26 =	vld [tilespmem:$0x9480];
	[tilespmem:$0x8B80] =	vst v3;
	v3 =	vadd.f32 v57, v24  }
0x20f: {  	vm9 =	veq.s32 v21, $0x8;
	v28 =	vld [tilespmem:$0x8500];
	v27 =	vnsel vm8, $0x0, v20;
	[tilespmem:$0x9380] =	vst v2;
	v2 =	vadd.f32 v59, v25  }
0x210: {  	v29 =	vsel vm9, $0x3F800000, v0;
	v30 =	vld [tilespmem:$0x8D00];
	[tilespmem:$0x8400] =	vst v3;
	v3 =	vadd.f32 v61, v27  }
0x211: {  	v32 =	vld [tilespmem:$0x9500];
	v31 =	vnsel vm9, $0x0, v19;
	[tilespmem:$0x8C00] =	vst v2;
	v2 =	vadd.f32 v63, v29  }
0x212: {  	vm10 =	veq.s32 v21, $0x9;
	v33 =	vnsel vm9, $0x0, v20;
	[tilespmem:$0x9400] =	vst v3;
	v3 =	vadd.f32 v8, v31;
	v8 =	vld [tilespmem:$0x8580]  }
0x213: {  	v34 =	vsel vm10, $0x3F800000, v0;
	v35 =	vld [tilespmem:$0x8D80];
	[tilespmem:$0x8480] =	vst v2;
	v2 =	vadd.f32 v26, v33  }
0x214: {  	v37 =	vld [tilespmem:$0x9580];
	v36 =	vnsel vm10, $0x0, v19;
	[tilespmem:$0x8C80] =	vst v3;
	v3 =	vadd.f32 v28, v34  }
0x215: {  	vm11 =	veq.s32 v21, $0xA;
	v38 =	vnsel vm10, $0x0, v20;
	v39 =	vld [tilespmem:$0x8600];
	[tilespmem:$0x9480] =	vst v2;
	v2 =	vadd.f32 v30, v36  }
0x216: {  	v40 =	vsel vm11, $0x3F800000, v0;
	v41 =	vld [tilespmem:$0x8E00];
	[tilespmem:$0x8500] =	vst v3;
	v3 =	vadd.f32 v32, v38  }
0x217: {  	v42 =	vnsel vm11, $0x0, v19;
	[tilespmem:$0x8D00] =	vst v2;
	v2 =	vadd.f32 v8, v40;
	v8 =	vld [tilespmem:$0x9600]  }
0x218: {  	vm12 =	veq.s32 v21, $0xB;
	v44 =	vld [tilespmem:$0x8680];
	v43 =	vnsel vm11, $0x0, v20;
	[tilespmem:$0x9500] =	vst v3;
	v3 =	vadd.f32 v35, v42  }
0x219: {  	v46 =	vld [tilespmem:$0x8E80];
	v45 =	vsel vm12, $0x3F800000, v0;
	[tilespmem:$0x8580] =	vst v2;
	v2 =	vadd.f32 v37, v43  }
0x21a: {  	v47 =	vnsel vm12, $0x0, v19;
	v48 =	vld [tilespmem:$0x9680];
	[tilespmem:$0x8D80] =	vst v3;
	v3 =	vadd.f32 v39, v45  }
0x21b: {  	vm13 =	veq.s32 v21, $0xC;
	v49 =	vnsel vm12, $0x0, v20;
	v50 =	vld [tilespmem:$0x8700];
	[tilespmem:$0x9580] =	vst v2;
	v2 =	vadd.f32 v41, v47  }
0x21c: {  	v51 =	vsel vm13, $0x3F800000, v0;
	[tilespmem:$0x8600] =	vst v3;
	v3 =	vadd.f32 v8, v49;
	v8 =	vld [tilespmem:$0x8F00]  }
0x21d: {  	v53 =	vld [tilespmem:$0x9700];
	v52 =	vnsel vm13, $0x0, v19;
	[tilespmem:$0x8E00] =	vst v2;
	v2 =	vadd.f32 v44, v51  }
0x21e: {  	vm14 =	veq.s32 v21, $0xD;
	v55 =	vld [tilespmem:$0x8780];
	v54 =	vnsel vm13, $0x0, v20;
	[tilespmem:$0x9600] =	vst v3;
	v3 =	vadd.f32 v46, v52  }
0x21f: {  	v56 =	vsel vm14, $0x3F800000, v0;
	v57 =	vld [tilespmem:$0x8F80];
	[tilespmem:$0x8680] =	vst v2;
	v2 =	vadd.f32 v48, v54  }
0x220: {  	v58 =	vnsel vm14, $0x0, v19;
	v59 =	vld [tilespmem:$0x9780];
	[tilespmem:$0x8E80] =	vst v3;
	v3 =	vadd.f32 v50, v56  }
0x221: {  	vm15 =	veq.s32 v21, $0xE;
	v60 =	vnsel vm14, $0x0, v20;
	[tilespmem:$0x9680] =	vst v2;
	v2 =	vadd.f32 v8, v58  }
0x222: {  	v61 =	vsel vm15, $0x3F800000, v0;
	[tilespmem:$0x8700] =	vst v3;
	v3 =	vadd.f32 v53, v60  }
.Ltmp4:
0x223: {  	v62 =	vnsel vm15, $0x0, v19;
	[tilespmem:$0x8F00] =	vst v2;
	v2 =	vadd.f32 v55, v61;
	(pc) =	sbr.rel @!p0 .LBB2_8-.Ltmp4, $4  }
0x224: {  	v63 =	vnsel vm15, $0x0, v20;
	[tilespmem:$0x9700] =	vst v3;
	v3 =	vadd.f32 v57, v62  }
0x225: {  	[tilespmem:$0x8780] =	vst v2;
	v2 =	vadd.f32 v59, v63  }
0x226: {  	[tilespmem:$0x8F80] =	vst v3  }
0x227: {  	[tilespmem:$0x9780] =	vst v2  }
.Ltmp5:
0x228: {  	(pc) =	sbr.rel .LBB2_2-.Ltmp5, $2  }
0x229: {  	_ =	sdelay $0x2  }
0x22a: {  	s22 =	simm.s32 $0x4;
	p0 =	por $0x0, $0x0;
	s23 =	smov.u32 s10  }
.LBB2_9:
0x22b: {  	_ =	sfence.sel $0x180000  }
0x22c: {  	[bflag:$0x0] =	sbarrier.arrive $0xFFFF  }
0x22d: {  	p0 =	sne.s32 s0, $0x0;
	_ =	strace $0x90000047  }
0x22e: {  	s0 =	sadd.s32 @!p0 $0x100000, s1;
	[bflag:$0x2] =	sbarrier.arrive $0xFFFF  }
0x22f: {  	[sflag:s0] =	ssyncadd.tile.s32 @!p0 $0x1;
	_ =	shalt  }
.Lfunc_end2:
_tile_overlayer_lowered:
.L_overlay_start_2:
0x230: {  	(tag) =	ssettag $0x2  }
0x231: {  	s0 =	rddreg [dreg:$0x0];
	s2 =	stileid.u32  }
0x232: {  	s1 =	rddreg [dreg:$0x1];
	p0 =	sne.s32 s2, $0x0  }
0x233: {  	s3 =	rddreg [dreg:$0x2];
	[bflag:$0x3] =	sbarrier.arrive $0xFFFF;
	s2 =	simm.s32 @!p0 $0x1C03  }
0x234: {  	[timem:s3], [sflag:s2] =	dma.local @!p0 [hbm:s0], s1  }
0x235: {  	s0 =	simm.s32 @!p0 $0x3  }
0x236: {  	_ =	swait.ge @!p0 [sflag:s0], s1  }
0x237: {  	s1 =	ssub.s32 @!p0 $0x0, s1;
	[sflag:s0] =	ssyncset.done @!p0 $0x0  }
0x238: {  	[sflag:s0] =	ssyncadd.s32 @!p0 s1  }
0x239: {  	[bflag:$0x3] =	sbarrier.arrive $0xFFFF  }
0x23a: {  	_ =	shalt  }

</sc_bundles>
